<compile_context>
chip_gen: v7x
topology: tpu7x:2x2x1
jax: 0.10.2.dev20260603
libtpu: 0.0.44.dev20260713+nightly
codegen_flags: <defaults>
</compile_context>

<pallas_src>
import functools

import jax
import jax.numpy as jnp
from jax import lax
from jax.experimental import pallas as pl
from jax.experimental.pallas import tpu as pltpu
from jax.experimental.pallas import tpu_sc as plsc

POOL_H, POOL_W = 7, 7
NUM_CORES = 2
NUM_SUBCORES = 16
NUM_WORKERS = NUM_CORES * NUM_SUBCORES
LANES = 16


def _roi_align_sc(n_boxes, h, w, c):
    bpw = -(-n_boxes // NUM_WORKERS)
    n_pad = bpw * NUM_WORKERS
    pts = POOL_H * POOL_W
    n_ychunks = 2 * POOL_H
    half = (n_ychunks // 2) * LANES

    mesh = plsc.VectorSubcoreMesh(core_axis_name="c", subcore_axis_name="s")

    @functools.partial(
        pl.kernel,
        out_type=jax.ShapeDtypeStruct((n_boxes, pts, c), jnp.float32),
        mesh=mesh,
        scratch_types=[
            pltpu.VMEM((bpw * LANES,), jnp.float32),
            pltpu.VMEM((half,), jnp.int32),
            pltpu.VMEM((half,), jnp.int32),
            pltpu.VMEM((half,), jnp.int32),
            pltpu.VMEM((half,), jnp.int32),
            pltpu.VMEM((2 * half, c), jnp.float32),
            pltpu.VMEM((2 * half, c), jnp.float32),
            pltpu.VMEM((pts, c), jnp.float32),
            pltpu.SemaphoreType.DMA,
            pltpu.SemaphoreType.DMA,
            pltpu.SemaphoreType.DMA,
        ],
    )
    def roi_kernel(table, boxes_hbm, out_hbm,
                   boxes_v, idxA0, idxA1, idxB0, idxB1,
                   rowsA, rowsB, out_v, semA, semB, semO):
        cid = lax.axis_index("c")
        sid = lax.axis_index("s")
        wid = sid * NUM_CORES + cid
        base = wid * bpw
        nb = jnp.minimum(bpw, n_boxes - base)

        pltpu.sync_copy(boxes_hbm.at[pl.ds(base * LANES, bpw * LANES)], boxes_v)

        iot = lax.iota(jnp.int32, LANES)
        tlin = iot.astype(jnp.float32) * (1.0 / (POOL_H - 1))
        pat = iot >> 1
        off = iot & 1

        gdn = lax.GatherDimensionNumbers(
            offset_dims=(), collapsed_slice_dims=(0,), start_index_map=(0,))

        def lane_take(v, idx):
            return lax.gather(
                v, idx[:, None], gdn, (1,),
                mode=lax.GatherScatterMode.PROMISE_IN_BOUNDS)

        def bcast(v, k):
            return lane_take(v, jnp.full((LANES,), k, jnp.int32))

        def build(b, idx0, idx1):
            bc = jnp.minimum(b, bpw - 1)
            bv = boxes_v[pl.ds(bc * LANES, LANES)]
            y1 = bcast(bv, 0)
            x1 = bcast(bv, 1)
            y2 = bcast(bv, 2)
            x2 = bcast(bv, 3)
            gy = (y1 + (y2 - y1) * tlin) * (h - 1.0)
            gx = (x1 + (x2 - x1) * tlin) * (w - 1.0)
            y0 = jnp.minimum(gy.astype(jnp.int32), h - 2)
            x0 = jnp.minimum(gx.astype(jnp.int32), w - 2)
            wy = gy - y0.astype(jnp.float32)
            wx = gx - x0.astype(jnp.float32)

            ys = lane_take(y0, pat) + off
            xs = lane_take(x0, pat) + off

            for a in range(n_ychunks):
                chunk = bcast(ys, a) * w + xs
                if a < n_ychunks // 2:
                    idx0[pl.ds(a * LANES, LANES)] = chunk
                else:
                    idx1[pl.ds((a - n_ychunks // 2) * LANES, LANES)] = chunk
            return wy, wx

        def copies(idx0, idx1, rows, sem):
            return (
                pltpu.make_async_copy(table.at[idx0],
                                      rows.at[pl.ds(0, half)], sem),
                pltpu.make_async_copy(table.at[idx1],
                                      rows.at[pl.ds(half, half)], sem),
            )

        def fire(idx0, idx1, rows, sem):
            c0, c1 = copies(idx0, idx1, rows, sem)
            c0.start()
            c1.start()

        def drain(idx0, idx1, rows, sem):
            c0, c1 = copies(idx0, idx1, rows, sem)
            c0.wait()
            c1.wait()

        def compute(wy, wx, rows, b):
            pltpu.make_async_copy(out_v, out_hbm.at[base], semO).wait()

            @plsc.parallel_loop(0, pts, step=1)
            def _(p):
                i = p // POOL_W
                j = p - i * POOL_W
                wyv = bcast(wy, i)
                wxv = bcast(wx, j)
                w11 = wyv * wxv
                w01 = wxv - w11
                w10 = wyv - w11
                w00 = (1.0 - wxv) - w10
                r00 = i * (2 * LANES) + j * 2
                for ch in range(c // LANES):
                    s = ch * LANES
                    f00 = rows[r00, pl.ds(s, LANES)]
                    f01 = rows[r00 + 1, pl.ds(s, LANES)]
                    f10 = rows[r00 + LANES, pl.ds(s, LANES)]
                    f11 = rows[r00 + LANES + 1, pl.ds(s, LANES)]
                    out_v[p, pl.ds(s, LANES)] = (
                        (f00 * w00 + f01 * w01) + (f10 * w10 + f11 * w11))

            pltpu.make_async_copy(out_v, out_hbm.at[base + b], semO).start()

        pltpu.make_async_copy(out_v, out_hbm.at[base], semO).start()
        wy0, wx0 = build(0, idxA0, idxA1)
        fire(idxA0, idxA1, rowsA, semA)

        def pair_body(k, carry):
            wyA, wxA = carry
            b0 = 2 * k
            b1 = b0 + 1
            b2 = b0 + 2
            wyB, wxB = build(b1, idxB0, idxB1)

            @pl.when(b1 < nb)
            def _():
                fire(idxB0, idxB1, rowsB, semB)

            drain(idxA0, idxA1, rowsA, semA)
            compute(wyA, wxA, rowsA, b0)

            wyA2, wxA2 = build(b2, idxA0, idxA1)

            @pl.when(b2 < nb)
            def _():
                fire(idxA0, idxA1, rowsA, semA)

            @pl.when(b1 < nb)
            def _():
                drain(idxB0, idxB1, rowsB, semB)
                compute(wyB, wxB, rowsB, b1)

            return (wyA2, wxA2)

        lax.fori_loop(0, (nb + 1) // 2, pair_body, (wy0, wx0))
        pltpu.make_async_copy(out_v, out_hbm.at[base], semO).wait()

    return roi_kernel, n_pad


def kernel(boxes, p2, p3, p4, p5):
    del p3, p4, p5
    b, n, _ = boxes.shape
    _, h, w, c = p2.shape
    table = p2.reshape(h * w, c)
    roi_kernel, n_pad = _roi_align_sc(b * n, h, w, c)
    boxes2 = jnp.pad(boxes.reshape(b * n, 4),
                     ((0, n_pad - b * n), (0, LANES - 4)))
    out = roi_kernel(table, boxes2.reshape(n_pad * LANES))
    return out.reshape(b, n, POOL_H, POOL_W, c)

# --- scband reference (transcript-rebuilt; emitter-appended) ---
"""Pipeline reference for scband-pyramid-roialign-54674933678551 (READ-ONLY COPY).

The authoritative reference and input builder live on the scoring server;
editing this copy changes nothing except your own understanding.
"""

import jax, jax.numpy as jnp
import numpy as np

POOL_H, POOL_W = 7, 7
IMAGE_SHAPE = (1024.0, 1024.0)


def crop_and_resize(fmap, boxes, ph, pw):
    # fmap: [H, W, C], boxes: [N, 4] normalized (y1, x1, y2, x2)
    H, W, C = fmap.shape
    y1, x1, y2, x2 = jnp.split(boxes, 4, axis=1)  # each [N, 1]
    ty = jnp.linspace(0.0, 1.0, ph)[None, :]  # [1, ph]
    tx = jnp.linspace(0.0, 1.0, pw)[None, :]  # [1, pw]
    gy = (y1 + (y2 - y1) * ty) * (H - 1)  # [N, ph]
    gx = (x1 + (x2 - x1) * tx) * (W - 1)  # [N, pw]
    y0 = jnp.floor(gy)
    x0 = jnp.floor(gx)
    y0i = jnp.clip(y0.astype(jnp.int32), 0, H - 1)
    y1i = jnp.clip(y0i + 1, 0, H - 1)
    x0i = jnp.clip(x0.astype(jnp.int32), 0, W - 1)
    x1i = jnp.clip(x0i + 1, 0, W - 1)
    wy = jnp.clip(gy - y0, 0.0, 1.0)  # [N, ph]
    wx = jnp.clip(gx - x0, 0.0, 1.0)  # [N, pw]
    # gather 4 bilinear corners -> [N, ph, pw, C]
    f00 = fmap[y0i[:, :, None], x0i[:, None, :]]
    f01 = fmap[y0i[:, :, None], x1i[:, None, :]]
    f10 = fmap[y1i[:, :, None], x0i[:, None, :]]
    f11 = fmap[y1i[:, :, None], x1i[:, None, :]]
    wy_ = wy[:, :, None, None]
    wx_ = wx[:, None, :, None]
    top = f00 * (1.0 - wx_) + f01 * wx_
    bot = f10 * (1.0 - wx_) + f11 * wx_
    return top * (1.0 - wy_) + bot * wy_


def pyramid_roi_align(boxes, p2, p3, p4, p5, ph=POOL_H, pw=POOL_W):
    # boxes: [B, N, 4]; p_i: [B, H_i, W_i, C]
    y1, x1, y2, x2 = jnp.split(boxes, 4, axis=2)
    h = y2 - y1
    w = x2 - x1
    image_area = jnp.asarray(IMAGE_SHAPE[0] * IMAGE_SHAPE[1], dtype=jnp.float32)
    roi_level = jnp.log2(jnp.sqrt(jnp.maximum(h * w, 1e-12)) / (224.0 / jnp.sqrt(image_area)))
    roi_level = jnp.clip(jnp.round(roi_level), 2.0, 5.0).astype(jnp.int32)
    roi_level = jnp.squeeze(roi_level, 2)  # [B, N]
    fmaps = [p2, p3, p4, p5]
    pooled = None
    for i, level in enumerate(range(2, 6)):
        crop = jax.vmap(lambda f, b: crop_and_resize(f, b, ph, pw))(fmaps[i], boxes)  # [B, N, ph, pw, C]
        mask = (roi_level == level).astype(crop.dtype)[:, :, None, None, None]
        contrib = crop * mask
        pooled = contrib if pooled is None else pooled + contrib
    return pooled  # [B, N, ph, pw, C]


def setup_inputs(seed: int = 0) -> dict:
    key = jax.random.key(seed)
    kb, k2, k3, k4, k5 = jax.random.split(key, 5)
    B, N, C = 1, 1000, 256
    c = jax.random.uniform(kb, (B, N, 4), dtype=jnp.float32)
    yc = c[..., 0] * 0.9
    xc = c[..., 1] * 0.9
    hh = c[..., 2] * 0.3 + 0.01
    ww = c[..., 3] * 0.3 + 0.01
    boxes = jnp.stack([yc, xc, jnp.clip(yc + hh, 0.0, 1.0), jnp.clip(xc + ww, 0.0, 1.0)], axis=-1)
    p2 = jax.random.normal(k2, (B, 256, 256, C), dtype=jnp.float32)
    p3 = jax.random.normal(k3, (B, 128, 128, C), dtype=jnp.float32)
    p4 = jax.random.normal(k4, (B, 64, 64, C), dtype=jnp.float32)
    p5 = jax.random.normal(k5, (B, 32, 32, C), dtype=jnp.float32)
    return {"boxes": boxes, "p2": p2, "p3": p3, "p4": p4, "p5": p5}


def reference(boxes, p2, p3, p4, p5):
    return pyramid_roi_align(boxes, p2, p3, p4, p5)

if __name__ == "__main__":
    import jax
    _d = setup_inputs()
    print(jax.jit(kernel)(*tuple(_d.values())))

</pallas_src>

<mosaic_0001>
#map = affine_map<(d0, d1) -> (0, 0)>
#map1 = affine_map<(d0, d1) -> (0)>
#map2 = affine_map<(d0, d1) -> (0, 0, 0)>
module attributes {stable_mosaic.version = 14 : i64} {
  func.func @roi_kernel(%arg0: i32, %arg1: i32, %arg2: memref<65536x256xf32, #tpu.memory_space<hbm>>, %arg3: memref<16384xf32, #tpu.memory_space<hbm>>, %arg4: memref<1000x49x256xf32, #tpu.memory_space<hbm>>, %arg5: memref<512xf32, #tpu.memory_space<vmem>>, %arg6: memref<112xi32, #tpu.memory_space<vmem>>, %arg7: memref<112xi32, #tpu.memory_space<vmem>>, %arg8: memref<112xi32, #tpu.memory_space<vmem>>, %arg9: memref<112xi32, #tpu.memory_space<vmem>>, %arg10: memref<224x256xf32, #tpu.memory_space<vmem>>, %arg11: memref<224x256xf32, #tpu.memory_space<vmem>>, %arg12: memref<49x256xf32, #tpu.memory_space<vmem>>, %arg13: memref<!tpu.dma_semaphore, #tpu.memory_space<semaphore_mem>>, %arg14: memref<!tpu.dma_semaphore, #tpu.memory_space<semaphore_mem>>, %arg15: memref<!tpu.dma_semaphore, #tpu.memory_space<semaphore_mem>>) attributes {dimension_semantics = [#tpu.dimension_semantics<core_parallel>, #tpu.dimension_semantics<subcore_parallel>], iteration_bounds = array<i64: 2, 16>, scalar_prefetch = 0 : i64, scratch_operands = 11 : i64, tpu.core_type = #tpu.core_type<sc_vector_subcore>, window_params = [{transform_indices = #map}, {transform_indices = #map1}, {transform_indices = #map2}]} {
    %mul3A = arith.constant 2 : i32
    %mul3A_0 = arith.muli %arg1, %mul3A : i32
    %add3A = arith.addi %mul3A_0, %arg0 : i32
    %mul3A_1 = arith.constant 32 : i32
    %mul3A_2 = arith.muli %add3A, %mul3A_1 : i32
    %sub3A = arith.constant 1000 : i32
    %sub3A_3 = arith.subi %sub3A, %mul3A_2 : i32
    %min3A = arith.constant 32 : i32
    %min3A_4 = arith.minsi %min3A, %sub3A_3 : i32
    %mul3A_5 = arith.constant 16 : i32
    %mul3A_6 = arith.muli %mul3A_2, %mul3A_5 : i32
    "tpu.region"() ({
      %run_scoped3A = tpu.sem_alloc : memref<!tpu.dma_semaphore, #tpu.memory_space<semaphore_mem>>
      %dma_start3A_308 = tpu.memref_slice %arg3[%mul3A_6] : memref<16384xf32, #tpu.memory_space<hbm>> -> memref<512xf32, #tpu.memory_space<hbm>>
      %dma_start3A_309 = tpu.memref_slice %arg3[%mul3A_6] : memref<16384xf32, #tpu.memory_space<hbm>> -> memref<512xf32, #tpu.memory_space<hbm>>
      tpu.enqueue_dma source(%dma_start3A_309 : memref<512xf32, #tpu.memory_space<hbm>>) target(%arg5 : memref<512xf32, #tpu.memory_space<vmem>>) target_semaphore(%run_scoped3A : memref<!tpu.dma_semaphore, #tpu.memory_space<semaphore_mem>>)
      %dma_wait3A_310 = tpu.memref_slice %arg3[%mul3A_6] : memref<16384xf32, #tpu.memory_space<hbm>> -> memref<512xf32, #tpu.memory_space<hbm>>
      %dma_wait3A_311 = tpu.memref_slice %arg3[%mul3A_6] : memref<16384xf32, #tpu.memory_space<hbm>> -> memref<512xf32, #tpu.memory_space<hbm>>
      tpu.wait_dma2 semaphore(%run_scoped3A : memref<!tpu.dma_semaphore, #tpu.memory_space<semaphore_mem>>) src(%dma_wait3A_311 : memref<512xf32, #tpu.memory_space<hbm>>) dst(%arg5 : memref<512xf32, #tpu.memory_space<vmem>>)
      tpu.yield
    }) : () -> ()
    %iota3A = tpu.iota {dimensions = array<i32: 0>} : vector<16xi32>
    %convert_element_type3A = arith.sitofp %iota3A : vector<16xi32> to vector<16xf32>
    %mul3A_7 = arith.constant 0.166666672 : f32
    %mul3A_8 = vector.broadcast %mul3A_7 : f32 to vector<16xf32>
    %mul3A_9 = arith.mulf %convert_element_type3A, %mul3A_8 : vector<16xf32>
    %shift_right_arithmetic3A = arith.constant 1 : i32
    %shift_right_arithmetic3A_10 = vector.broadcast %shift_right_arithmetic3A : i32 to vector<16xi32>
    %shift_right_arithmetic3A_11 = arith.shrsi %iota3A, %shift_right_arithmetic3A_10 : vector<16xi32>
    %and3A = arith.constant 1 : i32
    %and3A_12 = vector.broadcast %and3A : i32 to vector<16xi32>
    %and3A_13 = arith.andi %iota3A, %and3A_12 : vector<16xi32>
    %dma_start3A = arith.constant 0 : i32
    %dma_start3A_14 = arith.constant 0 : i32
    %dma_start3A_15 = tpu.memref_slice %arg4[%mul3A_2, %dma_start3A, %dma_start3A_14] : memref<1000x49x256xf32, #tpu.memory_space<hbm>> -> memref<1x49x256xf32, #tpu.memory_space<hbm>>
    %dma_start3A_16 = tpu.memref_squeeze %dma_start3A_15 : memref<1x49x256xf32, #tpu.memory_space<hbm>> -> memref<49x256xf32, #tpu.memory_space<hbm>>
    %dma_start3A_17 = arith.constant 0 : i32
    %dma_start3A_18 = arith.constant 0 : i32
    %dma_start3A_19 = tpu.memref_slice %arg4[%mul3A_2, %dma_start3A_17, %dma_start3A_18] : memref<1000x49x256xf32, #tpu.memory_space<hbm>> -> memref<1x49x256xf32, #tpu.memory_space<hbm>>
    %dma_start3A_20 = tpu.memref_squeeze %dma_start3A_19 : memref<1x49x256xf32, #tpu.memory_space<hbm>> -> memref<49x256xf32, #tpu.memory_space<hbm>>
    tpu.enqueue_dma source(%arg12 : memref<49x256xf32, #tpu.memory_space<vmem>>) target(%dma_start3A_20 : memref<49x256xf32, #tpu.memory_space<hbm>>) target_semaphore(%arg15 : memref<!tpu.dma_semaphore, #tpu.memory_space<semaphore_mem>>)
    %min3A_21 = arith.constant 0 : i32
    %min3A_22 = arith.constant 31 : i32
    %min3A_23 = arith.minsi %min3A_21, %min3A_22 : i32
    %mul3A_24 = arith.constant 16 : i32
    %mul3A_25 = arith.muli %min3A_23, %mul3A_24 : i32
    %get3A = arith.index_cast %mul3A_25 : i32 to index
    %get3A_26 = tpu.vector_load %arg5[%get3A] {strides = array<i32>} : memref<512xf32, #tpu.memory_space<vmem>>, vector<16xf32>,
    %get3A_27 = vector.shape_cast %get3A_26 : vector<16xf32> to vector<16xf32>
    %broadcast_in_dim3A = arith.constant 0 : i32
    %broadcast_in_dim3A_28 = vector.broadcast %broadcast_in_dim3A : i32 to vector<16xi32>
    %broadcast_in_dim3A_29 = vector.shape_cast %broadcast_in_dim3A_28 : vector<16xi32> to vector<16x1xi32>
    %gather3A = vector.shape_cast %broadcast_in_dim3A_29 : vector<16x1xi32> to vector<16xi32>
    %gather3A_30 = tpu.dynamic_gather %get3A_27[%gather3A] in [0] : vector<16xf32>, vector<16xi32> -> vector<16xf32>
    %broadcast_in_dim3A_31 = arith.constant 1 : i32
    %broadcast_in_dim3A_32 = vector.broadcast %broadcast_in_dim3A_31 : i32 to vector<16xi32>
    %broadcast_in_dim3A_33 = vector.shape_cast %broadcast_in_dim3A_32 : vector<16xi32> to vector<16x1xi32>
    %gather3A_34 = vector.shape_cast %broadcast_in_dim3A_33 : vector<16x1xi32> to vector<16xi32>
    %gather3A_35 = tpu.dynamic_gather %get3A_27[%gather3A_34] in [0] : vector<16xf32>, vector<16xi32> -> vector<16xf32>
    %broadcast_in_dim3A_36 = arith.constant 2 : i32
    %broadcast_in_dim3A_37 = vector.broadcast %broadcast_in_dim3A_36 : i32 to vector<16xi32>
    %broadcast_in_dim3A_38 = vector.shape_cast %broadcast_in_dim3A_37 : vector<16xi32> to vector<16x1xi32>
    %gather3A_39 = vector.shape_cast %broadcast_in_dim3A_38 : vector<16x1xi32> to vector<16xi32>
    %gather3A_40 = tpu.dynamic_gather %get3A_27[%gather3A_39] in [0] : vector<16xf32>, vector<16xi32> -> vector<16xf32>
    %broadcast_in_dim3A_41 = arith.constant 3 : i32
    %broadcast_in_dim3A_42 = vector.broadcast %broadcast_in_dim3A_41 : i32 to vector<16xi32>
    %broadcast_in_dim3A_43 = vector.shape_cast %broadcast_in_dim3A_42 : vector<16xi32> to vector<16x1xi32>
    %gather3A_44 = vector.shape_cast %broadcast_in_dim3A_43 : vector<16x1xi32> to vector<16xi32>
    %gather3A_45 = tpu.dynamic_gather %get3A_27[%gather3A_44] in [0] : vector<16xf32>, vector<16xi32> -> vector<16xf32>
    %sub3A_46 = arith.subf %gather3A_40, %gather3A_30 : vector<16xf32>
    %mul3A_47 = arith.mulf %sub3A_46, %mul3A_9 : vector<16xf32>
    %add3A_48 = arith.addf %gather3A_30, %mul3A_47 : vector<16xf32>
    %mul3A_49 = arith.constant 2.550000e+02 : f32
    %mul3A_50 = vector.broadcast %mul3A_49 : f32 to vector<16xf32>
    %mul3A_51 = arith.mulf %add3A_48, %mul3A_50 : vector<16xf32>
    %sub3A_52 = arith.subf %gather3A_45, %gather3A_35 : vector<16xf32>
    %mul3A_53 = arith.mulf %sub3A_52, %mul3A_9 : vector<16xf32>
    %add3A_54 = arith.addf %gather3A_35, %mul3A_53 : vector<16xf32>
    %mul3A_55 = arith.constant 2.550000e+02 : f32
    %mul3A_56 = vector.broadcast %mul3A_55 : f32 to vector<16xf32>
    %mul3A_57 = arith.mulf %add3A_54, %mul3A_56 : vector<16xf32>
    %convert_element_type3A_58 = arith.fptosi %mul3A_51 : vector<16xf32> to vector<16xi32>
    %min3A_59 = arith.constant 254 : i32
    %min3A_60 = vector.broadcast %min3A_59 : i32 to vector<16xi32>
    %min3A_61 = arith.minsi %convert_element_type3A_58, %min3A_60 : vector<16xi32>
    %convert_element_type3A_62 = arith.fptosi %mul3A_57 : vector<16xf32> to vector<16xi32>
    %min3A_63 = arith.constant 254 : i32
    %min3A_64 = vector.broadcast %min3A_63 : i32 to vector<16xi32>
    %min3A_65 = arith.minsi %convert_element_type3A_62, %min3A_64 : vector<16xi32>
    %convert_element_type3A_66 = arith.sitofp %min3A_61 : vector<16xi32> to vector<16xf32>
    %sub3A_67 = arith.subf %mul3A_51, %convert_element_type3A_66 : vector<16xf32>
    %convert_element_type3A_68 = arith.sitofp %min3A_65 : vector<16xi32> to vector<16xf32>
    %sub3A_69 = arith.subf %mul3A_57, %convert_element_type3A_68 : vector<16xf32>
    %broadcast_in_dim3A_70 = vector.shape_cast %shift_right_arithmetic3A_11 : vector<16xi32> to vector<16x1xi32>
    %gather3A_71 = vector.shape_cast %broadcast_in_dim3A_70 : vector<16x1xi32> to vector<16xi32>
    %gather3A_72 = tpu.dynamic_gather %min3A_61[%gather3A_71] in [0] : vector<16xi32>, vector<16xi32> -> vector<16xi32>
    %add3A_73 = arith.addi %gather3A_72, %and3A_13 : vector<16xi32>
    %broadcast_in_dim3A_74 = vector.shape_cast %shift_right_arithmetic3A_11 : vector<16xi32> to vector<16x1xi32>
    %gather3A_75 = vector.shape_cast %broadcast_in_dim3A_74 : vector<16x1xi32> to vector<16xi32>
    %gather3A_76 = tpu.dynamic_gather %min3A_65[%gather3A_75] in [0] : vector<16xi32>, vector<16xi32> -> vector<16xi32>
    %add3A_77 = arith.addi %gather3A_76, %and3A_13 : vector<16xi32>
    %broadcast_in_dim3A_78 = arith.constant 0 : i32
    %broadcast_in_dim3A_79 = vector.broadcast %broadcast_in_dim3A_78 : i32 to vector<16xi32>
    %broadcast_in_dim3A_80 = vector.shape_cast %broadcast_in_dim3A_79 : vector<16xi32> to vector<16x1xi32>
    %gather3A_81 = vector.shape_cast %broadcast_in_dim3A_80 : vector<16x1xi32> to vector<16xi32>
    %gather3A_82 = tpu.dynamic_gather %add3A_73[%gather3A_81] in [0] : vector<16xi32>, vector<16xi32> -> vector<16xi32>
    %mul3A_83 = arith.constant 256 : i32
    %mul3A_84 = vector.broadcast %mul3A_83 : i32 to vector<16xi32>
    %mul3A_85 = arith.muli %gather3A_82, %mul3A_84 : vector<16xi32>
    %add3A_86 = arith.addi %mul3A_85, %add3A_77 : vector<16xi32>
    %swap3A = arith.constant 0 : index
    %swap3A_87 = tpu.vector_load %arg6[%swap3A] {strides = array<i32>} : memref<112xi32, #tpu.memory_space<vmem>>, vector<16xi32>,
    %swap3A_88 = vector.shape_cast %swap3A_87 : vector<16xi32> to vector<16xi32>
    %swap3A_89 = vector.shape_cast %add3A_86 : vector<16xi32> to vector<16xi32>
    tpu.vector_store %arg6[%swap3A], %swap3A_89 {strides = array<i32>} : memref<112xi32, #tpu.memory_space<vmem>>, vector<16xi32>,
    %broadcast_in_dim3A_90 = arith.constant 1 : i32
    %broadcast_in_dim3A_91 = vector.broadcast %broadcast_in_dim3A_90 : i32 to vector<16xi32>
    %broadcast_in_dim3A_92 = vector.shape_cast %broadcast_in_dim3A_91 : vector<16xi32> to vector<16x1xi32>
    %gather3A_93 = vector.shape_cast %broadcast_in_dim3A_92 : vector<16x1xi32> to vector<16xi32>
    %gather3A_94 = tpu.dynamic_gather %add3A_73[%gather3A_93] in [0] : vector<16xi32>, vector<16xi32> -> vector<16xi32>
    %mul3A_95 = arith.constant 256 : i32
    %mul3A_96 = vector.broadcast %mul3A_95 : i32 to vector<16xi32>
    %mul3A_97 = arith.muli %gather3A_94, %mul3A_96 : vector<16xi32>
    %add3A_98 = arith.addi %mul3A_97, %add3A_77 : vector<16xi32>
    %swap3A_99 = arith.constant 16 : index
    %swap3A_100 = tpu.vector_load %arg6[%swap3A_99] {strides = array<i32>} : memref<112xi32, #tpu.memory_space<vmem>>, vector<16xi32>,
    %swap3A_101 = vector.shape_cast %swap3A_100 : vector<16xi32> to vector<16xi32>
    %swap3A_102 = vector.shape_cast %add3A_98 : vector<16xi32> to vector<16xi32>
    tpu.vector_store %arg6[%swap3A_99], %swap3A_102 {strides = array<i32>} : memref<112xi32, #tpu.memory_space<vmem>>, vector<16xi32>,
    %broadcast_in_dim3A_103 = arith.constant 2 : i32
    %broadcast_in_dim3A_104 = vector.broadcast %broadcast_in_dim3A_103 : i32 to vector<16xi32>
    %broadcast_in_dim3A_105 = vector.shape_cast %broadcast_in_dim3A_104 : vector<16xi32> to vector<16x1xi32>
    %gather3A_106 = vector.shape_cast %broadcast_in_dim3A_105 : vector<16x1xi32> to vector<16xi32>
    %gather3A_107 = tpu.dynamic_gather %add3A_73[%gather3A_106] in [0] : vector<16xi32>, vector<16xi32> -> vector<16xi32>
    %mul3A_108 = arith.constant 256 : i32
    %mul3A_109 = vector.broadcast %mul3A_108 : i32 to vector<16xi32>
    %mul3A_110 = arith.muli %gather3A_107, %mul3A_109 : vector<16xi32>
    %add3A_111 = arith.addi %mul3A_110, %add3A_77 : vector<16xi32>
    %swap3A_112 = arith.constant 32 : index
    %swap3A_113 = tpu.vector_load %arg6[%swap3A_112] {strides = array<i32>} : memref<112xi32, #tpu.memory_space<vmem>>, vector<16xi32>,
    %swap3A_114 = vector.shape_cast %swap3A_113 : vector<16xi32> to vector<16xi32>
    %swap3A_115 = vector.shape_cast %add3A_111 : vector<16xi32> to vector<16xi32>
    tpu.vector_store %arg6[%swap3A_112], %swap3A_115 {strides = array<i32>} : memref<112xi32, #tpu.memory_space<vmem>>, vector<16xi32>,
    %broadcast_in_dim3A_116 = arith.constant 3 : i32
    %broadcast_in_dim3A_117 = vector.broadcast %broadcast_in_dim3A_116 : i32 to vector<16xi32>
    %broadcast_in_dim3A_118 = vector.shape_cast %broadcast_in_dim3A_117 : vector<16xi32> to vector<16x1xi32>
    %gather3A_119 = vector.shape_cast %broadcast_in_dim3A_118 : vector<16x1xi32> to vector<16xi32>
    %gather3A_120 = tpu.dynamic_gather %add3A_73[%gather3A_119] in [0] : vector<16xi32>, vector<16xi32> -> vector<16xi32>
    %mul3A_121 = arith.constant 256 : i32
    %mul3A_122 = vector.broadcast %mul3A_121 : i32 to vector<16xi32>
    %mul3A_123 = arith.muli %gather3A_120, %mul3A_122 : vector<16xi32>
    %add3A_124 = arith.addi %mul3A_123, %add3A_77 : vector<16xi32>
    %swap3A_125 = arith.constant 48 : index
    %swap3A_126 = tpu.vector_load %arg6[%swap3A_125] {strides = array<i32>} : memref<112xi32, #tpu.memory_space<vmem>>, vector<16xi32>,
    %swap3A_127 = vector.shape_cast %swap3A_126 : vector<16xi32> to vector<16xi32>
    %swap3A_128 = vector.shape_cast %add3A_124 : vector<16xi32> to vector<16xi32>
    tpu.vector_store %arg6[%swap3A_125], %swap3A_128 {strides = array<i32>} : memref<112xi32, #tpu.memory_space<vmem>>, vector<16xi32>,
    %broadcast_in_dim3A_129 = arith.constant 4 : i32
    %broadcast_in_dim3A_130 = vector.broadcast %broadcast_in_dim3A_129 : i32 to vector<16xi32>
    %broadcast_in_dim3A_131 = vector.shape_cast %broadcast_in_dim3A_130 : vector<16xi32> to vector<16x1xi32>
    %gather3A_132 = vector.shape_cast %broadcast_in_dim3A_131 : vector<16x1xi32> to vector<16xi32>
    %gather3A_133 = tpu.dynamic_gather %add3A_73[%gather3A_132] in [0] : vector<16xi32>, vector<16xi32> -> vector<16xi32>
    %mul3A_134 = arith.constant 256 : i32
    %mul3A_135 = vector.broadcast %mul3A_134 : i32 to vector<16xi32>
    %mul3A_136 = arith.muli %gather3A_133, %mul3A_135 : vector<16xi32>
    %add3A_137 = arith.addi %mul3A_136, %add3A_77 : vector<16xi32>
    %swap3A_138 = arith.constant 64 : index
    %swap3A_139 = tpu.vector_load %arg6[%swap3A_138] {strides = array<i32>} : memref<112xi32, #tpu.memory_space<vmem>>, vector<16xi32>,
    %swap3A_140 = vector.shape_cast %swap3A_139 : vector<16xi32> to vector<16xi32>
    %swap3A_141 = vector.shape_cast %add3A_137 : vector<16xi32> to vector<16xi32>
    tpu.vector_store %arg6[%swap3A_138], %swap3A_141 {strides = array<i32>} : memref<112xi32, #tpu.memory_space<vmem>>, vector<16xi32>,
    %broadcast_in_dim3A_142 = arith.constant 5 : i32
    %broadcast_in_dim3A_143 = vector.broadcast %broadcast_in_dim3A_142 : i32 to vector<16xi32>
    %broadcast_in_dim3A_144 = vector.shape_cast %broadcast_in_dim3A_143 : vector<16xi32> to vector<16x1xi32>
    %gather3A_145 = vector.shape_cast %broadcast_in_dim3A_144 : vector<16x1xi32> to vector<16xi32>
    %gather3A_146 = tpu.dynamic_gather %add3A_73[%gather3A_145] in [0] : vector<16xi32>, vector<16xi32> -> vector<16xi32>
    %mul3A_147 = arith.constant 256 : i32
    %mul3A_148 = vector.broadcast %mul3A_147 : i32 to vector<16xi32>
    %mul3A_149 = arith.muli %gather3A_146, %mul3A_148 : vector<16xi32>
    %add3A_150 = arith.addi %mul3A_149, %add3A_77 : vector<16xi32>
    %swap3A_151 = arith.constant 80 : index
    %swap3A_152 = tpu.vector_load %arg6[%swap3A_151] {strides = array<i32>} : memref<112xi32, #tpu.memory_space<vmem>>, vector<16xi32>,
    %swap3A_153 = vector.shape_cast %swap3A_152 : vector<16xi32> to vector<16xi32>
    %swap3A_154 = vector.shape_cast %add3A_150 : vector<16xi32> to vector<16xi32>
    tpu.vector_store %arg6[%swap3A_151], %swap3A_154 {strides = array<i32>} : memref<112xi32, #tpu.memory_space<vmem>>, vector<16xi32>,
    %broadcast_in_dim3A_155 = arith.constant 6 : i32
    %broadcast_in_dim3A_156 = vector.broadcast %broadcast_in_dim3A_155 : i32 to vector<16xi32>
    %broadcast_in_dim3A_157 = vector.shape_cast %broadcast_in_dim3A_156 : vector<16xi32> to vector<16x1xi32>
    %gather3A_158 = vector.shape_cast %broadcast_in_dim3A_157 : vector<16x1xi32> to vector<16xi32>
    %gather3A_159 = tpu.dynamic_gather %add3A_73[%gather3A_158] in [0] : vector<16xi32>, vector<16xi32> -> vector<16xi32>
    %mul3A_160 = arith.constant 256 : i32
    %mul3A_161 = vector.broadcast %mul3A_160 : i32 to vector<16xi32>
    %mul3A_162 = arith.muli %gather3A_159, %mul3A_161 : vector<16xi32>
    %add3A_163 = arith.addi %mul3A_162, %add3A_77 : vector<16xi32>
    %swap3A_164 = arith.constant 96 : index
    %swap3A_165 = tpu.vector_load %arg6[%swap3A_164] {strides = array<i32>} : memref<112xi32, #tpu.memory_space<vmem>>, vector<16xi32>,
    %swap3A_166 = vector.shape_cast %swap3A_165 : vector<16xi32> to vector<16xi32>
    %swap3A_167 = vector.shape_cast %add3A_163 : vector<16xi32> to vector<16xi32>
    tpu.vector_store %arg6[%swap3A_164], %swap3A_167 {strides = array<i32>} : memref<112xi32, #tpu.memory_space<vmem>>, vector<16xi32>,
    %broadcast_in_dim3A_168 = arith.constant 7 : i32
    %broadcast_in_dim3A_169 = vector.broadcast %broadcast_in_dim3A_168 : i32 to vector<16xi32>
    %broadcast_in_dim3A_170 = vector.shape_cast %broadcast_in_dim3A_169 : vector<16xi32> to vector<16x1xi32>
    %gather3A_171 = vector.shape_cast %broadcast_in_dim3A_170 : vector<16x1xi32> to vector<16xi32>
    %gather3A_172 = tpu.dynamic_gather %add3A_73[%gather3A_171] in [0] : vector<16xi32>, vector<16xi32> -> vector<16xi32>
    %mul3A_173 = arith.constant 256 : i32
    %mul3A_174 = vector.broadcast %mul3A_173 : i32 to vector<16xi32>
    %mul3A_175 = arith.muli %gather3A_172, %mul3A_174 : vector<16xi32>
    %add3A_176 = arith.addi %mul3A_175, %add3A_77 : vector<16xi32>
    %swap3A_177 = arith.constant 0 : index
    %swap3A_178 = tpu.vector_load %arg7[%swap3A_177] {strides = array<i32>} : memref<112xi32, #tpu.memory_space<vmem>>, vector<16xi32>,
    %swap3A_179 = vector.shape_cast %swap3A_178 : vector<16xi32> to vector<16xi32>
    %swap3A_180 = vector.shape_cast %add3A_176 : vector<16xi32> to vector<16xi32>
    tpu.vector_store %arg7[%swap3A_177], %swap3A_180 {strides = array<i32>} : memref<112xi32, #tpu.memory_space<vmem>>, vector<16xi32>,
    %broadcast_in_dim3A_181 = arith.constant 8 : i32
    %broadcast_in_dim3A_182 = vector.broadcast %broadcast_in_dim3A_181 : i32 to vector<16xi32>
    %broadcast_in_dim3A_183 = vector.shape_cast %broadcast_in_dim3A_182 : vector<16xi32> to vector<16x1xi32>
    %gather3A_184 = vector.shape_cast %broadcast_in_dim3A_183 : vector<16x1xi32> to vector<16xi32>
    %gather3A_185 = tpu.dynamic_gather %add3A_73[%gather3A_184] in [0] : vector<16xi32>, vector<16xi32> -> vector<16xi32>
    %mul3A_186 = arith.constant 256 : i32
    %mul3A_187 = vector.broadcast %mul3A_186 : i32 to vector<16xi32>
    %mul3A_188 = arith.muli %gather3A_185, %mul3A_187 : vector<16xi32>
    %add3A_189 = arith.addi %mul3A_188, %add3A_77 : vector<16xi32>
    %swap3A_190 = arith.constant 16 : index
    %swap3A_191 = tpu.vector_load %arg7[%swap3A_190] {strides = array<i32>} : memref<112xi32, #tpu.memory_space<vmem>>, vector<16xi32>,
    %swap3A_192 = vector.shape_cast %swap3A_191 : vector<16xi32> to vector<16xi32>
    %swap3A_193 = vector.shape_cast %add3A_189 : vector<16xi32> to vector<16xi32>
    tpu.vector_store %arg7[%swap3A_190], %swap3A_193 {strides = array<i32>} : memref<112xi32, #tpu.memory_space<vmem>>, vector<16xi32>,
    %broadcast_in_dim3A_194 = arith.constant 9 : i32
    %broadcast_in_dim3A_195 = vector.broadcast %broadcast_in_dim3A_194 : i32 to vector<16xi32>
    %broadcast_in_dim3A_196 = vector.shape_cast %broadcast_in_dim3A_195 : vector<16xi32> to vector<16x1xi32>
    %gather3A_197 = vector.shape_cast %broadcast_in_dim3A_196 : vector<16x1xi32> to vector<16xi32>
    %gather3A_198 = tpu.dynamic_gather %add3A_73[%gather3A_197] in [0] : vector<16xi32>, vector<16xi32> -> vector<16xi32>
    %mul3A_199 = arith.constant 256 : i32
    %mul3A_200 = vector.broadcast %mul3A_199 : i32 to vector<16xi32>
    %mul3A_201 = arith.muli %gather3A_198, %mul3A_200 : vector<16xi32>
    %add3A_202 = arith.addi %mul3A_201, %add3A_77 : vector<16xi32>
    %swap3A_203 = arith.constant 32 : index
    %swap3A_204 = tpu.vector_load %arg7[%swap3A_203] {strides = array<i32>} : memref<112xi32, #tpu.memory_space<vmem>>, vector<16xi32>,
    %swap3A_205 = vector.shape_cast %swap3A_204 : vector<16xi32> to vector<16xi32>
    %swap3A_206 = vector.shape_cast %add3A_202 : vector<16xi32> to vector<16xi32>
    tpu.vector_store %arg7[%swap3A_203], %swap3A_206 {strides = array<i32>} : memref<112xi32, #tpu.memory_space<vmem>>, vector<16xi32>,
    %broadcast_in_dim3A_207 = arith.constant 10 : i32
    %broadcast_in_dim3A_208 = vector.broadcast %broadcast_in_dim3A_207 : i32 to vector<16xi32>
    %broadcast_in_dim3A_209 = vector.shape_cast %broadcast_in_dim3A_208 : vector<16xi32> to vector<16x1xi32>
    %gather3A_210 = vector.shape_cast %broadcast_in_dim3A_209 : vector<16x1xi32> to vector<16xi32>
    %gather3A_211 = tpu.dynamic_gather %add3A_73[%gather3A_210] in [0] : vector<16xi32>, vector<16xi32> -> vector<16xi32>
    %mul3A_212 = arith.constant 256 : i32
    %mul3A_213 = vector.broadcast %mul3A_212 : i32 to vector<16xi32>
    %mul3A_214 = arith.muli %gather3A_211, %mul3A_213 : vector<16xi32>
    %add3A_215 = arith.addi %mul3A_214, %add3A_77 : vector<16xi32>
    %swap3A_216 = arith.constant 48 : index
    %swap3A_217 = tpu.vector_load %arg7[%swap3A_216] {strides = array<i32>} : memref<112xi32, #tpu.memory_space<vmem>>, vector<16xi32>,
    %swap3A_218 = vector.shape_cast %swap3A_217 : vector<16xi32> to vector<16xi32>
    %swap3A_219 = vector.shape_cast %add3A_215 : vector<16xi32> to vector<16xi32>
    tpu.vector_store %arg7[%swap3A_216], %swap3A_219 {strides = array<i32>} : memref<112xi32, #tpu.memory_space<vmem>>, vector<16xi32>,
    %broadcast_in_dim3A_220 = arith.constant 11 : i32
    %broadcast_in_dim3A_221 = vector.broadcast %broadcast_in_dim3A_220 : i32 to vector<16xi32>
    %broadcast_in_dim3A_222 = vector.shape_cast %broadcast_in_dim3A_221 : vector<16xi32> to vector<16x1xi32>
    %gather3A_223 = vector.shape_cast %broadcast_in_dim3A_222 : vector<16x1xi32> to vector<16xi32>
    %gather3A_224 = tpu.dynamic_gather %add3A_73[%gather3A_223] in [0] : vector<16xi32>, vector<16xi32> -> vector<16xi32>
    %mul3A_225 = arith.constant 256 : i32
    %mul3A_226 = vector.broadcast %mul3A_225 : i32 to vector<16xi32>
    %mul3A_227 = arith.muli %gather3A_224, %mul3A_226 : vector<16xi32>
    %add3A_228 = arith.addi %mul3A_227, %add3A_77 : vector<16xi32>
    %swap3A_229 = arith.constant 64 : index
    %swap3A_230 = tpu.vector_load %arg7[%swap3A_229] {strides = array<i32>} : memref<112xi32, #tpu.memory_space<vmem>>, vector<16xi32>,
    %swap3A_231 = vector.shape_cast %swap3A_230 : vector<16xi32> to vector<16xi32>
    %swap3A_232 = vector.shape_cast %add3A_228 : vector<16xi32> to vector<16xi32>
    tpu.vector_store %arg7[%swap3A_229], %swap3A_232 {strides = array<i32>} : memref<112xi32, #tpu.memory_space<vmem>>, vector<16xi32>,
    %broadcast_in_dim3A_233 = arith.constant 12 : i32
    %broadcast_in_dim3A_234 = vector.broadcast %broadcast_in_dim3A_233 : i32 to vector<16xi32>
    %broadcast_in_dim3A_235 = vector.shape_cast %broadcast_in_dim3A_234 : vector<16xi32> to vector<16x1xi32>
    %gather3A_236 = vector.shape_cast %broadcast_in_dim3A_235 : vector<16x1xi32> to vector<16xi32>
    %gather3A_237 = tpu.dynamic_gather %add3A_73[%gather3A_236] in [0] : vector<16xi32>, vector<16xi32> -> vector<16xi32>
    %mul3A_238 = arith.constant 256 : i32
    %mul3A_239 = vector.broadcast %mul3A_238 : i32 to vector<16xi32>
    %mul3A_240 = arith.muli %gather3A_237, %mul3A_239 : vector<16xi32>
    %add3A_241 = arith.addi %mul3A_240, %add3A_77 : vector<16xi32>
    %swap3A_242 = arith.constant 80 : index
    %swap3A_243 = tpu.vector_load %arg7[%swap3A_242] {strides = array<i32>} : memref<112xi32, #tpu.memory_space<vmem>>, vector<16xi32>,
    %swap3A_244 = vector.shape_cast %swap3A_243 : vector<16xi32> to vector<16xi32>
    %swap3A_245 = vector.shape_cast %add3A_241 : vector<16xi32> to vector<16xi32>
    tpu.vector_store %arg7[%swap3A_242], %swap3A_245 {strides = array<i32>} : memref<112xi32, #tpu.memory_space<vmem>>, vector<16xi32>,
    %broadcast_in_dim3A_246 = arith.constant 13 : i32
    %broadcast_in_dim3A_247 = vector.broadcast %broadcast_in_dim3A_246 : i32 to vector<16xi32>
    %broadcast_in_dim3A_248 = vector.shape_cast %broadcast_in_dim3A_247 : vector<16xi32> to vector<16x1xi32>
    %gather3A_249 = vector.shape_cast %broadcast_in_dim3A_248 : vector<16x1xi32> to vector<16xi32>
    %gather3A_250 = tpu.dynamic_gather %add3A_73[%gather3A_249] in [0] : vector<16xi32>, vector<16xi32> -> vector<16xi32>
    %mul3A_251 = arith.constant 256 : i32
    %mul3A_252 = vector.broadcast %mul3A_251 : i32 to vector<16xi32>
    %mul3A_253 = arith.muli %gather3A_250, %mul3A_252 : vector<16xi32>
    %add3A_254 = arith.addi %mul3A_253, %add3A_77 : vector<16xi32>
    %swap3A_255 = arith.constant 96 : index
    %swap3A_256 = tpu.vector_load %arg7[%swap3A_255] {strides = array<i32>} : memref<112xi32, #tpu.memory_space<vmem>>, vector<16xi32>,
    %swap3A_257 = vector.shape_cast %swap3A_256 : vector<16xi32> to vector<16xi32>
    %swap3A_258 = vector.shape_cast %add3A_254 : vector<16xi32> to vector<16xi32>
    tpu.vector_store %arg7[%swap3A_255], %swap3A_258 {strides = array<i32>} : memref<112xi32, #tpu.memory_space<vmem>>, vector<16xi32>,
    %dma_start3A_259 = arith.constant 0 : i32
    %dma_start3A_260 = arith.constant 0 : i32
    %dma_start3A_261 = tpu.memref_slice %arg10[%dma_start3A_259, %dma_start3A_260] : memref<224x256xf32, #tpu.memory_space<vmem>> -> memref<112x256xf32, #tpu.memory_space<vmem>>
    %dma_start3A_262 = arith.constant 0 : i32
    %dma_start3A_263 = arith.constant 0 : i32
    %dma_start3A_264 = tpu.memref_slice %arg2[%dma_start3A_262, %dma_start3A_263] : memref<65536x256xf32, #tpu.memory_space<hbm>> -> memref<65536x256xf32, #tpu.memory_space<hbm>>
    tpu.enqueue_indirect_dma source(%dma_start3A_264 : memref<65536x256xf32, #tpu.memory_space<hbm>>) target(%dma_start3A_261 : memref<112x256xf32, #tpu.memory_space<vmem>>) offsets(%arg6 : memref<112xi32, #tpu.memory_space<vmem>>) semaphore(%arg13 : memref<!tpu.dma_semaphore, #tpu.memory_space<semaphore_mem>>)
    %dma_start3A_265 = arith.constant 112 : i32
    %dma_start3A_266 = arith.constant 0 : i32
    %dma_start3A_267 = tpu.memref_slice %arg10[%dma_start3A_265, %dma_start3A_266] : memref<224x256xf32, #tpu.memory_space<vmem>> -> memref<112x256xf32, #tpu.memory_space<vmem>>
    %dma_start3A_268 = arith.constant 0 : i32
    %dma_start3A_269 = arith.constant 0 : i32
    %dma_start3A_270 = tpu.memref_slice %arg2[%dma_start3A_268, %dma_start3A_269] : memref<65536x256xf32, #tpu.memory_space<hbm>> -> memref<65536x256xf32, #tpu.memory_space<hbm>>
    tpu.enqueue_indirect_dma source(%dma_start3A_270 : memref<65536x256xf32, #tpu.memory_space<hbm>>) target(%dma_start3A_267 : memref<112x256xf32, #tpu.memory_space<vmem>>) offsets(%arg7 : memref<112xi32, #tpu.memory_space<vmem>>) semaphore(%arg13 : memref<!tpu.dma_semaphore, #tpu.memory_space<semaphore_mem>>)
    %add3A_271 = arith.constant 1 : i32
    %add3A_272 = arith.addi %min3A_4, %add3A_271 : i32
    %jit3A = arith.constant 2 : i32
    %div3A = arith.divsi %add3A_272, %jit3A : i32
    %sign3A = arith.constant 0 : i32
    %sign3A_273 = arith.cmpi sgt, %add3A_272, %sign3A : i32
    %sign3A_274 = arith.extui %sign3A_273 : i1 to i32
    %sign3A_275 = arith.constant 0 : i32
    %sign3A_276 = arith.cmpi slt, %add3A_272, %sign3A_275 : i32
    %sign3A_277 = arith.extui %sign3A_276 : i1 to i32
    %sign3A_278 = arith.subi %sign3A_274, %sign3A_277 : i32
    %sign3A_279 = arith.constant 0 : i32
    %sign3A_280 = arith.cmpi sgt, %jit3A, %sign3A_279 : i32
    %sign3A_281 = arith.extui %sign3A_280 : i1 to i32
    %sign3A_282 = arith.constant 0 : i32
    %sign3A_283 = arith.cmpi slt, %jit3A, %sign3A_282 : i32
    %sign3A_284 = arith.extui %sign3A_283 : i1 to i32
    %sign3A_285 = arith.subi %sign3A_281, %sign3A_284 : i32
    %ne3A = arith.cmpi ne, %sign3A_278, %sign3A_285 : i32
    %rem3A = arith.remsi %add3A_272, %jit3A : i32
    %ne3A_286 = arith.constant 0 : i32
    %ne3A_287 = arith.cmpi ne, %rem3A, %ne3A_286 : i32
    %and3A_288 = arith.andi %ne3A, %ne3A_287 : i1
    %sub3A_289 = arith.constant 1 : i32
    %sub3A_290 = arith.subi %div3A, %sub3A_289 : i32
    %select_n3A = arith.select %and3A_288, %sub3A_290, %div3A : i32
    %while3A = arith.constant 0 : i32
    %while3A_291 = arith.subi %select_n3A, %while3A : i32
    %while3A_292 = arith.addi %while3A, %while3A_291 : i32
    %while3A_293 = arith.constant 1 : i32
    %while3A_294 = arith.divsi %while3A_291, %while3A_293 : i32
    %while3A_295 = arith.muli %while3A_294, %while3A_293 : i32
    %while3A_296 = arith.addi %while3A, %while3A_295 : i32
    %while3A_297 = arith.constant 1 : i32
    %while3A_298:2 = scf.for %while3A_308 = %while3A to %while3A_296 step %while3A_297 iter_args(%while3A_309 = %sub3A_67, %while3A_310 = %sub3A_69) -> (vector<16xf32>, vector<16xf32>)  : i32 {
      %mul3A_311 = arith.constant 2 : i32
      %mul3A_312 = arith.muli %mul3A_311, %while3A_308 : i32
      %add3A_313 = arith.constant 1 : i32
      %add3A_314 = arith.addi %mul3A_312, %add3A_313 : i32
      %add3A_315 = arith.constant 2 : i32
      %add3A_316 = arith.addi %mul3A_312, %add3A_315 : i32
      %min3A_317 = arith.constant 31 : i32
      %min3A_318 = arith.minsi %add3A_314, %min3A_317 : i32
      %mul3A_319 = arith.constant 16 : i32
      %mul3A_320 = arith.muli %min3A_318, %mul3A_319 : i32
      %get3A_321 = arith.index_cast %mul3A_320 : i32 to index
      %get3A_322 = tpu.vector_load %arg5[%get3A_321] {strides = array<i32>} : memref<512xf32, #tpu.memory_space<vmem>>, vector<16xf32>,
      %get3A_323 = vector.shape_cast %get3A_322 : vector<16xf32> to vector<16xf32>
      %broadcast_in_dim3A_324 = arith.constant 0 : i32
      %broadcast_in_dim3A_325 = vector.broadcast %broadcast_in_dim3A_324 : i32 to vector<16xi32>
      %broadcast_in_dim3A_326 = vector.shape_cast %broadcast_in_dim3A_325 : vector<16xi32> to vector<16x1xi32>
      %gather3A_327 = vector.shape_cast %broadcast_in_dim3A_326 : vector<16x1xi32> to vector<16xi32>
      %gather3A_328 = tpu.dynamic_gather %get3A_323[%gather3A_327] in [0] : vector<16xf32>, vector<16xi32> -> vector<16xf32>
      %broadcast_in_dim3A_329 = arith.constant 1 : i32
      %broadcast_in_dim3A_330 = vector.broadcast %broadcast_in_dim3A_329 : i32 to vector<16xi32>
      %broadcast_in_dim3A_331 = vector.shape_cast %broadcast_in_dim3A_330 : vector<16xi32> to vector<16x1xi32>
      %gather3A_332 = vector.shape_cast %broadcast_in_dim3A_331 : vector<16x1xi32> to vector<16xi32>
      %gather3A_333 = tpu.dynamic_gather %get3A_323[%gather3A_332] in [0] : vector<16xf32>, vector<16xi32> -> vector<16xf32>
      %broadcast_in_dim3A_334 = arith.constant 2 : i32
      %broadcast_in_dim3A_335 = vector.broadcast %broadcast_in_dim3A_334 : i32 to vector<16xi32>
      %broadcast_in_dim3A_336 = vector.shape_cast %broadcast_in_dim3A_335 : vector<16xi32> to vector<16x1xi32>
      %gather3A_337 = vector.shape_cast %broadcast_in_dim3A_336 : vector<16x1xi32> to vector<16xi32>
      %gather3A_338 = tpu.dynamic_gather %get3A_323[%gather3A_337] in [0] : vector<16xf32>, vector<16xi32> -> vector<16xf32>
      %broadcast_in_dim3A_339 = arith.constant 3 : i32
      %broadcast_in_dim3A_340 = vector.broadcast %broadcast_in_dim3A_339 : i32 to vector<16xi32>
      %broadcast_in_dim3A_341 = vector.shape_cast %broadcast_in_dim3A_340 : vector<16xi32> to vector<16x1xi32>
      %gather3A_342 = vector.shape_cast %broadcast_in_dim3A_341 : vector<16x1xi32> to vector<16xi32>
      %gather3A_343 = tpu.dynamic_gather %get3A_323[%gather3A_342] in [0] : vector<16xf32>, vector<16xi32> -> vector<16xf32>
      %sub3A_344 = arith.subf %gather3A_338, %gather3A_328 : vector<16xf32>
      %mul3A_345 = arith.mulf %sub3A_344, %mul3A_9 : vector<16xf32>
      %add3A_346 = arith.addf %gather3A_328, %mul3A_345 : vector<16xf32>
      %mul3A_347 = arith.constant 2.550000e+02 : f32
      %mul3A_348 = vector.broadcast %mul3A_347 : f32 to vector<16xf32>
      %mul3A_349 = arith.mulf %add3A_346, %mul3A_348 : vector<16xf32>
      %sub3A_350 = arith.subf %gather3A_343, %gather3A_333 : vector<16xf32>
      %mul3A_351 = arith.mulf %sub3A_350, %mul3A_9 : vector<16xf32>
      %add3A_352 = arith.addf %gather3A_333, %mul3A_351 : vector<16xf32>
      %mul3A_353 = arith.constant 2.550000e+02 : f32
      %mul3A_354 = vector.broadcast %mul3A_353 : f32 to vector<16xf32>
      %mul3A_355 = arith.mulf %add3A_352, %mul3A_354 : vector<16xf32>
      %convert_element_type3A_356 = arith.fptosi %mul3A_349 : vector<16xf32> to vector<16xi32>
      %min3A_357 = arith.constant 254 : i32
      %min3A_358 = vector.broadcast %min3A_357 : i32 to vector<16xi32>
      %min3A_359 = arith.minsi %convert_element_type3A_356, %min3A_358 : vector<16xi32>
      %convert_element_type3A_360 = arith.fptosi %mul3A_355 : vector<16xf32> to vector<16xi32>
      %min3A_361 = arith.constant 254 : i32
      %min3A_362 = vector.broadcast %min3A_361 : i32 to vector<16xi32>
      %min3A_363 = arith.minsi %convert_element_type3A_360, %min3A_362 : vector<16xi32>
      %convert_element_type3A_364 = arith.sitofp %min3A_359 : vector<16xi32> to vector<16xf32>
      %sub3A_365 = arith.subf %mul3A_349, %convert_element_type3A_364 : vector<16xf32>
      %convert_element_type3A_366 = arith.sitofp %min3A_363 : vector<16xi32> to vector<16xf32>
      %sub3A_367 = arith.subf %mul3A_355, %convert_element_type3A_366 : vector<16xf32>
      %broadcast_in_dim3A_368 = vector.shape_cast %shift_right_arithmetic3A_11 : vector<16xi32> to vector<16x1xi32>
      %gather3A_369 = vector.shape_cast %broadcast_in_dim3A_368 : vector<16x1xi32> to vector<16xi32>
      %gather3A_370 = tpu.dynamic_gather %min3A_359[%gather3A_369] in [0] : vector<16xi32>, vector<16xi32> -> vector<16xi32>
      %add3A_371 = arith.addi %gather3A_370, %and3A_13 : vector<16xi32>
      %broadcast_in_dim3A_372 = vector.shape_cast %shift_right_arithmetic3A_11 : vector<16xi32> to vector<16x1xi32>
      %gather3A_373 = vector.shape_cast %broadcast_in_dim3A_372 : vector<16x1xi32> to vector<16xi32>
      %gather3A_374 = tpu.dynamic_gather %min3A_363[%gather3A_373] in [0] : vector<16xi32>, vector<16xi32> -> vector<16xi32>
      %add3A_375 = arith.addi %gather3A_374, %and3A_13 : vector<16xi32>
      %broadcast_in_dim3A_376 = arith.constant 0 : i32
      %broadcast_in_dim3A_377 = vector.broadcast %broadcast_in_dim3A_376 : i32 to vector<16xi32>
      %broadcast_in_dim3A_378 = vector.shape_cast %broadcast_in_dim3A_377 : vector<16xi32> to vector<16x1xi32>
      %gather3A_379 = vector.shape_cast %broadcast_in_dim3A_378 : vector<16x1xi32> to vector<16xi32>
      %gather3A_380 = tpu.dynamic_gather %add3A_371[%gather3A_379] in [0] : vector<16xi32>, vector<16xi32> -> vector<16xi32>
      %mul3A_381 = arith.constant 256 : i32
      %mul3A_382 = vector.broadcast %mul3A_381 : i32 to vector<16xi32>
      %mul3A_383 = arith.muli %gather3A_380, %mul3A_382 : vector<16xi32>
      %add3A_384 = arith.addi %mul3A_383, %add3A_375 : vector<16xi32>
      %swap3A_385 = arith.constant 0 : index
      %swap3A_386 = tpu.vector_load %arg8[%swap3A_385] {strides = array<i32>} : memref<112xi32, #tpu.memory_space<vmem>>, vector<16xi32>,
      %swap3A_387 = vector.shape_cast %swap3A_386 : vector<16xi32> to vector<16xi32>
      %swap3A_388 = vector.shape_cast %add3A_384 : vector<16xi32> to vector<16xi32>
      tpu.vector_store %arg8[%swap3A_385], %swap3A_388 {strides = array<i32>} : memref<112xi32, #tpu.memory_space<vmem>>, vector<16xi32>,
      %broadcast_in_dim3A_389 = arith.constant 1 : i32
      %broadcast_in_dim3A_390 = vector.broadcast %broadcast_in_dim3A_389 : i32 to vector<16xi32>
      %broadcast_in_dim3A_391 = vector.shape_cast %broadcast_in_dim3A_390 : vector<16xi32> to vector<16x1xi32>
      %gather3A_392 = vector.shape_cast %broadcast_in_dim3A_391 : vector<16x1xi32> to vector<16xi32>
      %gather3A_393 = tpu.dynamic_gather %add3A_371[%gather3A_392] in [0] : vector<16xi32>, vector<16xi32> -> vector<16xi32>
      %mul3A_394 = arith.constant 256 : i32
      %mul3A_395 = vector.broadcast %mul3A_394 : i32 to vector<16xi32>
      %mul3A_396 = arith.muli %gather3A_393, %mul3A_395 : vector<16xi32>
      %add3A_397 = arith.addi %mul3A_396, %add3A_375 : vector<16xi32>
      %swap3A_398 = arith.constant 16 : index
      %swap3A_399 = tpu.vector_load %arg8[%swap3A_398] {strides = array<i32>} : memref<112xi32, #tpu.memory_space<vmem>>, vector<16xi32>,
      %swap3A_400 = vector.shape_cast %swap3A_399 : vector<16xi32> to vector<16xi32>
      %swap3A_401 = vector.shape_cast %add3A_397 : vector<16xi32> to vector<16xi32>
      tpu.vector_store %arg8[%swap3A_398], %swap3A_401 {strides = array<i32>} : memref<112xi32, #tpu.memory_space<vmem>>, vector<16xi32>,
      %broadcast_in_dim3A_402 = arith.constant 2 : i32
      %broadcast_in_dim3A_403 = vector.broadcast %broadcast_in_dim3A_402 : i32 to vector<16xi32>
      %broadcast_in_dim3A_404 = vector.shape_cast %broadcast_in_dim3A_403 : vector<16xi32> to vector<16x1xi32>
      %gather3A_405 = vector.shape_cast %broadcast_in_dim3A_404 : vector<16x1xi32> to vector<16xi32>
      %gather3A_406 = tpu.dynamic_gather %add3A_371[%gather3A_405] in [0] : vector<16xi32>, vector<16xi32> -> vector<16xi32>
      %mul3A_407 = arith.constant 256 : i32
      %mul3A_408 = vector.broadcast %mul3A_407 : i32 to vector<16xi32>
      %mul3A_409 = arith.muli %gather3A_406, %mul3A_408 : vector<16xi32>
      %add3A_410 = arith.addi %mul3A_409, %add3A_375 : vector<16xi32>
      %swap3A_411 = arith.constant 32 : index
      %swap3A_412 = tpu.vector_load %arg8[%swap3A_411] {strides = array<i32>} : memref<112xi32, #tpu.memory_space<vmem>>, vector<16xi32>,
      %swap3A_413 = vector.shape_cast %swap3A_412 : vector<16xi32> to vector<16xi32>
      %swap3A_414 = vector.shape_cast %add3A_410 : vector<16xi32> to vector<16xi32>
      tpu.vector_store %arg8[%swap3A_411], %swap3A_414 {strides = array<i32>} : memref<112xi32, #tpu.memory_space<vmem>>, vector<16xi32>,
      %broadcast_in_dim3A_415 = arith.constant 3 : i32
      %broadcast_in_dim3A_416 = vector.broadcast %broadcast_in_dim3A_415 : i32 to vector<16xi32>
      %broadcast_in_dim3A_417 = vector.shape_cast %broadcast_in_dim3A_416 : vector<16xi32> to vector<16x1xi32>
      %gather3A_418 = vector.shape_cast %broadcast_in_dim3A_417 : vector<16x1xi32> to vector<16xi32>
      %gather3A_419 = tpu.dynamic_gather %add3A_371[%gather3A_418] in [0] : vector<16xi32>, vector<16xi32> -> vector<16xi32>
      %mul3A_420 = arith.constant 256 : i32
      %mul3A_421 = vector.broadcast %mul3A_420 : i32 to vector<16xi32>
      %mul3A_422 = arith.muli %gather3A_419, %mul3A_421 : vector<16xi32>
      %add3A_423 = arith.addi %mul3A_422, %add3A_375 : vector<16xi32>
      %swap3A_424 = arith.constant 48 : index
      %swap3A_425 = tpu.vector_load %arg8[%swap3A_424] {strides = array<i32>} : memref<112xi32, #tpu.memory_space<vmem>>, vector<16xi32>,
      %swap3A_426 = vector.shape_cast %swap3A_425 : vector<16xi32> to vector<16xi32>
      %swap3A_427 = vector.shape_cast %add3A_423 : vector<16xi32> to vector<16xi32>
      tpu.vector_store %arg8[%swap3A_424], %swap3A_427 {strides = array<i32>} : memref<112xi32, #tpu.memory_space<vmem>>, vector<16xi32>,
      %broadcast_in_dim3A_428 = arith.constant 4 : i32
      %broadcast_in_dim3A_429 = vector.broadcast %broadcast_in_dim3A_428 : i32 to vector<16xi32>
      %broadcast_in_dim3A_430 = vector.shape_cast %broadcast_in_dim3A_429 : vector<16xi32> to vector<16x1xi32>
      %gather3A_431 = vector.shape_cast %broadcast_in_dim3A_430 : vector<16x1xi32> to vector<16xi32>
      %gather3A_432 = tpu.dynamic_gather %add3A_371[%gather3A_431] in [0] : vector<16xi32>, vector<16xi32> -> vector<16xi32>
      %mul3A_433 = arith.constant 256 : i32
      %mul3A_434 = vector.broadcast %mul3A_433 : i32 to vector<16xi32>
      %mul3A_435 = arith.muli %gather3A_432, %mul3A_434 : vector<16xi32>
      %add3A_436 = arith.addi %mul3A_435, %add3A_375 : vector<16xi32>
      %swap3A_437 = arith.constant 64 : index
      %swap3A_438 = tpu.vector_load %arg8[%swap3A_437] {strides = array<i32>} : memref<112xi32, #tpu.memory_space<vmem>>, vector<16xi32>,
      %swap3A_439 = vector.shape_cast %swap3A_438 : vector<16xi32> to vector<16xi32>
      %swap3A_440 = vector.shape_cast %add3A_436 : vector<16xi32> to vector<16xi32>
      tpu.vector_store %arg8[%swap3A_437], %swap3A_440 {strides = array<i32>} : memref<112xi32, #tpu.memory_space<vmem>>, vector<16xi32>,
      %broadcast_in_dim3A_441 = arith.constant 5 : i32
      %broadcast_in_dim3A_442 = vector.broadcast %broadcast_in_dim3A_441 : i32 to vector<16xi32>
      %broadcast_in_dim3A_443 = vector.shape_cast %broadcast_in_dim3A_442 : vector<16xi32> to vector<16x1xi32>
      %gather3A_444 = vector.shape_cast %broadcast_in_dim3A_443 : vector<16x1xi32> to vector<16xi32>
      %gather3A_445 = tpu.dynamic_gather %add3A_371[%gather3A_444] in [0] : vector<16xi32>, vector<16xi32> -> vector<16xi32>
      %mul3A_446 = arith.constant 256 : i32
      %mul3A_447 = vector.broadcast %mul3A_446 : i32 to vector<16xi32>
      %mul3A_448 = arith.muli %gather3A_445, %mul3A_447 : vector<16xi32>
      %add3A_449 = arith.addi %mul3A_448, %add3A_375 : vector<16xi32>
      %swap3A_450 = arith.constant 80 : index
      %swap3A_451 = tpu.vector_load %arg8[%swap3A_450] {strides = array<i32>} : memref<112xi32, #tpu.memory_space<vmem>>, vector<16xi32>,
      %swap3A_452 = vector.shape_cast %swap3A_451 : vector<16xi32> to vector<16xi32>
      %swap3A_453 = vector.shape_cast %add3A_449 : vector<16xi32> to vector<16xi32>
      tpu.vector_store %arg8[%swap3A_450], %swap3A_453 {strides = array<i32>} : memref<112xi32, #tpu.memory_space<vmem>>, vector<16xi32>,
      %broadcast_in_dim3A_454 = arith.constant 6 : i32
      %broadcast_in_dim3A_455 = vector.broadcast %broadcast_in_dim3A_454 : i32 to vector<16xi32>
      %broadcast_in_dim3A_456 = vector.shape_cast %broadcast_in_dim3A_455 : vector<16xi32> to vector<16x1xi32>
      %gather3A_457 = vector.shape_cast %broadcast_in_dim3A_456 : vector<16x1xi32> to vector<16xi32>
      %gather3A_458 = tpu.dynamic_gather %add3A_371[%gather3A_457] in [0] : vector<16xi32>, vector<16xi32> -> vector<16xi32>
      %mul3A_459 = arith.constant 256 : i32
      %mul3A_460 = vector.broadcast %mul3A_459 : i32 to vector<16xi32>
      %mul3A_461 = arith.muli %gather3A_458, %mul3A_460 : vector<16xi32>
      %add3A_462 = arith.addi %mul3A_461, %add3A_375 : vector<16xi32>
      %swap3A_463 = arith.constant 96 : index
      %swap3A_464 = tpu.vector_load %arg8[%swap3A_463] {strides = array<i32>} : memref<112xi32, #tpu.memory_space<vmem>>, vector<16xi32>,
      %swap3A_465 = vector.shape_cast %swap3A_464 : vector<16xi32> to vector<16xi32>
      %swap3A_466 = vector.shape_cast %add3A_462 : vector<16xi32> to vector<16xi32>
      tpu.vector_store %arg8[%swap3A_463], %swap3A_466 {strides = array<i32>} : memref<112xi32, #tpu.memory_space<vmem>>, vector<16xi32>,
      %broadcast_in_dim3A_467 = arith.constant 7 : i32
      %broadcast_in_dim3A_468 = vector.broadcast %broadcast_in_dim3A_467 : i32 to vector<16xi32>
      %broadcast_in_dim3A_469 = vector.shape_cast %broadcast_in_dim3A_468 : vector<16xi32> to vector<16x1xi32>
      %gather3A_470 = vector.shape_cast %broadcast_in_dim3A_469 : vector<16x1xi32> to vector<16xi32>
      %gather3A_471 = tpu.dynamic_gather %add3A_371[%gather3A_470] in [0] : vector<16xi32>, vector<16xi32> -> vector<16xi32>
      %mul3A_472 = arith.constant 256 : i32
      %mul3A_473 = vector.broadcast %mul3A_472 : i32 to vector<16xi32>
      %mul3A_474 = arith.muli %gather3A_471, %mul3A_473 : vector<16xi32>
      %add3A_475 = arith.addi %mul3A_474, %add3A_375 : vector<16xi32>
      %swap3A_476 = arith.constant 0 : index
      %swap3A_477 = tpu.vector_load %arg9[%swap3A_476] {strides = array<i32>} : memref<112xi32, #tpu.memory_space<vmem>>, vector<16xi32>,
      %swap3A_478 = vector.shape_cast %swap3A_477 : vector<16xi32> to vector<16xi32>
      %swap3A_479 = vector.shape_cast %add3A_475 : vector<16xi32> to vector<16xi32>
      tpu.vector_store %arg9[%swap3A_476], %swap3A_479 {strides = array<i32>} : memref<112xi32, #tpu.memory_space<vmem>>, vector<16xi32>,
      %broadcast_in_dim3A_480 = arith.constant 8 : i32
      %broadcast_in_dim3A_481 = vector.broadcast %broadcast_in_dim3A_480 : i32 to vector<16xi32>
      %broadcast_in_dim3A_482 = vector.shape_cast %broadcast_in_dim3A_481 : vector<16xi32> to vector<16x1xi32>
      %gather3A_483 = vector.shape_cast %broadcast_in_dim3A_482 : vector<16x1xi32> to vector<16xi32>
      %gather3A_484 = tpu.dynamic_gather %add3A_371[%gather3A_483] in [0] : vector<16xi32>, vector<16xi32> -> vector<16xi32>
      %mul3A_485 = arith.constant 256 : i32
      %mul3A_486 = vector.broadcast %mul3A_485 : i32 to vector<16xi32>
      %mul3A_487 = arith.muli %gather3A_484, %mul3A_486 : vector<16xi32>
      %add3A_488 = arith.addi %mul3A_487, %add3A_375 : vector<16xi32>
      %swap3A_489 = arith.constant 16 : index
      %swap3A_490 = tpu.vector_load %arg9[%swap3A_489] {strides = array<i32>} : memref<112xi32, #tpu.memory_space<vmem>>, vector<16xi32>,
      %swap3A_491 = vector.shape_cast %swap3A_490 : vector<16xi32> to vector<16xi32>
      %swap3A_492 = vector.shape_cast %add3A_488 : vector<16xi32> to vector<16xi32>
      tpu.vector_store %arg9[%swap3A_489], %swap3A_492 {strides = array<i32>} : memref<112xi32, #tpu.memory_space<vmem>>, vector<16xi32>,
      %broadcast_in_dim3A_493 = arith.constant 9 : i32
      %broadcast_in_dim3A_494 = vector.broadcast %broadcast_in_dim3A_493 : i32 to vector<16xi32>
      %broadcast_in_dim3A_495 = vector.shape_cast %broadcast_in_dim3A_494 : vector<16xi32> to vector<16x1xi32>
      %gather3A_496 = vector.shape_cast %broadcast_in_dim3A_495 : vector<16x1xi32> to vector<16xi32>
      %gather3A_497 = tpu.dynamic_gather %add3A_371[%gather3A_496] in [0] : vector<16xi32>, vector<16xi32> -> vector<16xi32>
      %mul3A_498 = arith.constant 256 : i32
      %mul3A_499 = vector.broadcast %mul3A_498 : i32 to vector<16xi32>
      %mul3A_500 = arith.muli %gather3A_497, %mul3A_499 : vector<16xi32>
      %add3A_501 = arith.addi %mul3A_500, %add3A_375 : vector<16xi32>
      %swap3A_502 = arith.constant 32 : index
      %swap3A_503 = tpu.vector_load %arg9[%swap3A_502] {strides = array<i32>} : memref<112xi32, #tpu.memory_space<vmem>>, vector<16xi32>,
      %swap3A_504 = vector.shape_cast %swap3A_503 : vector<16xi32> to vector<16xi32>
      %swap3A_505 = vector.shape_cast %add3A_501 : vector<16xi32> to vector<16xi32>
      tpu.vector_store %arg9[%swap3A_502], %swap3A_505 {strides = array<i32>} : memref<112xi32, #tpu.memory_space<vmem>>, vector<16xi32>,
      %broadcast_in_dim3A_506 = arith.constant 10 : i32
      %broadcast_in_dim3A_507 = vector.broadcast %broadcast_in_dim3A_506 : i32 to vector<16xi32>
      %broadcast_in_dim3A_508 = vector.shape_cast %broadcast_in_dim3A_507 : vector<16xi32> to vector<16x1xi32>
      %gather3A_509 = vector.shape_cast %broadcast_in_dim3A_508 : vector<16x1xi32> to vector<16xi32>
      %gather3A_510 = tpu.dynamic_gather %add3A_371[%gather3A_509] in [0] : vector<16xi32>, vector<16xi32> -> vector<16xi32>
      %mul3A_511 = arith.constant 256 : i32
      %mul3A_512 = vector.broadcast %mul3A_511 : i32 to vector<16xi32>
      %mul3A_513 = arith.muli %gather3A_510, %mul3A_512 : vector<16xi32>
      %add3A_514 = arith.addi %mul3A_513, %add3A_375 : vector<16xi32>
      %swap3A_515 = arith.constant 48 : index
      %swap3A_516 = tpu.vector_load %arg9[%swap3A_515] {strides = array<i32>} : memref<112xi32, #tpu.memory_space<vmem>>, vector<16xi32>,
      %swap3A_517 = vector.shape_cast %swap3A_516 : vector<16xi32> to vector<16xi32>
      %swap3A_518 = vector.shape_cast %add3A_514 : vector<16xi32> to vector<16xi32>
      tpu.vector_store %arg9[%swap3A_515], %swap3A_518 {strides = array<i32>} : memref<112xi32, #tpu.memory_space<vmem>>, vector<16xi32>,
      %broadcast_in_dim3A_519 = arith.constant 11 : i32
      %broadcast_in_dim3A_520 = vector.broadcast %broadcast_in_dim3A_519 : i32 to vector<16xi32>
      %broadcast_in_dim3A_521 = vector.shape_cast %broadcast_in_dim3A_520 : vector<16xi32> to vector<16x1xi32>
      %gather3A_522 = vector.shape_cast %broadcast_in_dim3A_521 : vector<16x1xi32> to vector<16xi32>
      %gather3A_523 = tpu.dynamic_gather %add3A_371[%gather3A_522] in [0] : vector<16xi32>, vector<16xi32> -> vector<16xi32>
      %mul3A_524 = arith.constant 256 : i32
      %mul3A_525 = vector.broadcast %mul3A_524 : i32 to vector<16xi32>
      %mul3A_526 = arith.muli %gather3A_523, %mul3A_525 : vector<16xi32>
      %add3A_527 = arith.addi %mul3A_526, %add3A_375 : vector<16xi32>
      %swap3A_528 = arith.constant 64 : index
      %swap3A_529 = tpu.vector_load %arg9[%swap3A_528] {strides = array<i32>} : memref<112xi32, #tpu.memory_space<vmem>>, vector<16xi32>,
      %swap3A_530 = vector.shape_cast %swap3A_529 : vector<16xi32> to vector<16xi32>
      %swap3A_531 = vector.shape_cast %add3A_527 : vector<16xi32> to vector<16xi32>
      tpu.vector_store %arg9[%swap3A_528], %swap3A_531 {strides = array<i32>} : memref<112xi32, #tpu.memory_space<vmem>>, vector<16xi32>,
      %broadcast_in_dim3A_532 = arith.constant 12 : i32
      %broadcast_in_dim3A_533 = vector.broadcast %broadcast_in_dim3A_532 : i32 to vector<16xi32>
      %broadcast_in_dim3A_534 = vector.shape_cast %broadcast_in_dim3A_533 : vector<16xi32> to vector<16x1xi32>
      %gather3A_535 = vector.shape_cast %broadcast_in_dim3A_534 : vector<16x1xi32> to vector<16xi32>
      %gather3A_536 = tpu.dynamic_gather %add3A_371[%gather3A_535] in [0] : vector<16xi32>, vector<16xi32> -> vector<16xi32>
      %mul3A_537 = arith.constant 256 : i32
      %mul3A_538 = vector.broadcast %mul3A_537 : i32 to vector<16xi32>
      %mul3A_539 = arith.muli %gather3A_536, %mul3A_538 : vector<16xi32>
      %add3A_540 = arith.addi %mul3A_539, %add3A_375 : vector<16xi32>
      %swap3A_541 = arith.constant 80 : index
      %swap3A_542 = tpu.vector_load %arg9[%swap3A_541] {strides = array<i32>} : memref<112xi32, #tpu.memory_space<vmem>>, vector<16xi32>,
      %swap3A_543 = vector.shape_cast %swap3A_542 : vector<16xi32> to vector<16xi32>
      %swap3A_544 = vector.shape_cast %add3A_540 : vector<16xi32> to vector<16xi32>
      tpu.vector_store %arg9[%swap3A_541], %swap3A_544 {strides = array<i32>} : memref<112xi32, #tpu.memory_space<vmem>>, vector<16xi32>,
      %broadcast_in_dim3A_545 = arith.constant 13 : i32
      %broadcast_in_dim3A_546 = vector.broadcast %broadcast_in_dim3A_545 : i32 to vector<16xi32>
      %broadcast_in_dim3A_547 = vector.shape_cast %broadcast_in_dim3A_546 : vector<16xi32> to vector<16x1xi32>
      %gather3A_548 = vector.shape_cast %broadcast_in_dim3A_547 : vector<16x1xi32> to vector<16xi32>
      %gather3A_549 = tpu.dynamic_gather %add3A_371[%gather3A_548] in [0] : vector<16xi32>, vector<16xi32> -> vector<16xi32>
      %mul3A_550 = arith.constant 256 : i32
      %mul3A_551 = vector.broadcast %mul3A_550 : i32 to vector<16xi32>
      %mul3A_552 = arith.muli %gather3A_549, %mul3A_551 : vector<16xi32>
      %add3A_553 = arith.addi %mul3A_552, %add3A_375 : vector<16xi32>
      %swap3A_554 = arith.constant 96 : index
      %swap3A_555 = tpu.vector_load %arg9[%swap3A_554] {strides = array<i32>} : memref<112xi32, #tpu.memory_space<vmem>>, vector<16xi32>,
      %swap3A_556 = vector.shape_cast %swap3A_555 : vector<16xi32> to vector<16xi32>
      %swap3A_557 = vector.shape_cast %add3A_553 : vector<16xi32> to vector<16xi32>
      tpu.vector_store %arg9[%swap3A_554], %swap3A_557 {strides = array<i32>} : memref<112xi32, #tpu.memory_space<vmem>>, vector<16xi32>,
      %lt3A = arith.cmpi slt, %add3A_314, %min3A_4 : i32
      %convert_element_type3A_558 = arith.extui %lt3A : i1 to i32
      %cond3A = arith.constant 0 : i32
      %cond3A_559 = arith.cmpi ne, %convert_element_type3A_558, %cond3A : i32
      scf.if %cond3A_559 {
        %dma_start3A_840 = arith.constant 0 : i32
        %dma_start3A_841 = arith.constant 0 : i32
        %dma_start3A_842 = tpu.memref_slice %arg11[%dma_start3A_840, %dma_start3A_841] : memref<224x256xf32, #tpu.memory_space<vmem>> -> memref<112x256xf32, #tpu.memory_space<vmem>>
        %dma_start3A_843 = arith.constant 0 : i32
        %dma_start3A_844 = arith.constant 0 : i32
        %dma_start3A_845 = tpu.memref_slice %arg2[%dma_start3A_843, %dma_start3A_844] : memref<65536x256xf32, #tpu.memory_space<hbm>> -> memref<65536x256xf32, #tpu.memory_space<hbm>>
        tpu.enqueue_indirect_dma source(%dma_start3A_845 : memref<65536x256xf32, #tpu.memory_space<hbm>>) target(%dma_start3A_842 : memref<112x256xf32, #tpu.memory_space<vmem>>) offsets(%arg8 : memref<112xi32, #tpu.memory_space<vmem>>) semaphore(%arg14 : memref<!tpu.dma_semaphore, #tpu.memory_space<semaphore_mem>>)
        %dma_start3A_846 = arith.constant 112 : i32
        %dma_start3A_847 = arith.constant 0 : i32
        %dma_start3A_848 = tpu.memref_slice %arg11[%dma_start3A_846, %dma_start3A_847] : memref<224x256xf32, #tpu.memory_space<vmem>> -> memref<112x256xf32, #tpu.memory_space<vmem>>
        %dma_start3A_849 = arith.constant 0 : i32
        %dma_start3A_850 = arith.constant 0 : i32
        %dma_start3A_851 = tpu.memref_slice %arg2[%dma_start3A_849, %dma_start3A_850] : memref<65536x256xf32, #tpu.memory_space<hbm>> -> memref<65536x256xf32, #tpu.memory_space<hbm>>
        tpu.enqueue_indirect_dma source(%dma_start3A_851 : memref<65536x256xf32, #tpu.memory_space<hbm>>) target(%dma_start3A_848 : memref<112x256xf32, #tpu.memory_space<vmem>>) offsets(%arg9 : memref<112xi32, #tpu.memory_space<vmem>>) semaphore(%arg14 : memref<!tpu.dma_semaphore, #tpu.memory_space<semaphore_mem>>)
      } else {
      }
      %dma_wait3A_560 = arith.constant 0 : i32
      %dma_wait3A_561 = arith.constant 0 : i32
      %dma_wait3A_562 = tpu.memref_slice %arg10[%dma_wait3A_560, %dma_wait3A_561] : memref<224x256xf32, #tpu.memory_space<vmem>> -> memref<112x256xf32, #tpu.memory_space<vmem>>
      %dma_wait3A_563 = arith.constant 0 : i32
      %dma_wait3A_564 = arith.constant 0 : i32
      %dma_wait3A_565 = tpu.memref_slice %arg2[%dma_wait3A_563, %dma_wait3A_564] : memref<65536x256xf32, #tpu.memory_space<hbm>> -> memref<65536x256xf32, #tpu.memory_space<hbm>>
      tpu.wait_indirect_dma semaphore(%arg13 : memref<!tpu.dma_semaphore, #tpu.memory_space<semaphore_mem>>) src(%dma_wait3A_565 : memref<65536x256xf32, #tpu.memory_space<hbm>>) dst(%dma_wait3A_562 : memref<112x256xf32, #tpu.memory_space<vmem>>)
      %dma_wait3A_566 = arith.constant 112 : i32
      %dma_wait3A_567 = arith.constant 0 : i32
      %dma_wait3A_568 = tpu.memref_slice %arg10[%dma_wait3A_566, %dma_wait3A_567] : memref<224x256xf32, #tpu.memory_space<vmem>> -> memref<112x256xf32, #tpu.memory_space<vmem>>
      %dma_wait3A_569 = arith.constant 0 : i32
      %dma_wait3A_570 = arith.constant 0 : i32
      %dma_wait3A_571 = tpu.memref_slice %arg2[%dma_wait3A_569, %dma_wait3A_570] : memref<65536x256xf32, #tpu.memory_space<hbm>> -> memref<65536x256xf32, #tpu.memory_space<hbm>>
      tpu.wait_indirect_dma semaphore(%arg13 : memref<!tpu.dma_semaphore, #tpu.memory_space<semaphore_mem>>) src(%dma_wait3A_571 : memref<65536x256xf32, #tpu.memory_space<hbm>>) dst(%dma_wait3A_568 : memref<112x256xf32, #tpu.memory_space<vmem>>)
      %dma_wait3A_572 = arith.constant 0 : i32
      %dma_wait3A_573 = arith.constant 0 : i32
      %dma_wait3A_574 = tpu.memref_slice %arg4[%mul3A_2, %dma_wait3A_572, %dma_wait3A_573] : memref<1000x49x256xf32, #tpu.memory_space<hbm>> -> memref<1x49x256xf32, #tpu.memory_space<hbm>>
      %dma_wait3A_575 = tpu.memref_squeeze %dma_wait3A_574 : memref<1x49x256xf32, #tpu.memory_space<hbm>> -> memref<49x256xf32, #tpu.memory_space<hbm>>
      %dma_wait3A_576 = arith.constant 0 : i32
      %dma_wait3A_577 = arith.constant 0 : i32
      %dma_wait3A_578 = tpu.memref_slice %arg4[%mul3A_2, %dma_wait3A_576, %dma_wait3A_577] : memref<1000x49x256xf32, #tpu.memory_space<hbm>> -> memref<1x49x256xf32, #tpu.memory_space<hbm>>
      %dma_wait3A_579 = tpu.memref_squeeze %dma_wait3A_578 : memref<1x49x256xf32, #tpu.memory_space<hbm>> -> memref<49x256xf32, #tpu.memory_space<hbm>>
      tpu.wait_dma2 semaphore(%arg15 : memref<!tpu.dma_semaphore, #tpu.memory_space<semaphore_mem>>) src(%arg12 : memref<49x256xf32, #tpu.memory_space<vmem>>) dst(%dma_wait3A_579 : memref<49x256xf32, #tpu.memory_space<hbm>>)
      %parallel_loop3A = arith.constant 0 : i32
      %parallel_loop3A_580 = arith.constant 49 : i32
      %parallel_loop3A_581 = arith.constant 1 : i32
      scf.for %parallel_loop3A_840 = %parallel_loop3A to %parallel_loop3A_580 step %parallel_loop3A_581  : i32 {
        %parallel_loop3A_841 = arith.constant 7 : i32
        %parallel_loop3A_842 = arith.divsi %parallel_loop3A_840, %parallel_loop3A_841 : i32
        %parallel_loop3A_843 = arith.constant 0 : i32
        %parallel_loop3A_844 = arith.cmpi sgt, %parallel_loop3A_840, %parallel_loop3A_843 : i32
        %parallel_loop3A_845 = arith.extui %parallel_loop3A_844 : i1 to i32
        %parallel_loop3A_846 = arith.constant 0 : i32
        %parallel_loop3A_847 = arith.cmpi slt, %parallel_loop3A_840, %parallel_loop3A_846 : i32
        %parallel_loop3A_848 = arith.extui %parallel_loop3A_847 : i1 to i32
        %parallel_loop3A_849 = arith.subi %parallel_loop3A_845, %parallel_loop3A_848 : i32
        %parallel_loop3A_850 = arith.constant 0 : i32
        %parallel_loop3A_851 = arith.cmpi sgt, %parallel_loop3A_841, %parallel_loop3A_850 : i32
        %parallel_loop3A_852 = arith.extui %parallel_loop3A_851 : i1 to i32
        %parallel_loop3A_853 = arith.constant 0 : i32
        %parallel_loop3A_854 = arith.cmpi slt, %parallel_loop3A_841, %parallel_loop3A_853 : i32
        %parallel_loop3A_855 = arith.extui %parallel_loop3A_854 : i1 to i32
        %parallel_loop3A_856 = arith.subi %parallel_loop3A_852, %parallel_loop3A_855 : i32
        %parallel_loop3A_857 = arith.cmpi ne, %parallel_loop3A_849, %parallel_loop3A_856 : i32
        %parallel_loop3A_858 = arith.remsi %parallel_loop3A_840, %parallel_loop3A_841 : i32
        %parallel_loop3A_859 = arith.constant 0 : i32
        %parallel_loop3A_860 = arith.cmpi ne, %parallel_loop3A_858, %parallel_loop3A_859 : i32
        %parallel_loop3A_861 = arith.andi %parallel_loop3A_857, %parallel_loop3A_860 : i1
        %parallel_loop3A_862 = arith.constant 1 : i32
        %parallel_loop3A_863 = arith.subi %parallel_loop3A_842, %parallel_loop3A_862 : i32
        %parallel_loop3A_864 = arith.select %parallel_loop3A_861, %parallel_loop3A_863, %parallel_loop3A_842 : i32
        %parallel_loop3A_865 = arith.constant 7 : i32
        %parallel_loop3A_866 = arith.muli %parallel_loop3A_864, %parallel_loop3A_865 : i32
        %parallel_loop3A_867 = arith.subi %parallel_loop3A_840, %parallel_loop3A_866 : i32
        %parallel_loop3A_868 = vector.broadcast %parallel_loop3A_864 : i32 to vector<16xi32>
        %parallel_loop3A_869 = vector.shape_cast %parallel_loop3A_868 : vector<16xi32> to vector<16x1xi32>
        %parallel_loop3A_870 = vector.shape_cast %parallel_loop3A_869 : vector<16x1xi32> to vector<16xi32>
        %parallel_loop3A_871 = tpu.dynamic_gather %while3A_309[%parallel_loop3A_870] in [0] : vector<16xf32>, vector<16xi32> -> vector<16xf32>
        %parallel_loop3A_872 = vector.broadcast %parallel_loop3A_867 : i32 to vector<16xi32>
        %parallel_loop3A_873 = vector.shape_cast %parallel_loop3A_872 : vector<16xi32> to vector<16x1xi32>
        %parallel_loop3A_874 = vector.shape_cast %parallel_loop3A_873 : vector<16x1xi32> to vector<16xi32>
        %parallel_loop3A_875 = tpu.dynamic_gather %while3A_310[%parallel_loop3A_874] in [0] : vector<16xf32>, vector<16xi32> -> vector<16xf32>
        %parallel_loop3A_876 = arith.mulf %parallel_loop3A_871, %parallel_loop3A_875 : vector<16xf32>
        %parallel_loop3A_877 = arith.subf %parallel_loop3A_875, %parallel_loop3A_876 : vector<16xf32>
        %parallel_loop3A_878 = arith.subf %parallel_loop3A_871, %parallel_loop3A_876 : vector<16xf32>
        %parallel_loop3A_879 = arith.constant 1.000000e+00 : f32
        %parallel_loop3A_880 = vector.broadcast %parallel_loop3A_879 : f32 to vector<16xf32>
        %parallel_loop3A_881 = arith.subf %parallel_loop3A_880, %parallel_loop3A_875 : vector<16xf32>
        %parallel_loop3A_882 = arith.subf %parallel_loop3A_881, %parallel_loop3A_878 : vector<16xf32>
        %parallel_loop3A_883 = arith.constant 32 : i32
        %parallel_loop3A_884 = arith.muli %parallel_loop3A_864, %parallel_loop3A_883 : i32
        %parallel_loop3A_885 = arith.constant 2 : i32
        %parallel_loop3A_886 = arith.muli %parallel_loop3A_867, %parallel_loop3A_885 : i32
        %parallel_loop3A_887 = arith.addi %parallel_loop3A_884, %parallel_loop3A_886 : i32
        %parallel_loop3A_888 = arith.index_cast %parallel_loop3A_887 : i32 to index
        %parallel_loop3A_889 = arith.constant 0 : index
        %parallel_loop3A_890 = tpu.vector_load %arg10[%parallel_loop3A_888, %parallel_loop3A_889] {strides = array<i32>} : memref<224x256xf32, #tpu.memory_space<vmem>>, vector<1x16xf32>,
        %parallel_loop3A_891 = vector.shape_cast %parallel_loop3A_890 : vector<1x16xf32> to vector<16xf32>
        %parallel_loop3A_892 = arith.constant 1 : i32
        %parallel_loop3A_893 = arith.addi %parallel_loop3A_887, %parallel_loop3A_892 : i32
        %parallel_loop3A_894 = arith.index_cast %parallel_loop3A_893 : i32 to index
        %parallel_loop3A_895 = arith.constant 0 : index
        %parallel_loop3A_896 = tpu.vector_load %arg10[%parallel_loop3A_894, %parallel_loop3A_895] {strides = array<i32>} : memref<224x256xf32, #tpu.memory_space<vmem>>, vector<1x16xf32>,
        %parallel_loop3A_897 = vector.shape_cast %parallel_loop3A_896 : vector<1x16xf32> to vector<16xf32>
        %parallel_loop3A_898 = arith.constant 16 : i32
        %parallel_loop3A_899 = arith.addi %parallel_loop3A_887, %parallel_loop3A_898 : i32
        %parallel_loop3A_900 = arith.index_cast %parallel_loop3A_899 : i32 to index
        %parallel_loop3A_901 = arith.constant 0 : index
        %parallel_loop3A_902 = tpu.vector_load %arg10[%parallel_loop3A_900, %parallel_loop3A_901] {strides = array<i32>} : memref<224x256xf32, #tpu.memory_space<vmem>>, vector<1x16xf32>,
        %parallel_loop3A_903 = vector.shape_cast %parallel_loop3A_902 : vector<1x16xf32> to vector<16xf32>
        %parallel_loop3A_904 = arith.constant 16 : i32
        %parallel_loop3A_905 = arith.addi %parallel_loop3A_887, %parallel_loop3A_904 : i32
        %parallel_loop3A_906 = arith.constant 1 : i32
        %parallel_loop3A_907 = arith.addi %parallel_loop3A_905, %parallel_loop3A_906 : i32
        %parallel_loop3A_908 = arith.index_cast %parallel_loop3A_907 : i32 to index
        %parallel_loop3A_909 = arith.constant 0 : index
        %parallel_loop3A_910 = tpu.vector_load %arg10[%parallel_loop3A_908, %parallel_loop3A_909] {strides = array<i32>} : memref<224x256xf32, #tpu.memory_space<vmem>>, vector<1x16xf32>,
        %parallel_loop3A_911 = vector.shape_cast %parallel_loop3A_910 : vector<1x16xf32> to vector<16xf32>
        %parallel_loop3A_912 = arith.mulf %parallel_loop3A_891, %parallel_loop3A_882 : vector<16xf32>
        %parallel_loop3A_913 = arith.mulf %parallel_loop3A_897, %parallel_loop3A_877 : vector<16xf32>
        %parallel_loop3A_914 = arith.addf %parallel_loop3A_912, %parallel_loop3A_913 : vector<16xf32>
        %parallel_loop3A_915 = arith.mulf %parallel_loop3A_903, %parallel_loop3A_878 : vector<16xf32>
        %parallel_loop3A_916 = arith.mulf %parallel_loop3A_911, %parallel_loop3A_876 : vector<16xf32>
        %parallel_loop3A_917 = arith.addf %parallel_loop3A_915, %parallel_loop3A_916 : vector<16xf32>
        %parallel_loop3A_918 = arith.addf %parallel_loop3A_914, %parallel_loop3A_917 : vector<16xf32>
        %parallel_loop3A_919 = arith.index_cast %parallel_loop3A_840 : i32 to index
        %parallel_loop3A_920 = arith.constant 0 : index
        %parallel_loop3A_921 = tpu.vector_load %arg12[%parallel_loop3A_919, %parallel_loop3A_920] {strides = array<i32>} : memref<49x256xf32, #tpu.memory_space<vmem>>, vector<1x16xf32>,
        %parallel_loop3A_922 = vector.shape_cast %parallel_loop3A_921 : vector<1x16xf32> to vector<16xf32>
        %parallel_loop3A_923 = vector.shape_cast %parallel_loop3A_918 : vector<16xf32> to vector<1x16xf32>
        tpu.vector_store %arg12[%parallel_loop3A_919, %parallel_loop3A_920], %parallel_loop3A_923 {strides = array<i32>} : memref<49x256xf32, #tpu.memory_space<vmem>>, vector<1x16xf32>,
        %parallel_loop3A_924 = arith.index_cast %parallel_loop3A_887 : i32 to index
        %parallel_loop3A_925 = arith.constant 16 : index
        %parallel_loop3A_926 = tpu.vector_load %arg10[%parallel_loop3A_924, %parallel_loop3A_925] {strides = array<i32>} : memref<224x256xf32, #tpu.memory_space<vmem>>, vector<1x16xf32>,
        %parallel_loop3A_927 = vector.shape_cast %parallel_loop3A_926 : vector<1x16xf32> to vector<16xf32>
        %parallel_loop3A_928 = arith.constant 1 : i32
        %parallel_loop3A_929 = arith.addi %parallel_loop3A_887, %parallel_loop3A_928 : i32
        %parallel_loop3A_930 = arith.index_cast %parallel_loop3A_929 : i32 to index
        %parallel_loop3A_931 = arith.constant 16 : index
        %parallel_loop3A_932 = tpu.vector_load %arg10[%parallel_loop3A_930, %parallel_loop3A_931] {strides = array<i32>} : memref<224x256xf32, #tpu.memory_space<vmem>>, vector<1x16xf32>,
        %parallel_loop3A_933 = vector.shape_cast %parallel_loop3A_932 : vector<1x16xf32> to vector<16xf32>
        %parallel_loop3A_934 = arith.constant 16 : i32
        %parallel_loop3A_935 = arith.addi %parallel_loop3A_887, %parallel_loop3A_934 : i32
        %parallel_loop3A_936 = arith.index_cast %parallel_loop3A_935 : i32 to index
        %parallel_loop3A_937 = arith.constant 16 : index
        %parallel_loop3A_938 = tpu.vector_load %arg10[%parallel_loop3A_936, %parallel_loop3A_937] {strides = array<i32>} : memref<224x256xf32, #tpu.memory_space<vmem>>, vector<1x16xf32>,
        %parallel_loop3A_939 = vector.shape_cast %parallel_loop3A_938 : vector<1x16xf32> to vector<16xf32>
        %parallel_loop3A_940 = arith.constant 16 : i32
        %parallel_loop3A_941 = arith.addi %parallel_loop3A_887, %parallel_loop3A_940 : i32
        %parallel_loop3A_942 = arith.constant 1 : i32
        %parallel_loop3A_943 = arith.addi %parallel_loop3A_941, %parallel_loop3A_942 : i32
        %parallel_loop3A_944 = arith.index_cast %parallel_loop3A_943 : i32 to index
        %parallel_loop3A_945 = arith.constant 16 : index
        %parallel_loop3A_946 = tpu.vector_load %arg10[%parallel_loop3A_944, %parallel_loop3A_945] {strides = array<i32>} : memref<224x256xf32, #tpu.memory_space<vmem>>, vector<1x16xf32>,
        %parallel_loop3A_947 = vector.shape_cast %parallel_loop3A_946 : vector<1x16xf32> to vector<16xf32>
        %parallel_loop3A_948 = arith.mulf %parallel_loop3A_927, %parallel_loop3A_882 : vector<16xf32>
        %parallel_loop3A_949 = arith.mulf %parallel_loop3A_933, %parallel_loop3A_877 : vector<16xf32>
        %parallel_loop3A_950 = arith.addf %parallel_loop3A_948, %parallel_loop3A_949 : vector<16xf32>
        %parallel_loop3A_951 = arith.mulf %parallel_loop3A_939, %parallel_loop3A_878 : vector<16xf32>
        %parallel_loop3A_952 = arith.mulf %parallel_loop3A_947, %parallel_loop3A_876 : vector<16xf32>
        %parallel_loop3A_953 = arith.addf %parallel_loop3A_951, %parallel_loop3A_952 : vector<16xf32>
        %parallel_loop3A_954 = arith.addf %parallel_loop3A_950, %parallel_loop3A_953 : vector<16xf32>
        %parallel_loop3A_955 = arith.index_cast %parallel_loop3A_840 : i32 to index
        %parallel_loop3A_956 = arith.constant 16 : index
        %parallel_loop3A_957 = tpu.vector_load %arg12[%parallel_loop3A_955, %parallel_loop3A_956] {strides = array<i32>} : memref<49x256xf32, #tpu.memory_space<vmem>>, vector<1x16xf32>,
        %parallel_loop3A_958 = vector.shape_cast %parallel_loop3A_957 : vector<1x16xf32> to vector<16xf32>
        %parallel_loop3A_959 = vector.shape_cast %parallel_loop3A_954 : vector<16xf32> to vector<1x16xf32>
        tpu.vector_store %arg12[%parallel_loop3A_955, %parallel_loop3A_956], %parallel_loop3A_959 {strides = array<i32>} : memref<49x256xf32, #tpu.memory_space<vmem>>, vector<1x16xf32>,
        %parallel_loop3A_960 = arith.index_cast %parallel_loop3A_887 : i32 to index
        %parallel_loop3A_961 = arith.constant 32 : index
        %parallel_loop3A_962 = tpu.vector_load %arg10[%parallel_loop3A_960, %parallel_loop3A_961] {strides = array<i32>} : memref<224x256xf32, #tpu.memory_space<vmem>>, vector<1x16xf32>,
        %parallel_loop3A_963 = vector.shape_cast %parallel_loop3A_962 : vector<1x16xf32> to vector<16xf32>
        %parallel_loop3A_964 = arith.constant 1 : i32
        %parallel_loop3A_965 = arith.addi %parallel_loop3A_887, %parallel_loop3A_964 : i32
        %parallel_loop3A_966 = arith.index_cast %parallel_loop3A_965 : i32 to index
        %parallel_loop3A_967 = arith.constant 32 : index
        %parallel_loop3A_968 = tpu.vector_load %arg10[%parallel_loop3A_966, %parallel_loop3A_967] {strides = array<i32>} : memref<224x256xf32, #tpu.memory_space<vmem>>, vector<1x16xf32>,
        %parallel_loop3A_969 = vector.shape_cast %parallel_loop3A_968 : vector<1x16xf32> to vector<16xf32>
        %parallel_loop3A_970 = arith.constant 16 : i32
        %parallel_loop3A_971 = arith.addi %parallel_loop3A_887, %parallel_loop3A_970 : i32
        %parallel_loop3A_972 = arith.index_cast %parallel_loop3A_971 : i32 to index
        %parallel_loop3A_973 = arith.constant 32 : index
        %parallel_loop3A_974 = tpu.vector_load %arg10[%parallel_loop3A_972, %parallel_loop3A_973] {strides = array<i32>} : memref<224x256xf32, #tpu.memory_space<vmem>>, vector<1x16xf32>,
        %parallel_loop3A_975 = vector.shape_cast %parallel_loop3A_974 : vector<1x16xf32> to vector<16xf32>
        %parallel_loop3A_976 = arith.constant 16 : i32
        %parallel_loop3A_977 = arith.addi %parallel_loop3A_887, %parallel_loop3A_976 : i32
        %parallel_loop3A_978 = arith.constant 1 : i32
        %parallel_loop3A_979 = arith.addi %parallel_loop3A_977, %parallel_loop3A_978 : i32
        %parallel_loop3A_980 = arith.index_cast %parallel_loop3A_979 : i32 to index
        %parallel_loop3A_981 = arith.constant 32 : index
        %parallel_loop3A_982 = tpu.vector_load %arg10[%parallel_loop3A_980, %parallel_loop3A_981] {strides = array<i32>} : memref<224x256xf32, #tpu.memory_space<vmem>>, vector<1x16xf32>,
        %parallel_loop3A_983 = vector.shape_cast %parallel_loop3A_982 : vector<1x16xf32> to vector<16xf32>
        %parallel_loop3A_984 = arith.mulf %parallel_loop3A_963, %parallel_loop3A_882 : vector<16xf32>
        %parallel_loop3A_985 = arith.mulf %parallel_loop3A_969, %parallel_loop3A_877 : vector<16xf32>
        %parallel_loop3A_986 = arith.addf %parallel_loop3A_984, %parallel_loop3A_985 : vector<16xf32>
        %parallel_loop3A_987 = arith.mulf %parallel_loop3A_975, %parallel_loop3A_878 : vector<16xf32>
        %parallel_loop3A_988 = arith.mulf %parallel_loop3A_983, %parallel_loop3A_876 : vector<16xf32>
        %parallel_loop3A_989 = arith.addf %parallel_loop3A_987, %parallel_loop3A_988 : vector<16xf32>
        %parallel_loop3A_990 = arith.addf %parallel_loop3A_986, %parallel_loop3A_989 : vector<16xf32>
        %parallel_loop3A_991 = arith.index_cast %parallel_loop3A_840 : i32 to index
        %parallel_loop3A_992 = arith.constant 32 : index
        %parallel_loop3A_993 = tpu.vector_load %arg12[%parallel_loop3A_991, %parallel_loop3A_992] {strides = array<i32>} : memref<49x256xf32, #tpu.memory_space<vmem>>, vector<1x16xf32>,
        %parallel_loop3A_994 = vector.shape_cast %parallel_loop3A_993 : vector<1x16xf32> to vector<16xf32>
        %parallel_loop3A_995 = vector.shape_cast %parallel_loop3A_990 : vector<16xf32> to vector<1x16xf32>
        tpu.vector_store %arg12[%parallel_loop3A_991, %parallel_loop3A_992], %parallel_loop3A_995 {strides = array<i32>} : memref<49x256xf32, #tpu.memory_space<vmem>>, vector<1x16xf32>,
        %parallel_loop3A_996 = arith.index_cast %parallel_loop3A_887 : i32 to index
        %parallel_loop3A_997 = arith.constant 48 : index
        %parallel_loop3A_998 = tpu.vector_load %arg10[%parallel_loop3A_996, %parallel_loop3A_997] {strides = array<i32>} : memref<224x256xf32, #tpu.memory_space<vmem>>, vector<1x16xf32>,
        %parallel_loop3A_999 = vector.shape_cast %parallel_loop3A_998 : vector<1x16xf32> to vector<16xf32>
        %parallel_loop3A_1000 = arith.constant 1 : i32
        %parallel_loop3A_1001 = arith.addi %parallel_loop3A_887, %parallel_loop3A_1000 : i32
        %parallel_loop3A_1002 = arith.index_cast %parallel_loop3A_1001 : i32 to index
        %parallel_loop3A_1003 = arith.constant 48 : index
        %parallel_loop3A_1004 = tpu.vector_load %arg10[%parallel_loop3A_1002, %parallel_loop3A_1003] {strides = array<i32>} : memref<224x256xf32, #tpu.memory_space<vmem>>, vector<1x16xf32>,
        %parallel_loop3A_1005 = vector.shape_cast %parallel_loop3A_1004 : vector<1x16xf32> to vector<16xf32>
        %parallel_loop3A_1006 = arith.constant 16 : i32
        %parallel_loop3A_1007 = arith.addi %parallel_loop3A_887, %parallel_loop3A_1006 : i32
        %parallel_loop3A_1008 = arith.index_cast %parallel_loop3A_1007 : i32 to index
        %parallel_loop3A_1009 = arith.constant 48 : index
        %parallel_loop3A_1010 = tpu.vector_load %arg10[%parallel_loop3A_1008, %parallel_loop3A_1009] {strides = array<i32>} : memref<224x256xf32, #tpu.memory_space<vmem>>, vector<1x16xf32>,
        %parallel_loop3A_1011 = vector.shape_cast %parallel_loop3A_1010 : vector<1x16xf32> to vector<16xf32>
        %parallel_loop3A_1012 = arith.constant 16 : i32
        %parallel_loop3A_1013 = arith.addi %parallel_loop3A_887, %parallel_loop3A_1012 : i32
        %parallel_loop3A_1014 = arith.constant 1 : i32
        %parallel_loop3A_1015 = arith.addi %parallel_loop3A_1013, %parallel_loop3A_1014 : i32
        %parallel_loop3A_1016 = arith.index_cast %parallel_loop3A_1015 : i32 to index
        %parallel_loop3A_1017 = arith.constant 48 : index
        %parallel_loop3A_1018 = tpu.vector_load %arg10[%parallel_loop3A_1016, %parallel_loop3A_1017] {strides = array<i32>} : memref<224x256xf32, #tpu.memory_space<vmem>>, vector<1x16xf32>,
        %parallel_loop3A_1019 = vector.shape_cast %parallel_loop3A_1018 : vector<1x16xf32> to vector<16xf32>
        %parallel_loop3A_1020 = arith.mulf %parallel_loop3A_999, %parallel_loop3A_882 : vector<16xf32>
        %parallel_loop3A_1021 = arith.mulf %parallel_loop3A_1005, %parallel_loop3A_877 : vector<16xf32>
        %parallel_loop3A_1022 = arith.addf %parallel_loop3A_1020, %parallel_loop3A_1021 : vector<16xf32>
        %parallel_loop3A_1023 = arith.mulf %parallel_loop3A_1011, %parallel_loop3A_878 : vector<16xf32>
        %parallel_loop3A_1024 = arith.mulf %parallel_loop3A_1019, %parallel_loop3A_876 : vector<16xf32>
        %parallel_loop3A_1025 = arith.addf %parallel_loop3A_1023, %parallel_loop3A_1024 : vector<16xf32>
        %parallel_loop3A_1026 = arith.addf %parallel_loop3A_1022, %parallel_loop3A_1025 : vector<16xf32>
        %parallel_loop3A_1027 = arith.index_cast %parallel_loop3A_840 : i32 to index
        %parallel_loop3A_1028 = arith.constant 48 : index
        %parallel_loop3A_1029 = tpu.vector_load %arg12[%parallel_loop3A_1027, %parallel_loop3A_1028] {strides = array<i32>} : memref<49x256xf32, #tpu.memory_space<vmem>>, vector<1x16xf32>,
        %parallel_loop3A_1030 = vector.shape_cast %parallel_loop3A_1029 : vector<1x16xf32> to vector<16xf32>
        %parallel_loop3A_1031 = vector.shape_cast %parallel_loop3A_1026 : vector<16xf32> to vector<1x16xf32>
        tpu.vector_store %arg12[%parallel_loop3A_1027, %parallel_loop3A_1028], %parallel_loop3A_1031 {strides = array<i32>} : memref<49x256xf32, #tpu.memory_space<vmem>>, vector<1x16xf32>,
        %parallel_loop3A_1032 = arith.index_cast %parallel_loop3A_887 : i32 to index
        %parallel_loop3A_1033 = arith.constant 64 : index
        %parallel_loop3A_1034 = tpu.vector_load %arg10[%parallel_loop3A_1032, %parallel_loop3A_1033] {strides = array<i32>} : memref<224x256xf32, #tpu.memory_space<vmem>>, vector<1x16xf32>,
        %parallel_loop3A_1035 = vector.shape_cast %parallel_loop3A_1034 : vector<1x16xf32> to vector<16xf32>
        %parallel_loop3A_1036 = arith.constant 1 : i32
        %parallel_loop3A_1037 = arith.addi %parallel_loop3A_887, %parallel_loop3A_1036 : i32
        %parallel_loop3A_1038 = arith.index_cast %parallel_loop3A_1037 : i32 to index
        %parallel_loop3A_1039 = arith.constant 64 : index
        %parallel_loop3A_1040 = tpu.vector_load %arg10[%parallel_loop3A_1038, %parallel_loop3A_1039] {strides = array<i32>} : memref<224x256xf32, #tpu.memory_space<vmem>>, vector<1x16xf32>,
        %parallel_loop3A_1041 = vector.shape_cast %parallel_loop3A_1040 : vector<1x16xf32> to vector<16xf32>
        %parallel_loop3A_1042 = arith.constant 16 : i32
        %parallel_loop3A_1043 = arith.addi %parallel_loop3A_887, %parallel_loop3A_1042 : i32
        %parallel_loop3A_1044 = arith.index_cast %parallel_loop3A_1043 : i32 to index
        %parallel_loop3A_1045 = arith.constant 64 : index
        %parallel_loop3A_1046 = tpu.vector_load %arg10[%parallel_loop3A_1044, %parallel_loop3A_1045] {strides = array<i32>} : memref<224x256xf32, #tpu.memory_space<vmem>>, vector<1x16xf32>,
        %parallel_loop3A_1047 = vector.shape_cast %parallel_loop3A_1046 : vector<1x16xf32> to vector<16xf32>
        %parallel_loop3A_1048 = arith.constant 16 : i32
        %parallel_loop3A_1049 = arith.addi %parallel_loop3A_887, %parallel_loop3A_1048 : i32
        %parallel_loop3A_1050 = arith.constant 1 : i32
        %parallel_loop3A_1051 = arith.addi %parallel_loop3A_1049, %parallel_loop3A_1050 : i32
        %parallel_loop3A_1052 = arith.index_cast %parallel_loop3A_1051 : i32 to index
        %parallel_loop3A_1053 = arith.constant 64 : index
        %parallel_loop3A_1054 = tpu.vector_load %arg10[%parallel_loop3A_1052, %parallel_loop3A_1053] {strides = array<i32>} : memref<224x256xf32, #tpu.memory_space<vmem>>, vector<1x16xf32>,
        %parallel_loop3A_1055 = vector.shape_cast %parallel_loop3A_1054 : vector<1x16xf32> to vector<16xf32>
        %parallel_loop3A_1056 = arith.mulf %parallel_loop3A_1035, %parallel_loop3A_882 : vector<16xf32>
        %parallel_loop3A_1057 = arith.mulf %parallel_loop3A_1041, %parallel_loop3A_877 : vector<16xf32>
        %parallel_loop3A_1058 = arith.addf %parallel_loop3A_1056, %parallel_loop3A_1057 : vector<16xf32>
        %parallel_loop3A_1059 = arith.mulf %parallel_loop3A_1047, %parallel_loop3A_878 : vector<16xf32>
        %parallel_loop3A_1060 = arith.mulf %parallel_loop3A_1055, %parallel_loop3A_876 : vector<16xf32>
        %parallel_loop3A_1061 = arith.addf %parallel_loop3A_1059, %parallel_loop3A_1060 : vector<16xf32>
        %parallel_loop3A_1062 = arith.addf %parallel_loop3A_1058, %parallel_loop3A_1061 : vector<16xf32>
        %parallel_loop3A_1063 = arith.index_cast %parallel_loop3A_840 : i32 to index
        %parallel_loop3A_1064 = arith.constant 64 : index
        %parallel_loop3A_1065 = tpu.vector_load %arg12[%parallel_loop3A_1063, %parallel_loop3A_1064] {strides = array<i32>} : memref<49x256xf32, #tpu.memory_space<vmem>>, vector<1x16xf32>,
        %parallel_loop3A_1066 = vector.shape_cast %parallel_loop3A_1065 : vector<1x16xf32> to vector<16xf32>
        %parallel_loop3A_1067 = vector.shape_cast %parallel_loop3A_1062 : vector<16xf32> to vector<1x16xf32>
        tpu.vector_store %arg12[%parallel_loop3A_1063, %parallel_loop3A_1064], %parallel_loop3A_1067 {strides = array<i32>} : memref<49x256xf32, #tpu.memory_space<vmem>>, vector<1x16xf32>,
        %parallel_loop3A_1068 = arith.index_cast %parallel_loop3A_887 : i32 to index
        %parallel_loop3A_1069 = arith.constant 80 : index
        %parallel_loop3A_1070 = tpu.vector_load %arg10[%parallel_loop3A_1068, %parallel_loop3A_1069] {strides = array<i32>} : memref<224x256xf32, #tpu.memory_space<vmem>>, vector<1x16xf32>,
        %parallel_loop3A_1071 = vector.shape_cast %parallel_loop3A_1070 : vector<1x16xf32> to vector<16xf32>
        %parallel_loop3A_1072 = arith.constant 1 : i32
        %parallel_loop3A_1073 = arith.addi %parallel_loop3A_887, %parallel_loop3A_1072 : i32
        %parallel_loop3A_1074 = arith.index_cast %parallel_loop3A_1073 : i32 to index
        %parallel_loop3A_1075 = arith.constant 80 : index
        %parallel_loop3A_1076 = tpu.vector_load %arg10[%parallel_loop3A_1074, %parallel_loop3A_1075] {strides = array<i32>} : memref<224x256xf32, #tpu.memory_space<vmem>>, vector<1x16xf32>,
        %parallel_loop3A_1077 = vector.shape_cast %parallel_loop3A_1076 : vector<1x16xf32> to vector<16xf32>
        %parallel_loop3A_1078 = arith.constant 16 : i32
        %parallel_loop3A_1079 = arith.addi %parallel_loop3A_887, %parallel_loop3A_1078 : i32
        %parallel_loop3A_1080 = arith.index_cast %parallel_loop3A_1079 : i32 to index
        %parallel_loop3A_1081 = arith.constant 80 : index
        %parallel_loop3A_1082 = tpu.vector_load %arg10[%parallel_loop3A_1080, %parallel_loop3A_1081] {strides = array<i32>} : memref<224x256xf32, #tpu.memory_space<vmem>>, vector<1x16xf32>,
        %parallel_loop3A_1083 = vector.shape_cast %parallel_loop3A_1082 : vector<1x16xf32> to vector<16xf32>
        %parallel_loop3A_1084 = arith.constant 16 : i32
        %parallel_loop3A_1085 = arith.addi %parallel_loop3A_887, %parallel_loop3A_1084 : i32
        %parallel_loop3A_1086 = arith.constant 1 : i32
        %parallel_loop3A_1087 = arith.addi %parallel_loop3A_1085, %parallel_loop3A_1086 : i32
        %parallel_loop3A_1088 = arith.index_cast %parallel_loop3A_1087 : i32 to index
        %parallel_loop3A_1089 = arith.constant 80 : index
        %parallel_loop3A_1090 = tpu.vector_load %arg10[%parallel_loop3A_1088, %parallel_loop3A_1089] {strides = array<i32>} : memref<224x256xf32, #tpu.memory_space<vmem>>, vector<1x16xf32>,
        %parallel_loop3A_1091 = vector.shape_cast %parallel_loop3A_1090 : vector<1x16xf32> to vector<16xf32>
        %parallel_loop3A_1092 = arith.mulf %parallel_loop3A_1071, %parallel_loop3A_882 : vector<16xf32>
        %parallel_loop3A_1093 = arith.mulf %parallel_loop3A_1077, %parallel_loop3A_877 : vector<16xf32>
        %parallel_loop3A_1094 = arith.addf %parallel_loop3A_1092, %parallel_loop3A_1093 : vector<16xf32>
        %parallel_loop3A_1095 = arith.mulf %parallel_loop3A_1083, %parallel_loop3A_878 : vector<16xf32>
        %parallel_loop3A_1096 = arith.mulf %parallel_loop3A_1091, %parallel_loop3A_876 : vector<16xf32>
        %parallel_loop3A_1097 = arith.addf %parallel_loop3A_1095, %parallel_loop3A_1096 : vector<16xf32>
        %parallel_loop3A_1098 = arith.addf %parallel_loop3A_1094, %parallel_loop3A_1097 : vector<16xf32>
        %parallel_loop3A_1099 = arith.index_cast %parallel_loop3A_840 : i32 to index
        %parallel_loop3A_1100 = arith.constant 80 : index
        %parallel_loop3A_1101 = tpu.vector_load %arg12[%parallel_loop3A_1099, %parallel_loop3A_1100] {strides = array<i32>} : memref<49x256xf32, #tpu.memory_space<vmem>>, vector<1x16xf32>,
        %parallel_loop3A_1102 = vector.shape_cast %parallel_loop3A_1101 : vector<1x16xf32> to vector<16xf32>
        %parallel_loop3A_1103 = vector.shape_cast %parallel_loop3A_1098 : vector<16xf32> to vector<1x16xf32>
        tpu.vector_store %arg12[%parallel_loop3A_1099, %parallel_loop3A_1100], %parallel_loop3A_1103 {strides = array<i32>} : memref<49x256xf32, #tpu.memory_space<vmem>>, vector<1x16xf32>,
        %parallel_loop3A_1104 = arith.index_cast %parallel_loop3A_887 : i32 to index
        %parallel_loop3A_1105 = arith.constant 96 : index
        %parallel_loop3A_1106 = tpu.vector_load %arg10[%parallel_loop3A_1104, %parallel_loop3A_1105] {strides = array<i32>} : memref<224x256xf32, #tpu.memory_space<vmem>>, vector<1x16xf32>,
        %parallel_loop3A_1107 = vector.shape_cast %parallel_loop3A_1106 : vector<1x16xf32> to vector<16xf32>
        %parallel_loop3A_1108 = arith.constant 1 : i32
        %parallel_loop3A_1109 = arith.addi %parallel_loop3A_887, %parallel_loop3A_1108 : i32
        %parallel_loop3A_1110 = arith.index_cast %parallel_loop3A_1109 : i32 to index
        %parallel_loop3A_1111 = arith.constant 96 : index
        %parallel_loop3A_1112 = tpu.vector_load %arg10[%parallel_loop3A_1110, %parallel_loop3A_1111] {strides = array<i32>} : memref<224x256xf32, #tpu.memory_space<vmem>>, vector<1x16xf32>,
        %parallel_loop3A_1113 = vector.shape_cast %parallel_loop3A_1112 : vector<1x16xf32> to vector<16xf32>
        %parallel_loop3A_1114 = arith.constant 16 : i32
        %parallel_loop3A_1115 = arith.addi %parallel_loop3A_887, %parallel_loop3A_1114 : i32
        %parallel_loop3A_1116 = arith.index_cast %parallel_loop3A_1115 : i32 to index
        %parallel_loop3A_1117 = arith.constant 96 : index
        %parallel_loop3A_1118 = tpu.vector_load %arg10[%parallel_loop3A_1116, %parallel_loop3A_1117] {strides = array<i32>} : memref<224x256xf32, #tpu.memory_space<vmem>>, vector<1x16xf32>,
        %parallel_loop3A_1119 = vector.shape_cast %parallel_loop3A_1118 : vector<1x16xf32> to vector<16xf32>
        %parallel_loop3A_1120 = arith.constant 16 : i32
        %parallel_loop3A_1121 = arith.addi %parallel_loop3A_887, %parallel_loop3A_1120 : i32
        %parallel_loop3A_1122 = arith.constant 1 : i32
        %parallel_loop3A_1123 = arith.addi %parallel_loop3A_1121, %parallel_loop3A_1122 : i32
        %parallel_loop3A_1124 = arith.index_cast %parallel_loop3A_1123 : i32 to index
        %parallel_loop3A_1125 = arith.constant 96 : index
        %parallel_loop3A_1126 = tpu.vector_load %arg10[%parallel_loop3A_1124, %parallel_loop3A_1125] {strides = array<i32>} : memref<224x256xf32, #tpu.memory_space<vmem>>, vector<1x16xf32>,
        %parallel_loop3A_1127 = vector.shape_cast %parallel_loop3A_1126 : vector<1x16xf32> to vector<16xf32>
        %parallel_loop3A_1128 = arith.mulf %parallel_loop3A_1107, %parallel_loop3A_882 : vector<16xf32>
        %parallel_loop3A_1129 = arith.mulf %parallel_loop3A_1113, %parallel_loop3A_877 : vector<16xf32>
        %parallel_loop3A_1130 = arith.addf %parallel_loop3A_1128, %parallel_loop3A_1129 : vector<16xf32>
        %parallel_loop3A_1131 = arith.mulf %parallel_loop3A_1119, %parallel_loop3A_878 : vector<16xf32>
        %parallel_loop3A_1132 = arith.mulf %parallel_loop3A_1127, %parallel_loop3A_876 : vector<16xf32>
        %parallel_loop3A_1133 = arith.addf %parallel_loop3A_1131, %parallel_loop3A_1132 : vector<16xf32>
        %parallel_loop3A_1134 = arith.addf %parallel_loop3A_1130, %parallel_loop3A_1133 : vector<16xf32>
        %parallel_loop3A_1135 = arith.index_cast %parallel_loop3A_840 : i32 to index
        %parallel_loop3A_1136 = arith.constant 96 : index
        %parallel_loop3A_1137 = tpu.vector_load %arg12[%parallel_loop3A_1135, %parallel_loop3A_1136] {strides = array<i32>} : memref<49x256xf32, #tpu.memory_space<vmem>>, vector<1x16xf32>,
        %parallel_loop3A_1138 = vector.shape_cast %parallel_loop3A_1137 : vector<1x16xf32> to vector<16xf32>
        %parallel_loop3A_1139 = vector.shape_cast %parallel_loop3A_1134 : vector<16xf32> to vector<1x16xf32>
        tpu.vector_store %arg12[%parallel_loop3A_1135, %parallel_loop3A_1136], %parallel_loop3A_1139 {strides = array<i32>} : memref<49x256xf32, #tpu.memory_space<vmem>>, vector<1x16xf32>,
        %parallel_loop3A_1140 = arith.index_cast %parallel_loop3A_887 : i32 to index
        %parallel_loop3A_1141 = arith.constant 112 : index
        %parallel_loop3A_1142 = tpu.vector_load %arg10[%parallel_loop3A_1140, %parallel_loop3A_1141] {strides = array<i32>} : memref<224x256xf32, #tpu.memory_space<vmem>>, vector<1x16xf32>,
        %parallel_loop3A_1143 = vector.shape_cast %parallel_loop3A_1142 : vector<1x16xf32> to vector<16xf32>
        %parallel_loop3A_1144 = arith.constant 1 : i32
        %parallel_loop3A_1145 = arith.addi %parallel_loop3A_887, %parallel_loop3A_1144 : i32
        %parallel_loop3A_1146 = arith.index_cast %parallel_loop3A_1145 : i32 to index
        %parallel_loop3A_1147 = arith.constant 112 : index
        %parallel_loop3A_1148 = tpu.vector_load %arg10[%parallel_loop3A_1146, %parallel_loop3A_1147] {strides = array<i32>} : memref<224x256xf32, #tpu.memory_space<vmem>>, vector<1x16xf32>,
        %parallel_loop3A_1149 = vector.shape_cast %parallel_loop3A_1148 : vector<1x16xf32> to vector<16xf32>
        %parallel_loop3A_1150 = arith.constant 16 : i32
        %parallel_loop3A_1151 = arith.addi %parallel_loop3A_887, %parallel_loop3A_1150 : i32
        %parallel_loop3A_1152 = arith.index_cast %parallel_loop3A_1151 : i32 to index
        %parallel_loop3A_1153 = arith.constant 112 : index
        %parallel_loop3A_1154 = tpu.vector_load %arg10[%parallel_loop3A_1152, %parallel_loop3A_1153] {strides = array<i32>} : memref<224x256xf32, #tpu.memory_space<vmem>>, vector<1x16xf32>,
        %parallel_loop3A_1155 = vector.shape_cast %parallel_loop3A_1154 : vector<1x16xf32> to vector<16xf32>
        %parallel_loop3A_1156 = arith.constant 16 : i32
        %parallel_loop3A_1157 = arith.addi %parallel_loop3A_887, %parallel_loop3A_1156 : i32
        %parallel_loop3A_1158 = arith.constant 1 : i32
        %parallel_loop3A_1159 = arith.addi %parallel_loop3A_1157, %parallel_loop3A_1158 : i32
        %parallel_loop3A_1160 = arith.index_cast %parallel_loop3A_1159 : i32 to index
        %parallel_loop3A_1161 = arith.constant 112 : index
        %parallel_loop3A_1162 = tpu.vector_load %arg10[%parallel_loop3A_1160, %parallel_loop3A_1161] {strides = array<i32>} : memref<224x256xf32, #tpu.memory_space<vmem>>, vector<1x16xf32>,
        %parallel_loop3A_1163 = vector.shape_cast %parallel_loop3A_1162 : vector<1x16xf32> to vector<16xf32>
        %parallel_loop3A_1164 = arith.mulf %parallel_loop3A_1143, %parallel_loop3A_882 : vector<16xf32>
        %parallel_loop3A_1165 = arith.mulf %parallel_loop3A_1149, %parallel_loop3A_877 : vector<16xf32>
        %parallel_loop3A_1166 = arith.addf %parallel_loop3A_1164, %parallel_loop3A_1165 : vector<16xf32>
        %parallel_loop3A_1167 = arith.mulf %parallel_loop3A_1155, %parallel_loop3A_878 : vector<16xf32>
        %parallel_loop3A_1168 = arith.mulf %parallel_loop3A_1163, %parallel_loop3A_876 : vector<16xf32>
        %parallel_loop3A_1169 = arith.addf %parallel_loop3A_1167, %parallel_loop3A_1168 : vector<16xf32>
        %parallel_loop3A_1170 = arith.addf %parallel_loop3A_1166, %parallel_loop3A_1169 : vector<16xf32>
        %parallel_loop3A_1171 = arith.index_cast %parallel_loop3A_840 : i32 to index
        %parallel_loop3A_1172 = arith.constant 112 : index
        %parallel_loop3A_1173 = tpu.vector_load %arg12[%parallel_loop3A_1171, %parallel_loop3A_1172] {strides = array<i32>} : memref<49x256xf32, #tpu.memory_space<vmem>>, vector<1x16xf32>,
        %parallel_loop3A_1174 = vector.shape_cast %parallel_loop3A_1173 : vector<1x16xf32> to vector<16xf32>
        %parallel_loop3A_1175 = vector.shape_cast %parallel_loop3A_1170 : vector<16xf32> to vector<1x16xf32>
        tpu.vector_store %arg12[%parallel_loop3A_1171, %parallel_loop3A_1172], %parallel_loop3A_1175 {strides = array<i32>} : memref<49x256xf32, #tpu.memory_space<vmem>>, vector<1x16xf32>,
        %parallel_loop3A_1176 = arith.index_cast %parallel_loop3A_887 : i32 to index
        %parallel_loop3A_1177 = arith.constant 128 : index
        %parallel_loop3A_1178 = tpu.vector_load %arg10[%parallel_loop3A_1176, %parallel_loop3A_1177] {strides = array<i32>} : memref<224x256xf32, #tpu.memory_space<vmem>>, vector<1x16xf32>,
        %parallel_loop3A_1179 = vector.shape_cast %parallel_loop3A_1178 : vector<1x16xf32> to vector<16xf32>
        %parallel_loop3A_1180 = arith.constant 1 : i32
        %parallel_loop3A_1181 = arith.addi %parallel_loop3A_887, %parallel_loop3A_1180 : i32
        %parallel_loop3A_1182 = arith.index_cast %parallel_loop3A_1181 : i32 to index
        %parallel_loop3A_1183 = arith.constant 128 : index
        %parallel_loop3A_1184 = tpu.vector_load %arg10[%parallel_loop3A_1182, %parallel_loop3A_1183] {strides = array<i32>} : memref<224x256xf32, #tpu.memory_space<vmem>>, vector<1x16xf32>,
        %parallel_loop3A_1185 = vector.shape_cast %parallel_loop3A_1184 : vector<1x16xf32> to vector<16xf32>
        %parallel_loop3A_1186 = arith.constant 16 : i32
        %parallel_loop3A_1187 = arith.addi %parallel_loop3A_887, %parallel_loop3A_1186 : i32
        %parallel_loop3A_1188 = arith.index_cast %parallel_loop3A_1187 : i32 to index
        %parallel_loop3A_1189 = arith.constant 128 : index
        %parallel_loop3A_1190 = tpu.vector_load %arg10[%parallel_loop3A_1188, %parallel_loop3A_1189] {strides = array<i32>} : memref<224x256xf32, #tpu.memory_space<vmem>>, vector<1x16xf32>,
        %parallel_loop3A_1191 = vector.shape_cast %parallel_loop3A_1190 : vector<1x16xf32> to vector<16xf32>
        %parallel_loop3A_1192 = arith.constant 16 : i32
        %parallel_loop3A_1193 = arith.addi %parallel_loop3A_887, %parallel_loop3A_1192 : i32
        %parallel_loop3A_1194 = arith.constant 1 : i32
        %parallel_loop3A_1195 = arith.addi %parallel_loop3A_1193, %parallel_loop3A_1194 : i32
        %parallel_loop3A_1196 = arith.index_cast %parallel_loop3A_1195 : i32 to index
        %parallel_loop3A_1197 = arith.constant 128 : index
        %parallel_loop3A_1198 = tpu.vector_load %arg10[%parallel_loop3A_1196, %parallel_loop3A_1197] {strides = array<i32>} : memref<224x256xf32, #tpu.memory_space<vmem>>, vector<1x16xf32>,
        %parallel_loop3A_1199 = vector.shape_cast %parallel_loop3A_1198 : vector<1x16xf32> to vector<16xf32>
        %parallel_loop3A_1200 = arith.mulf %parallel_loop3A_1179, %parallel_loop3A_882 : vector<16xf32>
        %parallel_loop3A_1201 = arith.mulf %parallel_loop3A_1185, %parallel_loop3A_877 : vector<16xf32>
        %parallel_loop3A_1202 = arith.addf %parallel_loop3A_1200, %parallel_loop3A_1201 : vector<16xf32>
        %parallel_loop3A_1203 = arith.mulf %parallel_loop3A_1191, %parallel_loop3A_878 : vector<16xf32>
        %parallel_loop3A_1204 = arith.mulf %parallel_loop3A_1199, %parallel_loop3A_876 : vector<16xf32>
        %parallel_loop3A_1205 = arith.addf %parallel_loop3A_1203, %parallel_loop3A_1204 : vector<16xf32>
        %parallel_loop3A_1206 = arith.addf %parallel_loop3A_1202, %parallel_loop3A_1205 : vector<16xf32>
        %parallel_loop3A_1207 = arith.index_cast %parallel_loop3A_840 : i32 to index
        %parallel_loop3A_1208 = arith.constant 128 : index
        %parallel_loop3A_1209 = tpu.vector_load %arg12[%parallel_loop3A_1207, %parallel_loop3A_1208] {strides = array<i32>} : memref<49x256xf32, #tpu.memory_space<vmem>>, vector<1x16xf32>,
        %parallel_loop3A_1210 = vector.shape_cast %parallel_loop3A_1209 : vector<1x16xf32> to vector<16xf32>
        %parallel_loop3A_1211 = vector.shape_cast %parallel_loop3A_1206 : vector<16xf32> to vector<1x16xf32>
        tpu.vector_store %arg12[%parallel_loop3A_1207, %parallel_loop3A_1208], %parallel_loop3A_1211 {strides = array<i32>} : memref<49x256xf32, #tpu.memory_space<vmem>>, vector<1x16xf32>,
        %parallel_loop3A_1212 = arith.index_cast %parallel_loop3A_887 : i32 to index
        %parallel_loop3A_1213 = arith.constant 144 : index
        %parallel_loop3A_1214 = tpu.vector_load %arg10[%parallel_loop3A_1212, %parallel_loop3A_1213] {strides = array<i32>} : memref<224x256xf32, #tpu.memory_space<vmem>>, vector<1x16xf32>,
        %parallel_loop3A_1215 = vector.shape_cast %parallel_loop3A_1214 : vector<1x16xf32> to vector<16xf32>
        %parallel_loop3A_1216 = arith.constant 1 : i32
        %parallel_loop3A_1217 = arith.addi %parallel_loop3A_887, %parallel_loop3A_1216 : i32
        %parallel_loop3A_1218 = arith.index_cast %parallel_loop3A_1217 : i32 to index
        %parallel_loop3A_1219 = arith.constant 144 : index
        %parallel_loop3A_1220 = tpu.vector_load %arg10[%parallel_loop3A_1218, %parallel_loop3A_1219] {strides = array<i32>} : memref<224x256xf32, #tpu.memory_space<vmem>>, vector<1x16xf32>,
        %parallel_loop3A_1221 = vector.shape_cast %parallel_loop3A_1220 : vector<1x16xf32> to vector<16xf32>
        %parallel_loop3A_1222 = arith.constant 16 : i32
        %parallel_loop3A_1223 = arith.addi %parallel_loop3A_887, %parallel_loop3A_1222 : i32
        %parallel_loop3A_1224 = arith.index_cast %parallel_loop3A_1223 : i32 to index
        %parallel_loop3A_1225 = arith.constant 144 : index
        %parallel_loop3A_1226 = tpu.vector_load %arg10[%parallel_loop3A_1224, %parallel_loop3A_1225] {strides = array<i32>} : memref<224x256xf32, #tpu.memory_space<vmem>>, vector<1x16xf32>,
        %parallel_loop3A_1227 = vector.shape_cast %parallel_loop3A_1226 : vector<1x16xf32> to vector<16xf32>
        %parallel_loop3A_1228 = arith.constant 16 : i32
        %parallel_loop3A_1229 = arith.addi %parallel_loop3A_887, %parallel_loop3A_1228 : i32
        %parallel_loop3A_1230 = arith.constant 1 : i32
        %parallel_loop3A_1231 = arith.addi %parallel_loop3A_1229, %parallel_loop3A_1230 : i32
        %parallel_loop3A_1232 = arith.index_cast %parallel_loop3A_1231 : i32 to index
        %parallel_loop3A_1233 = arith.constant 144 : index
        %parallel_loop3A_1234 = tpu.vector_load %arg10[%parallel_loop3A_1232, %parallel_loop3A_1233] {strides = array<i32>} : memref<224x256xf32, #tpu.memory_space<vmem>>, vector<1x16xf32>,
        %parallel_loop3A_1235 = vector.shape_cast %parallel_loop3A_1234 : vector<1x16xf32> to vector<16xf32>
        %parallel_loop3A_1236 = arith.mulf %parallel_loop3A_1215, %parallel_loop3A_882 : vector<16xf32>
        %parallel_loop3A_1237 = arith.mulf %parallel_loop3A_1221, %parallel_loop3A_877 : vector<16xf32>
        %parallel_loop3A_1238 = arith.addf %parallel_loop3A_1236, %parallel_loop3A_1237 : vector<16xf32>
        %parallel_loop3A_1239 = arith.mulf %parallel_loop3A_1227, %parallel_loop3A_878 : vector<16xf32>
        %parallel_loop3A_1240 = arith.mulf %parallel_loop3A_1235, %parallel_loop3A_876 : vector<16xf32>
        %parallel_loop3A_1241 = arith.addf %parallel_loop3A_1239, %parallel_loop3A_1240 : vector<16xf32>
        %parallel_loop3A_1242 = arith.addf %parallel_loop3A_1238, %parallel_loop3A_1241 : vector<16xf32>
        %parallel_loop3A_1243 = arith.index_cast %parallel_loop3A_840 : i32 to index
        %parallel_loop3A_1244 = arith.constant 144 : index
        %parallel_loop3A_1245 = tpu.vector_load %arg12[%parallel_loop3A_1243, %parallel_loop3A_1244] {strides = array<i32>} : memref<49x256xf32, #tpu.memory_space<vmem>>, vector<1x16xf32>,
        %parallel_loop3A_1246 = vector.shape_cast %parallel_loop3A_1245 : vector<1x16xf32> to vector<16xf32>
        %parallel_loop3A_1247 = vector.shape_cast %parallel_loop3A_1242 : vector<16xf32> to vector<1x16xf32>
        tpu.vector_store %arg12[%parallel_loop3A_1243, %parallel_loop3A_1244], %parallel_loop3A_1247 {strides = array<i32>} : memref<49x256xf32, #tpu.memory_space<vmem>>, vector<1x16xf32>,
        %parallel_loop3A_1248 = arith.index_cast %parallel_loop3A_887 : i32 to index
        %parallel_loop3A_1249 = arith.constant 160 : index
        %parallel_loop3A_1250 = tpu.vector_load %arg10[%parallel_loop3A_1248, %parallel_loop3A_1249] {strides = array<i32>} : memref<224x256xf32, #tpu.memory_space<vmem>>, vector<1x16xf32>,
        %parallel_loop3A_1251 = vector.shape_cast %parallel_loop3A_1250 : vector<1x16xf32> to vector<16xf32>
        %parallel_loop3A_1252 = arith.constant 1 : i32
        %parallel_loop3A_1253 = arith.addi %parallel_loop3A_887, %parallel_loop3A_1252 : i32
        %parallel_loop3A_1254 = arith.index_cast %parallel_loop3A_1253 : i32 to index
        %parallel_loop3A_1255 = arith.constant 160 : index
        %parallel_loop3A_1256 = tpu.vector_load %arg10[%parallel_loop3A_1254, %parallel_loop3A_1255] {strides = array<i32>} : memref<224x256xf32, #tpu.memory_space<vmem>>, vector<1x16xf32>,
        %parallel_loop3A_1257 = vector.shape_cast %parallel_loop3A_1256 : vector<1x16xf32> to vector<16xf32>
        %parallel_loop3A_1258 = arith.constant 16 : i32
        %parallel_loop3A_1259 = arith.addi %parallel_loop3A_887, %parallel_loop3A_1258 : i32
        %parallel_loop3A_1260 = arith.index_cast %parallel_loop3A_1259 : i32 to index
        %parallel_loop3A_1261 = arith.constant 160 : index
        %parallel_loop3A_1262 = tpu.vector_load %arg10[%parallel_loop3A_1260, %parallel_loop3A_1261] {strides = array<i32>} : memref<224x256xf32, #tpu.memory_space<vmem>>, vector<1x16xf32>,
        %parallel_loop3A_1263 = vector.shape_cast %parallel_loop3A_1262 : vector<1x16xf32> to vector<16xf32>
        %parallel_loop3A_1264 = arith.constant 16 : i32
        %parallel_loop3A_1265 = arith.addi %parallel_loop3A_887, %parallel_loop3A_1264 : i32
        %parallel_loop3A_1266 = arith.constant 1 : i32
        %parallel_loop3A_1267 = arith.addi %parallel_loop3A_1265, %parallel_loop3A_1266 : i32
        %parallel_loop3A_1268 = arith.index_cast %parallel_loop3A_1267 : i32 to index
        %parallel_loop3A_1269 = arith.constant 160 : index
        %parallel_loop3A_1270 = tpu.vector_load %arg10[%parallel_loop3A_1268, %parallel_loop3A_1269] {strides = array<i32>} : memref<224x256xf32, #tpu.memory_space<vmem>>, vector<1x16xf32>,
        %parallel_loop3A_1271 = vector.shape_cast %parallel_loop3A_1270 : vector<1x16xf32> to vector<16xf32>
        %parallel_loop3A_1272 = arith.mulf %parallel_loop3A_1251, %parallel_loop3A_882 : vector<16xf32>
        %parallel_loop3A_1273 = arith.mulf %parallel_loop3A_1257, %parallel_loop3A_877 : vector<16xf32>
        %parallel_loop3A_1274 = arith.addf %parallel_loop3A_1272, %parallel_loop3A_1273 : vector<16xf32>
        %parallel_loop3A_1275 = arith.mulf %parallel_loop3A_1263, %parallel_loop3A_878 : vector<16xf32>
        %parallel_loop3A_1276 = arith.mulf %parallel_loop3A_1271, %parallel_loop3A_876 : vector<16xf32>
        %parallel_loop3A_1277 = arith.addf %parallel_loop3A_1275, %parallel_loop3A_1276 : vector<16xf32>
        %parallel_loop3A_1278 = arith.addf %parallel_loop3A_1274, %parallel_loop3A_1277 : vector<16xf32>
        %parallel_loop3A_1279 = arith.index_cast %parallel_loop3A_840 : i32 to index
        %parallel_loop3A_1280 = arith.constant 160 : index
        %parallel_loop3A_1281 = tpu.vector_load %arg12[%parallel_loop3A_1279, %parallel_loop3A_1280] {strides = array<i32>} : memref<49x256xf32, #tpu.memory_space<vmem>>, vector<1x16xf32>,
        %parallel_loop3A_1282 = vector.shape_cast %parallel_loop3A_1281 : vector<1x16xf32> to vector<16xf32>
        %parallel_loop3A_1283 = vector.shape_cast %parallel_loop3A_1278 : vector<16xf32> to vector<1x16xf32>
        tpu.vector_store %arg12[%parallel_loop3A_1279, %parallel_loop3A_1280], %parallel_loop3A_1283 {strides = array<i32>} : memref<49x256xf32, #tpu.memory_space<vmem>>, vector<1x16xf32>,
        %parallel_loop3A_1284 = arith.index_cast %parallel_loop3A_887 : i32 to index
        %parallel_loop3A_1285 = arith.constant 176 : index
        %parallel_loop3A_1286 = tpu.vector_load %arg10[%parallel_loop3A_1284, %parallel_loop3A_1285] {strides = array<i32>} : memref<224x256xf32, #tpu.memory_space<vmem>>, vector<1x16xf32>,
        %parallel_loop3A_1287 = vector.shape_cast %parallel_loop3A_1286 : vector<1x16xf32> to vector<16xf32>
        %parallel_loop3A_1288 = arith.constant 1 : i32
        %parallel_loop3A_1289 = arith.addi %parallel_loop3A_887, %parallel_loop3A_1288 : i32
        %parallel_loop3A_1290 = arith.index_cast %parallel_loop3A_1289 : i32 to index
        %parallel_loop3A_1291 = arith.constant 176 : index
        %parallel_loop3A_1292 = tpu.vector_load %arg10[%parallel_loop3A_1290, %parallel_loop3A_1291] {strides = array<i32>} : memref<224x256xf32, #tpu.memory_space<vmem>>, vector<1x16xf32>,
        %parallel_loop3A_1293 = vector.shape_cast %parallel_loop3A_1292 : vector<1x16xf32> to vector<16xf32>
        %parallel_loop3A_1294 = arith.constant 16 : i32
        %parallel_loop3A_1295 = arith.addi %parallel_loop3A_887, %parallel_loop3A_1294 : i32
        %parallel_loop3A_1296 = arith.index_cast %parallel_loop3A_1295 : i32 to index
        %parallel_loop3A_1297 = arith.constant 176 : index
        %parallel_loop3A_1298 = tpu.vector_load %arg10[%parallel_loop3A_1296, %parallel_loop3A_1297] {strides = array<i32>} : memref<224x256xf32, #tpu.memory_space<vmem>>, vector<1x16xf32>,
        %parallel_loop3A_1299 = vector.shape_cast %parallel_loop3A_1298 : vector<1x16xf32> to vector<16xf32>
        %parallel_loop3A_1300 = arith.constant 16 : i32
        %parallel_loop3A_1301 = arith.addi %parallel_loop3A_887, %parallel_loop3A_1300 : i32
        %parallel_loop3A_1302 = arith.constant 1 : i32
        %parallel_loop3A_1303 = arith.addi %parallel_loop3A_1301, %parallel_loop3A_1302 : i32
        %parallel_loop3A_1304 = arith.index_cast %parallel_loop3A_1303 : i32 to index
        %parallel_loop3A_1305 = arith.constant 176 : index
        %parallel_loop3A_1306 = tpu.vector_load %arg10[%parallel_loop3A_1304, %parallel_loop3A_1305] {strides = array<i32>} : memref<224x256xf32, #tpu.memory_space<vmem>>, vector<1x16xf32>,
        %parallel_loop3A_1307 = vector.shape_cast %parallel_loop3A_1306 : vector<1x16xf32> to vector<16xf32>
        %parallel_loop3A_1308 = arith.mulf %parallel_loop3A_1287, %parallel_loop3A_882 : vector<16xf32>
        %parallel_loop3A_1309 = arith.mulf %parallel_loop3A_1293, %parallel_loop3A_877 : vector<16xf32>
        %parallel_loop3A_1310 = arith.addf %parallel_loop3A_1308, %parallel_loop3A_1309 : vector<16xf32>
        %parallel_loop3A_1311 = arith.mulf %parallel_loop3A_1299, %parallel_loop3A_878 : vector<16xf32>
        %parallel_loop3A_1312 = arith.mulf %parallel_loop3A_1307, %parallel_loop3A_876 : vector<16xf32>
        %parallel_loop3A_1313 = arith.addf %parallel_loop3A_1311, %parallel_loop3A_1312 : vector<16xf32>
        %parallel_loop3A_1314 = arith.addf %parallel_loop3A_1310, %parallel_loop3A_1313 : vector<16xf32>
        %parallel_loop3A_1315 = arith.index_cast %parallel_loop3A_840 : i32 to index
        %parallel_loop3A_1316 = arith.constant 176 : index
        %parallel_loop3A_1317 = tpu.vector_load %arg12[%parallel_loop3A_1315, %parallel_loop3A_1316] {strides = array<i32>} : memref<49x256xf32, #tpu.memory_space<vmem>>, vector<1x16xf32>,
        %parallel_loop3A_1318 = vector.shape_cast %parallel_loop3A_1317 : vector<1x16xf32> to vector<16xf32>
        %parallel_loop3A_1319 = vector.shape_cast %parallel_loop3A_1314 : vector<16xf32> to vector<1x16xf32>
        tpu.vector_store %arg12[%parallel_loop3A_1315, %parallel_loop3A_1316], %parallel_loop3A_1319 {strides = array<i32>} : memref<49x256xf32, #tpu.memory_space<vmem>>, vector<1x16xf32>,
        %parallel_loop3A_1320 = arith.index_cast %parallel_loop3A_887 : i32 to index
        %parallel_loop3A_1321 = arith.constant 192 : index
        %parallel_loop3A_1322 = tpu.vector_load %arg10[%parallel_loop3A_1320, %parallel_loop3A_1321] {strides = array<i32>} : memref<224x256xf32, #tpu.memory_space<vmem>>, vector<1x16xf32>,
        %parallel_loop3A_1323 = vector.shape_cast %parallel_loop3A_1322 : vector<1x16xf32> to vector<16xf32>
        %parallel_loop3A_1324 = arith.constant 1 : i32
        %parallel_loop3A_1325 = arith.addi %parallel_loop3A_887, %parallel_loop3A_1324 : i32
        %parallel_loop3A_1326 = arith.index_cast %parallel_loop3A_1325 : i32 to index
        %parallel_loop3A_1327 = arith.constant 192 : index
        %parallel_loop3A_1328 = tpu.vector_load %arg10[%parallel_loop3A_1326, %parallel_loop3A_1327] {strides = array<i32>} : memref<224x256xf32, #tpu.memory_space<vmem>>, vector<1x16xf32>,
        %parallel_loop3A_1329 = vector.shape_cast %parallel_loop3A_1328 : vector<1x16xf32> to vector<16xf32>
        %parallel_loop3A_1330 = arith.constant 16 : i32
        %parallel_loop3A_1331 = arith.addi %parallel_loop3A_887, %parallel_loop3A_1330 : i32
        %parallel_loop3A_1332 = arith.index_cast %parallel_loop3A_1331 : i32 to index
        %parallel_loop3A_1333 = arith.constant 192 : index
        %parallel_loop3A_1334 = tpu.vector_load %arg10[%parallel_loop3A_1332, %parallel_loop3A_1333] {strides = array<i32>} : memref<224x256xf32, #tpu.memory_space<vmem>>, vector<1x16xf32>,
        %parallel_loop3A_1335 = vector.shape_cast %parallel_loop3A_1334 : vector<1x16xf32> to vector<16xf32>
        %parallel_loop3A_1336 = arith.constant 16 : i32
        %parallel_loop3A_1337 = arith.addi %parallel_loop3A_887, %parallel_loop3A_1336 : i32
        %parallel_loop3A_1338 = arith.constant 1 : i32
        %parallel_loop3A_1339 = arith.addi %parallel_loop3A_1337, %parallel_loop3A_1338 : i32
        %parallel_loop3A_1340 = arith.index_cast %parallel_loop3A_1339 : i32 to index
        %parallel_loop3A_1341 = arith.constant 192 : index
        %parallel_loop3A_1342 = tpu.vector_load %arg10[%parallel_loop3A_1340, %parallel_loop3A_1341] {strides = array<i32>} : memref<224x256xf32, #tpu.memory_space<vmem>>, vector<1x16xf32>,
        %parallel_loop3A_1343 = vector.shape_cast %parallel_loop3A_1342 : vector<1x16xf32> to vector<16xf32>
        %parallel_loop3A_1344 = arith.mulf %parallel_loop3A_1323, %parallel_loop3A_882 : vector<16xf32>
        %parallel_loop3A_1345 = arith.mulf %parallel_loop3A_1329, %parallel_loop3A_877 : vector<16xf32>
        %parallel_loop3A_1346 = arith.addf %parallel_loop3A_1344, %parallel_loop3A_1345 : vector<16xf32>
        %parallel_loop3A_1347 = arith.mulf %parallel_loop3A_1335, %parallel_loop3A_878 : vector<16xf32>
        %parallel_loop3A_1348 = arith.mulf %parallel_loop3A_1343, %parallel_loop3A_876 : vector<16xf32>
        %parallel_loop3A_1349 = arith.addf %parallel_loop3A_1347, %parallel_loop3A_1348 : vector<16xf32>
        %parallel_loop3A_1350 = arith.addf %parallel_loop3A_1346, %parallel_loop3A_1349 : vector<16xf32>
        %parallel_loop3A_1351 = arith.index_cast %parallel_loop3A_840 : i32 to index
        %parallel_loop3A_1352 = arith.constant 192 : index
        %parallel_loop3A_1353 = tpu.vector_load %arg12[%parallel_loop3A_1351, %parallel_loop3A_1352] {strides = array<i32>} : memref<49x256xf32, #tpu.memory_space<vmem>>, vector<1x16xf32>,
        %parallel_loop3A_1354 = vector.shape_cast %parallel_loop3A_1353 : vector<1x16xf32> to vector<16xf32>
        %parallel_loop3A_1355 = vector.shape_cast %parallel_loop3A_1350 : vector<16xf32> to vector<1x16xf32>
        tpu.vector_store %arg12[%parallel_loop3A_1351, %parallel_loop3A_1352], %parallel_loop3A_1355 {strides = array<i32>} : memref<49x256xf32, #tpu.memory_space<vmem>>, vector<1x16xf32>,
        %parallel_loop3A_1356 = arith.index_cast %parallel_loop3A_887 : i32 to index
        %parallel_loop3A_1357 = arith.constant 208 : index
        %parallel_loop3A_1358 = tpu.vector_load %arg10[%parallel_loop3A_1356, %parallel_loop3A_1357] {strides = array<i32>} : memref<224x256xf32, #tpu.memory_space<vmem>>, vector<1x16xf32>,
        %parallel_loop3A_1359 = vector.shape_cast %parallel_loop3A_1358 : vector<1x16xf32> to vector<16xf32>
        %parallel_loop3A_1360 = arith.constant 1 : i32
        %parallel_loop3A_1361 = arith.addi %parallel_loop3A_887, %parallel_loop3A_1360 : i32
        %parallel_loop3A_1362 = arith.index_cast %parallel_loop3A_1361 : i32 to index
        %parallel_loop3A_1363 = arith.constant 208 : index
        %parallel_loop3A_1364 = tpu.vector_load %arg10[%parallel_loop3A_1362, %parallel_loop3A_1363] {strides = array<i32>} : memref<224x256xf32, #tpu.memory_space<vmem>>, vector<1x16xf32>,
        %parallel_loop3A_1365 = vector.shape_cast %parallel_loop3A_1364 : vector<1x16xf32> to vector<16xf32>
        %parallel_loop3A_1366 = arith.constant 16 : i32
        %parallel_loop3A_1367 = arith.addi %parallel_loop3A_887, %parallel_loop3A_1366 : i32
        %parallel_loop3A_1368 = arith.index_cast %parallel_loop3A_1367 : i32 to index
        %parallel_loop3A_1369 = arith.constant 208 : index
        %parallel_loop3A_1370 = tpu.vector_load %arg10[%parallel_loop3A_1368, %parallel_loop3A_1369] {strides = array<i32>} : memref<224x256xf32, #tpu.memory_space<vmem>>, vector<1x16xf32>,
        %parallel_loop3A_1371 = vector.shape_cast %parallel_loop3A_1370 : vector<1x16xf32> to vector<16xf32>
        %parallel_loop3A_1372 = arith.constant 16 : i32
        %parallel_loop3A_1373 = arith.addi %parallel_loop3A_887, %parallel_loop3A_1372 : i32
        %parallel_loop3A_1374 = arith.constant 1 : i32
        %parallel_loop3A_1375 = arith.addi %parallel_loop3A_1373, %parallel_loop3A_1374 : i32
        %parallel_loop3A_1376 = arith.index_cast %parallel_loop3A_1375 : i32 to index
        %parallel_loop3A_1377 = arith.constant 208 : index
        %parallel_loop3A_1378 = tpu.vector_load %arg10[%parallel_loop3A_1376, %parallel_loop3A_1377] {strides = array<i32>} : memref<224x256xf32, #tpu.memory_space<vmem>>, vector<1x16xf32>,
        %parallel_loop3A_1379 = vector.shape_cast %parallel_loop3A_1378 : vector<1x16xf32> to vector<16xf32>
        %parallel_loop3A_1380 = arith.mulf %parallel_loop3A_1359, %parallel_loop3A_882 : vector<16xf32>
        %parallel_loop3A_1381 = arith.mulf %parallel_loop3A_1365, %parallel_loop3A_877 : vector<16xf32>
        %parallel_loop3A_1382 = arith.addf %parallel_loop3A_1380, %parallel_loop3A_1381 : vector<16xf32>
        %parallel_loop3A_1383 = arith.mulf %parallel_loop3A_1371, %parallel_loop3A_878 : vector<16xf32>
        %parallel_loop3A_1384 = arith.mulf %parallel_loop3A_1379, %parallel_loop3A_876 : vector<16xf32>
        %parallel_loop3A_1385 = arith.addf %parallel_loop3A_1383, %parallel_loop3A_1384 : vector<16xf32>
        %parallel_loop3A_1386 = arith.addf %parallel_loop3A_1382, %parallel_loop3A_1385 : vector<16xf32>
        %parallel_loop3A_1387 = arith.index_cast %parallel_loop3A_840 : i32 to index
        %parallel_loop3A_1388 = arith.constant 208 : index
        %parallel_loop3A_1389 = tpu.vector_load %arg12[%parallel_loop3A_1387, %parallel_loop3A_1388] {strides = array<i32>} : memref<49x256xf32, #tpu.memory_space<vmem>>, vector<1x16xf32>,
        %parallel_loop3A_1390 = vector.shape_cast %parallel_loop3A_1389 : vector<1x16xf32> to vector<16xf32>
        %parallel_loop3A_1391 = vector.shape_cast %parallel_loop3A_1386 : vector<16xf32> to vector<1x16xf32>
        tpu.vector_store %arg12[%parallel_loop3A_1387, %parallel_loop3A_1388], %parallel_loop3A_1391 {strides = array<i32>} : memref<49x256xf32, #tpu.memory_space<vmem>>, vector<1x16xf32>,
        %parallel_loop3A_1392 = arith.index_cast %parallel_loop3A_887 : i32 to index
        %parallel_loop3A_1393 = arith.constant 224 : index
        %parallel_loop3A_1394 = tpu.vector_load %arg10[%parallel_loop3A_1392, %parallel_loop3A_1393] {strides = array<i32>} : memref<224x256xf32, #tpu.memory_space<vmem>>, vector<1x16xf32>,
        %parallel_loop3A_1395 = vector.shape_cast %parallel_loop3A_1394 : vector<1x16xf32> to vector<16xf32>
        %parallel_loop3A_1396 = arith.constant 1 : i32
        %parallel_loop3A_1397 = arith.addi %parallel_loop3A_887, %parallel_loop3A_1396 : i32
        %parallel_loop3A_1398 = arith.index_cast %parallel_loop3A_1397 : i32 to index
        %parallel_loop3A_1399 = arith.constant 224 : index
        %parallel_loop3A_1400 = tpu.vector_load %arg10[%parallel_loop3A_1398, %parallel_loop3A_1399] {strides = array<i32>} : memref<224x256xf32, #tpu.memory_space<vmem>>, vector<1x16xf32>,
        %parallel_loop3A_1401 = vector.shape_cast %parallel_loop3A_1400 : vector<1x16xf32> to vector<16xf32>
        %parallel_loop3A_1402 = arith.constant 16 : i32
        %parallel_loop3A_1403 = arith.addi %parallel_loop3A_887, %parallel_loop3A_1402 : i32
        %parallel_loop3A_1404 = arith.index_cast %parallel_loop3A_1403 : i32 to index
        %parallel_loop3A_1405 = arith.constant 224 : index
        %parallel_loop3A_1406 = tpu.vector_load %arg10[%parallel_loop3A_1404, %parallel_loop3A_1405] {strides = array<i32>} : memref<224x256xf32, #tpu.memory_space<vmem>>, vector<1x16xf32>,
        %parallel_loop3A_1407 = vector.shape_cast %parallel_loop3A_1406 : vector<1x16xf32> to vector<16xf32>
        %parallel_loop3A_1408 = arith.constant 16 : i32
        %parallel_loop3A_1409 = arith.addi %parallel_loop3A_887, %parallel_loop3A_1408 : i32
        %parallel_loop3A_1410 = arith.constant 1 : i32
        %parallel_loop3A_1411 = arith.addi %parallel_loop3A_1409, %parallel_loop3A_1410 : i32
        %parallel_loop3A_1412 = arith.index_cast %parallel_loop3A_1411 : i32 to index
        %parallel_loop3A_1413 = arith.constant 224 : index
        %parallel_loop3A_1414 = tpu.vector_load %arg10[%parallel_loop3A_1412, %parallel_loop3A_1413] {strides = array<i32>} : memref<224x256xf32, #tpu.memory_space<vmem>>, vector<1x16xf32>,
        %parallel_loop3A_1415 = vector.shape_cast %parallel_loop3A_1414 : vector<1x16xf32> to vector<16xf32>
        %parallel_loop3A_1416 = arith.mulf %parallel_loop3A_1395, %parallel_loop3A_882 : vector<16xf32>
        %parallel_loop3A_1417 = arith.mulf %parallel_loop3A_1401, %parallel_loop3A_877 : vector<16xf32>
        %parallel_loop3A_1418 = arith.addf %parallel_loop3A_1416, %parallel_loop3A_1417 : vector<16xf32>
        %parallel_loop3A_1419 = arith.mulf %parallel_loop3A_1407, %parallel_loop3A_878 : vector<16xf32>
        %parallel_loop3A_1420 = arith.mulf %parallel_loop3A_1415, %parallel_loop3A_876 : vector<16xf32>
        %parallel_loop3A_1421 = arith.addf %parallel_loop3A_1419, %parallel_loop3A_1420 : vector<16xf32>
        %parallel_loop3A_1422 = arith.addf %parallel_loop3A_1418, %parallel_loop3A_1421 : vector<16xf32>
        %parallel_loop3A_1423 = arith.index_cast %parallel_loop3A_840 : i32 to index
        %parallel_loop3A_1424 = arith.constant 224 : index
        %parallel_loop3A_1425 = tpu.vector_load %arg12[%parallel_loop3A_1423, %parallel_loop3A_1424] {strides = array<i32>} : memref<49x256xf32, #tpu.memory_space<vmem>>, vector<1x16xf32>,
        %parallel_loop3A_1426 = vector.shape_cast %parallel_loop3A_1425 : vector<1x16xf32> to vector<16xf32>
        %parallel_loop3A_1427 = vector.shape_cast %parallel_loop3A_1422 : vector<16xf32> to vector<1x16xf32>
        tpu.vector_store %arg12[%parallel_loop3A_1423, %parallel_loop3A_1424], %parallel_loop3A_1427 {strides = array<i32>} : memref<49x256xf32, #tpu.memory_space<vmem>>, vector<1x16xf32>,
        %parallel_loop3A_1428 = arith.index_cast %parallel_loop3A_887 : i32 to index
        %parallel_loop3A_1429 = arith.constant 240 : index
        %parallel_loop3A_1430 = tpu.vector_load %arg10[%parallel_loop3A_1428, %parallel_loop3A_1429] {strides = array<i32>} : memref<224x256xf32, #tpu.memory_space<vmem>>, vector<1x16xf32>,
        %parallel_loop3A_1431 = vector.shape_cast %parallel_loop3A_1430 : vector<1x16xf32> to vector<16xf32>
        %parallel_loop3A_1432 = arith.constant 1 : i32
        %parallel_loop3A_1433 = arith.addi %parallel_loop3A_887, %parallel_loop3A_1432 : i32
        %parallel_loop3A_1434 = arith.index_cast %parallel_loop3A_1433 : i32 to index
        %parallel_loop3A_1435 = arith.constant 240 : index
        %parallel_loop3A_1436 = tpu.vector_load %arg10[%parallel_loop3A_1434, %parallel_loop3A_1435] {strides = array<i32>} : memref<224x256xf32, #tpu.memory_space<vmem>>, vector<1x16xf32>,
        %parallel_loop3A_1437 = vector.shape_cast %parallel_loop3A_1436 : vector<1x16xf32> to vector<16xf32>
        %parallel_loop3A_1438 = arith.constant 16 : i32
        %parallel_loop3A_1439 = arith.addi %parallel_loop3A_887, %parallel_loop3A_1438 : i32
        %parallel_loop3A_1440 = arith.index_cast %parallel_loop3A_1439 : i32 to index
        %parallel_loop3A_1441 = arith.constant 240 : index
        %parallel_loop3A_1442 = tpu.vector_load %arg10[%parallel_loop3A_1440, %parallel_loop3A_1441] {strides = array<i32>} : memref<224x256xf32, #tpu.memory_space<vmem>>, vector<1x16xf32>,
        %parallel_loop3A_1443 = vector.shape_cast %parallel_loop3A_1442 : vector<1x16xf32> to vector<16xf32>
        %parallel_loop3A_1444 = arith.constant 16 : i32
        %parallel_loop3A_1445 = arith.addi %parallel_loop3A_887, %parallel_loop3A_1444 : i32
        %parallel_loop3A_1446 = arith.constant 1 : i32
        %parallel_loop3A_1447 = arith.addi %parallel_loop3A_1445, %parallel_loop3A_1446 : i32
        %parallel_loop3A_1448 = arith.index_cast %parallel_loop3A_1447 : i32 to index
        %parallel_loop3A_1449 = arith.constant 240 : index
        %parallel_loop3A_1450 = tpu.vector_load %arg10[%parallel_loop3A_1448, %parallel_loop3A_1449] {strides = array<i32>} : memref<224x256xf32, #tpu.memory_space<vmem>>, vector<1x16xf32>,
        %parallel_loop3A_1451 = vector.shape_cast %parallel_loop3A_1450 : vector<1x16xf32> to vector<16xf32>
        %parallel_loop3A_1452 = arith.mulf %parallel_loop3A_1431, %parallel_loop3A_882 : vector<16xf32>
        %parallel_loop3A_1453 = arith.mulf %parallel_loop3A_1437, %parallel_loop3A_877 : vector<16xf32>
        %parallel_loop3A_1454 = arith.addf %parallel_loop3A_1452, %parallel_loop3A_1453 : vector<16xf32>
        %parallel_loop3A_1455 = arith.mulf %parallel_loop3A_1443, %parallel_loop3A_878 : vector<16xf32>
        %parallel_loop3A_1456 = arith.mulf %parallel_loop3A_1451, %parallel_loop3A_876 : vector<16xf32>
        %parallel_loop3A_1457 = arith.addf %parallel_loop3A_1455, %parallel_loop3A_1456 : vector<16xf32>
        %parallel_loop3A_1458 = arith.addf %parallel_loop3A_1454, %parallel_loop3A_1457 : vector<16xf32>
        %parallel_loop3A_1459 = arith.index_cast %parallel_loop3A_840 : i32 to index
        %parallel_loop3A_1460 = arith.constant 240 : index
        %parallel_loop3A_1461 = tpu.vector_load %arg12[%parallel_loop3A_1459, %parallel_loop3A_1460] {strides = array<i32>} : memref<49x256xf32, #tpu.memory_space<vmem>>, vector<1x16xf32>,
        %parallel_loop3A_1462 = vector.shape_cast %parallel_loop3A_1461 : vector<1x16xf32> to vector<16xf32>
        %parallel_loop3A_1463 = vector.shape_cast %parallel_loop3A_1458 : vector<16xf32> to vector<1x16xf32>
        tpu.vector_store %arg12[%parallel_loop3A_1459, %parallel_loop3A_1460], %parallel_loop3A_1463 {strides = array<i32>} : memref<49x256xf32, #tpu.memory_space<vmem>>, vector<1x16xf32>,
      } {sc.loop_unroll_factor = 1 : i64, sc.parallel_access}
      %add3A_582 = arith.addi %mul3A_2, %mul3A_312 : i32
      %dma_start3A_583 = arith.constant 0 : i32
      %dma_start3A_584 = arith.constant 0 : i32
      %dma_start3A_585 = tpu.memref_slice %arg4[%add3A_582, %dma_start3A_583, %dma_start3A_584] : memref<1000x49x256xf32, #tpu.memory_space<hbm>> -> memref<1x49x256xf32, #tpu.memory_space<hbm>>
      %dma_start3A_586 = tpu.memref_squeeze %dma_start3A_585 : memref<1x49x256xf32, #tpu.memory_space<hbm>> -> memref<49x256xf32, #tpu.memory_space<hbm>>
      %dma_start3A_587 = arith.constant 0 : i32
      %dma_start3A_588 = arith.constant 0 : i32
      %dma_start3A_589 = tpu.memref_slice %arg4[%add3A_582, %dma_start3A_587, %dma_start3A_588] : memref<1000x49x256xf32, #tpu.memory_space<hbm>> -> memref<1x49x256xf32, #tpu.memory_space<hbm>>
      %dma_start3A_590 = tpu.memref_squeeze %dma_start3A_589 : memref<1x49x256xf32, #tpu.memory_space<hbm>> -> memref<49x256xf32, #tpu.memory_space<hbm>>
      tpu.enqueue_dma source(%arg12 : memref<49x256xf32, #tpu.memory_space<vmem>>) target(%dma_start3A_590 : memref<49x256xf32, #tpu.memory_space<hbm>>) target_semaphore(%arg15 : memref<!tpu.dma_semaphore, #tpu.memory_space<semaphore_mem>>)
      %min3A_591 = arith.constant 31 : i32
      %min3A_592 = arith.minsi %add3A_316, %min3A_591 : i32
      %mul3A_593 = arith.constant 16 : i32
      %mul3A_594 = arith.muli %min3A_592, %mul3A_593 : i32
      %get3A_595 = arith.index_cast %mul3A_594 : i32 to index
      %get3A_596 = tpu.vector_load %arg5[%get3A_595] {strides = array<i32>} : memref<512xf32, #tpu.memory_space<vmem>>, vector<16xf32>,
      %get3A_597 = vector.shape_cast %get3A_596 : vector<16xf32> to vector<16xf32>
      %broadcast_in_dim3A_598 = arith.constant 0 : i32
      %broadcast_in_dim3A_599 = vector.broadcast %broadcast_in_dim3A_598 : i32 to vector<16xi32>
      %broadcast_in_dim3A_600 = vector.shape_cast %broadcast_in_dim3A_599 : vector<16xi32> to vector<16x1xi32>
      %gather3A_601 = vector.shape_cast %broadcast_in_dim3A_600 : vector<16x1xi32> to vector<16xi32>
      %gather3A_602 = tpu.dynamic_gather %get3A_597[%gather3A_601] in [0] : vector<16xf32>, vector<16xi32> -> vector<16xf32>
      %broadcast_in_dim3A_603 = arith.constant 1 : i32
      %broadcast_in_dim3A_604 = vector.broadcast %broadcast_in_dim3A_603 : i32 to vector<16xi32>
      %broadcast_in_dim3A_605 = vector.shape_cast %broadcast_in_dim3A_604 : vector<16xi32> to vector<16x1xi32>
      %gather3A_606 = vector.shape_cast %broadcast_in_dim3A_605 : vector<16x1xi32> to vector<16xi32>
      %gather3A_607 = tpu.dynamic_gather %get3A_597[%gather3A_606] in [0] : vector<16xf32>, vector<16xi32> -> vector<16xf32>
      %broadcast_in_dim3A_608 = arith.constant 2 : i32
      %broadcast_in_dim3A_609 = vector.broadcast %broadcast_in_dim3A_608 : i32 to vector<16xi32>
      %broadcast_in_dim3A_610 = vector.shape_cast %broadcast_in_dim3A_609 : vector<16xi32> to vector<16x1xi32>
      %gather3A_611 = vector.shape_cast %broadcast_in_dim3A_610 : vector<16x1xi32> to vector<16xi32>
      %gather3A_612 = tpu.dynamic_gather %get3A_597[%gather3A_611] in [0] : vector<16xf32>, vector<16xi32> -> vector<16xf32>
      %broadcast_in_dim3A_613 = arith.constant 3 : i32
      %broadcast_in_dim3A_614 = vector.broadcast %broadcast_in_dim3A_613 : i32 to vector<16xi32>
      %broadcast_in_dim3A_615 = vector.shape_cast %broadcast_in_dim3A_614 : vector<16xi32> to vector<16x1xi32>
      %gather3A_616 = vector.shape_cast %broadcast_in_dim3A_615 : vector<16x1xi32> to vector<16xi32>
      %gather3A_617 = tpu.dynamic_gather %get3A_597[%gather3A_616] in [0] : vector<16xf32>, vector<16xi32> -> vector<16xf32>
      %sub3A_618 = arith.subf %gather3A_612, %gather3A_602 : vector<16xf32>
      %mul3A_619 = arith.mulf %sub3A_618, %mul3A_9 : vector<16xf32>
      %add3A_620 = arith.addf %gather3A_602, %mul3A_619 : vector<16xf32>
      %mul3A_621 = arith.constant 2.550000e+02 : f32
      %mul3A_622 = vector.broadcast %mul3A_621 : f32 to vector<16xf32>
      %mul3A_623 = arith.mulf %add3A_620, %mul3A_622 : vector<16xf32>
      %sub3A_624 = arith.subf %gather3A_617, %gather3A_607 : vector<16xf32>
      %mul3A_625 = arith.mulf %sub3A_624, %mul3A_9 : vector<16xf32>
      %add3A_626 = arith.addf %gather3A_607, %mul3A_625 : vector<16xf32>
      %mul3A_627 = arith.constant 2.550000e+02 : f32
      %mul3A_628 = vector.broadcast %mul3A_627 : f32 to vector<16xf32>
      %mul3A_629 = arith.mulf %add3A_626, %mul3A_628 : vector<16xf32>
      %convert_element_type3A_630 = arith.fptosi %mul3A_623 : vector<16xf32> to vector<16xi32>
      %min3A_631 = arith.constant 254 : i32
      %min3A_632 = vector.broadcast %min3A_631 : i32 to vector<16xi32>
      %min3A_633 = arith.minsi %convert_element_type3A_630, %min3A_632 : vector<16xi32>
      %convert_element_type3A_634 = arith.fptosi %mul3A_629 : vector<16xf32> to vector<16xi32>
      %min3A_635 = arith.constant 254 : i32
      %min3A_636 = vector.broadcast %min3A_635 : i32 to vector<16xi32>
      %min3A_637 = arith.minsi %convert_element_type3A_634, %min3A_636 : vector<16xi32>
      %convert_element_type3A_638 = arith.sitofp %min3A_633 : vector<16xi32> to vector<16xf32>
      %sub3A_639 = arith.subf %mul3A_623, %convert_element_type3A_638 : vector<16xf32>
      %convert_element_type3A_640 = arith.sitofp %min3A_637 : vector<16xi32> to vector<16xf32>
      %sub3A_641 = arith.subf %mul3A_629, %convert_element_type3A_640 : vector<16xf32>
      %broadcast_in_dim3A_642 = vector.shape_cast %shift_right_arithmetic3A_11 : vector<16xi32> to vector<16x1xi32>
      %gather3A_643 = vector.shape_cast %broadcast_in_dim3A_642 : vector<16x1xi32> to vector<16xi32>
      %gather3A_644 = tpu.dynamic_gather %min3A_633[%gather3A_643] in [0] : vector<16xi32>, vector<16xi32> -> vector<16xi32>
      %add3A_645 = arith.addi %gather3A_644, %and3A_13 : vector<16xi32>
      %broadcast_in_dim3A_646 = vector.shape_cast %shift_right_arithmetic3A_11 : vector<16xi32> to vector<16x1xi32>
      %gather3A_647 = vector.shape_cast %broadcast_in_dim3A_646 : vector<16x1xi32> to vector<16xi32>
      %gather3A_648 = tpu.dynamic_gather %min3A_637[%gather3A_647] in [0] : vector<16xi32>, vector<16xi32> -> vector<16xi32>
      %add3A_649 = arith.addi %gather3A_648, %and3A_13 : vector<16xi32>
      %broadcast_in_dim3A_650 = arith.constant 0 : i32
      %broadcast_in_dim3A_651 = vector.broadcast %broadcast_in_dim3A_650 : i32 to vector<16xi32>
      %broadcast_in_dim3A_652 = vector.shape_cast %broadcast_in_dim3A_651 : vector<16xi32> to vector<16x1xi32>
      %gather3A_653 = vector.shape_cast %broadcast_in_dim3A_652 : vector<16x1xi32> to vector<16xi32>
      %gather3A_654 = tpu.dynamic_gather %add3A_645[%gather3A_653] in [0] : vector<16xi32>, vector<16xi32> -> vector<16xi32>
      %mul3A_655 = arith.constant 256 : i32
      %mul3A_656 = vector.broadcast %mul3A_655 : i32 to vector<16xi32>
      %mul3A_657 = arith.muli %gather3A_654, %mul3A_656 : vector<16xi32>
      %add3A_658 = arith.addi %mul3A_657, %add3A_649 : vector<16xi32>
      %swap3A_659 = arith.constant 0 : index
      %swap3A_660 = tpu.vector_load %arg6[%swap3A_659] {strides = array<i32>} : memref<112xi32, #tpu.memory_space<vmem>>, vector<16xi32>,
      %swap3A_661 = vector.shape_cast %swap3A_660 : vector<16xi32> to vector<16xi32>
      %swap3A_662 = vector.shape_cast %add3A_658 : vector<16xi32> to vector<16xi32>
      tpu.vector_store %arg6[%swap3A_659], %swap3A_662 {strides = array<i32>} : memref<112xi32, #tpu.memory_space<vmem>>, vector<16xi32>,
      %broadcast_in_dim3A_663 = arith.constant 1 : i32
      %broadcast_in_dim3A_664 = vector.broadcast %broadcast_in_dim3A_663 : i32 to vector<16xi32>
      %broadcast_in_dim3A_665 = vector.shape_cast %broadcast_in_dim3A_664 : vector<16xi32> to vector<16x1xi32>
      %gather3A_666 = vector.shape_cast %broadcast_in_dim3A_665 : vector<16x1xi32> to vector<16xi32>
      %gather3A_667 = tpu.dynamic_gather %add3A_645[%gather3A_666] in [0] : vector<16xi32>, vector<16xi32> -> vector<16xi32>
      %mul3A_668 = arith.constant 256 : i32
      %mul3A_669 = vector.broadcast %mul3A_668 : i32 to vector<16xi32>
      %mul3A_670 = arith.muli %gather3A_667, %mul3A_669 : vector<16xi32>
      %add3A_671 = arith.addi %mul3A_670, %add3A_649 : vector<16xi32>
      %swap3A_672 = arith.constant 16 : index
      %swap3A_673 = tpu.vector_load %arg6[%swap3A_672] {strides = array<i32>} : memref<112xi32, #tpu.memory_space<vmem>>, vector<16xi32>,
      %swap3A_674 = vector.shape_cast %swap3A_673 : vector<16xi32> to vector<16xi32>
      %swap3A_675 = vector.shape_cast %add3A_671 : vector<16xi32> to vector<16xi32>
      tpu.vector_store %arg6[%swap3A_672], %swap3A_675 {strides = array<i32>} : memref<112xi32, #tpu.memory_space<vmem>>, vector<16xi32>,
      %broadcast_in_dim3A_676 = arith.constant 2 : i32
      %broadcast_in_dim3A_677 = vector.broadcast %broadcast_in_dim3A_676 : i32 to vector<16xi32>
      %broadcast_in_dim3A_678 = vector.shape_cast %broadcast_in_dim3A_677 : vector<16xi32> to vector<16x1xi32>
      %gather3A_679 = vector.shape_cast %broadcast_in_dim3A_678 : vector<16x1xi32> to vector<16xi32>
      %gather3A_680 = tpu.dynamic_gather %add3A_645[%gather3A_679] in [0] : vector<16xi32>, vector<16xi32> -> vector<16xi32>
      %mul3A_681 = arith.constant 256 : i32
      %mul3A_682 = vector.broadcast %mul3A_681 : i32 to vector<16xi32>
      %mul3A_683 = arith.muli %gather3A_680, %mul3A_682 : vector<16xi32>
      %add3A_684 = arith.addi %mul3A_683, %add3A_649 : vector<16xi32>
      %swap3A_685 = arith.constant 32 : index
      %swap3A_686 = tpu.vector_load %arg6[%swap3A_685] {strides = array<i32>} : memref<112xi32, #tpu.memory_space<vmem>>, vector<16xi32>,
      %swap3A_687 = vector.shape_cast %swap3A_686 : vector<16xi32> to vector<16xi32>
      %swap3A_688 = vector.shape_cast %add3A_684 : vector<16xi32> to vector<16xi32>
      tpu.vector_store %arg6[%swap3A_685], %swap3A_688 {strides = array<i32>} : memref<112xi32, #tpu.memory_space<vmem>>, vector<16xi32>,
      %broadcast_in_dim3A_689 = arith.constant 3 : i32
      %broadcast_in_dim3A_690 = vector.broadcast %broadcast_in_dim3A_689 : i32 to vector<16xi32>
      %broadcast_in_dim3A_691 = vector.shape_cast %broadcast_in_dim3A_690 : vector<16xi32> to vector<16x1xi32>
      %gather3A_692 = vector.shape_cast %broadcast_in_dim3A_691 : vector<16x1xi32> to vector<16xi32>
      %gather3A_693 = tpu.dynamic_gather %add3A_645[%gather3A_692] in [0] : vector<16xi32>, vector<16xi32> -> vector<16xi32>
      %mul3A_694 = arith.constant 256 : i32
      %mul3A_695 = vector.broadcast %mul3A_694 : i32 to vector<16xi32>
      %mul3A_696 = arith.muli %gather3A_693, %mul3A_695 : vector<16xi32>
      %add3A_697 = arith.addi %mul3A_696, %add3A_649 : vector<16xi32>
      %swap3A_698 = arith.constant 48 : index
      %swap3A_699 = tpu.vector_load %arg6[%swap3A_698] {strides = array<i32>} : memref<112xi32, #tpu.memory_space<vmem>>, vector<16xi32>,
      %swap3A_700 = vector.shape_cast %swap3A_699 : vector<16xi32> to vector<16xi32>
      %swap3A_701 = vector.shape_cast %add3A_697 : vector<16xi32> to vector<16xi32>
      tpu.vector_store %arg6[%swap3A_698], %swap3A_701 {strides = array<i32>} : memref<112xi32, #tpu.memory_space<vmem>>, vector<16xi32>,
      %broadcast_in_dim3A_702 = arith.constant 4 : i32
      %broadcast_in_dim3A_703 = vector.broadcast %broadcast_in_dim3A_702 : i32 to vector<16xi32>
      %broadcast_in_dim3A_704 = vector.shape_cast %broadcast_in_dim3A_703 : vector<16xi32> to vector<16x1xi32>
      %gather3A_705 = vector.shape_cast %broadcast_in_dim3A_704 : vector<16x1xi32> to vector<16xi32>
      %gather3A_706 = tpu.dynamic_gather %add3A_645[%gather3A_705] in [0] : vector<16xi32>, vector<16xi32> -> vector<16xi32>
      %mul3A_707 = arith.constant 256 : i32
      %mul3A_708 = vector.broadcast %mul3A_707 : i32 to vector<16xi32>
      %mul3A_709 = arith.muli %gather3A_706, %mul3A_708 : vector<16xi32>
      %add3A_710 = arith.addi %mul3A_709, %add3A_649 : vector<16xi32>
      %swap3A_711 = arith.constant 64 : index
      %swap3A_712 = tpu.vector_load %arg6[%swap3A_711] {strides = array<i32>} : memref<112xi32, #tpu.memory_space<vmem>>, vector<16xi32>,
      %swap3A_713 = vector.shape_cast %swap3A_712 : vector<16xi32> to vector<16xi32>
      %swap3A_714 = vector.shape_cast %add3A_710 : vector<16xi32> to vector<16xi32>
      tpu.vector_store %arg6[%swap3A_711], %swap3A_714 {strides = array<i32>} : memref<112xi32, #tpu.memory_space<vmem>>, vector<16xi32>,
      %broadcast_in_dim3A_715 = arith.constant 5 : i32
      %broadcast_in_dim3A_716 = vector.broadcast %broadcast_in_dim3A_715 : i32 to vector<16xi32>
      %broadcast_in_dim3A_717 = vector.shape_cast %broadcast_in_dim3A_716 : vector<16xi32> to vector<16x1xi32>
      %gather3A_718 = vector.shape_cast %broadcast_in_dim3A_717 : vector<16x1xi32> to vector<16xi32>
      %gather3A_719 = tpu.dynamic_gather %add3A_645[%gather3A_718] in [0] : vector<16xi32>, vector<16xi32> -> vector<16xi32>
      %mul3A_720 = arith.constant 256 : i32
      %mul3A_721 = vector.broadcast %mul3A_720 : i32 to vector<16xi32>
      %mul3A_722 = arith.muli %gather3A_719, %mul3A_721 : vector<16xi32>
      %add3A_723 = arith.addi %mul3A_722, %add3A_649 : vector<16xi32>
      %swap3A_724 = arith.constant 80 : index
      %swap3A_725 = tpu.vector_load %arg6[%swap3A_724] {strides = array<i32>} : memref<112xi32, #tpu.memory_space<vmem>>, vector<16xi32>,
      %swap3A_726 = vector.shape_cast %swap3A_725 : vector<16xi32> to vector<16xi32>
      %swap3A_727 = vector.shape_cast %add3A_723 : vector<16xi32> to vector<16xi32>
      tpu.vector_store %arg6[%swap3A_724], %swap3A_727 {strides = array<i32>} : memref<112xi32, #tpu.memory_space<vmem>>, vector<16xi32>,
      %broadcast_in_dim3A_728 = arith.constant 6 : i32
      %broadcast_in_dim3A_729 = vector.broadcast %broadcast_in_dim3A_728 : i32 to vector<16xi32>
      %broadcast_in_dim3A_730 = vector.shape_cast %broadcast_in_dim3A_729 : vector<16xi32> to vector<16x1xi32>
      %gather3A_731 = vector.shape_cast %broadcast_in_dim3A_730 : vector<16x1xi32> to vector<16xi32>
      %gather3A_732 = tpu.dynamic_gather %add3A_645[%gather3A_731] in [0] : vector<16xi32>, vector<16xi32> -> vector<16xi32>
      %mul3A_733 = arith.constant 256 : i32
      %mul3A_734 = vector.broadcast %mul3A_733 : i32 to vector<16xi32>
      %mul3A_735 = arith.muli %gather3A_732, %mul3A_734 : vector<16xi32>
      %add3A_736 = arith.addi %mul3A_735, %add3A_649 : vector<16xi32>
      %swap3A_737 = arith.constant 96 : index
      %swap3A_738 = tpu.vector_load %arg6[%swap3A_737] {strides = array<i32>} : memref<112xi32, #tpu.memory_space<vmem>>, vector<16xi32>,
      %swap3A_739 = vector.shape_cast %swap3A_738 : vector<16xi32> to vector<16xi32>
      %swap3A_740 = vector.shape_cast %add3A_736 : vector<16xi32> to vector<16xi32>
      tpu.vector_store %arg6[%swap3A_737], %swap3A_740 {strides = array<i32>} : memref<112xi32, #tpu.memory_space<vmem>>, vector<16xi32>,
      %broadcast_in_dim3A_741 = arith.constant 7 : i32
      %broadcast_in_dim3A_742 = vector.broadcast %broadcast_in_dim3A_741 : i32 to vector<16xi32>
      %broadcast_in_dim3A_743 = vector.shape_cast %broadcast_in_dim3A_742 : vector<16xi32> to vector<16x1xi32>
      %gather3A_744 = vector.shape_cast %broadcast_in_dim3A_743 : vector<16x1xi32> to vector<16xi32>
      %gather3A_745 = tpu.dynamic_gather %add3A_645[%gather3A_744] in [0] : vector<16xi32>, vector<16xi32> -> vector<16xi32>
      %mul3A_746 = arith.constant 256 : i32
      %mul3A_747 = vector.broadcast %mul3A_746 : i32 to vector<16xi32>
      %mul3A_748 = arith.muli %gather3A_745, %mul3A_747 : vector<16xi32>
      %add3A_749 = arith.addi %mul3A_748, %add3A_649 : vector<16xi32>
      %swap3A_750 = arith.constant 0 : index
      %swap3A_751 = tpu.vector_load %arg7[%swap3A_750] {strides = array<i32>} : memref<112xi32, #tpu.memory_space<vmem>>, vector<16xi32>,
      %swap3A_752 = vector.shape_cast %swap3A_751 : vector<16xi32> to vector<16xi32>
      %swap3A_753 = vector.shape_cast %add3A_749 : vector<16xi32> to vector<16xi32>
      tpu.vector_store %arg7[%swap3A_750], %swap3A_753 {strides = array<i32>} : memref<112xi32, #tpu.memory_space<vmem>>, vector<16xi32>,
      %broadcast_in_dim3A_754 = arith.constant 8 : i32
      %broadcast_in_dim3A_755 = vector.broadcast %broadcast_in_dim3A_754 : i32 to vector<16xi32>
      %broadcast_in_dim3A_756 = vector.shape_cast %broadcast_in_dim3A_755 : vector<16xi32> to vector<16x1xi32>
      %gather3A_757 = vector.shape_cast %broadcast_in_dim3A_756 : vector<16x1xi32> to vector<16xi32>
      %gather3A_758 = tpu.dynamic_gather %add3A_645[%gather3A_757] in [0] : vector<16xi32>, vector<16xi32> -> vector<16xi32>
      %mul3A_759 = arith.constant 256 : i32
      %mul3A_760 = vector.broadcast %mul3A_759 : i32 to vector<16xi32>
      %mul3A_761 = arith.muli %gather3A_758, %mul3A_760 : vector<16xi32>
      %add3A_762 = arith.addi %mul3A_761, %add3A_649 : vector<16xi32>
      %swap3A_763 = arith.constant 16 : index
      %swap3A_764 = tpu.vector_load %arg7[%swap3A_763] {strides = array<i32>} : memref<112xi32, #tpu.memory_space<vmem>>, vector<16xi32>,
      %swap3A_765 = vector.shape_cast %swap3A_764 : vector<16xi32> to vector<16xi32>
      %swap3A_766 = vector.shape_cast %add3A_762 : vector<16xi32> to vector<16xi32>
      tpu.vector_store %arg7[%swap3A_763], %swap3A_766 {strides = array<i32>} : memref<112xi32, #tpu.memory_space<vmem>>, vector<16xi32>,
      %broadcast_in_dim3A_767 = arith.constant 9 : i32
      %broadcast_in_dim3A_768 = vector.broadcast %broadcast_in_dim3A_767 : i32 to vector<16xi32>
      %broadcast_in_dim3A_769 = vector.shape_cast %broadcast_in_dim3A_768 : vector<16xi32> to vector<16x1xi32>
      %gather3A_770 = vector.shape_cast %broadcast_in_dim3A_769 : vector<16x1xi32> to vector<16xi32>
      %gather3A_771 = tpu.dynamic_gather %add3A_645[%gather3A_770] in [0] : vector<16xi32>, vector<16xi32> -> vector<16xi32>
      %mul3A_772 = arith.constant 256 : i32
      %mul3A_773 = vector.broadcast %mul3A_772 : i32 to vector<16xi32>
      %mul3A_774 = arith.muli %gather3A_771, %mul3A_773 : vector<16xi32>
      %add3A_775 = arith.addi %mul3A_774, %add3A_649 : vector<16xi32>
      %swap3A_776 = arith.constant 32 : index
      %swap3A_777 = tpu.vector_load %arg7[%swap3A_776] {strides = array<i32>} : memref<112xi32, #tpu.memory_space<vmem>>, vector<16xi32>,
      %swap3A_778 = vector.shape_cast %swap3A_777 : vector<16xi32> to vector<16xi32>
      %swap3A_779 = vector.shape_cast %add3A_775 : vector<16xi32> to vector<16xi32>
      tpu.vector_store %arg7[%swap3A_776], %swap3A_779 {strides = array<i32>} : memref<112xi32, #tpu.memory_space<vmem>>, vector<16xi32>,
      %broadcast_in_dim3A_780 = arith.constant 10 : i32
      %broadcast_in_dim3A_781 = vector.broadcast %broadcast_in_dim3A_780 : i32 to vector<16xi32>
      %broadcast_in_dim3A_782 = vector.shape_cast %broadcast_in_dim3A_781 : vector<16xi32> to vector<16x1xi32>
      %gather3A_783 = vector.shape_cast %broadcast_in_dim3A_782 : vector<16x1xi32> to vector<16xi32>
      %gather3A_784 = tpu.dynamic_gather %add3A_645[%gather3A_783] in [0] : vector<16xi32>, vector<16xi32> -> vector<16xi32>
      %mul3A_785 = arith.constant 256 : i32
      %mul3A_786 = vector.broadcast %mul3A_785 : i32 to vector<16xi32>
      %mul3A_787 = arith.muli %gather3A_784, %mul3A_786 : vector<16xi32>
      %add3A_788 = arith.addi %mul3A_787, %add3A_649 : vector<16xi32>
      %swap3A_789 = arith.constant 48 : index
      %swap3A_790 = tpu.vector_load %arg7[%swap3A_789] {strides = array<i32>} : memref<112xi32, #tpu.memory_space<vmem>>, vector<16xi32>,
      %swap3A_791 = vector.shape_cast %swap3A_790 : vector<16xi32> to vector<16xi32>
      %swap3A_792 = vector.shape_cast %add3A_788 : vector<16xi32> to vector<16xi32>
      tpu.vector_store %arg7[%swap3A_789], %swap3A_792 {strides = array<i32>} : memref<112xi32, #tpu.memory_space<vmem>>, vector<16xi32>,
      %broadcast_in_dim3A_793 = arith.constant 11 : i32
      %broadcast_in_dim3A_794 = vector.broadcast %broadcast_in_dim3A_793 : i32 to vector<16xi32>
      %broadcast_in_dim3A_795 = vector.shape_cast %broadcast_in_dim3A_794 : vector<16xi32> to vector<16x1xi32>
      %gather3A_796 = vector.shape_cast %broadcast_in_dim3A_795 : vector<16x1xi32> to vector<16xi32>
      %gather3A_797 = tpu.dynamic_gather %add3A_645[%gather3A_796] in [0] : vector<16xi32>, vector<16xi32> -> vector<16xi32>
      %mul3A_798 = arith.constant 256 : i32
      %mul3A_799 = vector.broadcast %mul3A_798 : i32 to vector<16xi32>
      %mul3A_800 = arith.muli %gather3A_797, %mul3A_799 : vector<16xi32>
      %add3A_801 = arith.addi %mul3A_800, %add3A_649 : vector<16xi32>
      %swap3A_802 = arith.constant 64 : index
      %swap3A_803 = tpu.vector_load %arg7[%swap3A_802] {strides = array<i32>} : memref<112xi32, #tpu.memory_space<vmem>>, vector<16xi32>,
      %swap3A_804 = vector.shape_cast %swap3A_803 : vector<16xi32> to vector<16xi32>
      %swap3A_805 = vector.shape_cast %add3A_801 : vector<16xi32> to vector<16xi32>
      tpu.vector_store %arg7[%swap3A_802], %swap3A_805 {strides = array<i32>} : memref<112xi32, #tpu.memory_space<vmem>>, vector<16xi32>,
      %broadcast_in_dim3A_806 = arith.constant 12 : i32
      %broadcast_in_dim3A_807 = vector.broadcast %broadcast_in_dim3A_806 : i32 to vector<16xi32>
      %broadcast_in_dim3A_808 = vector.shape_cast %broadcast_in_dim3A_807 : vector<16xi32> to vector<16x1xi32>
      %gather3A_809 = vector.shape_cast %broadcast_in_dim3A_808 : vector<16x1xi32> to vector<16xi32>
      %gather3A_810 = tpu.dynamic_gather %add3A_645[%gather3A_809] in [0] : vector<16xi32>, vector<16xi32> -> vector<16xi32>
      %mul3A_811 = arith.constant 256 : i32
      %mul3A_812 = vector.broadcast %mul3A_811 : i32 to vector<16xi32>
      %mul3A_813 = arith.muli %gather3A_810, %mul3A_812 : vector<16xi32>
      %add3A_814 = arith.addi %mul3A_813, %add3A_649 : vector<16xi32>
      %swap3A_815 = arith.constant 80 : index
      %swap3A_816 = tpu.vector_load %arg7[%swap3A_815] {strides = array<i32>} : memref<112xi32, #tpu.memory_space<vmem>>, vector<16xi32>,
      %swap3A_817 = vector.shape_cast %swap3A_816 : vector<16xi32> to vector<16xi32>
      %swap3A_818 = vector.shape_cast %add3A_814 : vector<16xi32> to vector<16xi32>
      tpu.vector_store %arg7[%swap3A_815], %swap3A_818 {strides = array<i32>} : memref<112xi32, #tpu.memory_space<vmem>>, vector<16xi32>,
      %broadcast_in_dim3A_819 = arith.constant 13 : i32
      %broadcast_in_dim3A_820 = vector.broadcast %broadcast_in_dim3A_819 : i32 to vector<16xi32>
      %broadcast_in_dim3A_821 = vector.shape_cast %broadcast_in_dim3A_820 : vector<16xi32> to vector<16x1xi32>
      %gather3A_822 = vector.shape_cast %broadcast_in_dim3A_821 : vector<16x1xi32> to vector<16xi32>
      %gather3A_823 = tpu.dynamic_gather %add3A_645[%gather3A_822] in [0] : vector<16xi32>, vector<16xi32> -> vector<16xi32>
      %mul3A_824 = arith.constant 256 : i32
      %mul3A_825 = vector.broadcast %mul3A_824 : i32 to vector<16xi32>
      %mul3A_826 = arith.muli %gather3A_823, %mul3A_825 : vector<16xi32>
      %add3A_827 = arith.addi %mul3A_826, %add3A_649 : vector<16xi32>
      %swap3A_828 = arith.constant 96 : index
      %swap3A_829 = tpu.vector_load %arg7[%swap3A_828] {strides = array<i32>} : memref<112xi32, #tpu.memory_space<vmem>>, vector<16xi32>,
      %swap3A_830 = vector.shape_cast %swap3A_829 : vector<16xi32> to vector<16xi32>
      %swap3A_831 = vector.shape_cast %add3A_827 : vector<16xi32> to vector<16xi32>
      tpu.vector_store %arg7[%swap3A_828], %swap3A_831 {strides = array<i32>} : memref<112xi32, #tpu.memory_space<vmem>>, vector<16xi32>,
      %lt3A_832 = arith.cmpi slt, %add3A_316, %min3A_4 : i32
      %convert_element_type3A_833 = arith.extui %lt3A_832 : i1 to i32
      %cond3A_834 = arith.constant 0 : i32
      %cond3A_835 = arith.cmpi ne, %convert_element_type3A_833, %cond3A_834 : i32
      scf.if %cond3A_835 {
        %dma_start3A_840 = arith.constant 0 : i32
        %dma_start3A_841 = arith.constant 0 : i32
        %dma_start3A_842 = tpu.memref_slice %arg10[%dma_start3A_840, %dma_start3A_841] : memref<224x256xf32, #tpu.memory_space<vmem>> -> memref<112x256xf32, #tpu.memory_space<vmem>>
        %dma_start3A_843 = arith.constant 0 : i32
        %dma_start3A_844 = arith.constant 0 : i32
        %dma_start3A_845 = tpu.memref_slice %arg2[%dma_start3A_843, %dma_start3A_844] : memref<65536x256xf32, #tpu.memory_space<hbm>> -> memref<65536x256xf32, #tpu.memory_space<hbm>>
        tpu.enqueue_indirect_dma source(%dma_start3A_845 : memref<65536x256xf32, #tpu.memory_space<hbm>>) target(%dma_start3A_842 : memref<112x256xf32, #tpu.memory_space<vmem>>) offsets(%arg6 : memref<112xi32, #tpu.memory_space<vmem>>) semaphore(%arg13 : memref<!tpu.dma_semaphore, #tpu.memory_space<semaphore_mem>>)
        %dma_start3A_846 = arith.constant 112 : i32
        %dma_start3A_847 = arith.constant 0 : i32
        %dma_start3A_848 = tpu.memref_slice %arg10[%dma_start3A_846, %dma_start3A_847] : memref<224x256xf32, #tpu.memory_space<vmem>> -> memref<112x256xf32, #tpu.memory_space<vmem>>
        %dma_start3A_849 = arith.constant 0 : i32
        %dma_start3A_850 = arith.constant 0 : i32
        %dma_start3A_851 = tpu.memref_slice %arg2[%dma_start3A_849, %dma_start3A_850] : memref<65536x256xf32, #tpu.memory_space<hbm>> -> memref<65536x256xf32, #tpu.memory_space<hbm>>
        tpu.enqueue_indirect_dma source(%dma_start3A_851 : memref<65536x256xf32, #tpu.memory_space<hbm>>) target(%dma_start3A_848 : memref<112x256xf32, #tpu.memory_space<vmem>>) offsets(%arg7 : memref<112xi32, #tpu.memory_space<vmem>>) semaphore(%arg13 : memref<!tpu.dma_semaphore, #tpu.memory_space<semaphore_mem>>)
      } else {
      }
      %lt3A_836 = arith.cmpi slt, %add3A_314, %min3A_4 : i32
      %convert_element_type3A_837 = arith.extui %lt3A_836 : i1 to i32
      %cond3A_838 = arith.constant 0 : i32
      %cond3A_839 = arith.cmpi ne, %convert_element_type3A_837, %cond3A_838 : i32
      scf.if %cond3A_839 {
        %dma_wait3A_840 = arith.constant 0 : i32
        %dma_wait3A_841 = arith.constant 0 : i32
        %dma_wait3A_842 = tpu.memref_slice %arg11[%dma_wait3A_840, %dma_wait3A_841] : memref<224x256xf32, #tpu.memory_space<vmem>> -> memref<112x256xf32, #tpu.memory_space<vmem>>
        %dma_wait3A_843 = arith.constant 0 : i32
        %dma_wait3A_844 = arith.constant 0 : i32
        %dma_wait3A_845 = tpu.memref_slice %arg2[%dma_wait3A_843, %dma_wait3A_844] : memref<65536x256xf32, #tpu.memory_space<hbm>> -> memref<65536x256xf32, #tpu.memory_space<hbm>>
        tpu.wait_indirect_dma semaphore(%arg14 : memref<!tpu.dma_semaphore, #tpu.memory_space<semaphore_mem>>) src(%dma_wait3A_845 : memref<65536x256xf32, #tpu.memory_space<hbm>>) dst(%dma_wait3A_842 : memref<112x256xf32, #tpu.memory_space<vmem>>)
        %dma_wait3A_846 = arith.constant 112 : i32
        %dma_wait3A_847 = arith.constant 0 : i32
        %dma_wait3A_848 = tpu.memref_slice %arg11[%dma_wait3A_846, %dma_wait3A_847] : memref<224x256xf32, #tpu.memory_space<vmem>> -> memref<112x256xf32, #tpu.memory_space<vmem>>
        %dma_wait3A_849 = arith.constant 0 : i32
        %dma_wait3A_850 = arith.constant 0 : i32
        %dma_wait3A_851 = tpu.memref_slice %arg2[%dma_wait3A_849, %dma_wait3A_850] : memref<65536x256xf32, #tpu.memory_space<hbm>> -> memref<65536x256xf32, #tpu.memory_space<hbm>>
        tpu.wait_indirect_dma semaphore(%arg14 : memref<!tpu.dma_semaphore, #tpu.memory_space<semaphore_mem>>) src(%dma_wait3A_851 : memref<65536x256xf32, #tpu.memory_space<hbm>>) dst(%dma_wait3A_848 : memref<112x256xf32, #tpu.memory_space<vmem>>)
        %dma_wait3A_852 = arith.constant 0 : i32
        %dma_wait3A_853 = arith.constant 0 : i32
        %dma_wait3A_854 = tpu.memref_slice %arg4[%mul3A_2, %dma_wait3A_852, %dma_wait3A_853] : memref<1000x49x256xf32, #tpu.memory_space<hbm>> -> memref<1x49x256xf32, #tpu.memory_space<hbm>>
        %dma_wait3A_855 = tpu.memref_squeeze %dma_wait3A_854 : memref<1x49x256xf32, #tpu.memory_space<hbm>> -> memref<49x256xf32, #tpu.memory_space<hbm>>
        %dma_wait3A_856 = arith.constant 0 : i32
        %dma_wait3A_857 = arith.constant 0 : i32
        %dma_wait3A_858 = tpu.memref_slice %arg4[%mul3A_2, %dma_wait3A_856, %dma_wait3A_857] : memref<1000x49x256xf32, #tpu.memory_space<hbm>> -> memref<1x49x256xf32, #tpu.memory_space<hbm>>
        %dma_wait3A_859 = tpu.memref_squeeze %dma_wait3A_858 : memref<1x49x256xf32, #tpu.memory_space<hbm>> -> memref<49x256xf32, #tpu.memory_space<hbm>>
        tpu.wait_dma2 semaphore(%arg15 : memref<!tpu.dma_semaphore, #tpu.memory_space<semaphore_mem>>) src(%arg12 : memref<49x256xf32, #tpu.memory_space<vmem>>) dst(%dma_wait3A_859 : memref<49x256xf32, #tpu.memory_space<hbm>>)
        %parallel_loop3A_860 = arith.constant 0 : i32
        %parallel_loop3A_861 = arith.constant 49 : i32
        %parallel_loop3A_862 = arith.constant 1 : i32
        scf.for %parallel_loop3A_872 = %parallel_loop3A_860 to %parallel_loop3A_861 step %parallel_loop3A_862  : i32 {
          %parallel_loop3A_873 = arith.constant 7 : i32
          %parallel_loop3A_874 = arith.divsi %parallel_loop3A_872, %parallel_loop3A_873 : i32
          %parallel_loop3A_875 = arith.constant 0 : i32
          %parallel_loop3A_876 = arith.cmpi sgt, %parallel_loop3A_872, %parallel_loop3A_875 : i32
          %parallel_loop3A_877 = arith.extui %parallel_loop3A_876 : i1 to i32
          %parallel_loop3A_878 = arith.constant 0 : i32
          %parallel_loop3A_879 = arith.cmpi slt, %parallel_loop3A_872, %parallel_loop3A_878 : i32
          %parallel_loop3A_880 = arith.extui %parallel_loop3A_879 : i1 to i32
          %parallel_loop3A_881 = arith.subi %parallel_loop3A_877, %parallel_loop3A_880 : i32
          %parallel_loop3A_882 = arith.constant 0 : i32
          %parallel_loop3A_883 = arith.cmpi sgt, %parallel_loop3A_873, %parallel_loop3A_882 : i32
          %parallel_loop3A_884 = arith.extui %parallel_loop3A_883 : i1 to i32
          %parallel_loop3A_885 = arith.constant 0 : i32
          %parallel_loop3A_886 = arith.cmpi slt, %parallel_loop3A_873, %parallel_loop3A_885 : i32
          %parallel_loop3A_887 = arith.extui %parallel_loop3A_886 : i1 to i32
          %parallel_loop3A_888 = arith.subi %parallel_loop3A_884, %parallel_loop3A_887 : i32
          %parallel_loop3A_889 = arith.cmpi ne, %parallel_loop3A_881, %parallel_loop3A_888 : i32
          %parallel_loop3A_890 = arith.remsi %parallel_loop3A_872, %parallel_loop3A_873 : i32
          %parallel_loop3A_891 = arith.constant 0 : i32
          %parallel_loop3A_892 = arith.cmpi ne, %parallel_loop3A_890, %parallel_loop3A_891 : i32
          %parallel_loop3A_893 = arith.andi %parallel_loop3A_889, %parallel_loop3A_892 : i1
          %parallel_loop3A_894 = arith.constant 1 : i32
          %parallel_loop3A_895 = arith.subi %parallel_loop3A_874, %parallel_loop3A_894 : i32
          %parallel_loop3A_896 = arith.select %parallel_loop3A_893, %parallel_loop3A_895, %parallel_loop3A_874 : i32
          %parallel_loop3A_897 = arith.constant 7 : i32
          %parallel_loop3A_898 = arith.muli %parallel_loop3A_896, %parallel_loop3A_897 : i32
          %parallel_loop3A_899 = arith.subi %parallel_loop3A_872, %parallel_loop3A_898 : i32
          %parallel_loop3A_900 = vector.broadcast %parallel_loop3A_896 : i32 to vector<16xi32>
          %parallel_loop3A_901 = vector.shape_cast %parallel_loop3A_900 : vector<16xi32> to vector<16x1xi32>
          %parallel_loop3A_902 = vector.shape_cast %parallel_loop3A_901 : vector<16x1xi32> to vector<16xi32>
          %parallel_loop3A_903 = tpu.dynamic_gather %sub3A_365[%parallel_loop3A_902] in [0] : vector<16xf32>, vector<16xi32> -> vector<16xf32>
          %parallel_loop3A_904 = vector.broadcast %parallel_loop3A_899 : i32 to vector<16xi32>
          %parallel_loop3A_905 = vector.shape_cast %parallel_loop3A_904 : vector<16xi32> to vector<16x1xi32>
          %parallel_loop3A_906 = vector.shape_cast %parallel_loop3A_905 : vector<16x1xi32> to vector<16xi32>
          %parallel_loop3A_907 = tpu.dynamic_gather %sub3A_367[%parallel_loop3A_906] in [0] : vector<16xf32>, vector<16xi32> -> vector<16xf32>
          %parallel_loop3A_908 = arith.mulf %parallel_loop3A_903, %parallel_loop3A_907 : vector<16xf32>
          %parallel_loop3A_909 = arith.subf %parallel_loop3A_907, %parallel_loop3A_908 : vector<16xf32>
          %parallel_loop3A_910 = arith.subf %parallel_loop3A_903, %parallel_loop3A_908 : vector<16xf32>
          %parallel_loop3A_911 = arith.constant 1.000000e+00 : f32
          %parallel_loop3A_912 = vector.broadcast %parallel_loop3A_911 : f32 to vector<16xf32>
          %parallel_loop3A_913 = arith.subf %parallel_loop3A_912, %parallel_loop3A_907 : vector<16xf32>
          %parallel_loop3A_914 = arith.subf %parallel_loop3A_913, %parallel_loop3A_910 : vector<16xf32>
          %parallel_loop3A_915 = arith.constant 32 : i32
          %parallel_loop3A_916 = arith.muli %parallel_loop3A_896, %parallel_loop3A_915 : i32
          %parallel_loop3A_917 = arith.constant 2 : i32
          %parallel_loop3A_918 = arith.muli %parallel_loop3A_899, %parallel_loop3A_917 : i32
          %parallel_loop3A_919 = arith.addi %parallel_loop3A_916, %parallel_loop3A_918 : i32
          %parallel_loop3A_920 = arith.index_cast %parallel_loop3A_919 : i32 to index
          %parallel_loop3A_921 = arith.constant 0 : index
          %parallel_loop3A_922 = tpu.vector_load %arg11[%parallel_loop3A_920, %parallel_loop3A_921] {strides = array<i32>} : memref<224x256xf32, #tpu.memory_space<vmem>>, vector<1x16xf32>,
          %parallel_loop3A_923 = vector.shape_cast %parallel_loop3A_922 : vector<1x16xf32> to vector<16xf32>
          %parallel_loop3A_924 = arith.constant 1 : i32
          %parallel_loop3A_925 = arith.addi %parallel_loop3A_919, %parallel_loop3A_924 : i32
          %parallel_loop3A_926 = arith.index_cast %parallel_loop3A_925 : i32 to index
          %parallel_loop3A_927 = arith.constant 0 : index
          %parallel_loop3A_928 = tpu.vector_load %arg11[%parallel_loop3A_926, %parallel_loop3A_927] {strides = array<i32>} : memref<224x256xf32, #tpu.memory_space<vmem>>, vector<1x16xf32>,
          %parallel_loop3A_929 = vector.shape_cast %parallel_loop3A_928 : vector<1x16xf32> to vector<16xf32>
          %parallel_loop3A_930 = arith.constant 16 : i32
          %parallel_loop3A_931 = arith.addi %parallel_loop3A_919, %parallel_loop3A_930 : i32
          %parallel_loop3A_932 = arith.index_cast %parallel_loop3A_931 : i32 to index
          %parallel_loop3A_933 = arith.constant 0 : index
          %parallel_loop3A_934 = tpu.vector_load %arg11[%parallel_loop3A_932, %parallel_loop3A_933] {strides = array<i32>} : memref<224x256xf32, #tpu.memory_space<vmem>>, vector<1x16xf32>,
          %parallel_loop3A_935 = vector.shape_cast %parallel_loop3A_934 : vector<1x16xf32> to vector<16xf32>
          %parallel_loop3A_936 = arith.constant 16 : i32
          %parallel_loop3A_937 = arith.addi %parallel_loop3A_919, %parallel_loop3A_936 : i32
          %parallel_loop3A_938 = arith.constant 1 : i32
          %parallel_loop3A_939 = arith.addi %parallel_loop3A_937, %parallel_loop3A_938 : i32
          %parallel_loop3A_940 = arith.index_cast %parallel_loop3A_939 : i32 to index
          %parallel_loop3A_941 = arith.constant 0 : index
          %parallel_loop3A_942 = tpu.vector_load %arg11[%parallel_loop3A_940, %parallel_loop3A_941] {strides = array<i32>} : memref<224x256xf32, #tpu.memory_space<vmem>>, vector<1x16xf32>,
          %parallel_loop3A_943 = vector.shape_cast %parallel_loop3A_942 : vector<1x16xf32> to vector<16xf32>
          %parallel_loop3A_944 = arith.mulf %parallel_loop3A_923, %parallel_loop3A_914 : vector<16xf32>
          %parallel_loop3A_945 = arith.mulf %parallel_loop3A_929, %parallel_loop3A_909 : vector<16xf32>
          %parallel_loop3A_946 = arith.addf %parallel_loop3A_944, %parallel_loop3A_945 : vector<16xf32>
          %parallel_loop3A_947 = arith.mulf %parallel_loop3A_935, %parallel_loop3A_910 : vector<16xf32>
          %parallel_loop3A_948 = arith.mulf %parallel_loop3A_943, %parallel_loop3A_908 : vector<16xf32>
          %parallel_loop3A_949 = arith.addf %parallel_loop3A_947, %parallel_loop3A_948 : vector<16xf32>
          %parallel_loop3A_950 = arith.addf %parallel_loop3A_946, %parallel_loop3A_949 : vector<16xf32>
          %parallel_loop3A_951 = arith.index_cast %parallel_loop3A_872 : i32 to index
          %parallel_loop3A_952 = arith.constant 0 : index
          %parallel_loop3A_953 = tpu.vector_load %arg12[%parallel_loop3A_951, %parallel_loop3A_952] {strides = array<i32>} : memref<49x256xf32, #tpu.memory_space<vmem>>, vector<1x16xf32>,
          %parallel_loop3A_954 = vector.shape_cast %parallel_loop3A_953 : vector<1x16xf32> to vector<16xf32>
          %parallel_loop3A_955 = vector.shape_cast %parallel_loop3A_950 : vector<16xf32> to vector<1x16xf32>
          tpu.vector_store %arg12[%parallel_loop3A_951, %parallel_loop3A_952], %parallel_loop3A_955 {strides = array<i32>} : memref<49x256xf32, #tpu.memory_space<vmem>>, vector<1x16xf32>,
          %parallel_loop3A_956 = arith.index_cast %parallel_loop3A_919 : i32 to index
          %parallel_loop3A_957 = arith.constant 16 : index
          %parallel_loop3A_958 = tpu.vector_load %arg11[%parallel_loop3A_956, %parallel_loop3A_957] {strides = array<i32>} : memref<224x256xf32, #tpu.memory_space<vmem>>, vector<1x16xf32>,
          %parallel_loop3A_959 = vector.shape_cast %parallel_loop3A_958 : vector<1x16xf32> to vector<16xf32>
          %parallel_loop3A_960 = arith.constant 1 : i32
          %parallel_loop3A_961 = arith.addi %parallel_loop3A_919, %parallel_loop3A_960 : i32
          %parallel_loop3A_962 = arith.index_cast %parallel_loop3A_961 : i32 to index
          %parallel_loop3A_963 = arith.constant 16 : index
          %parallel_loop3A_964 = tpu.vector_load %arg11[%parallel_loop3A_962, %parallel_loop3A_963] {strides = array<i32>} : memref<224x256xf32, #tpu.memory_space<vmem>>, vector<1x16xf32>,
          %parallel_loop3A_965 = vector.shape_cast %parallel_loop3A_964 : vector<1x16xf32> to vector<16xf32>
          %parallel_loop3A_966 = arith.constant 16 : i32
          %parallel_loop3A_967 = arith.addi %parallel_loop3A_919, %parallel_loop3A_966 : i32
          %parallel_loop3A_968 = arith.index_cast %parallel_loop3A_967 : i32 to index
          %parallel_loop3A_969 = arith.constant 16 : index
          %parallel_loop3A_970 = tpu.vector_load %arg11[%parallel_loop3A_968, %parallel_loop3A_969] {strides = array<i32>} : memref<224x256xf32, #tpu.memory_space<vmem>>, vector<1x16xf32>,
          %parallel_loop3A_971 = vector.shape_cast %parallel_loop3A_970 : vector<1x16xf32> to vector<16xf32>
          %parallel_loop3A_972 = arith.constant 16 : i32
          %parallel_loop3A_973 = arith.addi %parallel_loop3A_919, %parallel_loop3A_972 : i32
          %parallel_loop3A_974 = arith.constant 1 : i32
          %parallel_loop3A_975 = arith.addi %parallel_loop3A_973, %parallel_loop3A_974 : i32
          %parallel_loop3A_976 = arith.index_cast %parallel_loop3A_975 : i32 to index
          %parallel_loop3A_977 = arith.constant 16 : index
          %parallel_loop3A_978 = tpu.vector_load %arg11[%parallel_loop3A_976, %parallel_loop3A_977] {strides = array<i32>} : memref<224x256xf32, #tpu.memory_space<vmem>>, vector<1x16xf32>,
          %parallel_loop3A_979 = vector.shape_cast %parallel_loop3A_978 : vector<1x16xf32> to vector<16xf32>
          %parallel_loop3A_980 = arith.mulf %parallel_loop3A_959, %parallel_loop3A_914 : vector<16xf32>
          %parallel_loop3A_981 = arith.mulf %parallel_loop3A_965, %parallel_loop3A_909 : vector<16xf32>
          %parallel_loop3A_982 = arith.addf %parallel_loop3A_980, %parallel_loop3A_981 : vector<16xf32>
          %parallel_loop3A_983 = arith.mulf %parallel_loop3A_971, %parallel_loop3A_910 : vector<16xf32>
          %parallel_loop3A_984 = arith.mulf %parallel_loop3A_979, %parallel_loop3A_908 : vector<16xf32>
          %parallel_loop3A_985 = arith.addf %parallel_loop3A_983, %parallel_loop3A_984 : vector<16xf32>
          %parallel_loop3A_986 = arith.addf %parallel_loop3A_982, %parallel_loop3A_985 : vector<16xf32>
          %parallel_loop3A_987 = arith.index_cast %parallel_loop3A_872 : i32 to index
          %parallel_loop3A_988 = arith.constant 16 : index
          %parallel_loop3A_989 = tpu.vector_load %arg12[%parallel_loop3A_987, %parallel_loop3A_988] {strides = array<i32>} : memref<49x256xf32, #tpu.memory_space<vmem>>, vector<1x16xf32>,
          %parallel_loop3A_990 = vector.shape_cast %parallel_loop3A_989 : vector<1x16xf32> to vector<16xf32>
          %parallel_loop3A_991 = vector.shape_cast %parallel_loop3A_986 : vector<16xf32> to vector<1x16xf32>
          tpu.vector_store %arg12[%parallel_loop3A_987, %parallel_loop3A_988], %parallel_loop3A_991 {strides = array<i32>} : memref<49x256xf32, #tpu.memory_space<vmem>>, vector<1x16xf32>,
          %parallel_loop3A_992 = arith.index_cast %parallel_loop3A_919 : i32 to index
          %parallel_loop3A_993 = arith.constant 32 : index
          %parallel_loop3A_994 = tpu.vector_load %arg11[%parallel_loop3A_992, %parallel_loop3A_993] {strides = array<i32>} : memref<224x256xf32, #tpu.memory_space<vmem>>, vector<1x16xf32>,
          %parallel_loop3A_995 = vector.shape_cast %parallel_loop3A_994 : vector<1x16xf32> to vector<16xf32>
          %parallel_loop3A_996 = arith.constant 1 : i32
          %parallel_loop3A_997 = arith.addi %parallel_loop3A_919, %parallel_loop3A_996 : i32
          %parallel_loop3A_998 = arith.index_cast %parallel_loop3A_997 : i32 to index
          %parallel_loop3A_999 = arith.constant 32 : index
          %parallel_loop3A_1000 = tpu.vector_load %arg11[%parallel_loop3A_998, %parallel_loop3A_999] {strides = array<i32>} : memref<224x256xf32, #tpu.memory_space<vmem>>, vector<1x16xf32>,
          %parallel_loop3A_1001 = vector.shape_cast %parallel_loop3A_1000 : vector<1x16xf32> to vector<16xf32>
          %parallel_loop3A_1002 = arith.constant 16 : i32
          %parallel_loop3A_1003 = arith.addi %parallel_loop3A_919, %parallel_loop3A_1002 : i32
          %parallel_loop3A_1004 = arith.index_cast %parallel_loop3A_1003 : i32 to index
          %parallel_loop3A_1005 = arith.constant 32 : index
          %parallel_loop3A_1006 = tpu.vector_load %arg11[%parallel_loop3A_1004, %parallel_loop3A_1005] {strides = array<i32>} : memref<224x256xf32, #tpu.memory_space<vmem>>, vector<1x16xf32>,
          %parallel_loop3A_1007 = vector.shape_cast %parallel_loop3A_1006 : vector<1x16xf32> to vector<16xf32>
          %parallel_loop3A_1008 = arith.constant 16 : i32
          %parallel_loop3A_1009 = arith.addi %parallel_loop3A_919, %parallel_loop3A_1008 : i32
          %parallel_loop3A_1010 = arith.constant 1 : i32
          %parallel_loop3A_1011 = arith.addi %parallel_loop3A_1009, %parallel_loop3A_1010 : i32
          %parallel_loop3A_1012 = arith.index_cast %parallel_loop3A_1011 : i32 to index
          %parallel_loop3A_1013 = arith.constant 32 : index
          %parallel_loop3A_1014 = tpu.vector_load %arg11[%parallel_loop3A_1012, %parallel_loop3A_1013] {strides = array<i32>} : memref<224x256xf32, #tpu.memory_space<vmem>>, vector<1x16xf32>,
          %parallel_loop3A_1015 = vector.shape_cast %parallel_loop3A_1014 : vector<1x16xf32> to vector<16xf32>
          %parallel_loop3A_1016 = arith.mulf %parallel_loop3A_995, %parallel_loop3A_914 : vector<16xf32>
          %parallel_loop3A_1017 = arith.mulf %parallel_loop3A_1001, %parallel_loop3A_909 : vector<16xf32>
          %parallel_loop3A_1018 = arith.addf %parallel_loop3A_1016, %parallel_loop3A_1017 : vector<16xf32>
          %parallel_loop3A_1019 = arith.mulf %parallel_loop3A_1007, %parallel_loop3A_910 : vector<16xf32>
          %parallel_loop3A_1020 = arith.mulf %parallel_loop3A_1015, %parallel_loop3A_908 : vector<16xf32>
          %parallel_loop3A_1021 = arith.addf %parallel_loop3A_1019, %parallel_loop3A_1020 : vector<16xf32>
          %parallel_loop3A_1022 = arith.addf %parallel_loop3A_1018, %parallel_loop3A_1021 : vector<16xf32>
          %parallel_loop3A_1023 = arith.index_cast %parallel_loop3A_872 : i32 to index
          %parallel_loop3A_1024 = arith.constant 32 : index
          %parallel_loop3A_1025 = tpu.vector_load %arg12[%parallel_loop3A_1023, %parallel_loop3A_1024] {strides = array<i32>} : memref<49x256xf32, #tpu.memory_space<vmem>>, vector<1x16xf32>,
          %parallel_loop3A_1026 = vector.shape_cast %parallel_loop3A_1025 : vector<1x16xf32> to vector<16xf32>
          %parallel_loop3A_1027 = vector.shape_cast %parallel_loop3A_1022 : vector<16xf32> to vector<1x16xf32>
          tpu.vector_store %arg12[%parallel_loop3A_1023, %parallel_loop3A_1024], %parallel_loop3A_1027 {strides = array<i32>} : memref<49x256xf32, #tpu.memory_space<vmem>>, vector<1x16xf32>,
          %parallel_loop3A_1028 = arith.index_cast %parallel_loop3A_919 : i32 to index
          %parallel_loop3A_1029 = arith.constant 48 : index
          %parallel_loop3A_1030 = tpu.vector_load %arg11[%parallel_loop3A_1028, %parallel_loop3A_1029] {strides = array<i32>} : memref<224x256xf32, #tpu.memory_space<vmem>>, vector<1x16xf32>,
          %parallel_loop3A_1031 = vector.shape_cast %parallel_loop3A_1030 : vector<1x16xf32> to vector<16xf32>
          %parallel_loop3A_1032 = arith.constant 1 : i32
          %parallel_loop3A_1033 = arith.addi %parallel_loop3A_919, %parallel_loop3A_1032 : i32
          %parallel_loop3A_1034 = arith.index_cast %parallel_loop3A_1033 : i32 to index
          %parallel_loop3A_1035 = arith.constant 48 : index
          %parallel_loop3A_1036 = tpu.vector_load %arg11[%parallel_loop3A_1034, %parallel_loop3A_1035] {strides = array<i32>} : memref<224x256xf32, #tpu.memory_space<vmem>>, vector<1x16xf32>,
          %parallel_loop3A_1037 = vector.shape_cast %parallel_loop3A_1036 : vector<1x16xf32> to vector<16xf32>
          %parallel_loop3A_1038 = arith.constant 16 : i32
          %parallel_loop3A_1039 = arith.addi %parallel_loop3A_919, %parallel_loop3A_1038 : i32
          %parallel_loop3A_1040 = arith.index_cast %parallel_loop3A_1039 : i32 to index
          %parallel_loop3A_1041 = arith.constant 48 : index
          %parallel_loop3A_1042 = tpu.vector_load %arg11[%parallel_loop3A_1040, %parallel_loop3A_1041] {strides = array<i32>} : memref<224x256xf32, #tpu.memory_space<vmem>>, vector<1x16xf32>,
          %parallel_loop3A_1043 = vector.shape_cast %parallel_loop3A_1042 : vector<1x16xf32> to vector<16xf32>
          %parallel_loop3A_1044 = arith.constant 16 : i32
          %parallel_loop3A_1045 = arith.addi %parallel_loop3A_919, %parallel_loop3A_1044 : i32
          %parallel_loop3A_1046 = arith.constant 1 : i32
          %parallel_loop3A_1047 = arith.addi %parallel_loop3A_1045, %parallel_loop3A_1046 : i32
          %parallel_loop3A_1048 = arith.index_cast %parallel_loop3A_1047 : i32 to index
          %parallel_loop3A_1049 = arith.constant 48 : index
          %parallel_loop3A_1050 = tpu.vector_load %arg11[%parallel_loop3A_1048, %parallel_loop3A_1049] {strides = array<i32>} : memref<224x256xf32, #tpu.memory_space<vmem>>, vector<1x16xf32>,
          %parallel_loop3A_1051 = vector.shape_cast %parallel_loop3A_1050 : vector<1x16xf32> to vector<16xf32>
          %parallel_loop3A_1052 = arith.mulf %parallel_loop3A_1031, %parallel_loop3A_914 : vector<16xf32>
          %parallel_loop3A_1053 = arith.mulf %parallel_loop3A_1037, %parallel_loop3A_909 : vector<16xf32>
          %parallel_loop3A_1054 = arith.addf %parallel_loop3A_1052, %parallel_loop3A_1053 : vector<16xf32>
          %parallel_loop3A_1055 = arith.mulf %parallel_loop3A_1043, %parallel_loop3A_910 : vector<16xf32>
          %parallel_loop3A_1056 = arith.mulf %parallel_loop3A_1051, %parallel_loop3A_908 : vector<16xf32>
          %parallel_loop3A_1057 = arith.addf %parallel_loop3A_1055, %parallel_loop3A_1056 : vector<16xf32>
          %parallel_loop3A_1058 = arith.addf %parallel_loop3A_1054, %parallel_loop3A_1057 : vector<16xf32>
          %parallel_loop3A_1059 = arith.index_cast %parallel_loop3A_872 : i32 to index
          %parallel_loop3A_1060 = arith.constant 48 : index
          %parallel_loop3A_1061 = tpu.vector_load %arg12[%parallel_loop3A_1059, %parallel_loop3A_1060] {strides = array<i32>} : memref<49x256xf32, #tpu.memory_space<vmem>>, vector<1x16xf32>,
          %parallel_loop3A_1062 = vector.shape_cast %parallel_loop3A_1061 : vector<1x16xf32> to vector<16xf32>
          %parallel_loop3A_1063 = vector.shape_cast %parallel_loop3A_1058 : vector<16xf32> to vector<1x16xf32>
          tpu.vector_store %arg12[%parallel_loop3A_1059, %parallel_loop3A_1060], %parallel_loop3A_1063 {strides = array<i32>} : memref<49x256xf32, #tpu.memory_space<vmem>>, vector<1x16xf32>,
          %parallel_loop3A_1064 = arith.index_cast %parallel_loop3A_919 : i32 to index
          %parallel_loop3A_1065 = arith.constant 64 : index
          %parallel_loop3A_1066 = tpu.vector_load %arg11[%parallel_loop3A_1064, %parallel_loop3A_1065] {strides = array<i32>} : memref<224x256xf32, #tpu.memory_space<vmem>>, vector<1x16xf32>,
          %parallel_loop3A_1067 = vector.shape_cast %parallel_loop3A_1066 : vector<1x16xf32> to vector<16xf32>
          %parallel_loop3A_1068 = arith.constant 1 : i32
          %parallel_loop3A_1069 = arith.addi %parallel_loop3A_919, %parallel_loop3A_1068 : i32
          %parallel_loop3A_1070 = arith.index_cast %parallel_loop3A_1069 : i32 to index
          %parallel_loop3A_1071 = arith.constant 64 : index
          %parallel_loop3A_1072 = tpu.vector_load %arg11[%parallel_loop3A_1070, %parallel_loop3A_1071] {strides = array<i32>} : memref<224x256xf32, #tpu.memory_space<vmem>>, vector<1x16xf32>,
          %parallel_loop3A_1073 = vector.shape_cast %parallel_loop3A_1072 : vector<1x16xf32> to vector<16xf32>
          %parallel_loop3A_1074 = arith.constant 16 : i32
          %parallel_loop3A_1075 = arith.addi %parallel_loop3A_919, %parallel_loop3A_1074 : i32
          %parallel_loop3A_1076 = arith.index_cast %parallel_loop3A_1075 : i32 to index
          %parallel_loop3A_1077 = arith.constant 64 : index
          %parallel_loop3A_1078 = tpu.vector_load %arg11[%parallel_loop3A_1076, %parallel_loop3A_1077] {strides = array<i32>} : memref<224x256xf32, #tpu.memory_space<vmem>>, vector<1x16xf32>,
          %parallel_loop3A_1079 = vector.shape_cast %parallel_loop3A_1078 : vector<1x16xf32> to vector<16xf32>
          %parallel_loop3A_1080 = arith.constant 16 : i32
          %parallel_loop3A_1081 = arith.addi %parallel_loop3A_919, %parallel_loop3A_1080 : i32
          %parallel_loop3A_1082 = arith.constant 1 : i32
          %parallel_loop3A_1083 = arith.addi %parallel_loop3A_1081, %parallel_loop3A_1082 : i32
          %parallel_loop3A_1084 = arith.index_cast %parallel_loop3A_1083 : i32 to index
          %parallel_loop3A_1085 = arith.constant 64 : index
          %parallel_loop3A_1086 = tpu.vector_load %arg11[%parallel_loop3A_1084, %parallel_loop3A_1085] {strides = array<i32>} : memref<224x256xf32, #tpu.memory_space<vmem>>, vector<1x16xf32>,
          %parallel_loop3A_1087 = vector.shape_cast %parallel_loop3A_1086 : vector<1x16xf32> to vector<16xf32>
          %parallel_loop3A_1088 = arith.mulf %parallel_loop3A_1067, %parallel_loop3A_914 : vector<16xf32>
          %parallel_loop3A_1089 = arith.mulf %parallel_loop3A_1073, %parallel_loop3A_909 : vector<16xf32>
          %parallel_loop3A_1090 = arith.addf %parallel_loop3A_1088, %parallel_loop3A_1089 : vector<16xf32>
          %parallel_loop3A_1091 = arith.mulf %parallel_loop3A_1079, %parallel_loop3A_910 : vector<16xf32>
          %parallel_loop3A_1092 = arith.mulf %parallel_loop3A_1087, %parallel_loop3A_908 : vector<16xf32>
          %parallel_loop3A_1093 = arith.addf %parallel_loop3A_1091, %parallel_loop3A_1092 : vector<16xf32>
          %parallel_loop3A_1094 = arith.addf %parallel_loop3A_1090, %parallel_loop3A_1093 : vector<16xf32>
          %parallel_loop3A_1095 = arith.index_cast %parallel_loop3A_872 : i32 to index
          %parallel_loop3A_1096 = arith.constant 64 : index
          %parallel_loop3A_1097 = tpu.vector_load %arg12[%parallel_loop3A_1095, %parallel_loop3A_1096] {strides = array<i32>} : memref<49x256xf32, #tpu.memory_space<vmem>>, vector<1x16xf32>,
          %parallel_loop3A_1098 = vector.shape_cast %parallel_loop3A_1097 : vector<1x16xf32> to vector<16xf32>
          %parallel_loop3A_1099 = vector.shape_cast %parallel_loop3A_1094 : vector<16xf32> to vector<1x16xf32>
          tpu.vector_store %arg12[%parallel_loop3A_1095, %parallel_loop3A_1096], %parallel_loop3A_1099 {strides = array<i32>} : memref<49x256xf32, #tpu.memory_space<vmem>>, vector<1x16xf32>,
          %parallel_loop3A_1100 = arith.index_cast %parallel_loop3A_919 : i32 to index
          %parallel_loop3A_1101 = arith.constant 80 : index
          %parallel_loop3A_1102 = tpu.vector_load %arg11[%parallel_loop3A_1100, %parallel_loop3A_1101] {strides = array<i32>} : memref<224x256xf32, #tpu.memory_space<vmem>>, vector<1x16xf32>,
          %parallel_loop3A_1103 = vector.shape_cast %parallel_loop3A_1102 : vector<1x16xf32> to vector<16xf32>
          %parallel_loop3A_1104 = arith.constant 1 : i32
          %parallel_loop3A_1105 = arith.addi %parallel_loop3A_919, %parallel_loop3A_1104 : i32
          %parallel_loop3A_1106 = arith.index_cast %parallel_loop3A_1105 : i32 to index
          %parallel_loop3A_1107 = arith.constant 80 : index
          %parallel_loop3A_1108 = tpu.vector_load %arg11[%parallel_loop3A_1106, %parallel_loop3A_1107] {strides = array<i32>} : memref<224x256xf32, #tpu.memory_space<vmem>>, vector<1x16xf32>,
          %parallel_loop3A_1109 = vector.shape_cast %parallel_loop3A_1108 : vector<1x16xf32> to vector<16xf32>
          %parallel_loop3A_1110 = arith.constant 16 : i32
          %parallel_loop3A_1111 = arith.addi %parallel_loop3A_919, %parallel_loop3A_1110 : i32
          %parallel_loop3A_1112 = arith.index_cast %parallel_loop3A_1111 : i32 to index
          %parallel_loop3A_1113 = arith.constant 80 : index
          %parallel_loop3A_1114 = tpu.vector_load %arg11[%parallel_loop3A_1112, %parallel_loop3A_1113] {strides = array<i32>} : memref<224x256xf32, #tpu.memory_space<vmem>>, vector<1x16xf32>,
          %parallel_loop3A_1115 = vector.shape_cast %parallel_loop3A_1114 : vector<1x16xf32> to vector<16xf32>
          %parallel_loop3A_1116 = arith.constant 16 : i32
          %parallel_loop3A_1117 = arith.addi %parallel_loop3A_919, %parallel_loop3A_1116 : i32
          %parallel_loop3A_1118 = arith.constant 1 : i32
          %parallel_loop3A_1119 = arith.addi %parallel_loop3A_1117, %parallel_loop3A_1118 : i32
          %parallel_loop3A_1120 = arith.index_cast %parallel_loop3A_1119 : i32 to index
          %parallel_loop3A_1121 = arith.constant 80 : index
          %parallel_loop3A_1122 = tpu.vector_load %arg11[%parallel_loop3A_1120, %parallel_loop3A_1121] {strides = array<i32>} : memref<224x256xf32, #tpu.memory_space<vmem>>, vector<1x16xf32>,
          %parallel_loop3A_1123 = vector.shape_cast %parallel_loop3A_1122 : vector<1x16xf32> to vector<16xf32>
          %parallel_loop3A_1124 = arith.mulf %parallel_loop3A_1103, %parallel_loop3A_914 : vector<16xf32>
          %parallel_loop3A_1125 = arith.mulf %parallel_loop3A_1109, %parallel_loop3A_909 : vector<16xf32>
          %parallel_loop3A_1126 = arith.addf %parallel_loop3A_1124, %parallel_loop3A_1125 : vector<16xf32>
          %parallel_loop3A_1127 = arith.mulf %parallel_loop3A_1115, %parallel_loop3A_910 : vector<16xf32>
          %parallel_loop3A_1128 = arith.mulf %parallel_loop3A_1123, %parallel_loop3A_908 : vector<16xf32>
          %parallel_loop3A_1129 = arith.addf %parallel_loop3A_1127, %parallel_loop3A_1128 : vector<16xf32>
          %parallel_loop3A_1130 = arith.addf %parallel_loop3A_1126, %parallel_loop3A_1129 : vector<16xf32>
          %parallel_loop3A_1131 = arith.index_cast %parallel_loop3A_872 : i32 to index
          %parallel_loop3A_1132 = arith.constant 80 : index
          %parallel_loop3A_1133 = tpu.vector_load %arg12[%parallel_loop3A_1131, %parallel_loop3A_1132] {strides = array<i32>} : memref<49x256xf32, #tpu.memory_space<vmem>>, vector<1x16xf32>,
          %parallel_loop3A_1134 = vector.shape_cast %parallel_loop3A_1133 : vector<1x16xf32> to vector<16xf32>
          %parallel_loop3A_1135 = vector.shape_cast %parallel_loop3A_1130 : vector<16xf32> to vector<1x16xf32>
          tpu.vector_store %arg12[%parallel_loop3A_1131, %parallel_loop3A_1132], %parallel_loop3A_1135 {strides = array<i32>} : memref<49x256xf32, #tpu.memory_space<vmem>>, vector<1x16xf32>,
          %parallel_loop3A_1136 = arith.index_cast %parallel_loop3A_919 : i32 to index
          %parallel_loop3A_1137 = arith.constant 96 : index
          %parallel_loop3A_1138 = tpu.vector_load %arg11[%parallel_loop3A_1136, %parallel_loop3A_1137] {strides = array<i32>} : memref<224x256xf32, #tpu.memory_space<vmem>>, vector<1x16xf32>,
          %parallel_loop3A_1139 = vector.shape_cast %parallel_loop3A_1138 : vector<1x16xf32> to vector<16xf32>
          %parallel_loop3A_1140 = arith.constant 1 : i32
          %parallel_loop3A_1141 = arith.addi %parallel_loop3A_919, %parallel_loop3A_1140 : i32
          %parallel_loop3A_1142 = arith.index_cast %parallel_loop3A_1141 : i32 to index
          %parallel_loop3A_1143 = arith.constant 96 : index
          %parallel_loop3A_1144 = tpu.vector_load %arg11[%parallel_loop3A_1142, %parallel_loop3A_1143] {strides = array<i32>} : memref<224x256xf32, #tpu.memory_space<vmem>>, vector<1x16xf32>,
          %parallel_loop3A_1145 = vector.shape_cast %parallel_loop3A_1144 : vector<1x16xf32> to vector<16xf32>
          %parallel_loop3A_1146 = arith.constant 16 : i32
          %parallel_loop3A_1147 = arith.addi %parallel_loop3A_919, %parallel_loop3A_1146 : i32
          %parallel_loop3A_1148 = arith.index_cast %parallel_loop3A_1147 : i32 to index
          %parallel_loop3A_1149 = arith.constant 96 : index
          %parallel_loop3A_1150 = tpu.vector_load %arg11[%parallel_loop3A_1148, %parallel_loop3A_1149] {strides = array<i32>} : memref<224x256xf32, #tpu.memory_space<vmem>>, vector<1x16xf32>,
          %parallel_loop3A_1151 = vector.shape_cast %parallel_loop3A_1150 : vector<1x16xf32> to vector<16xf32>
          %parallel_loop3A_1152 = arith.constant 16 : i32
          %parallel_loop3A_1153 = arith.addi %parallel_loop3A_919, %parallel_loop3A_1152 : i32
          %parallel_loop3A_1154 = arith.constant 1 : i32
          %parallel_loop3A_1155 = arith.addi %parallel_loop3A_1153, %parallel_loop3A_1154 : i32
          %parallel_loop3A_1156 = arith.index_cast %parallel_loop3A_1155 : i32 to index
          %parallel_loop3A_1157 = arith.constant 96 : index
          %parallel_loop3A_1158 = tpu.vector_load %arg11[%parallel_loop3A_1156, %parallel_loop3A_1157] {strides = array<i32>} : memref<224x256xf32, #tpu.memory_space<vmem>>, vector<1x16xf32>,
          %parallel_loop3A_1159 = vector.shape_cast %parallel_loop3A_1158 : vector<1x16xf32> to vector<16xf32>
          %parallel_loop3A_1160 = arith.mulf %parallel_loop3A_1139, %parallel_loop3A_914 : vector<16xf32>
          %parallel_loop3A_1161 = arith.mulf %parallel_loop3A_1145, %parallel_loop3A_909 : vector<16xf32>
          %parallel_loop3A_1162 = arith.addf %parallel_loop3A_1160, %parallel_loop3A_1161 : vector<16xf32>
          %parallel_loop3A_1163 = arith.mulf %parallel_loop3A_1151, %parallel_loop3A_910 : vector<16xf32>
          %parallel_loop3A_1164 = arith.mulf %parallel_loop3A_1159, %parallel_loop3A_908 : vector<16xf32>
          %parallel_loop3A_1165 = arith.addf %parallel_loop3A_1163, %parallel_loop3A_1164 : vector<16xf32>
          %parallel_loop3A_1166 = arith.addf %parallel_loop3A_1162, %parallel_loop3A_1165 : vector<16xf32>
          %parallel_loop3A_1167 = arith.index_cast %parallel_loop3A_872 : i32 to index
          %parallel_loop3A_1168 = arith.constant 96 : index
          %parallel_loop3A_1169 = tpu.vector_load %arg12[%parallel_loop3A_1167, %parallel_loop3A_1168] {strides = array<i32>} : memref<49x256xf32, #tpu.memory_space<vmem>>, vector<1x16xf32>,
          %parallel_loop3A_1170 = vector.shape_cast %parallel_loop3A_1169 : vector<1x16xf32> to vector<16xf32>
          %parallel_loop3A_1171 = vector.shape_cast %parallel_loop3A_1166 : vector<16xf32> to vector<1x16xf32>
          tpu.vector_store %arg12[%parallel_loop3A_1167, %parallel_loop3A_1168], %parallel_loop3A_1171 {strides = array<i32>} : memref<49x256xf32, #tpu.memory_space<vmem>>, vector<1x16xf32>,
          %parallel_loop3A_1172 = arith.index_cast %parallel_loop3A_919 : i32 to index
          %parallel_loop3A_1173 = arith.constant 112 : index
          %parallel_loop3A_1174 = tpu.vector_load %arg11[%parallel_loop3A_1172, %parallel_loop3A_1173] {strides = array<i32>} : memref<224x256xf32, #tpu.memory_space<vmem>>, vector<1x16xf32>,
          %parallel_loop3A_1175 = vector.shape_cast %parallel_loop3A_1174 : vector<1x16xf32> to vector<16xf32>
          %parallel_loop3A_1176 = arith.constant 1 : i32
          %parallel_loop3A_1177 = arith.addi %parallel_loop3A_919, %parallel_loop3A_1176 : i32
          %parallel_loop3A_1178 = arith.index_cast %parallel_loop3A_1177 : i32 to index
          %parallel_loop3A_1179 = arith.constant 112 : index
          %parallel_loop3A_1180 = tpu.vector_load %arg11[%parallel_loop3A_1178, %parallel_loop3A_1179] {strides = array<i32>} : memref<224x256xf32, #tpu.memory_space<vmem>>, vector<1x16xf32>,
          %parallel_loop3A_1181 = vector.shape_cast %parallel_loop3A_1180 : vector<1x16xf32> to vector<16xf32>
          %parallel_loop3A_1182 = arith.constant 16 : i32
          %parallel_loop3A_1183 = arith.addi %parallel_loop3A_919, %parallel_loop3A_1182 : i32
          %parallel_loop3A_1184 = arith.index_cast %parallel_loop3A_1183 : i32 to index
          %parallel_loop3A_1185 = arith.constant 112 : index
          %parallel_loop3A_1186 = tpu.vector_load %arg11[%parallel_loop3A_1184, %parallel_loop3A_1185] {strides = array<i32>} : memref<224x256xf32, #tpu.memory_space<vmem>>, vector<1x16xf32>,
          %parallel_loop3A_1187 = vector.shape_cast %parallel_loop3A_1186 : vector<1x16xf32> to vector<16xf32>
          %parallel_loop3A_1188 = arith.constant 16 : i32
          %parallel_loop3A_1189 = arith.addi %parallel_loop3A_919, %parallel_loop3A_1188 : i32
          %parallel_loop3A_1190 = arith.constant 1 : i32
          %parallel_loop3A_1191 = arith.addi %parallel_loop3A_1189, %parallel_loop3A_1190 : i32
          %parallel_loop3A_1192 = arith.index_cast %parallel_loop3A_1191 : i32 to index
          %parallel_loop3A_1193 = arith.constant 112 : index
          %parallel_loop3A_1194 = tpu.vector_load %arg11[%parallel_loop3A_1192, %parallel_loop3A_1193] {strides = array<i32>} : memref<224x256xf32, #tpu.memory_space<vmem>>, vector<1x16xf32>,
          %parallel_loop3A_1195 = vector.shape_cast %parallel_loop3A_1194 : vector<1x16xf32> to vector<16xf32>
          %parallel_loop3A_1196 = arith.mulf %parallel_loop3A_1175, %parallel_loop3A_914 : vector<16xf32>
          %parallel_loop3A_1197 = arith.mulf %parallel_loop3A_1181, %parallel_loop3A_909 : vector<16xf32>
          %parallel_loop3A_1198 = arith.addf %parallel_loop3A_1196, %parallel_loop3A_1197 : vector<16xf32>
          %parallel_loop3A_1199 = arith.mulf %parallel_loop3A_1187, %parallel_loop3A_910 : vector<16xf32>
          %parallel_loop3A_1200 = arith.mulf %parallel_loop3A_1195, %parallel_loop3A_908 : vector<16xf32>
          %parallel_loop3A_1201 = arith.addf %parallel_loop3A_1199, %parallel_loop3A_1200 : vector<16xf32>
          %parallel_loop3A_1202 = arith.addf %parallel_loop3A_1198, %parallel_loop3A_1201 : vector<16xf32>
          %parallel_loop3A_1203 = arith.index_cast %parallel_loop3A_872 : i32 to index
          %parallel_loop3A_1204 = arith.constant 112 : index
          %parallel_loop3A_1205 = tpu.vector_load %arg12[%parallel_loop3A_1203, %parallel_loop3A_1204] {strides = array<i32>} : memref<49x256xf32, #tpu.memory_space<vmem>>, vector<1x16xf32>,
          %parallel_loop3A_1206 = vector.shape_cast %parallel_loop3A_1205 : vector<1x16xf32> to vector<16xf32>
          %parallel_loop3A_1207 = vector.shape_cast %parallel_loop3A_1202 : vector<16xf32> to vector<1x16xf32>
          tpu.vector_store %arg12[%parallel_loop3A_1203, %parallel_loop3A_1204], %parallel_loop3A_1207 {strides = array<i32>} : memref<49x256xf32, #tpu.memory_space<vmem>>, vector<1x16xf32>,
          %parallel_loop3A_1208 = arith.index_cast %parallel_loop3A_919 : i32 to index
          %parallel_loop3A_1209 = arith.constant 128 : index
          %parallel_loop3A_1210 = tpu.vector_load %arg11[%parallel_loop3A_1208, %parallel_loop3A_1209] {strides = array<i32>} : memref<224x256xf32, #tpu.memory_space<vmem>>, vector<1x16xf32>,
          %parallel_loop3A_1211 = vector.shape_cast %parallel_loop3A_1210 : vector<1x16xf32> to vector<16xf32>
          %parallel_loop3A_1212 = arith.constant 1 : i32
          %parallel_loop3A_1213 = arith.addi %parallel_loop3A_919, %parallel_loop3A_1212 : i32
          %parallel_loop3A_1214 = arith.index_cast %parallel_loop3A_1213 : i32 to index
          %parallel_loop3A_1215 = arith.constant 128 : index
          %parallel_loop3A_1216 = tpu.vector_load %arg11[%parallel_loop3A_1214, %parallel_loop3A_1215] {strides = array<i32>} : memref<224x256xf32, #tpu.memory_space<vmem>>, vector<1x16xf32>,
          %parallel_loop3A_1217 = vector.shape_cast %parallel_loop3A_1216 : vector<1x16xf32> to vector<16xf32>
          %parallel_loop3A_1218 = arith.constant 16 : i32
          %parallel_loop3A_1219 = arith.addi %parallel_loop3A_919, %parallel_loop3A_1218 : i32
          %parallel_loop3A_1220 = arith.index_cast %parallel_loop3A_1219 : i32 to index
          %parallel_loop3A_1221 = arith.constant 128 : index
          %parallel_loop3A_1222 = tpu.vector_load %arg11[%parallel_loop3A_1220, %parallel_loop3A_1221] {strides = array<i32>} : memref<224x256xf32, #tpu.memory_space<vmem>>, vector<1x16xf32>,
          %parallel_loop3A_1223 = vector.shape_cast %parallel_loop3A_1222 : vector<1x16xf32> to vector<16xf32>
          %parallel_loop3A_1224 = arith.constant 16 : i32
          %parallel_loop3A_1225 = arith.addi %parallel_loop3A_919, %parallel_loop3A_1224 : i32
          %parallel_loop3A_1226 = arith.constant 1 : i32
          %parallel_loop3A_1227 = arith.addi %parallel_loop3A_1225, %parallel_loop3A_1226 : i32
          %parallel_loop3A_1228 = arith.index_cast %parallel_loop3A_1227 : i32 to index
          %parallel_loop3A_1229 = arith.constant 128 : index
          %parallel_loop3A_1230 = tpu.vector_load %arg11[%parallel_loop3A_1228, %parallel_loop3A_1229] {strides = array<i32>} : memref<224x256xf32, #tpu.memory_space<vmem>>, vector<1x16xf32>,
          %parallel_loop3A_1231 = vector.shape_cast %parallel_loop3A_1230 : vector<1x16xf32> to vector<16xf32>
          %parallel_loop3A_1232 = arith.mulf %parallel_loop3A_1211, %parallel_loop3A_914 : vector<16xf32>
          %parallel_loop3A_1233 = arith.mulf %parallel_loop3A_1217, %parallel_loop3A_909 : vector<16xf32>
          %parallel_loop3A_1234 = arith.addf %parallel_loop3A_1232, %parallel_loop3A_1233 : vector<16xf32>
          %parallel_loop3A_1235 = arith.mulf %parallel_loop3A_1223, %parallel_loop3A_910 : vector<16xf32>
          %parallel_loop3A_1236 = arith.mulf %parallel_loop3A_1231, %parallel_loop3A_908 : vector<16xf32>
          %parallel_loop3A_1237 = arith.addf %parallel_loop3A_1235, %parallel_loop3A_1236 : vector<16xf32>
          %parallel_loop3A_1238 = arith.addf %parallel_loop3A_1234, %parallel_loop3A_1237 : vector<16xf32>
          %parallel_loop3A_1239 = arith.index_cast %parallel_loop3A_872 : i32 to index
          %parallel_loop3A_1240 = arith.constant 128 : index
          %parallel_loop3A_1241 = tpu.vector_load %arg12[%parallel_loop3A_1239, %parallel_loop3A_1240] {strides = array<i32>} : memref<49x256xf32, #tpu.memory_space<vmem>>, vector<1x16xf32>,
          %parallel_loop3A_1242 = vector.shape_cast %parallel_loop3A_1241 : vector<1x16xf32> to vector<16xf32>
          %parallel_loop3A_1243 = vector.shape_cast %parallel_loop3A_1238 : vector<16xf32> to vector<1x16xf32>
          tpu.vector_store %arg12[%parallel_loop3A_1239, %parallel_loop3A_1240], %parallel_loop3A_1243 {strides = array<i32>} : memref<49x256xf32, #tpu.memory_space<vmem>>, vector<1x16xf32>,
          %parallel_loop3A_1244 = arith.index_cast %parallel_loop3A_919 : i32 to index
          %parallel_loop3A_1245 = arith.constant 144 : index
          %parallel_loop3A_1246 = tpu.vector_load %arg11[%parallel_loop3A_1244, %parallel_loop3A_1245] {strides = array<i32>} : memref<224x256xf32, #tpu.memory_space<vmem>>, vector<1x16xf32>,
          %parallel_loop3A_1247 = vector.shape_cast %parallel_loop3A_1246 : vector<1x16xf32> to vector<16xf32>
          %parallel_loop3A_1248 = arith.constant 1 : i32
          %parallel_loop3A_1249 = arith.addi %parallel_loop3A_919, %parallel_loop3A_1248 : i32
          %parallel_loop3A_1250 = arith.index_cast %parallel_loop3A_1249 : i32 to index
          %parallel_loop3A_1251 = arith.constant 144 : index
          %parallel_loop3A_1252 = tpu.vector_load %arg11[%parallel_loop3A_1250, %parallel_loop3A_1251] {strides = array<i32>} : memref<224x256xf32, #tpu.memory_space<vmem>>, vector<1x16xf32>,
          %parallel_loop3A_1253 = vector.shape_cast %parallel_loop3A_1252 : vector<1x16xf32> to vector<16xf32>
          %parallel_loop3A_1254 = arith.constant 16 : i32
          %parallel_loop3A_1255 = arith.addi %parallel_loop3A_919, %parallel_loop3A_1254 : i32
          %parallel_loop3A_1256 = arith.index_cast %parallel_loop3A_1255 : i32 to index
          %parallel_loop3A_1257 = arith.constant 144 : index
          %parallel_loop3A_1258 = tpu.vector_load %arg11[%parallel_loop3A_1256, %parallel_loop3A_1257] {strides = array<i32>} : memref<224x256xf32, #tpu.memory_space<vmem>>, vector<1x16xf32>,
          %parallel_loop3A_1259 = vector.shape_cast %parallel_loop3A_1258 : vector<1x16xf32> to vector<16xf32>
          %parallel_loop3A_1260 = arith.constant 16 : i32
          %parallel_loop3A_1261 = arith.addi %parallel_loop3A_919, %parallel_loop3A_1260 : i32
          %parallel_loop3A_1262 = arith.constant 1 : i32
          %parallel_loop3A_1263 = arith.addi %parallel_loop3A_1261, %parallel_loop3A_1262 : i32
          %parallel_loop3A_1264 = arith.index_cast %parallel_loop3A_1263 : i32 to index
          %parallel_loop3A_1265 = arith.constant 144 : index
          %parallel_loop3A_1266 = tpu.vector_load %arg11[%parallel_loop3A_1264, %parallel_loop3A_1265] {strides = array<i32>} : memref<224x256xf32, #tpu.memory_space<vmem>>, vector<1x16xf32>,
          %parallel_loop3A_1267 = vector.shape_cast %parallel_loop3A_1266 : vector<1x16xf32> to vector<16xf32>
          %parallel_loop3A_1268 = arith.mulf %parallel_loop3A_1247, %parallel_loop3A_914 : vector<16xf32>
          %parallel_loop3A_1269 = arith.mulf %parallel_loop3A_1253, %parallel_loop3A_909 : vector<16xf32>
          %parallel_loop3A_1270 = arith.addf %parallel_loop3A_1268, %parallel_loop3A_1269 : vector<16xf32>
          %parallel_loop3A_1271 = arith.mulf %parallel_loop3A_1259, %parallel_loop3A_910 : vector<16xf32>
          %parallel_loop3A_1272 = arith.mulf %parallel_loop3A_1267, %parallel_loop3A_908 : vector<16xf32>
          %parallel_loop3A_1273 = arith.addf %parallel_loop3A_1271, %parallel_loop3A_1272 : vector<16xf32>
          %parallel_loop3A_1274 = arith.addf %parallel_loop3A_1270, %parallel_loop3A_1273 : vector<16xf32>
          %parallel_loop3A_1275 = arith.index_cast %parallel_loop3A_872 : i32 to index
          %parallel_loop3A_1276 = arith.constant 144 : index
          %parallel_loop3A_1277 = tpu.vector_load %arg12[%parallel_loop3A_1275, %parallel_loop3A_1276] {strides = array<i32>} : memref<49x256xf32, #tpu.memory_space<vmem>>, vector<1x16xf32>,
          %parallel_loop3A_1278 = vector.shape_cast %parallel_loop3A_1277 : vector<1x16xf32> to vector<16xf32>
          %parallel_loop3A_1279 = vector.shape_cast %parallel_loop3A_1274 : vector<16xf32> to vector<1x16xf32>
          tpu.vector_store %arg12[%parallel_loop3A_1275, %parallel_loop3A_1276], %parallel_loop3A_1279 {strides = array<i32>} : memref<49x256xf32, #tpu.memory_space<vmem>>, vector<1x16xf32>,
          %parallel_loop3A_1280 = arith.index_cast %parallel_loop3A_919 : i32 to index
          %parallel_loop3A_1281 = arith.constant 160 : index
          %parallel_loop3A_1282 = tpu.vector_load %arg11[%parallel_loop3A_1280, %parallel_loop3A_1281] {strides = array<i32>} : memref<224x256xf32, #tpu.memory_space<vmem>>, vector<1x16xf32>,
          %parallel_loop3A_1283 = vector.shape_cast %parallel_loop3A_1282 : vector<1x16xf32> to vector<16xf32>
          %parallel_loop3A_1284 = arith.constant 1 : i32
          %parallel_loop3A_1285 = arith.addi %parallel_loop3A_919, %parallel_loop3A_1284 : i32
          %parallel_loop3A_1286 = arith.index_cast %parallel_loop3A_1285 : i32 to index
          %parallel_loop3A_1287 = arith.constant 160 : index
          %parallel_loop3A_1288 = tpu.vector_load %arg11[%parallel_loop3A_1286, %parallel_loop3A_1287] {strides = array<i32>} : memref<224x256xf32, #tpu.memory_space<vmem>>, vector<1x16xf32>,
          %parallel_loop3A_1289 = vector.shape_cast %parallel_loop3A_1288 : vector<1x16xf32> to vector<16xf32>
          %parallel_loop3A_1290 = arith.constant 16 : i32
          %parallel_loop3A_1291 = arith.addi %parallel_loop3A_919, %parallel_loop3A_1290 : i32
          %parallel_loop3A_1292 = arith.index_cast %parallel_loop3A_1291 : i32 to index
          %parallel_loop3A_1293 = arith.constant 160 : index
          %parallel_loop3A_1294 = tpu.vector_load %arg11[%parallel_loop3A_1292, %parallel_loop3A_1293] {strides = array<i32>} : memref<224x256xf32, #tpu.memory_space<vmem>>, vector<1x16xf32>,
          %parallel_loop3A_1295 = vector.shape_cast %parallel_loop3A_1294 : vector<1x16xf32> to vector<16xf32>
          %parallel_loop3A_1296 = arith.constant 16 : i32
          %parallel_loop3A_1297 = arith.addi %parallel_loop3A_919, %parallel_loop3A_1296 : i32
          %parallel_loop3A_1298 = arith.constant 1 : i32
          %parallel_loop3A_1299 = arith.addi %parallel_loop3A_1297, %parallel_loop3A_1298 : i32
          %parallel_loop3A_1300 = arith.index_cast %parallel_loop3A_1299 : i32 to index
          %parallel_loop3A_1301 = arith.constant 160 : index
          %parallel_loop3A_1302 = tpu.vector_load %arg11[%parallel_loop3A_1300, %parallel_loop3A_1301] {strides = array<i32>} : memref<224x256xf32, #tpu.memory_space<vmem>>, vector<1x16xf32>,
          %parallel_loop3A_1303 = vector.shape_cast %parallel_loop3A_1302 : vector<1x16xf32> to vector<16xf32>
          %parallel_loop3A_1304 = arith.mulf %parallel_loop3A_1283, %parallel_loop3A_914 : vector<16xf32>
          %parallel_loop3A_1305 = arith.mulf %parallel_loop3A_1289, %parallel_loop3A_909 : vector<16xf32>
          %parallel_loop3A_1306 = arith.addf %parallel_loop3A_1304, %parallel_loop3A_1305 : vector<16xf32>
          %parallel_loop3A_1307 = arith.mulf %parallel_loop3A_1295, %parallel_loop3A_910 : vector<16xf32>
          %parallel_loop3A_1308 = arith.mulf %parallel_loop3A_1303, %parallel_loop3A_908 : vector<16xf32>
          %parallel_loop3A_1309 = arith.addf %parallel_loop3A_1307, %parallel_loop3A_1308 : vector<16xf32>
          %parallel_loop3A_1310 = arith.addf %parallel_loop3A_1306, %parallel_loop3A_1309 : vector<16xf32>
          %parallel_loop3A_1311 = arith.index_cast %parallel_loop3A_872 : i32 to index
          %parallel_loop3A_1312 = arith.constant 160 : index
          %parallel_loop3A_1313 = tpu.vector_load %arg12[%parallel_loop3A_1311, %parallel_loop3A_1312] {strides = array<i32>} : memref<49x256xf32, #tpu.memory_space<vmem>>, vector<1x16xf32>,
          %parallel_loop3A_1314 = vector.shape_cast %parallel_loop3A_1313 : vector<1x16xf32> to vector<16xf32>
          %parallel_loop3A_1315 = vector.shape_cast %parallel_loop3A_1310 : vector<16xf32> to vector<1x16xf32>
          tpu.vector_store %arg12[%parallel_loop3A_1311, %parallel_loop3A_1312], %parallel_loop3A_1315 {strides = array<i32>} : memref<49x256xf32, #tpu.memory_space<vmem>>, vector<1x16xf32>,
          %parallel_loop3A_1316 = arith.index_cast %parallel_loop3A_919 : i32 to index
          %parallel_loop3A_1317 = arith.constant 176 : index
          %parallel_loop3A_1318 = tpu.vector_load %arg11[%parallel_loop3A_1316, %parallel_loop3A_1317] {strides = array<i32>} : memref<224x256xf32, #tpu.memory_space<vmem>>, vector<1x16xf32>,
          %parallel_loop3A_1319 = vector.shape_cast %parallel_loop3A_1318 : vector<1x16xf32> to vector<16xf32>
          %parallel_loop3A_1320 = arith.constant 1 : i32
          %parallel_loop3A_1321 = arith.addi %parallel_loop3A_919, %parallel_loop3A_1320 : i32
          %parallel_loop3A_1322 = arith.index_cast %parallel_loop3A_1321 : i32 to index
          %parallel_loop3A_1323 = arith.constant 176 : index
          %parallel_loop3A_1324 = tpu.vector_load %arg11[%parallel_loop3A_1322, %parallel_loop3A_1323] {strides = array<i32>} : memref<224x256xf32, #tpu.memory_space<vmem>>, vector<1x16xf32>,
          %parallel_loop3A_1325 = vector.shape_cast %parallel_loop3A_1324 : vector<1x16xf32> to vector<16xf32>
          %parallel_loop3A_1326 = arith.constant 16 : i32
          %parallel_loop3A_1327 = arith.addi %parallel_loop3A_919, %parallel_loop3A_1326 : i32
          %parallel_loop3A_1328 = arith.index_cast %parallel_loop3A_1327 : i32 to index
          %parallel_loop3A_1329 = arith.constant 176 : index
          %parallel_loop3A_1330 = tpu.vector_load %arg11[%parallel_loop3A_1328, %parallel_loop3A_1329] {strides = array<i32>} : memref<224x256xf32, #tpu.memory_space<vmem>>, vector<1x16xf32>,
          %parallel_loop3A_1331 = vector.shape_cast %parallel_loop3A_1330 : vector<1x16xf32> to vector<16xf32>
          %parallel_loop3A_1332 = arith.constant 16 : i32
          %parallel_loop3A_1333 = arith.addi %parallel_loop3A_919, %parallel_loop3A_1332 : i32
          %parallel_loop3A_1334 = arith.constant 1 : i32
          %parallel_loop3A_1335 = arith.addi %parallel_loop3A_1333, %parallel_loop3A_1334 : i32
          %parallel_loop3A_1336 = arith.index_cast %parallel_loop3A_1335 : i32 to index
          %parallel_loop3A_1337 = arith.constant 176 : index
          %parallel_loop3A_1338 = tpu.vector_load %arg11[%parallel_loop3A_1336, %parallel_loop3A_1337] {strides = array<i32>} : memref<224x256xf32, #tpu.memory_space<vmem>>, vector<1x16xf32>,
          %parallel_loop3A_1339 = vector.shape_cast %parallel_loop3A_1338 : vector<1x16xf32> to vector<16xf32>
          %parallel_loop3A_1340 = arith.mulf %parallel_loop3A_1319, %parallel_loop3A_914 : vector<16xf32>
          %parallel_loop3A_1341 = arith.mulf %parallel_loop3A_1325, %parallel_loop3A_909 : vector<16xf32>
          %parallel_loop3A_1342 = arith.addf %parallel_loop3A_1340, %parallel_loop3A_1341 : vector<16xf32>
          %parallel_loop3A_1343 = arith.mulf %parallel_loop3A_1331, %parallel_loop3A_910 : vector<16xf32>
          %parallel_loop3A_1344 = arith.mulf %parallel_loop3A_1339, %parallel_loop3A_908 : vector<16xf32>
          %parallel_loop3A_1345 = arith.addf %parallel_loop3A_1343, %parallel_loop3A_1344 : vector<16xf32>
          %parallel_loop3A_1346 = arith.addf %parallel_loop3A_1342, %parallel_loop3A_1345 : vector<16xf32>
          %parallel_loop3A_1347 = arith.index_cast %parallel_loop3A_872 : i32 to index
          %parallel_loop3A_1348 = arith.constant 176 : index
          %parallel_loop3A_1349 = tpu.vector_load %arg12[%parallel_loop3A_1347, %parallel_loop3A_1348] {strides = array<i32>} : memref<49x256xf32, #tpu.memory_space<vmem>>, vector<1x16xf32>,
          %parallel_loop3A_1350 = vector.shape_cast %parallel_loop3A_1349 : vector<1x16xf32> to vector<16xf32>
          %parallel_loop3A_1351 = vector.shape_cast %parallel_loop3A_1346 : vector<16xf32> to vector<1x16xf32>
          tpu.vector_store %arg12[%parallel_loop3A_1347, %parallel_loop3A_1348], %parallel_loop3A_1351 {strides = array<i32>} : memref<49x256xf32, #tpu.memory_space<vmem>>, vector<1x16xf32>,
          %parallel_loop3A_1352 = arith.index_cast %parallel_loop3A_919 : i32 to index
          %parallel_loop3A_1353 = arith.constant 192 : index
          %parallel_loop3A_1354 = tpu.vector_load %arg11[%parallel_loop3A_1352, %parallel_loop3A_1353] {strides = array<i32>} : memref<224x256xf32, #tpu.memory_space<vmem>>, vector<1x16xf32>,
          %parallel_loop3A_1355 = vector.shape_cast %parallel_loop3A_1354 : vector<1x16xf32> to vector<16xf32>
          %parallel_loop3A_1356 = arith.constant 1 : i32
          %parallel_loop3A_1357 = arith.addi %parallel_loop3A_919, %parallel_loop3A_1356 : i32
          %parallel_loop3A_1358 = arith.index_cast %parallel_loop3A_1357 : i32 to index
          %parallel_loop3A_1359 = arith.constant 192 : index
          %parallel_loop3A_1360 = tpu.vector_load %arg11[%parallel_loop3A_1358, %parallel_loop3A_1359] {strides = array<i32>} : memref<224x256xf32, #tpu.memory_space<vmem>>, vector<1x16xf32>,
          %parallel_loop3A_1361 = vector.shape_cast %parallel_loop3A_1360 : vector<1x16xf32> to vector<16xf32>
          %parallel_loop3A_1362 = arith.constant 16 : i32
          %parallel_loop3A_1363 = arith.addi %parallel_loop3A_919, %parallel_loop3A_1362 : i32
          %parallel_loop3A_1364 = arith.index_cast %parallel_loop3A_1363 : i32 to index
          %parallel_loop3A_1365 = arith.constant 192 : index
          %parallel_loop3A_1366 = tpu.vector_load %arg11[%parallel_loop3A_1364, %parallel_loop3A_1365] {strides = array<i32>} : memref<224x256xf32, #tpu.memory_space<vmem>>, vector<1x16xf32>,
          %parallel_loop3A_1367 = vector.shape_cast %parallel_loop3A_1366 : vector<1x16xf32> to vector<16xf32>
          %parallel_loop3A_1368 = arith.constant 16 : i32
          %parallel_loop3A_1369 = arith.addi %parallel_loop3A_919, %parallel_loop3A_1368 : i32
          %parallel_loop3A_1370 = arith.constant 1 : i32
          %parallel_loop3A_1371 = arith.addi %parallel_loop3A_1369, %parallel_loop3A_1370 : i32
          %parallel_loop3A_1372 = arith.index_cast %parallel_loop3A_1371 : i32 to index
          %parallel_loop3A_1373 = arith.constant 192 : index
          %parallel_loop3A_1374 = tpu.vector_load %arg11[%parallel_loop3A_1372, %parallel_loop3A_1373] {strides = array<i32>} : memref<224x256xf32, #tpu.memory_space<vmem>>, vector<1x16xf32>,
          %parallel_loop3A_1375 = vector.shape_cast %parallel_loop3A_1374 : vector<1x16xf32> to vector<16xf32>
          %parallel_loop3A_1376 = arith.mulf %parallel_loop3A_1355, %parallel_loop3A_914 : vector<16xf32>
          %parallel_loop3A_1377 = arith.mulf %parallel_loop3A_1361, %parallel_loop3A_909 : vector<16xf32>
          %parallel_loop3A_1378 = arith.addf %parallel_loop3A_1376, %parallel_loop3A_1377 : vector<16xf32>
          %parallel_loop3A_1379 = arith.mulf %parallel_loop3A_1367, %parallel_loop3A_910 : vector<16xf32>
          %parallel_loop3A_1380 = arith.mulf %parallel_loop3A_1375, %parallel_loop3A_908 : vector<16xf32>
          %parallel_loop3A_1381 = arith.addf %parallel_loop3A_1379, %parallel_loop3A_1380 : vector<16xf32>
          %parallel_loop3A_1382 = arith.addf %parallel_loop3A_1378, %parallel_loop3A_1381 : vector<16xf32>
          %parallel_loop3A_1383 = arith.index_cast %parallel_loop3A_872 : i32 to index
          %parallel_loop3A_1384 = arith.constant 192 : index
          %parallel_loop3A_1385 = tpu.vector_load %arg12[%parallel_loop3A_1383, %parallel_loop3A_1384] {strides = array<i32>} : memref<49x256xf32, #tpu.memory_space<vmem>>, vector<1x16xf32>,
          %parallel_loop3A_1386 = vector.shape_cast %parallel_loop3A_1385 : vector<1x16xf32> to vector<16xf32>
          %parallel_loop3A_1387 = vector.shape_cast %parallel_loop3A_1382 : vector<16xf32> to vector<1x16xf32>
          tpu.vector_store %arg12[%parallel_loop3A_1383, %parallel_loop3A_1384], %parallel_loop3A_1387 {strides = array<i32>} : memref<49x256xf32, #tpu.memory_space<vmem>>, vector<1x16xf32>,
          %parallel_loop3A_1388 = arith.index_cast %parallel_loop3A_919 : i32 to index
          %parallel_loop3A_1389 = arith.constant 208 : index
          %parallel_loop3A_1390 = tpu.vector_load %arg11[%parallel_loop3A_1388, %parallel_loop3A_1389] {strides = array<i32>} : memref<224x256xf32, #tpu.memory_space<vmem>>, vector<1x16xf32>,
          %parallel_loop3A_1391 = vector.shape_cast %parallel_loop3A_1390 : vector<1x16xf32> to vector<16xf32>
          %parallel_loop3A_1392 = arith.constant 1 : i32
          %parallel_loop3A_1393 = arith.addi %parallel_loop3A_919, %parallel_loop3A_1392 : i32
          %parallel_loop3A_1394 = arith.index_cast %parallel_loop3A_1393 : i32 to index
          %parallel_loop3A_1395 = arith.constant 208 : index
          %parallel_loop3A_1396 = tpu.vector_load %arg11[%parallel_loop3A_1394, %parallel_loop3A_1395] {strides = array<i32>} : memref<224x256xf32, #tpu.memory_space<vmem>>, vector<1x16xf32>,
          %parallel_loop3A_1397 = vector.shape_cast %parallel_loop3A_1396 : vector<1x16xf32> to vector<16xf32>
          %parallel_loop3A_1398 = arith.constant 16 : i32
          %parallel_loop3A_1399 = arith.addi %parallel_loop3A_919, %parallel_loop3A_1398 : i32
          %parallel_loop3A_1400 = arith.index_cast %parallel_loop3A_1399 : i32 to index
          %parallel_loop3A_1401 = arith.constant 208 : index
          %parallel_loop3A_1402 = tpu.vector_load %arg11[%parallel_loop3A_1400, %parallel_loop3A_1401] {strides = array<i32>} : memref<224x256xf32, #tpu.memory_space<vmem>>, vector<1x16xf32>,
          %parallel_loop3A_1403 = vector.shape_cast %parallel_loop3A_1402 : vector<1x16xf32> to vector<16xf32>
          %parallel_loop3A_1404 = arith.constant 16 : i32
          %parallel_loop3A_1405 = arith.addi %parallel_loop3A_919, %parallel_loop3A_1404 : i32
          %parallel_loop3A_1406 = arith.constant 1 : i32
          %parallel_loop3A_1407 = arith.addi %parallel_loop3A_1405, %parallel_loop3A_1406 : i32
          %parallel_loop3A_1408 = arith.index_cast %parallel_loop3A_1407 : i32 to index
          %parallel_loop3A_1409 = arith.constant 208 : index
          %parallel_loop3A_1410 = tpu.vector_load %arg11[%parallel_loop3A_1408, %parallel_loop3A_1409] {strides = array<i32>} : memref<224x256xf32, #tpu.memory_space<vmem>>, vector<1x16xf32>,
          %parallel_loop3A_1411 = vector.shape_cast %parallel_loop3A_1410 : vector<1x16xf32> to vector<16xf32>
          %parallel_loop3A_1412 = arith.mulf %parallel_loop3A_1391, %parallel_loop3A_914 : vector<16xf32>
          %parallel_loop3A_1413 = arith.mulf %parallel_loop3A_1397, %parallel_loop3A_909 : vector<16xf32>
          %parallel_loop3A_1414 = arith.addf %parallel_loop3A_1412, %parallel_loop3A_1413 : vector<16xf32>
          %parallel_loop3A_1415 = arith.mulf %parallel_loop3A_1403, %parallel_loop3A_910 : vector<16xf32>
          %parallel_loop3A_1416 = arith.mulf %parallel_loop3A_1411, %parallel_loop3A_908 : vector<16xf32>
          %parallel_loop3A_1417 = arith.addf %parallel_loop3A_1415, %parallel_loop3A_1416 : vector<16xf32>
          %parallel_loop3A_1418 = arith.addf %parallel_loop3A_1414, %parallel_loop3A_1417 : vector<16xf32>
          %parallel_loop3A_1419 = arith.index_cast %parallel_loop3A_872 : i32 to index
          %parallel_loop3A_1420 = arith.constant 208 : index
          %parallel_loop3A_1421 = tpu.vector_load %arg12[%parallel_loop3A_1419, %parallel_loop3A_1420] {strides = array<i32>} : memref<49x256xf32, #tpu.memory_space<vmem>>, vector<1x16xf32>,
          %parallel_loop3A_1422 = vector.shape_cast %parallel_loop3A_1421 : vector<1x16xf32> to vector<16xf32>
          %parallel_loop3A_1423 = vector.shape_cast %parallel_loop3A_1418 : vector<16xf32> to vector<1x16xf32>
          tpu.vector_store %arg12[%parallel_loop3A_1419, %parallel_loop3A_1420], %parallel_loop3A_1423 {strides = array<i32>} : memref<49x256xf32, #tpu.memory_space<vmem>>, vector<1x16xf32>,
          %parallel_loop3A_1424 = arith.index_cast %parallel_loop3A_919 : i32 to index
          %parallel_loop3A_1425 = arith.constant 224 : index
          %parallel_loop3A_1426 = tpu.vector_load %arg11[%parallel_loop3A_1424, %parallel_loop3A_1425] {strides = array<i32>} : memref<224x256xf32, #tpu.memory_space<vmem>>, vector<1x16xf32>,
          %parallel_loop3A_1427 = vector.shape_cast %parallel_loop3A_1426 : vector<1x16xf32> to vector<16xf32>
          %parallel_loop3A_1428 = arith.constant 1 : i32
          %parallel_loop3A_1429 = arith.addi %parallel_loop3A_919, %parallel_loop3A_1428 : i32
          %parallel_loop3A_1430 = arith.index_cast %parallel_loop3A_1429 : i32 to index
          %parallel_loop3A_1431 = arith.constant 224 : index
          %parallel_loop3A_1432 = tpu.vector_load %arg11[%parallel_loop3A_1430, %parallel_loop3A_1431] {strides = array<i32>} : memref<224x256xf32, #tpu.memory_space<vmem>>, vector<1x16xf32>,
          %parallel_loop3A_1433 = vector.shape_cast %parallel_loop3A_1432 : vector<1x16xf32> to vector<16xf32>
          %parallel_loop3A_1434 = arith.constant 16 : i32
          %parallel_loop3A_1435 = arith.addi %parallel_loop3A_919, %parallel_loop3A_1434 : i32
          %parallel_loop3A_1436 = arith.index_cast %parallel_loop3A_1435 : i32 to index
          %parallel_loop3A_1437 = arith.constant 224 : index
          %parallel_loop3A_1438 = tpu.vector_load %arg11[%parallel_loop3A_1436, %parallel_loop3A_1437] {strides = array<i32>} : memref<224x256xf32, #tpu.memory_space<vmem>>, vector<1x16xf32>,
          %parallel_loop3A_1439 = vector.shape_cast %parallel_loop3A_1438 : vector<1x16xf32> to vector<16xf32>
          %parallel_loop3A_1440 = arith.constant 16 : i32
          %parallel_loop3A_1441 = arith.addi %parallel_loop3A_919, %parallel_loop3A_1440 : i32
          %parallel_loop3A_1442 = arith.constant 1 : i32
          %parallel_loop3A_1443 = arith.addi %parallel_loop3A_1441, %parallel_loop3A_1442 : i32
          %parallel_loop3A_1444 = arith.index_cast %parallel_loop3A_1443 : i32 to index
          %parallel_loop3A_1445 = arith.constant 224 : index
          %parallel_loop3A_1446 = tpu.vector_load %arg11[%parallel_loop3A_1444, %parallel_loop3A_1445] {strides = array<i32>} : memref<224x256xf32, #tpu.memory_space<vmem>>, vector<1x16xf32>,
          %parallel_loop3A_1447 = vector.shape_cast %parallel_loop3A_1446 : vector<1x16xf32> to vector<16xf32>
          %parallel_loop3A_1448 = arith.mulf %parallel_loop3A_1427, %parallel_loop3A_914 : vector<16xf32>
          %parallel_loop3A_1449 = arith.mulf %parallel_loop3A_1433, %parallel_loop3A_909 : vector<16xf32>
          %parallel_loop3A_1450 = arith.addf %parallel_loop3A_1448, %parallel_loop3A_1449 : vector<16xf32>
          %parallel_loop3A_1451 = arith.mulf %parallel_loop3A_1439, %parallel_loop3A_910 : vector<16xf32>
          %parallel_loop3A_1452 = arith.mulf %parallel_loop3A_1447, %parallel_loop3A_908 : vector<16xf32>
          %parallel_loop3A_1453 = arith.addf %parallel_loop3A_1451, %parallel_loop3A_1452 : vector<16xf32>
          %parallel_loop3A_1454 = arith.addf %parallel_loop3A_1450, %parallel_loop3A_1453 : vector<16xf32>
          %parallel_loop3A_1455 = arith.index_cast %parallel_loop3A_872 : i32 to index
          %parallel_loop3A_1456 = arith.constant 224 : index
          %parallel_loop3A_1457 = tpu.vector_load %arg12[%parallel_loop3A_1455, %parallel_loop3A_1456] {strides = array<i32>} : memref<49x256xf32, #tpu.memory_space<vmem>>, vector<1x16xf32>,
          %parallel_loop3A_1458 = vector.shape_cast %parallel_loop3A_1457 : vector<1x16xf32> to vector<16xf32>
          %parallel_loop3A_1459 = vector.shape_cast %parallel_loop3A_1454 : vector<16xf32> to vector<1x16xf32>
          tpu.vector_store %arg12[%parallel_loop3A_1455, %parallel_loop3A_1456], %parallel_loop3A_1459 {strides = array<i32>} : memref<49x256xf32, #tpu.memory_space<vmem>>, vector<1x16xf32>,
          %parallel_loop3A_1460 = arith.index_cast %parallel_loop3A_919 : i32 to index
          %parallel_loop3A_1461 = arith.constant 240 : index
          %parallel_loop3A_1462 = tpu.vector_load %arg11[%parallel_loop3A_1460, %parallel_loop3A_1461] {strides = array<i32>} : memref<224x256xf32, #tpu.memory_space<vmem>>, vector<1x16xf32>,
          %parallel_loop3A_1463 = vector.shape_cast %parallel_loop3A_1462 : vector<1x16xf32> to vector<16xf32>
          %parallel_loop3A_1464 = arith.constant 1 : i32
          %parallel_loop3A_1465 = arith.addi %parallel_loop3A_919, %parallel_loop3A_1464 : i32
          %parallel_loop3A_1466 = arith.index_cast %parallel_loop3A_1465 : i32 to index
          %parallel_loop3A_1467 = arith.constant 240 : index
          %parallel_loop3A_1468 = tpu.vector_load %arg11[%parallel_loop3A_1466, %parallel_loop3A_1467] {strides = array<i32>} : memref<224x256xf32, #tpu.memory_space<vmem>>, vector<1x16xf32>,
          %parallel_loop3A_1469 = vector.shape_cast %parallel_loop3A_1468 : vector<1x16xf32> to vector<16xf32>
          %parallel_loop3A_1470 = arith.constant 16 : i32
          %parallel_loop3A_1471 = arith.addi %parallel_loop3A_919, %parallel_loop3A_1470 : i32
          %parallel_loop3A_1472 = arith.index_cast %parallel_loop3A_1471 : i32 to index
          %parallel_loop3A_1473 = arith.constant 240 : index
          %parallel_loop3A_1474 = tpu.vector_load %arg11[%parallel_loop3A_1472, %parallel_loop3A_1473] {strides = array<i32>} : memref<224x256xf32, #tpu.memory_space<vmem>>, vector<1x16xf32>,
          %parallel_loop3A_1475 = vector.shape_cast %parallel_loop3A_1474 : vector<1x16xf32> to vector<16xf32>
          %parallel_loop3A_1476 = arith.constant 16 : i32
          %parallel_loop3A_1477 = arith.addi %parallel_loop3A_919, %parallel_loop3A_1476 : i32
          %parallel_loop3A_1478 = arith.constant 1 : i32
          %parallel_loop3A_1479 = arith.addi %parallel_loop3A_1477, %parallel_loop3A_1478 : i32
          %parallel_loop3A_1480 = arith.index_cast %parallel_loop3A_1479 : i32 to index
          %parallel_loop3A_1481 = arith.constant 240 : index
          %parallel_loop3A_1482 = tpu.vector_load %arg11[%parallel_loop3A_1480, %parallel_loop3A_1481] {strides = array<i32>} : memref<224x256xf32, #tpu.memory_space<vmem>>, vector<1x16xf32>,
          %parallel_loop3A_1483 = vector.shape_cast %parallel_loop3A_1482 : vector<1x16xf32> to vector<16xf32>
          %parallel_loop3A_1484 = arith.mulf %parallel_loop3A_1463, %parallel_loop3A_914 : vector<16xf32>
          %parallel_loop3A_1485 = arith.mulf %parallel_loop3A_1469, %parallel_loop3A_909 : vector<16xf32>
          %parallel_loop3A_1486 = arith.addf %parallel_loop3A_1484, %parallel_loop3A_1485 : vector<16xf32>
          %parallel_loop3A_1487 = arith.mulf %parallel_loop3A_1475, %parallel_loop3A_910 : vector<16xf32>
          %parallel_loop3A_1488 = arith.mulf %parallel_loop3A_1483, %parallel_loop3A_908 : vector<16xf32>
          %parallel_loop3A_1489 = arith.addf %parallel_loop3A_1487, %parallel_loop3A_1488 : vector<16xf32>
          %parallel_loop3A_1490 = arith.addf %parallel_loop3A_1486, %parallel_loop3A_1489 : vector<16xf32>
          %parallel_loop3A_1491 = arith.index_cast %parallel_loop3A_872 : i32 to index
          %parallel_loop3A_1492 = arith.constant 240 : index
          %parallel_loop3A_1493 = tpu.vector_load %arg12[%parallel_loop3A_1491, %parallel_loop3A_1492] {strides = array<i32>} : memref<49x256xf32, #tpu.memory_space<vmem>>, vector<1x16xf32>,
          %parallel_loop3A_1494 = vector.shape_cast %parallel_loop3A_1493 : vector<1x16xf32> to vector<16xf32>
          %parallel_loop3A_1495 = vector.shape_cast %parallel_loop3A_1490 : vector<16xf32> to vector<1x16xf32>
          tpu.vector_store %arg12[%parallel_loop3A_1491, %parallel_loop3A_1492], %parallel_loop3A_1495 {strides = array<i32>} : memref<49x256xf32, #tpu.memory_space<vmem>>, vector<1x16xf32>,
        } {sc.loop_unroll_factor = 1 : i64, sc.parallel_access}
        %add3A_863 = arith.addi %mul3A_2, %add3A_314 : i32
        %dma_start3A_864 = arith.constant 0 : i32
        %dma_start3A_865 = arith.constant 0 : i32
        %dma_start3A_866 = tpu.memref_slice %arg4[%add3A_863, %dma_start3A_864, %dma_start3A_865] : memref<1000x49x256xf32, #tpu.memory_space<hbm>> -> memref<1x49x256xf32, #tpu.memory_space<hbm>>
        %dma_start3A_867 = tpu.memref_squeeze %dma_start3A_866 : memref<1x49x256xf32, #tpu.memory_space<hbm>> -> memref<49x256xf32, #tpu.memory_space<hbm>>
        %dma_start3A_868 = arith.constant 0 : i32
        %dma_start3A_869 = arith.constant 0 : i32
        %dma_start3A_870 = tpu.memref_slice %arg4[%add3A_863, %dma_start3A_868, %dma_start3A_869] : memref<1000x49x256xf32, #tpu.memory_space<hbm>> -> memref<1x49x256xf32, #tpu.memory_space<hbm>>
        %dma_start3A_871 = tpu.memref_squeeze %dma_start3A_870 : memref<1x49x256xf32, #tpu.memory_space<hbm>> -> memref<49x256xf32, #tpu.memory_space<hbm>>
        tpu.enqueue_dma source(%arg12 : memref<49x256xf32, #tpu.memory_space<vmem>>) target(%dma_start3A_871 : memref<49x256xf32, #tpu.memory_space<hbm>>) target_semaphore(%arg15 : memref<!tpu.dma_semaphore, #tpu.memory_space<semaphore_mem>>)
      } else {
      }
      scf.yield %sub3A_639, %sub3A_641 : vector<16xf32>, vector<16xf32>
    }
    %while3A_299 = arith.constant 1 : i32
    %while3A_300:2 = scf.for %while3A_308 = %while3A_296 to %while3A_292 step %while3A_299 iter_args(%while3A_309 = %while3A_298#0, %while3A_310 = %while3A_298#1) -> (vector<16xf32>, vector<16xf32>)  : i32 {
      %mul3A_311 = arith.constant 2 : i32
      %mul3A_312 = arith.muli %mul3A_311, %while3A_308 : i32
      %add3A_313 = arith.constant 1 : i32
      %add3A_314 = arith.addi %mul3A_312, %add3A_313 : i32
      %add3A_315 = arith.constant 2 : i32
      %add3A_316 = arith.addi %mul3A_312, %add3A_315 : i32
      %min3A_317 = arith.constant 31 : i32
      %min3A_318 = arith.minsi %add3A_314, %min3A_317 : i32
      %mul3A_319 = arith.constant 16 : i32
      %mul3A_320 = arith.muli %min3A_318, %mul3A_319 : i32
      %get3A_321 = arith.index_cast %mul3A_320 : i32 to index
      %get3A_322 = tpu.vector_load %arg5[%get3A_321] {strides = array<i32>} : memref<512xf32, #tpu.memory_space<vmem>>, vector<16xf32>,
      %get3A_323 = vector.shape_cast %get3A_322 : vector<16xf32> to vector<16xf32>
      %broadcast_in_dim3A_324 = arith.constant 0 : i32
      %broadcast_in_dim3A_325 = vector.broadcast %broadcast_in_dim3A_324 : i32 to vector<16xi32>
      %broadcast_in_dim3A_326 = vector.shape_cast %broadcast_in_dim3A_325 : vector<16xi32> to vector<16x1xi32>
      %gather3A_327 = vector.shape_cast %broadcast_in_dim3A_326 : vector<16x1xi32> to vector<16xi32>
      %gather3A_328 = tpu.dynamic_gather %get3A_323[%gather3A_327] in [0] : vector<16xf32>, vector<16xi32> -> vector<16xf32>
      %broadcast_in_dim3A_329 = arith.constant 1 : i32
      %broadcast_in_dim3A_330 = vector.broadcast %broadcast_in_dim3A_329 : i32 to vector<16xi32>
      %broadcast_in_dim3A_331 = vector.shape_cast %broadcast_in_dim3A_330 : vector<16xi32> to vector<16x1xi32>
      %gather3A_332 = vector.shape_cast %broadcast_in_dim3A_331 : vector<16x1xi32> to vector<16xi32>
      %gather3A_333 = tpu.dynamic_gather %get3A_323[%gather3A_332] in [0] : vector<16xf32>, vector<16xi32> -> vector<16xf32>
      %broadcast_in_dim3A_334 = arith.constant 2 : i32
      %broadcast_in_dim3A_335 = vector.broadcast %broadcast_in_dim3A_334 : i32 to vector<16xi32>
      %broadcast_in_dim3A_336 = vector.shape_cast %broadcast_in_dim3A_335 : vector<16xi32> to vector<16x1xi32>
      %gather3A_337 = vector.shape_cast %broadcast_in_dim3A_336 : vector<16x1xi32> to vector<16xi32>
      %gather3A_338 = tpu.dynamic_gather %get3A_323[%gather3A_337] in [0] : vector<16xf32>, vector<16xi32> -> vector<16xf32>
      %broadcast_in_dim3A_339 = arith.constant 3 : i32
      %broadcast_in_dim3A_340 = vector.broadcast %broadcast_in_dim3A_339 : i32 to vector<16xi32>
      %broadcast_in_dim3A_341 = vector.shape_cast %broadcast_in_dim3A_340 : vector<16xi32> to vector<16x1xi32>
      %gather3A_342 = vector.shape_cast %broadcast_in_dim3A_341 : vector<16x1xi32> to vector<16xi32>
      %gather3A_343 = tpu.dynamic_gather %get3A_323[%gather3A_342] in [0] : vector<16xf32>, vector<16xi32> -> vector<16xf32>
      %sub3A_344 = arith.subf %gather3A_338, %gather3A_328 : vector<16xf32>
      %mul3A_345 = arith.mulf %sub3A_344, %mul3A_9 : vector<16xf32>
      %add3A_346 = arith.addf %gather3A_328, %mul3A_345 : vector<16xf32>
      %mul3A_347 = arith.constant 2.550000e+02 : f32
      %mul3A_348 = vector.broadcast %mul3A_347 : f32 to vector<16xf32>
      %mul3A_349 = arith.mulf %add3A_346, %mul3A_348 : vector<16xf32>
      %sub3A_350 = arith.subf %gather3A_343, %gather3A_333 : vector<16xf32>
      %mul3A_351 = arith.mulf %sub3A_350, %mul3A_9 : vector<16xf32>
      %add3A_352 = arith.addf %gather3A_333, %mul3A_351 : vector<16xf32>
      %mul3A_353 = arith.constant 2.550000e+02 : f32
      %mul3A_354 = vector.broadcast %mul3A_353 : f32 to vector<16xf32>
      %mul3A_355 = arith.mulf %add3A_352, %mul3A_354 : vector<16xf32>
      %convert_element_type3A_356 = arith.fptosi %mul3A_349 : vector<16xf32> to vector<16xi32>
      %min3A_357 = arith.constant 254 : i32
      %min3A_358 = vector.broadcast %min3A_357 : i32 to vector<16xi32>
      %min3A_359 = arith.minsi %convert_element_type3A_356, %min3A_358 : vector<16xi32>
      %convert_element_type3A_360 = arith.fptosi %mul3A_355 : vector<16xf32> to vector<16xi32>
      %min3A_361 = arith.constant 254 : i32
      %min3A_362 = vector.broadcast %min3A_361 : i32 to vector<16xi32>
      %min3A_363 = arith.minsi %convert_element_type3A_360, %min3A_362 : vector<16xi32>
      %convert_element_type3A_364 = arith.sitofp %min3A_359 : vector<16xi32> to vector<16xf32>
      %sub3A_365 = arith.subf %mul3A_349, %convert_element_type3A_364 : vector<16xf32>
      %convert_element_type3A_366 = arith.sitofp %min3A_363 : vector<16xi32> to vector<16xf32>
      %sub3A_367 = arith.subf %mul3A_355, %convert_element_type3A_366 : vector<16xf32>
      %broadcast_in_dim3A_368 = vector.shape_cast %shift_right_arithmetic3A_11 : vector<16xi32> to vector<16x1xi32>
      %gather3A_369 = vector.shape_cast %broadcast_in_dim3A_368 : vector<16x1xi32> to vector<16xi32>
      %gather3A_370 = tpu.dynamic_gather %min3A_359[%gather3A_369] in [0] : vector<16xi32>, vector<16xi32> -> vector<16xi32>
      %add3A_371 = arith.addi %gather3A_370, %and3A_13 : vector<16xi32>
      %broadcast_in_dim3A_372 = vector.shape_cast %shift_right_arithmetic3A_11 : vector<16xi32> to vector<16x1xi32>
      %gather3A_373 = vector.shape_cast %broadcast_in_dim3A_372 : vector<16x1xi32> to vector<16xi32>
      %gather3A_374 = tpu.dynamic_gather %min3A_363[%gather3A_373] in [0] : vector<16xi32>, vector<16xi32> -> vector<16xi32>
      %add3A_375 = arith.addi %gather3A_374, %and3A_13 : vector<16xi32>
      %broadcast_in_dim3A_376 = arith.constant 0 : i32
      %broadcast_in_dim3A_377 = vector.broadcast %broadcast_in_dim3A_376 : i32 to vector<16xi32>
      %broadcast_in_dim3A_378 = vector.shape_cast %broadcast_in_dim3A_377 : vector<16xi32> to vector<16x1xi32>
      %gather3A_379 = vector.shape_cast %broadcast_in_dim3A_378 : vector<16x1xi32> to vector<16xi32>
      %gather3A_380 = tpu.dynamic_gather %add3A_371[%gather3A_379] in [0] : vector<16xi32>, vector<16xi32> -> vector<16xi32>
      %mul3A_381 = arith.constant 256 : i32
      %mul3A_382 = vector.broadcast %mul3A_381 : i32 to vector<16xi32>
      %mul3A_383 = arith.muli %gather3A_380, %mul3A_382 : vector<16xi32>
      %add3A_384 = arith.addi %mul3A_383, %add3A_375 : vector<16xi32>
      %swap3A_385 = arith.constant 0 : index
      %swap3A_386 = tpu.vector_load %arg8[%swap3A_385] {strides = array<i32>} : memref<112xi32, #tpu.memory_space<vmem>>, vector<16xi32>,
      %swap3A_387 = vector.shape_cast %swap3A_386 : vector<16xi32> to vector<16xi32>
      %swap3A_388 = vector.shape_cast %add3A_384 : vector<16xi32> to vector<16xi32>
      tpu.vector_store %arg8[%swap3A_385], %swap3A_388 {strides = array<i32>} : memref<112xi32, #tpu.memory_space<vmem>>, vector<16xi32>,
      %broadcast_in_dim3A_389 = arith.constant 1 : i32
      %broadcast_in_dim3A_390 = vector.broadcast %broadcast_in_dim3A_389 : i32 to vector<16xi32>
      %broadcast_in_dim3A_391 = vector.shape_cast %broadcast_in_dim3A_390 : vector<16xi32> to vector<16x1xi32>
      %gather3A_392 = vector.shape_cast %broadcast_in_dim3A_391 : vector<16x1xi32> to vector<16xi32>
      %gather3A_393 = tpu.dynamic_gather %add3A_371[%gather3A_392] in [0] : vector<16xi32>, vector<16xi32> -> vector<16xi32>
      %mul3A_394 = arith.constant 256 : i32
      %mul3A_395 = vector.broadcast %mul3A_394 : i32 to vector<16xi32>
      %mul3A_396 = arith.muli %gather3A_393, %mul3A_395 : vector<16xi32>
      %add3A_397 = arith.addi %mul3A_396, %add3A_375 : vector<16xi32>
      %swap3A_398 = arith.constant 16 : index
      %swap3A_399 = tpu.vector_load %arg8[%swap3A_398] {strides = array<i32>} : memref<112xi32, #tpu.memory_space<vmem>>, vector<16xi32>,
      %swap3A_400 = vector.shape_cast %swap3A_399 : vector<16xi32> to vector<16xi32>
      %swap3A_401 = vector.shape_cast %add3A_397 : vector<16xi32> to vector<16xi32>
      tpu.vector_store %arg8[%swap3A_398], %swap3A_401 {strides = array<i32>} : memref<112xi32, #tpu.memory_space<vmem>>, vector<16xi32>,
      %broadcast_in_dim3A_402 = arith.constant 2 : i32
      %broadcast_in_dim3A_403 = vector.broadcast %broadcast_in_dim3A_402 : i32 to vector<16xi32>
      %broadcast_in_dim3A_404 = vector.shape_cast %broadcast_in_dim3A_403 : vector<16xi32> to vector<16x1xi32>
      %gather3A_405 = vector.shape_cast %broadcast_in_dim3A_404 : vector<16x1xi32> to vector<16xi32>
      %gather3A_406 = tpu.dynamic_gather %add3A_371[%gather3A_405] in [0] : vector<16xi32>, vector<16xi32> -> vector<16xi32>
      %mul3A_407 = arith.constant 256 : i32
      %mul3A_408 = vector.broadcast %mul3A_407 : i32 to vector<16xi32>
      %mul3A_409 = arith.muli %gather3A_406, %mul3A_408 : vector<16xi32>
      %add3A_410 = arith.addi %mul3A_409, %add3A_375 : vector<16xi32>
      %swap3A_411 = arith.constant 32 : index
      %swap3A_412 = tpu.vector_load %arg8[%swap3A_411] {strides = array<i32>} : memref<112xi32, #tpu.memory_space<vmem>>, vector<16xi32>,
      %swap3A_413 = vector.shape_cast %swap3A_412 : vector<16xi32> to vector<16xi32>
      %swap3A_414 = vector.shape_cast %add3A_410 : vector<16xi32> to vector<16xi32>
      tpu.vector_store %arg8[%swap3A_411], %swap3A_414 {strides = array<i32>} : memref<112xi32, #tpu.memory_space<vmem>>, vector<16xi32>,
      %broadcast_in_dim3A_415 = arith.constant 3 : i32
      %broadcast_in_dim3A_416 = vector.broadcast %broadcast_in_dim3A_415 : i32 to vector<16xi32>
      %broadcast_in_dim3A_417 = vector.shape_cast %broadcast_in_dim3A_416 : vector<16xi32> to vector<16x1xi32>
      %gather3A_418 = vector.shape_cast %broadcast_in_dim3A_417 : vector<16x1xi32> to vector<16xi32>
      %gather3A_419 = tpu.dynamic_gather %add3A_371[%gather3A_418] in [0] : vector<16xi32>, vector<16xi32> -> vector<16xi32>
      %mul3A_420 = arith.constant 256 : i32
      %mul3A_421 = vector.broadcast %mul3A_420 : i32 to vector<16xi32>
      %mul3A_422 = arith.muli %gather3A_419, %mul3A_421 : vector<16xi32>
      %add3A_423 = arith.addi %mul3A_422, %add3A_375 : vector<16xi32>
      %swap3A_424 = arith.constant 48 : index
      %swap3A_425 = tpu.vector_load %arg8[%swap3A_424] {strides = array<i32>} : memref<112xi32, #tpu.memory_space<vmem>>, vector<16xi32>,
      %swap3A_426 = vector.shape_cast %swap3A_425 : vector<16xi32> to vector<16xi32>
      %swap3A_427 = vector.shape_cast %add3A_423 : vector<16xi32> to vector<16xi32>
      tpu.vector_store %arg8[%swap3A_424], %swap3A_427 {strides = array<i32>} : memref<112xi32, #tpu.memory_space<vmem>>, vector<16xi32>,
      %broadcast_in_dim3A_428 = arith.constant 4 : i32
      %broadcast_in_dim3A_429 = vector.broadcast %broadcast_in_dim3A_428 : i32 to vector<16xi32>
      %broadcast_in_dim3A_430 = vector.shape_cast %broadcast_in_dim3A_429 : vector<16xi32> to vector<16x1xi32>
      %gather3A_431 = vector.shape_cast %broadcast_in_dim3A_430 : vector<16x1xi32> to vector<16xi32>
      %gather3A_432 = tpu.dynamic_gather %add3A_371[%gather3A_431] in [0] : vector<16xi32>, vector<16xi32> -> vector<16xi32>
      %mul3A_433 = arith.constant 256 : i32
      %mul3A_434 = vector.broadcast %mul3A_433 : i32 to vector<16xi32>
      %mul3A_435 = arith.muli %gather3A_432, %mul3A_434 : vector<16xi32>
      %add3A_436 = arith.addi %mul3A_435, %add3A_375 : vector<16xi32>
      %swap3A_437 = arith.constant 64 : index
      %swap3A_438 = tpu.vector_load %arg8[%swap3A_437] {strides = array<i32>} : memref<112xi32, #tpu.memory_space<vmem>>, vector<16xi32>,
      %swap3A_439 = vector.shape_cast %swap3A_438 : vector<16xi32> to vector<16xi32>
      %swap3A_440 = vector.shape_cast %add3A_436 : vector<16xi32> to vector<16xi32>
      tpu.vector_store %arg8[%swap3A_437], %swap3A_440 {strides = array<i32>} : memref<112xi32, #tpu.memory_space<vmem>>, vector<16xi32>,
      %broadcast_in_dim3A_441 = arith.constant 5 : i32
      %broadcast_in_dim3A_442 = vector.broadcast %broadcast_in_dim3A_441 : i32 to vector<16xi32>
      %broadcast_in_dim3A_443 = vector.shape_cast %broadcast_in_dim3A_442 : vector<16xi32> to vector<16x1xi32>
      %gather3A_444 = vector.shape_cast %broadcast_in_dim3A_443 : vector<16x1xi32> to vector<16xi32>
      %gather3A_445 = tpu.dynamic_gather %add3A_371[%gather3A_444] in [0] : vector<16xi32>, vector<16xi32> -> vector<16xi32>
      %mul3A_446 = arith.constant 256 : i32
      %mul3A_447 = vector.broadcast %mul3A_446 : i32 to vector<16xi32>
      %mul3A_448 = arith.muli %gather3A_445, %mul3A_447 : vector<16xi32>
      %add3A_449 = arith.addi %mul3A_448, %add3A_375 : vector<16xi32>
      %swap3A_450 = arith.constant 80 : index
      %swap3A_451 = tpu.vector_load %arg8[%swap3A_450] {strides = array<i32>} : memref<112xi32, #tpu.memory_space<vmem>>, vector<16xi32>,
      %swap3A_452 = vector.shape_cast %swap3A_451 : vector<16xi32> to vector<16xi32>
      %swap3A_453 = vector.shape_cast %add3A_449 : vector<16xi32> to vector<16xi32>
      tpu.vector_store %arg8[%swap3A_450], %swap3A_453 {strides = array<i32>} : memref<112xi32, #tpu.memory_space<vmem>>, vector<16xi32>,
      %broadcast_in_dim3A_454 = arith.constant 6 : i32
      %broadcast_in_dim3A_455 = vector.broadcast %broadcast_in_dim3A_454 : i32 to vector<16xi32>
      %broadcast_in_dim3A_456 = vector.shape_cast %broadcast_in_dim3A_455 : vector<16xi32> to vector<16x1xi32>
      %gather3A_457 = vector.shape_cast %broadcast_in_dim3A_456 : vector<16x1xi32> to vector<16xi32>
      %gather3A_458 = tpu.dynamic_gather %add3A_371[%gather3A_457] in [0] : vector<16xi32>, vector<16xi32> -> vector<16xi32>
      %mul3A_459 = arith.constant 256 : i32
      %mul3A_460 = vector.broadcast %mul3A_459 : i32 to vector<16xi32>
      %mul3A_461 = arith.muli %gather3A_458, %mul3A_460 : vector<16xi32>
      %add3A_462 = arith.addi %mul3A_461, %add3A_375 : vector<16xi32>
      %swap3A_463 = arith.constant 96 : index
      %swap3A_464 = tpu.vector_load %arg8[%swap3A_463] {strides = array<i32>} : memref<112xi32, #tpu.memory_space<vmem>>, vector<16xi32>,
      %swap3A_465 = vector.shape_cast %swap3A_464 : vector<16xi32> to vector<16xi32>
      %swap3A_466 = vector.shape_cast %add3A_462 : vector<16xi32> to vector<16xi32>
      tpu.vector_store %arg8[%swap3A_463], %swap3A_466 {strides = array<i32>} : memref<112xi32, #tpu.memory_space<vmem>>, vector<16xi32>,
      %broadcast_in_dim3A_467 = arith.constant 7 : i32
      %broadcast_in_dim3A_468 = vector.broadcast %broadcast_in_dim3A_467 : i32 to vector<16xi32>
      %broadcast_in_dim3A_469 = vector.shape_cast %broadcast_in_dim3A_468 : vector<16xi32> to vector<16x1xi32>
      %gather3A_470 = vector.shape_cast %broadcast_in_dim3A_469 : vector<16x1xi32> to vector<16xi32>
      %gather3A_471 = tpu.dynamic_gather %add3A_371[%gather3A_470] in [0] : vector<16xi32>, vector<16xi32> -> vector<16xi32>
      %mul3A_472 = arith.constant 256 : i32
      %mul3A_473 = vector.broadcast %mul3A_472 : i32 to vector<16xi32>
      %mul3A_474 = arith.muli %gather3A_471, %mul3A_473 : vector<16xi32>
      %add3A_475 = arith.addi %mul3A_474, %add3A_375 : vector<16xi32>
      %swap3A_476 = arith.constant 0 : index
      %swap3A_477 = tpu.vector_load %arg9[%swap3A_476] {strides = array<i32>} : memref<112xi32, #tpu.memory_space<vmem>>, vector<16xi32>,
      %swap3A_478 = vector.shape_cast %swap3A_477 : vector<16xi32> to vector<16xi32>
      %swap3A_479 = vector.shape_cast %add3A_475 : vector<16xi32> to vector<16xi32>
      tpu.vector_store %arg9[%swap3A_476], %swap3A_479 {strides = array<i32>} : memref<112xi32, #tpu.memory_space<vmem>>, vector<16xi32>,
      %broadcast_in_dim3A_480 = arith.constant 8 : i32
      %broadcast_in_dim3A_481 = vector.broadcast %broadcast_in_dim3A_480 : i32 to vector<16xi32>
      %broadcast_in_dim3A_482 = vector.shape_cast %broadcast_in_dim3A_481 : vector<16xi32> to vector<16x1xi32>
      %gather3A_483 = vector.shape_cast %broadcast_in_dim3A_482 : vector<16x1xi32> to vector<16xi32>
      %gather3A_484 = tpu.dynamic_gather %add3A_371[%gather3A_483] in [0] : vector<16xi32>, vector<16xi32> -> vector<16xi32>
      %mul3A_485 = arith.constant 256 : i32
      %mul3A_486 = vector.broadcast %mul3A_485 : i32 to vector<16xi32>
      %mul3A_487 = arith.muli %gather3A_484, %mul3A_486 : vector<16xi32>
      %add3A_488 = arith.addi %mul3A_487, %add3A_375 : vector<16xi32>
      %swap3A_489 = arith.constant 16 : index
      %swap3A_490 = tpu.vector_load %arg9[%swap3A_489] {strides = array<i32>} : memref<112xi32, #tpu.memory_space<vmem>>, vector<16xi32>,
      %swap3A_491 = vector.shape_cast %swap3A_490 : vector<16xi32> to vector<16xi32>
      %swap3A_492 = vector.shape_cast %add3A_488 : vector<16xi32> to vector<16xi32>
      tpu.vector_store %arg9[%swap3A_489], %swap3A_492 {strides = array<i32>} : memref<112xi32, #tpu.memory_space<vmem>>, vector<16xi32>,
      %broadcast_in_dim3A_493 = arith.constant 9 : i32
      %broadcast_in_dim3A_494 = vector.broadcast %broadcast_in_dim3A_493 : i32 to vector<16xi32>
      %broadcast_in_dim3A_495 = vector.shape_cast %broadcast_in_dim3A_494 : vector<16xi32> to vector<16x1xi32>
      %gather3A_496 = vector.shape_cast %broadcast_in_dim3A_495 : vector<16x1xi32> to vector<16xi32>
      %gather3A_497 = tpu.dynamic_gather %add3A_371[%gather3A_496] in [0] : vector<16xi32>, vector<16xi32> -> vector<16xi32>
      %mul3A_498 = arith.constant 256 : i32
      %mul3A_499 = vector.broadcast %mul3A_498 : i32 to vector<16xi32>
      %mul3A_500 = arith.muli %gather3A_497, %mul3A_499 : vector<16xi32>
      %add3A_501 = arith.addi %mul3A_500, %add3A_375 : vector<16xi32>
      %swap3A_502 = arith.constant 32 : index
      %swap3A_503 = tpu.vector_load %arg9[%swap3A_502] {strides = array<i32>} : memref<112xi32, #tpu.memory_space<vmem>>, vector<16xi32>,
      %swap3A_504 = vector.shape_cast %swap3A_503 : vector<16xi32> to vector<16xi32>
      %swap3A_505 = vector.shape_cast %add3A_501 : vector<16xi32> to vector<16xi32>
      tpu.vector_store %arg9[%swap3A_502], %swap3A_505 {strides = array<i32>} : memref<112xi32, #tpu.memory_space<vmem>>, vector<16xi32>,
      %broadcast_in_dim3A_506 = arith.constant 10 : i32
      %broadcast_in_dim3A_507 = vector.broadcast %broadcast_in_dim3A_506 : i32 to vector<16xi32>
      %broadcast_in_dim3A_508 = vector.shape_cast %broadcast_in_dim3A_507 : vector<16xi32> to vector<16x1xi32>
      %gather3A_509 = vector.shape_cast %broadcast_in_dim3A_508 : vector<16x1xi32> to vector<16xi32>
      %gather3A_510 = tpu.dynamic_gather %add3A_371[%gather3A_509] in [0] : vector<16xi32>, vector<16xi32> -> vector<16xi32>
      %mul3A_511 = arith.constant 256 : i32
      %mul3A_512 = vector.broadcast %mul3A_511 : i32 to vector<16xi32>
      %mul3A_513 = arith.muli %gather3A_510, %mul3A_512 : vector<16xi32>
      %add3A_514 = arith.addi %mul3A_513, %add3A_375 : vector<16xi32>
      %swap3A_515 = arith.constant 48 : index
      %swap3A_516 = tpu.vector_load %arg9[%swap3A_515] {strides = array<i32>} : memref<112xi32, #tpu.memory_space<vmem>>, vector<16xi32>,
      %swap3A_517 = vector.shape_cast %swap3A_516 : vector<16xi32> to vector<16xi32>
      %swap3A_518 = vector.shape_cast %add3A_514 : vector<16xi32> to vector<16xi32>
      tpu.vector_store %arg9[%swap3A_515], %swap3A_518 {strides = array<i32>} : memref<112xi32, #tpu.memory_space<vmem>>, vector<16xi32>,
      %broadcast_in_dim3A_519 = arith.constant 11 : i32
      %broadcast_in_dim3A_520 = vector.broadcast %broadcast_in_dim3A_519 : i32 to vector<16xi32>
      %broadcast_in_dim3A_521 = vector.shape_cast %broadcast_in_dim3A_520 : vector<16xi32> to vector<16x1xi32>
      %gather3A_522 = vector.shape_cast %broadcast_in_dim3A_521 : vector<16x1xi32> to vector<16xi32>
      %gather3A_523 = tpu.dynamic_gather %add3A_371[%gather3A_522] in [0] : vector<16xi32>, vector<16xi32> -> vector<16xi32>
      %mul3A_524 = arith.constant 256 : i32
      %mul3A_525 = vector.broadcast %mul3A_524 : i32 to vector<16xi32>
      %mul3A_526 = arith.muli %gather3A_523, %mul3A_525 : vector<16xi32>
      %add3A_527 = arith.addi %mul3A_526, %add3A_375 : vector<16xi32>
      %swap3A_528 = arith.constant 64 : index
      %swap3A_529 = tpu.vector_load %arg9[%swap3A_528] {strides = array<i32>} : memref<112xi32, #tpu.memory_space<vmem>>, vector<16xi32>,
      %swap3A_530 = vector.shape_cast %swap3A_529 : vector<16xi32> to vector<16xi32>
      %swap3A_531 = vector.shape_cast %add3A_527 : vector<16xi32> to vector<16xi32>
      tpu.vector_store %arg9[%swap3A_528], %swap3A_531 {strides = array<i32>} : memref<112xi32, #tpu.memory_space<vmem>>, vector<16xi32>,
      %broadcast_in_dim3A_532 = arith.constant 12 : i32
      %broadcast_in_dim3A_533 = vector.broadcast %broadcast_in_dim3A_532 : i32 to vector<16xi32>
      %broadcast_in_dim3A_534 = vector.shape_cast %broadcast_in_dim3A_533 : vector<16xi32> to vector<16x1xi32>
      %gather3A_535 = vector.shape_cast %broadcast_in_dim3A_534 : vector<16x1xi32> to vector<16xi32>
      %gather3A_536 = tpu.dynamic_gather %add3A_371[%gather3A_535] in [0] : vector<16xi32>, vector<16xi32> -> vector<16xi32>
      %mul3A_537 = arith.constant 256 : i32
      %mul3A_538 = vector.broadcast %mul3A_537 : i32 to vector<16xi32>
      %mul3A_539 = arith.muli %gather3A_536, %mul3A_538 : vector<16xi32>
      %add3A_540 = arith.addi %mul3A_539, %add3A_375 : vector<16xi32>
      %swap3A_541 = arith.constant 80 : index
      %swap3A_542 = tpu.vector_load %arg9[%swap3A_541] {strides = array<i32>} : memref<112xi32, #tpu.memory_space<vmem>>, vector<16xi32>,
      %swap3A_543 = vector.shape_cast %swap3A_542 : vector<16xi32> to vector<16xi32>
      %swap3A_544 = vector.shape_cast %add3A_540 : vector<16xi32> to vector<16xi32>
      tpu.vector_store %arg9[%swap3A_541], %swap3A_544 {strides = array<i32>} : memref<112xi32, #tpu.memory_space<vmem>>, vector<16xi32>,
      %broadcast_in_dim3A_545 = arith.constant 13 : i32
      %broadcast_in_dim3A_546 = vector.broadcast %broadcast_in_dim3A_545 : i32 to vector<16xi32>
      %broadcast_in_dim3A_547 = vector.shape_cast %broadcast_in_dim3A_546 : vector<16xi32> to vector<16x1xi32>
      %gather3A_548 = vector.shape_cast %broadcast_in_dim3A_547 : vector<16x1xi32> to vector<16xi32>
      %gather3A_549 = tpu.dynamic_gather %add3A_371[%gather3A_548] in [0] : vector<16xi32>, vector<16xi32> -> vector<16xi32>
      %mul3A_550 = arith.constant 256 : i32
      %mul3A_551 = vector.broadcast %mul3A_550 : i32 to vector<16xi32>
      %mul3A_552 = arith.muli %gather3A_549, %mul3A_551 : vector<16xi32>
      %add3A_553 = arith.addi %mul3A_552, %add3A_375 : vector<16xi32>
      %swap3A_554 = arith.constant 96 : index
      %swap3A_555 = tpu.vector_load %arg9[%swap3A_554] {strides = array<i32>} : memref<112xi32, #tpu.memory_space<vmem>>, vector<16xi32>,
      %swap3A_556 = vector.shape_cast %swap3A_555 : vector<16xi32> to vector<16xi32>
      %swap3A_557 = vector.shape_cast %add3A_553 : vector<16xi32> to vector<16xi32>
      tpu.vector_store %arg9[%swap3A_554], %swap3A_557 {strides = array<i32>} : memref<112xi32, #tpu.memory_space<vmem>>, vector<16xi32>,
      %lt3A = arith.cmpi slt, %add3A_314, %min3A_4 : i32
      %convert_element_type3A_558 = arith.extui %lt3A : i1 to i32
      %cond3A = arith.constant 0 : i32
      %cond3A_559 = arith.cmpi ne, %convert_element_type3A_558, %cond3A : i32
      scf.if %cond3A_559 {
        %dma_start3A_840 = arith.constant 0 : i32
        %dma_start3A_841 = arith.constant 0 : i32
        %dma_start3A_842 = tpu.memref_slice %arg11[%dma_start3A_840, %dma_start3A_841] : memref<224x256xf32, #tpu.memory_space<vmem>> -> memref<112x256xf32, #tpu.memory_space<vmem>>
        %dma_start3A_843 = arith.constant 0 : i32
        %dma_start3A_844 = arith.constant 0 : i32
        %dma_start3A_845 = tpu.memref_slice %arg2[%dma_start3A_843, %dma_start3A_844] : memref<65536x256xf32, #tpu.memory_space<hbm>> -> memref<65536x256xf32, #tpu.memory_space<hbm>>
        tpu.enqueue_indirect_dma source(%dma_start3A_845 : memref<65536x256xf32, #tpu.memory_space<hbm>>) target(%dma_start3A_842 : memref<112x256xf32, #tpu.memory_space<vmem>>) offsets(%arg8 : memref<112xi32, #tpu.memory_space<vmem>>) semaphore(%arg14 : memref<!tpu.dma_semaphore, #tpu.memory_space<semaphore_mem>>)
        %dma_start3A_846 = arith.constant 112 : i32
        %dma_start3A_847 = arith.constant 0 : i32
        %dma_start3A_848 = tpu.memref_slice %arg11[%dma_start3A_846, %dma_start3A_847] : memref<224x256xf32, #tpu.memory_space<vmem>> -> memref<112x256xf32, #tpu.memory_space<vmem>>
        %dma_start3A_849 = arith.constant 0 : i32
        %dma_start3A_850 = arith.constant 0 : i32
        %dma_start3A_851 = tpu.memref_slice %arg2[%dma_start3A_849, %dma_start3A_850] : memref<65536x256xf32, #tpu.memory_space<hbm>> -> memref<65536x256xf32, #tpu.memory_space<hbm>>
        tpu.enqueue_indirect_dma source(%dma_start3A_851 : memref<65536x256xf32, #tpu.memory_space<hbm>>) target(%dma_start3A_848 : memref<112x256xf32, #tpu.memory_space<vmem>>) offsets(%arg9 : memref<112xi32, #tpu.memory_space<vmem>>) semaphore(%arg14 : memref<!tpu.dma_semaphore, #tpu.memory_space<semaphore_mem>>)
      } else {
      }
      %dma_wait3A_560 = arith.constant 0 : i32
      %dma_wait3A_561 = arith.constant 0 : i32
      %dma_wait3A_562 = tpu.memref_slice %arg10[%dma_wait3A_560, %dma_wait3A_561] : memref<224x256xf32, #tpu.memory_space<vmem>> -> memref<112x256xf32, #tpu.memory_space<vmem>>
      %dma_wait3A_563 = arith.constant 0 : i32
      %dma_wait3A_564 = arith.constant 0 : i32
      %dma_wait3A_565 = tpu.memref_slice %arg2[%dma_wait3A_563, %dma_wait3A_564] : memref<65536x256xf32, #tpu.memory_space<hbm>> -> memref<65536x256xf32, #tpu.memory_space<hbm>>
      tpu.wait_indirect_dma semaphore(%arg13 : memref<!tpu.dma_semaphore, #tpu.memory_space<semaphore_mem>>) src(%dma_wait3A_565 : memref<65536x256xf32, #tpu.memory_space<hbm>>) dst(%dma_wait3A_562 : memref<112x256xf32, #tpu.memory_space<vmem>>)
      %dma_wait3A_566 = arith.constant 112 : i32
      %dma_wait3A_567 = arith.constant 0 : i32
      %dma_wait3A_568 = tpu.memref_slice %arg10[%dma_wait3A_566, %dma_wait3A_567] : memref<224x256xf32, #tpu.memory_space<vmem>> -> memref<112x256xf32, #tpu.memory_space<vmem>>
      %dma_wait3A_569 = arith.constant 0 : i32
      %dma_wait3A_570 = arith.constant 0 : i32
      %dma_wait3A_571 = tpu.memref_slice %arg2[%dma_wait3A_569, %dma_wait3A_570] : memref<65536x256xf32, #tpu.memory_space<hbm>> -> memref<65536x256xf32, #tpu.memory_space<hbm>>
      tpu.wait_indirect_dma semaphore(%arg13 : memref<!tpu.dma_semaphore, #tpu.memory_space<semaphore_mem>>) src(%dma_wait3A_571 : memref<65536x256xf32, #tpu.memory_space<hbm>>) dst(%dma_wait3A_568 : memref<112x256xf32, #tpu.memory_space<vmem>>)
      %dma_wait3A_572 = arith.constant 0 : i32
      %dma_wait3A_573 = arith.constant 0 : i32
      %dma_wait3A_574 = tpu.memref_slice %arg4[%mul3A_2, %dma_wait3A_572, %dma_wait3A_573] : memref<1000x49x256xf32, #tpu.memory_space<hbm>> -> memref<1x49x256xf32, #tpu.memory_space<hbm>>
      %dma_wait3A_575 = tpu.memref_squeeze %dma_wait3A_574 : memref<1x49x256xf32, #tpu.memory_space<hbm>> -> memref<49x256xf32, #tpu.memory_space<hbm>>
      %dma_wait3A_576 = arith.constant 0 : i32
      %dma_wait3A_577 = arith.constant 0 : i32
      %dma_wait3A_578 = tpu.memref_slice %arg4[%mul3A_2, %dma_wait3A_576, %dma_wait3A_577] : memref<1000x49x256xf32, #tpu.memory_space<hbm>> -> memref<1x49x256xf32, #tpu.memory_space<hbm>>
      %dma_wait3A_579 = tpu.memref_squeeze %dma_wait3A_578 : memref<1x49x256xf32, #tpu.memory_space<hbm>> -> memref<49x256xf32, #tpu.memory_space<hbm>>
      tpu.wait_dma2 semaphore(%arg15 : memref<!tpu.dma_semaphore, #tpu.memory_space<semaphore_mem>>) src(%arg12 : memref<49x256xf32, #tpu.memory_space<vmem>>) dst(%dma_wait3A_579 : memref<49x256xf32, #tpu.memory_space<hbm>>)
      %parallel_loop3A = arith.constant 0 : i32
      %parallel_loop3A_580 = arith.constant 49 : i32
      %parallel_loop3A_581 = arith.constant 1 : i32
      scf.for %parallel_loop3A_840 = %parallel_loop3A to %parallel_loop3A_580 step %parallel_loop3A_581  : i32 {
        %parallel_loop3A_841 = arith.constant 7 : i32
        %parallel_loop3A_842 = arith.divsi %parallel_loop3A_840, %parallel_loop3A_841 : i32
        %parallel_loop3A_843 = arith.constant 0 : i32
        %parallel_loop3A_844 = arith.cmpi sgt, %parallel_loop3A_840, %parallel_loop3A_843 : i32
        %parallel_loop3A_845 = arith.extui %parallel_loop3A_844 : i1 to i32
        %parallel_loop3A_846 = arith.constant 0 : i32
        %parallel_loop3A_847 = arith.cmpi slt, %parallel_loop3A_840, %parallel_loop3A_846 : i32
        %parallel_loop3A_848 = arith.extui %parallel_loop3A_847 : i1 to i32
        %parallel_loop3A_849 = arith.subi %parallel_loop3A_845, %parallel_loop3A_848 : i32
        %parallel_loop3A_850 = arith.constant 0 : i32
        %parallel_loop3A_851 = arith.cmpi sgt, %parallel_loop3A_841, %parallel_loop3A_850 : i32
        %parallel_loop3A_852 = arith.extui %parallel_loop3A_851 : i1 to i32
        %parallel_loop3A_853 = arith.constant 0 : i32
        %parallel_loop3A_854 = arith.cmpi slt, %parallel_loop3A_841, %parallel_loop3A_853 : i32
        %parallel_loop3A_855 = arith.extui %parallel_loop3A_854 : i1 to i32
        %parallel_loop3A_856 = arith.subi %parallel_loop3A_852, %parallel_loop3A_855 : i32
        %parallel_loop3A_857 = arith.cmpi ne, %parallel_loop3A_849, %parallel_loop3A_856 : i32
        %parallel_loop3A_858 = arith.remsi %parallel_loop3A_840, %parallel_loop3A_841 : i32
        %parallel_loop3A_859 = arith.constant 0 : i32
        %parallel_loop3A_860 = arith.cmpi ne, %parallel_loop3A_858, %parallel_loop3A_859 : i32
        %parallel_loop3A_861 = arith.andi %parallel_loop3A_857, %parallel_loop3A_860 : i1
        %parallel_loop3A_862 = arith.constant 1 : i32
        %parallel_loop3A_863 = arith.subi %parallel_loop3A_842, %parallel_loop3A_862 : i32
        %parallel_loop3A_864 = arith.select %parallel_loop3A_861, %parallel_loop3A_863, %parallel_loop3A_842 : i32
        %parallel_loop3A_865 = arith.constant 7 : i32
        %parallel_loop3A_866 = arith.muli %parallel_loop3A_864, %parallel_loop3A_865 : i32
        %parallel_loop3A_867 = arith.subi %parallel_loop3A_840, %parallel_loop3A_866 : i32
        %parallel_loop3A_868 = vector.broadcast %parallel_loop3A_864 : i32 to vector<16xi32>
        %parallel_loop3A_869 = vector.shape_cast %parallel_loop3A_868 : vector<16xi32> to vector<16x1xi32>
        %parallel_loop3A_870 = vector.shape_cast %parallel_loop3A_869 : vector<16x1xi32> to vector<16xi32>
        %parallel_loop3A_871 = tpu.dynamic_gather %while3A_309[%parallel_loop3A_870] in [0] : vector<16xf32>, vector<16xi32> -> vector<16xf32>
        %parallel_loop3A_872 = vector.broadcast %parallel_loop3A_867 : i32 to vector<16xi32>
        %parallel_loop3A_873 = vector.shape_cast %parallel_loop3A_872 : vector<16xi32> to vector<16x1xi32>
        %parallel_loop3A_874 = vector.shape_cast %parallel_loop3A_873 : vector<16x1xi32> to vector<16xi32>
        %parallel_loop3A_875 = tpu.dynamic_gather %while3A_310[%parallel_loop3A_874] in [0] : vector<16xf32>, vector<16xi32> -> vector<16xf32>
        %parallel_loop3A_876 = arith.mulf %parallel_loop3A_871, %parallel_loop3A_875 : vector<16xf32>
        %parallel_loop3A_877 = arith.subf %parallel_loop3A_875, %parallel_loop3A_876 : vector<16xf32>
        %parallel_loop3A_878 = arith.subf %parallel_loop3A_871, %parallel_loop3A_876 : vector<16xf32>
        %parallel_loop3A_879 = arith.constant 1.000000e+00 : f32
        %parallel_loop3A_880 = vector.broadcast %parallel_loop3A_879 : f32 to vector<16xf32>
        %parallel_loop3A_881 = arith.subf %parallel_loop3A_880, %parallel_loop3A_875 : vector<16xf32>
        %parallel_loop3A_882 = arith.subf %parallel_loop3A_881, %parallel_loop3A_878 : vector<16xf32>
        %parallel_loop3A_883 = arith.constant 32 : i32
        %parallel_loop3A_884 = arith.muli %parallel_loop3A_864, %parallel_loop3A_883 : i32
        %parallel_loop3A_885 = arith.constant 2 : i32
        %parallel_loop3A_886 = arith.muli %parallel_loop3A_867, %parallel_loop3A_885 : i32
        %parallel_loop3A_887 = arith.addi %parallel_loop3A_884, %parallel_loop3A_886 : i32
        %parallel_loop3A_888 = arith.index_cast %parallel_loop3A_887 : i32 to index
        %parallel_loop3A_889 = arith.constant 0 : index
        %parallel_loop3A_890 = tpu.vector_load %arg10[%parallel_loop3A_888, %parallel_loop3A_889] {strides = array<i32>} : memref<224x256xf32, #tpu.memory_space<vmem>>, vector<1x16xf32>,
        %parallel_loop3A_891 = vector.shape_cast %parallel_loop3A_890 : vector<1x16xf32> to vector<16xf32>
        %parallel_loop3A_892 = arith.constant 1 : i32
        %parallel_loop3A_893 = arith.addi %parallel_loop3A_887, %parallel_loop3A_892 : i32
        %parallel_loop3A_894 = arith.index_cast %parallel_loop3A_893 : i32 to index
        %parallel_loop3A_895 = arith.constant 0 : index
        %parallel_loop3A_896 = tpu.vector_load %arg10[%parallel_loop3A_894, %parallel_loop3A_895] {strides = array<i32>} : memref<224x256xf32, #tpu.memory_space<vmem>>, vector<1x16xf32>,
        %parallel_loop3A_897 = vector.shape_cast %parallel_loop3A_896 : vector<1x16xf32> to vector<16xf32>
        %parallel_loop3A_898 = arith.constant 16 : i32
        %parallel_loop3A_899 = arith.addi %parallel_loop3A_887, %parallel_loop3A_898 : i32
        %parallel_loop3A_900 = arith.index_cast %parallel_loop3A_899 : i32 to index
        %parallel_loop3A_901 = arith.constant 0 : index
        %parallel_loop3A_902 = tpu.vector_load %arg10[%parallel_loop3A_900, %parallel_loop3A_901] {strides = array<i32>} : memref<224x256xf32, #tpu.memory_space<vmem>>, vector<1x16xf32>,
        %parallel_loop3A_903 = vector.shape_cast %parallel_loop3A_902 : vector<1x16xf32> to vector<16xf32>
        %parallel_loop3A_904 = arith.constant 16 : i32
        %parallel_loop3A_905 = arith.addi %parallel_loop3A_887, %parallel_loop3A_904 : i32
        %parallel_loop3A_906 = arith.constant 1 : i32
        %parallel_loop3A_907 = arith.addi %parallel_loop3A_905, %parallel_loop3A_906 : i32
        %parallel_loop3A_908 = arith.index_cast %parallel_loop3A_907 : i32 to index
        %parallel_loop3A_909 = arith.constant 0 : index
        %parallel_loop3A_910 = tpu.vector_load %arg10[%parallel_loop3A_908, %parallel_loop3A_909] {strides = array<i32>} : memref<224x256xf32, #tpu.memory_space<vmem>>, vector<1x16xf32>,
        %parallel_loop3A_911 = vector.shape_cast %parallel_loop3A_910 : vector<1x16xf32> to vector<16xf32>
        %parallel_loop3A_912 = arith.mulf %parallel_loop3A_891, %parallel_loop3A_882 : vector<16xf32>
        %parallel_loop3A_913 = arith.mulf %parallel_loop3A_897, %parallel_loop3A_877 : vector<16xf32>
        %parallel_loop3A_914 = arith.addf %parallel_loop3A_912, %parallel_loop3A_913 : vector<16xf32>
        %parallel_loop3A_915 = arith.mulf %parallel_loop3A_903, %parallel_loop3A_878 : vector<16xf32>
        %parallel_loop3A_916 = arith.mulf %parallel_loop3A_911, %parallel_loop3A_876 : vector<16xf32>
        %parallel_loop3A_917 = arith.addf %parallel_loop3A_915, %parallel_loop3A_916 : vector<16xf32>
        %parallel_loop3A_918 = arith.addf %parallel_loop3A_914, %parallel_loop3A_917 : vector<16xf32>
        %parallel_loop3A_919 = arith.index_cast %parallel_loop3A_840 : i32 to index
        %parallel_loop3A_920 = arith.constant 0 : index
        %parallel_loop3A_921 = tpu.vector_load %arg12[%parallel_loop3A_919, %parallel_loop3A_920] {strides = array<i32>} : memref<49x256xf32, #tpu.memory_space<vmem>>, vector<1x16xf32>,
        %parallel_loop3A_922 = vector.shape_cast %parallel_loop3A_921 : vector<1x16xf32> to vector<16xf32>
        %parallel_loop3A_923 = vector.shape_cast %parallel_loop3A_918 : vector<16xf32> to vector<1x16xf32>
        tpu.vector_store %arg12[%parallel_loop3A_919, %parallel_loop3A_920], %parallel_loop3A_923 {strides = array<i32>} : memref<49x256xf32, #tpu.memory_space<vmem>>, vector<1x16xf32>,
        %parallel_loop3A_924 = arith.index_cast %parallel_loop3A_887 : i32 to index
        %parallel_loop3A_925 = arith.constant 16 : index
        %parallel_loop3A_926 = tpu.vector_load %arg10[%parallel_loop3A_924, %parallel_loop3A_925] {strides = array<i32>} : memref<224x256xf32, #tpu.memory_space<vmem>>, vector<1x16xf32>,
        %parallel_loop3A_927 = vector.shape_cast %parallel_loop3A_926 : vector<1x16xf32> to vector<16xf32>
        %parallel_loop3A_928 = arith.constant 1 : i32
        %parallel_loop3A_929 = arith.addi %parallel_loop3A_887, %parallel_loop3A_928 : i32
        %parallel_loop3A_930 = arith.index_cast %parallel_loop3A_929 : i32 to index
        %parallel_loop3A_931 = arith.constant 16 : index
        %parallel_loop3A_932 = tpu.vector_load %arg10[%parallel_loop3A_930, %parallel_loop3A_931] {strides = array<i32>} : memref<224x256xf32, #tpu.memory_space<vmem>>, vector<1x16xf32>,
        %parallel_loop3A_933 = vector.shape_cast %parallel_loop3A_932 : vector<1x16xf32> to vector<16xf32>
        %parallel_loop3A_934 = arith.constant 16 : i32
        %parallel_loop3A_935 = arith.addi %parallel_loop3A_887, %parallel_loop3A_934 : i32
        %parallel_loop3A_936 = arith.index_cast %parallel_loop3A_935 : i32 to index
        %parallel_loop3A_937 = arith.constant 16 : index
        %parallel_loop3A_938 = tpu.vector_load %arg10[%parallel_loop3A_936, %parallel_loop3A_937] {strides = array<i32>} : memref<224x256xf32, #tpu.memory_space<vmem>>, vector<1x16xf32>,
        %parallel_loop3A_939 = vector.shape_cast %parallel_loop3A_938 : vector<1x16xf32> to vector<16xf32>
        %parallel_loop3A_940 = arith.constant 16 : i32
        %parallel_loop3A_941 = arith.addi %parallel_loop3A_887, %parallel_loop3A_940 : i32
        %parallel_loop3A_942 = arith.constant 1 : i32
        %parallel_loop3A_943 = arith.addi %parallel_loop3A_941, %parallel_loop3A_942 : i32
        %parallel_loop3A_944 = arith.index_cast %parallel_loop3A_943 : i32 to index
        %parallel_loop3A_945 = arith.constant 16 : index
        %parallel_loop3A_946 = tpu.vector_load %arg10[%parallel_loop3A_944, %parallel_loop3A_945] {strides = array<i32>} : memref<224x256xf32, #tpu.memory_space<vmem>>, vector<1x16xf32>,
        %parallel_loop3A_947 = vector.shape_cast %parallel_loop3A_946 : vector<1x16xf32> to vector<16xf32>
        %parallel_loop3A_948 = arith.mulf %parallel_loop3A_927, %parallel_loop3A_882 : vector<16xf32>
        %parallel_loop3A_949 = arith.mulf %parallel_loop3A_933, %parallel_loop3A_877 : vector<16xf32>
        %parallel_loop3A_950 = arith.addf %parallel_loop3A_948, %parallel_loop3A_949 : vector<16xf32>
        %parallel_loop3A_951 = arith.mulf %parallel_loop3A_939, %parallel_loop3A_878 : vector<16xf32>
        %parallel_loop3A_952 = arith.mulf %parallel_loop3A_947, %parallel_loop3A_876 : vector<16xf32>
        %parallel_loop3A_953 = arith.addf %parallel_loop3A_951, %parallel_loop3A_952 : vector<16xf32>
        %parallel_loop3A_954 = arith.addf %parallel_loop3A_950, %parallel_loop3A_953 : vector<16xf32>
        %parallel_loop3A_955 = arith.index_cast %parallel_loop3A_840 : i32 to index
        %parallel_loop3A_956 = arith.constant 16 : index
        %parallel_loop3A_957 = tpu.vector_load %arg12[%parallel_loop3A_955, %parallel_loop3A_956] {strides = array<i32>} : memref<49x256xf32, #tpu.memory_space<vmem>>, vector<1x16xf32>,
        %parallel_loop3A_958 = vector.shape_cast %parallel_loop3A_957 : vector<1x16xf32> to vector<16xf32>
        %parallel_loop3A_959 = vector.shape_cast %parallel_loop3A_954 : vector<16xf32> to vector<1x16xf32>
        tpu.vector_store %arg12[%parallel_loop3A_955, %parallel_loop3A_956], %parallel_loop3A_959 {strides = array<i32>} : memref<49x256xf32, #tpu.memory_space<vmem>>, vector<1x16xf32>,
        %parallel_loop3A_960 = arith.index_cast %parallel_loop3A_887 : i32 to index
        %parallel_loop3A_961 = arith.constant 32 : index
        %parallel_loop3A_962 = tpu.vector_load %arg10[%parallel_loop3A_960, %parallel_loop3A_961] {strides = array<i32>} : memref<224x256xf32, #tpu.memory_space<vmem>>, vector<1x16xf32>,
        %parallel_loop3A_963 = vector.shape_cast %parallel_loop3A_962 : vector<1x16xf32> to vector<16xf32>
        %parallel_loop3A_964 = arith.constant 1 : i32
        %parallel_loop3A_965 = arith.addi %parallel_loop3A_887, %parallel_loop3A_964 : i32
        %parallel_loop3A_966 = arith.index_cast %parallel_loop3A_965 : i32 to index
        %parallel_loop3A_967 = arith.constant 32 : index
        %parallel_loop3A_968 = tpu.vector_load %arg10[%parallel_loop3A_966, %parallel_loop3A_967] {strides = array<i32>} : memref<224x256xf32, #tpu.memory_space<vmem>>, vector<1x16xf32>,
        %parallel_loop3A_969 = vector.shape_cast %parallel_loop3A_968 : vector<1x16xf32> to vector<16xf32>
        %parallel_loop3A_970 = arith.constant 16 : i32
        %parallel_loop3A_971 = arith.addi %parallel_loop3A_887, %parallel_loop3A_970 : i32
        %parallel_loop3A_972 = arith.index_cast %parallel_loop3A_971 : i32 to index
        %parallel_loop3A_973 = arith.constant 32 : index
        %parallel_loop3A_974 = tpu.vector_load %arg10[%parallel_loop3A_972, %parallel_loop3A_973] {strides = array<i32>} : memref<224x256xf32, #tpu.memory_space<vmem>>, vector<1x16xf32>,
        %parallel_loop3A_975 = vector.shape_cast %parallel_loop3A_974 : vector<1x16xf32> to vector<16xf32>
        %parallel_loop3A_976 = arith.constant 16 : i32
        %parallel_loop3A_977 = arith.addi %parallel_loop3A_887, %parallel_loop3A_976 : i32
        %parallel_loop3A_978 = arith.constant 1 : i32
        %parallel_loop3A_979 = arith.addi %parallel_loop3A_977, %parallel_loop3A_978 : i32
        %parallel_loop3A_980 = arith.index_cast %parallel_loop3A_979 : i32 to index
        %parallel_loop3A_981 = arith.constant 32 : index
        %parallel_loop3A_982 = tpu.vector_load %arg10[%parallel_loop3A_980, %parallel_loop3A_981] {strides = array<i32>} : memref<224x256xf32, #tpu.memory_space<vmem>>, vector<1x16xf32>,
        %parallel_loop3A_983 = vector.shape_cast %parallel_loop3A_982 : vector<1x16xf32> to vector<16xf32>
        %parallel_loop3A_984 = arith.mulf %parallel_loop3A_963, %parallel_loop3A_882 : vector<16xf32>
        %parallel_loop3A_985 = arith.mulf %parallel_loop3A_969, %parallel_loop3A_877 : vector<16xf32>
        %parallel_loop3A_986 = arith.addf %parallel_loop3A_984, %parallel_loop3A_985 : vector<16xf32>
        %parallel_loop3A_987 = arith.mulf %parallel_loop3A_975, %parallel_loop3A_878 : vector<16xf32>
        %parallel_loop3A_988 = arith.mulf %parallel_loop3A_983, %parallel_loop3A_876 : vector<16xf32>
        %parallel_loop3A_989 = arith.addf %parallel_loop3A_987, %parallel_loop3A_988 : vector<16xf32>
        %parallel_loop3A_990 = arith.addf %parallel_loop3A_986, %parallel_loop3A_989 : vector<16xf32>
        %parallel_loop3A_991 = arith.index_cast %parallel_loop3A_840 : i32 to index
        %parallel_loop3A_992 = arith.constant 32 : index
        %parallel_loop3A_993 = tpu.vector_load %arg12[%parallel_loop3A_991, %parallel_loop3A_992] {strides = array<i32>} : memref<49x256xf32, #tpu.memory_space<vmem>>, vector<1x16xf32>,
        %parallel_loop3A_994 = vector.shape_cast %parallel_loop3A_993 : vector<1x16xf32> to vector<16xf32>
        %parallel_loop3A_995 = vector.shape_cast %parallel_loop3A_990 : vector<16xf32> to vector<1x16xf32>
        tpu.vector_store %arg12[%parallel_loop3A_991, %parallel_loop3A_992], %parallel_loop3A_995 {strides = array<i32>} : memref<49x256xf32, #tpu.memory_space<vmem>>, vector<1x16xf32>,
        %parallel_loop3A_996 = arith.index_cast %parallel_loop3A_887 : i32 to index
        %parallel_loop3A_997 = arith.constant 48 : index
        %parallel_loop3A_998 = tpu.vector_load %arg10[%parallel_loop3A_996, %parallel_loop3A_997] {strides = array<i32>} : memref<224x256xf32, #tpu.memory_space<vmem>>, vector<1x16xf32>,
        %parallel_loop3A_999 = vector.shape_cast %parallel_loop3A_998 : vector<1x16xf32> to vector<16xf32>
        %parallel_loop3A_1000 = arith.constant 1 : i32
        %parallel_loop3A_1001 = arith.addi %parallel_loop3A_887, %parallel_loop3A_1000 : i32
        %parallel_loop3A_1002 = arith.index_cast %parallel_loop3A_1001 : i32 to index
        %parallel_loop3A_1003 = arith.constant 48 : index
        %parallel_loop3A_1004 = tpu.vector_load %arg10[%parallel_loop3A_1002, %parallel_loop3A_1003] {strides = array<i32>} : memref<224x256xf32, #tpu.memory_space<vmem>>, vector<1x16xf32>,
        %parallel_loop3A_1005 = vector.shape_cast %parallel_loop3A_1004 : vector<1x16xf32> to vector<16xf32>
        %parallel_loop3A_1006 = arith.constant 16 : i32
        %parallel_loop3A_1007 = arith.addi %parallel_loop3A_887, %parallel_loop3A_1006 : i32
        %parallel_loop3A_1008 = arith.index_cast %parallel_loop3A_1007 : i32 to index
        %parallel_loop3A_1009 = arith.constant 48 : index
        %parallel_loop3A_1010 = tpu.vector_load %arg10[%parallel_loop3A_1008, %parallel_loop3A_1009] {strides = array<i32>} : memref<224x256xf32, #tpu.memory_space<vmem>>, vector<1x16xf32>,
        %parallel_loop3A_1011 = vector.shape_cast %parallel_loop3A_1010 : vector<1x16xf32> to vector<16xf32>
        %parallel_loop3A_1012 = arith.constant 16 : i32
        %parallel_loop3A_1013 = arith.addi %parallel_loop3A_887, %parallel_loop3A_1012 : i32
        %parallel_loop3A_1014 = arith.constant 1 : i32
        %parallel_loop3A_1015 = arith.addi %parallel_loop3A_1013, %parallel_loop3A_1014 : i32
        %parallel_loop3A_1016 = arith.index_cast %parallel_loop3A_1015 : i32 to index
        %parallel_loop3A_1017 = arith.constant 48 : index
        %parallel_loop3A_1018 = tpu.vector_load %arg10[%parallel_loop3A_1016, %parallel_loop3A_1017] {strides = array<i32>} : memref<224x256xf32, #tpu.memory_space<vmem>>, vector<1x16xf32>,
        %parallel_loop3A_1019 = vector.shape_cast %parallel_loop3A_1018 : vector<1x16xf32> to vector<16xf32>
        %parallel_loop3A_1020 = arith.mulf %parallel_loop3A_999, %parallel_loop3A_882 : vector<16xf32>
        %parallel_loop3A_1021 = arith.mulf %parallel_loop3A_1005, %parallel_loop3A_877 : vector<16xf32>
        %parallel_loop3A_1022 = arith.addf %parallel_loop3A_1020, %parallel_loop3A_1021 : vector<16xf32>
        %parallel_loop3A_1023 = arith.mulf %parallel_loop3A_1011, %parallel_loop3A_878 : vector<16xf32>
        %parallel_loop3A_1024 = arith.mulf %parallel_loop3A_1019, %parallel_loop3A_876 : vector<16xf32>
        %parallel_loop3A_1025 = arith.addf %parallel_loop3A_1023, %parallel_loop3A_1024 : vector<16xf32>
        %parallel_loop3A_1026 = arith.addf %parallel_loop3A_1022, %parallel_loop3A_1025 : vector<16xf32>
        %parallel_loop3A_1027 = arith.index_cast %parallel_loop3A_840 : i32 to index
        %parallel_loop3A_1028 = arith.constant 48 : index
        %parallel_loop3A_1029 = tpu.vector_load %arg12[%parallel_loop3A_1027, %parallel_loop3A_1028] {strides = array<i32>} : memref<49x256xf32, #tpu.memory_space<vmem>>, vector<1x16xf32>,
        %parallel_loop3A_1030 = vector.shape_cast %parallel_loop3A_1029 : vector<1x16xf32> to vector<16xf32>
        %parallel_loop3A_1031 = vector.shape_cast %parallel_loop3A_1026 : vector<16xf32> to vector<1x16xf32>
        tpu.vector_store %arg12[%parallel_loop3A_1027, %parallel_loop3A_1028], %parallel_loop3A_1031 {strides = array<i32>} : memref<49x256xf32, #tpu.memory_space<vmem>>, vector<1x16xf32>,
        %parallel_loop3A_1032 = arith.index_cast %parallel_loop3A_887 : i32 to index
        %parallel_loop3A_1033 = arith.constant 64 : index
        %parallel_loop3A_1034 = tpu.vector_load %arg10[%parallel_loop3A_1032, %parallel_loop3A_1033] {strides = array<i32>} : memref<224x256xf32, #tpu.memory_space<vmem>>, vector<1x16xf32>,
        %parallel_loop3A_1035 = vector.shape_cast %parallel_loop3A_1034 : vector<1x16xf32> to vector<16xf32>
        %parallel_loop3A_1036 = arith.constant 1 : i32
        %parallel_loop3A_1037 = arith.addi %parallel_loop3A_887, %parallel_loop3A_1036 : i32
        %parallel_loop3A_1038 = arith.index_cast %parallel_loop3A_1037 : i32 to index
        %parallel_loop3A_1039 = arith.constant 64 : index
        %parallel_loop3A_1040 = tpu.vector_load %arg10[%parallel_loop3A_1038, %parallel_loop3A_1039] {strides = array<i32>} : memref<224x256xf32, #tpu.memory_space<vmem>>, vector<1x16xf32>,
        %parallel_loop3A_1041 = vector.shape_cast %parallel_loop3A_1040 : vector<1x16xf32> to vector<16xf32>
        %parallel_loop3A_1042 = arith.constant 16 : i32
        %parallel_loop3A_1043 = arith.addi %parallel_loop3A_887, %parallel_loop3A_1042 : i32
        %parallel_loop3A_1044 = arith.index_cast %parallel_loop3A_1043 : i32 to index
        %parallel_loop3A_1045 = arith.constant 64 : index
        %parallel_loop3A_1046 = tpu.vector_load %arg10[%parallel_loop3A_1044, %parallel_loop3A_1045] {strides = array<i32>} : memref<224x256xf32, #tpu.memory_space<vmem>>, vector<1x16xf32>,
        %parallel_loop3A_1047 = vector.shape_cast %parallel_loop3A_1046 : vector<1x16xf32> to vector<16xf32>
        %parallel_loop3A_1048 = arith.constant 16 : i32
        %parallel_loop3A_1049 = arith.addi %parallel_loop3A_887, %parallel_loop3A_1048 : i32
        %parallel_loop3A_1050 = arith.constant 1 : i32
        %parallel_loop3A_1051 = arith.addi %parallel_loop3A_1049, %parallel_loop3A_1050 : i32
        %parallel_loop3A_1052 = arith.index_cast %parallel_loop3A_1051 : i32 to index
        %parallel_loop3A_1053 = arith.constant 64 : index
        %parallel_loop3A_1054 = tpu.vector_load %arg10[%parallel_loop3A_1052, %parallel_loop3A_1053] {strides = array<i32>} : memref<224x256xf32, #tpu.memory_space<vmem>>, vector<1x16xf32>,
        %parallel_loop3A_1055 = vector.shape_cast %parallel_loop3A_1054 : vector<1x16xf32> to vector<16xf32>
        %parallel_loop3A_1056 = arith.mulf %parallel_loop3A_1035, %parallel_loop3A_882 : vector<16xf32>
        %parallel_loop3A_1057 = arith.mulf %parallel_loop3A_1041, %parallel_loop3A_877 : vector<16xf32>
        %parallel_loop3A_1058 = arith.addf %parallel_loop3A_1056, %parallel_loop3A_1057 : vector<16xf32>
        %parallel_loop3A_1059 = arith.mulf %parallel_loop3A_1047, %parallel_loop3A_878 : vector<16xf32>
        %parallel_loop3A_1060 = arith.mulf %parallel_loop3A_1055, %parallel_loop3A_876 : vector<16xf32>
        %parallel_loop3A_1061 = arith.addf %parallel_loop3A_1059, %parallel_loop3A_1060 : vector<16xf32>
        %parallel_loop3A_1062 = arith.addf %parallel_loop3A_1058, %parallel_loop3A_1061 : vector<16xf32>
        %parallel_loop3A_1063 = arith.index_cast %parallel_loop3A_840 : i32 to index
        %parallel_loop3A_1064 = arith.constant 64 : index
        %parallel_loop3A_1065 = tpu.vector_load %arg12[%parallel_loop3A_1063, %parallel_loop3A_1064] {strides = array<i32>} : memref<49x256xf32, #tpu.memory_space<vmem>>, vector<1x16xf32>,
        %parallel_loop3A_1066 = vector.shape_cast %parallel_loop3A_1065 : vector<1x16xf32> to vector<16xf32>
        %parallel_loop3A_1067 = vector.shape_cast %parallel_loop3A_1062 : vector<16xf32> to vector<1x16xf32>
        tpu.vector_store %arg12[%parallel_loop3A_1063, %parallel_loop3A_1064], %parallel_loop3A_1067 {strides = array<i32>} : memref<49x256xf32, #tpu.memory_space<vmem>>, vector<1x16xf32>,
        %parallel_loop3A_1068 = arith.index_cast %parallel_loop3A_887 : i32 to index
        %parallel_loop3A_1069 = arith.constant 80 : index
        %parallel_loop3A_1070 = tpu.vector_load %arg10[%parallel_loop3A_1068, %parallel_loop3A_1069] {strides = array<i32>} : memref<224x256xf32, #tpu.memory_space<vmem>>, vector<1x16xf32>,
        %parallel_loop3A_1071 = vector.shape_cast %parallel_loop3A_1070 : vector<1x16xf32> to vector<16xf32>
        %parallel_loop3A_1072 = arith.constant 1 : i32
        %parallel_loop3A_1073 = arith.addi %parallel_loop3A_887, %parallel_loop3A_1072 : i32
        %parallel_loop3A_1074 = arith.index_cast %parallel_loop3A_1073 : i32 to index
        %parallel_loop3A_1075 = arith.constant 80 : index
        %parallel_loop3A_1076 = tpu.vector_load %arg10[%parallel_loop3A_1074, %parallel_loop3A_1075] {strides = array<i32>} : memref<224x256xf32, #tpu.memory_space<vmem>>, vector<1x16xf32>,
        %parallel_loop3A_1077 = vector.shape_cast %parallel_loop3A_1076 : vector<1x16xf32> to vector<16xf32>
        %parallel_loop3A_1078 = arith.constant 16 : i32
        %parallel_loop3A_1079 = arith.addi %parallel_loop3A_887, %parallel_loop3A_1078 : i32
        %parallel_loop3A_1080 = arith.index_cast %parallel_loop3A_1079 : i32 to index
        %parallel_loop3A_1081 = arith.constant 80 : index
        %parallel_loop3A_1082 = tpu.vector_load %arg10[%parallel_loop3A_1080, %parallel_loop3A_1081] {strides = array<i32>} : memref<224x256xf32, #tpu.memory_space<vmem>>, vector<1x16xf32>,
        %parallel_loop3A_1083 = vector.shape_cast %parallel_loop3A_1082 : vector<1x16xf32> to vector<16xf32>
        %parallel_loop3A_1084 = arith.constant 16 : i32
        %parallel_loop3A_1085 = arith.addi %parallel_loop3A_887, %parallel_loop3A_1084 : i32
        %parallel_loop3A_1086 = arith.constant 1 : i32
        %parallel_loop3A_1087 = arith.addi %parallel_loop3A_1085, %parallel_loop3A_1086 : i32
        %parallel_loop3A_1088 = arith.index_cast %parallel_loop3A_1087 : i32 to index
        %parallel_loop3A_1089 = arith.constant 80 : index
        %parallel_loop3A_1090 = tpu.vector_load %arg10[%parallel_loop3A_1088, %parallel_loop3A_1089] {strides = array<i32>} : memref<224x256xf32, #tpu.memory_space<vmem>>, vector<1x16xf32>,
        %parallel_loop3A_1091 = vector.shape_cast %parallel_loop3A_1090 : vector<1x16xf32> to vector<16xf32>
        %parallel_loop3A_1092 = arith.mulf %parallel_loop3A_1071, %parallel_loop3A_882 : vector<16xf32>
        %parallel_loop3A_1093 = arith.mulf %parallel_loop3A_1077, %parallel_loop3A_877 : vector<16xf32>
        %parallel_loop3A_1094 = arith.addf %parallel_loop3A_1092, %parallel_loop3A_1093 : vector<16xf32>
        %parallel_loop3A_1095 = arith.mulf %parallel_loop3A_1083, %parallel_loop3A_878 : vector<16xf32>
        %parallel_loop3A_1096 = arith.mulf %parallel_loop3A_1091, %parallel_loop3A_876 : vector<16xf32>
        %parallel_loop3A_1097 = arith.addf %parallel_loop3A_1095, %parallel_loop3A_1096 : vector<16xf32>
        %parallel_loop3A_1098 = arith.addf %parallel_loop3A_1094, %parallel_loop3A_1097 : vector<16xf32>
        %parallel_loop3A_1099 = arith.index_cast %parallel_loop3A_840 : i32 to index
        %parallel_loop3A_1100 = arith.constant 80 : index
        %parallel_loop3A_1101 = tpu.vector_load %arg12[%parallel_loop3A_1099, %parallel_loop3A_1100] {strides = array<i32>} : memref<49x256xf32, #tpu.memory_space<vmem>>, vector<1x16xf32>,
        %parallel_loop3A_1102 = vector.shape_cast %parallel_loop3A_1101 : vector<1x16xf32> to vector<16xf32>
        %parallel_loop3A_1103 = vector.shape_cast %parallel_loop3A_1098 : vector<16xf32> to vector<1x16xf32>
        tpu.vector_store %arg12[%parallel_loop3A_1099, %parallel_loop3A_1100], %parallel_loop3A_1103 {strides = array<i32>} : memref<49x256xf32, #tpu.memory_space<vmem>>, vector<1x16xf32>,
        %parallel_loop3A_1104 = arith.index_cast %parallel_loop3A_887 : i32 to index
        %parallel_loop3A_1105 = arith.constant 96 : index
        %parallel_loop3A_1106 = tpu.vector_load %arg10[%parallel_loop3A_1104, %parallel_loop3A_1105] {strides = array<i32>} : memref<224x256xf32, #tpu.memory_space<vmem>>, vector<1x16xf32>,
        %parallel_loop3A_1107 = vector.shape_cast %parallel_loop3A_1106 : vector<1x16xf32> to vector<16xf32>
        %parallel_loop3A_1108 = arith.constant 1 : i32
        %parallel_loop3A_1109 = arith.addi %parallel_loop3A_887, %parallel_loop3A_1108 : i32
        %parallel_loop3A_1110 = arith.index_cast %parallel_loop3A_1109 : i32 to index
        %parallel_loop3A_1111 = arith.constant 96 : index
        %parallel_loop3A_1112 = tpu.vector_load %arg10[%parallel_loop3A_1110, %parallel_loop3A_1111] {strides = array<i32>} : memref<224x256xf32, #tpu.memory_space<vmem>>, vector<1x16xf32>,
        %parallel_loop3A_1113 = vector.shape_cast %parallel_loop3A_1112 : vector<1x16xf32> to vector<16xf32>
        %parallel_loop3A_1114 = arith.constant 16 : i32
        %parallel_loop3A_1115 = arith.addi %parallel_loop3A_887, %parallel_loop3A_1114 : i32
        %parallel_loop3A_1116 = arith.index_cast %parallel_loop3A_1115 : i32 to index
        %parallel_loop3A_1117 = arith.constant 96 : index
        %parallel_loop3A_1118 = tpu.vector_load %arg10[%parallel_loop3A_1116, %parallel_loop3A_1117] {strides = array<i32>} : memref<224x256xf32, #tpu.memory_space<vmem>>, vector<1x16xf32>,
        %parallel_loop3A_1119 = vector.shape_cast %parallel_loop3A_1118 : vector<1x16xf32> to vector<16xf32>
        %parallel_loop3A_1120 = arith.constant 16 : i32
        %parallel_loop3A_1121 = arith.addi %parallel_loop3A_887, %parallel_loop3A_1120 : i32
        %parallel_loop3A_1122 = arith.constant 1 : i32
        %parallel_loop3A_1123 = arith.addi %parallel_loop3A_1121, %parallel_loop3A_1122 : i32
        %parallel_loop3A_1124 = arith.index_cast %parallel_loop3A_1123 : i32 to index
        %parallel_loop3A_1125 = arith.constant 96 : index
        %parallel_loop3A_1126 = tpu.vector_load %arg10[%parallel_loop3A_1124, %parallel_loop3A_1125] {strides = array<i32>} : memref<224x256xf32, #tpu.memory_space<vmem>>, vector<1x16xf32>,
        %parallel_loop3A_1127 = vector.shape_cast %parallel_loop3A_1126 : vector<1x16xf32> to vector<16xf32>
        %parallel_loop3A_1128 = arith.mulf %parallel_loop3A_1107, %parallel_loop3A_882 : vector<16xf32>
        %parallel_loop3A_1129 = arith.mulf %parallel_loop3A_1113, %parallel_loop3A_877 : vector<16xf32>
        %parallel_loop3A_1130 = arith.addf %parallel_loop3A_1128, %parallel_loop3A_1129 : vector<16xf32>
        %parallel_loop3A_1131 = arith.mulf %parallel_loop3A_1119, %parallel_loop3A_878 : vector<16xf32>
        %parallel_loop3A_1132 = arith.mulf %parallel_loop3A_1127, %parallel_loop3A_876 : vector<16xf32>
        %parallel_loop3A_1133 = arith.addf %parallel_loop3A_1131, %parallel_loop3A_1132 : vector<16xf32>
        %parallel_loop3A_1134 = arith.addf %parallel_loop3A_1130, %parallel_loop3A_1133 : vector<16xf32>
        %parallel_loop3A_1135 = arith.index_cast %parallel_loop3A_840 : i32 to index
        %parallel_loop3A_1136 = arith.constant 96 : index
        %parallel_loop3A_1137 = tpu.vector_load %arg12[%parallel_loop3A_1135, %parallel_loop3A_1136] {strides = array<i32>} : memref<49x256xf32, #tpu.memory_space<vmem>>, vector<1x16xf32>,
        %parallel_loop3A_1138 = vector.shape_cast %parallel_loop3A_1137 : vector<1x16xf32> to vector<16xf32>
        %parallel_loop3A_1139 = vector.shape_cast %parallel_loop3A_1134 : vector<16xf32> to vector<1x16xf32>
        tpu.vector_store %arg12[%parallel_loop3A_1135, %parallel_loop3A_1136], %parallel_loop3A_1139 {strides = array<i32>} : memref<49x256xf32, #tpu.memory_space<vmem>>, vector<1x16xf32>,
        %parallel_loop3A_1140 = arith.index_cast %parallel_loop3A_887 : i32 to index
        %parallel_loop3A_1141 = arith.constant 112 : index
        %parallel_loop3A_1142 = tpu.vector_load %arg10[%parallel_loop3A_1140, %parallel_loop3A_1141] {strides = array<i32>} : memref<224x256xf32, #tpu.memory_space<vmem>>, vector<1x16xf32>,
        %parallel_loop3A_1143 = vector.shape_cast %parallel_loop3A_1142 : vector<1x16xf32> to vector<16xf32>
        %parallel_loop3A_1144 = arith.constant 1 : i32
        %parallel_loop3A_1145 = arith.addi %parallel_loop3A_887, %parallel_loop3A_1144 : i32
        %parallel_loop3A_1146 = arith.index_cast %parallel_loop3A_1145 : i32 to index
        %parallel_loop3A_1147 = arith.constant 112 : index
        %parallel_loop3A_1148 = tpu.vector_load %arg10[%parallel_loop3A_1146, %parallel_loop3A_1147] {strides = array<i32>} : memref<224x256xf32, #tpu.memory_space<vmem>>, vector<1x16xf32>,
        %parallel_loop3A_1149 = vector.shape_cast %parallel_loop3A_1148 : vector<1x16xf32> to vector<16xf32>
        %parallel_loop3A_1150 = arith.constant 16 : i32
        %parallel_loop3A_1151 = arith.addi %parallel_loop3A_887, %parallel_loop3A_1150 : i32
        %parallel_loop3A_1152 = arith.index_cast %parallel_loop3A_1151 : i32 to index
        %parallel_loop3A_1153 = arith.constant 112 : index
        %parallel_loop3A_1154 = tpu.vector_load %arg10[%parallel_loop3A_1152, %parallel_loop3A_1153] {strides = array<i32>} : memref<224x256xf32, #tpu.memory_space<vmem>>, vector<1x16xf32>,
        %parallel_loop3A_1155 = vector.shape_cast %parallel_loop3A_1154 : vector<1x16xf32> to vector<16xf32>
        %parallel_loop3A_1156 = arith.constant 16 : i32
        %parallel_loop3A_1157 = arith.addi %parallel_loop3A_887, %parallel_loop3A_1156 : i32
        %parallel_loop3A_1158 = arith.constant 1 : i32
        %parallel_loop3A_1159 = arith.addi %parallel_loop3A_1157, %parallel_loop3A_1158 : i32
        %parallel_loop3A_1160 = arith.index_cast %parallel_loop3A_1159 : i32 to index
        %parallel_loop3A_1161 = arith.constant 112 : index
        %parallel_loop3A_1162 = tpu.vector_load %arg10[%parallel_loop3A_1160, %parallel_loop3A_1161] {strides = array<i32>} : memref<224x256xf32, #tpu.memory_space<vmem>>, vector<1x16xf32>,
        %parallel_loop3A_1163 = vector.shape_cast %parallel_loop3A_1162 : vector<1x16xf32> to vector<16xf32>
        %parallel_loop3A_1164 = arith.mulf %parallel_loop3A_1143, %parallel_loop3A_882 : vector<16xf32>
        %parallel_loop3A_1165 = arith.mulf %parallel_loop3A_1149, %parallel_loop3A_877 : vector<16xf32>
        %parallel_loop3A_1166 = arith.addf %parallel_loop3A_1164, %parallel_loop3A_1165 : vector<16xf32>
        %parallel_loop3A_1167 = arith.mulf %parallel_loop3A_1155, %parallel_loop3A_878 : vector<16xf32>
        %parallel_loop3A_1168 = arith.mulf %parallel_loop3A_1163, %parallel_loop3A_876 : vector<16xf32>
        %parallel_loop3A_1169 = arith.addf %parallel_loop3A_1167, %parallel_loop3A_1168 : vector<16xf32>
        %parallel_loop3A_1170 = arith.addf %parallel_loop3A_1166, %parallel_loop3A_1169 : vector<16xf32>
        %parallel_loop3A_1171 = arith.index_cast %parallel_loop3A_840 : i32 to index
        %parallel_loop3A_1172 = arith.constant 112 : index
        %parallel_loop3A_1173 = tpu.vector_load %arg12[%parallel_loop3A_1171, %parallel_loop3A_1172] {strides = array<i32>} : memref<49x256xf32, #tpu.memory_space<vmem>>, vector<1x16xf32>,
        %parallel_loop3A_1174 = vector.shape_cast %parallel_loop3A_1173 : vector<1x16xf32> to vector<16xf32>
        %parallel_loop3A_1175 = vector.shape_cast %parallel_loop3A_1170 : vector<16xf32> to vector<1x16xf32>
        tpu.vector_store %arg12[%parallel_loop3A_1171, %parallel_loop3A_1172], %parallel_loop3A_1175 {strides = array<i32>} : memref<49x256xf32, #tpu.memory_space<vmem>>, vector<1x16xf32>,
        %parallel_loop3A_1176 = arith.index_cast %parallel_loop3A_887 : i32 to index
        %parallel_loop3A_1177 = arith.constant 128 : index
        %parallel_loop3A_1178 = tpu.vector_load %arg10[%parallel_loop3A_1176, %parallel_loop3A_1177] {strides = array<i32>} : memref<224x256xf32, #tpu.memory_space<vmem>>, vector<1x16xf32>,
        %parallel_loop3A_1179 = vector.shape_cast %parallel_loop3A_1178 : vector<1x16xf32> to vector<16xf32>
        %parallel_loop3A_1180 = arith.constant 1 : i32
        %parallel_loop3A_1181 = arith.addi %parallel_loop3A_887, %parallel_loop3A_1180 : i32
        %parallel_loop3A_1182 = arith.index_cast %parallel_loop3A_1181 : i32 to index
        %parallel_loop3A_1183 = arith.constant 128 : index
        %parallel_loop3A_1184 = tpu.vector_load %arg10[%parallel_loop3A_1182, %parallel_loop3A_1183] {strides = array<i32>} : memref<224x256xf32, #tpu.memory_space<vmem>>, vector<1x16xf32>,
        %parallel_loop3A_1185 = vector.shape_cast %parallel_loop3A_1184 : vector<1x16xf32> to vector<16xf32>
        %parallel_loop3A_1186 = arith.constant 16 : i32
        %parallel_loop3A_1187 = arith.addi %parallel_loop3A_887, %parallel_loop3A_1186 : i32
        %parallel_loop3A_1188 = arith.index_cast %parallel_loop3A_1187 : i32 to index
        %parallel_loop3A_1189 = arith.constant 128 : index
        %parallel_loop3A_1190 = tpu.vector_load %arg10[%parallel_loop3A_1188, %parallel_loop3A_1189] {strides = array<i32>} : memref<224x256xf32, #tpu.memory_space<vmem>>, vector<1x16xf32>,
        %parallel_loop3A_1191 = vector.shape_cast %parallel_loop3A_1190 : vector<1x16xf32> to vector<16xf32>
        %parallel_loop3A_1192 = arith.constant 16 : i32
        %parallel_loop3A_1193 = arith.addi %parallel_loop3A_887, %parallel_loop3A_1192 : i32
        %parallel_loop3A_1194 = arith.constant 1 : i32
        %parallel_loop3A_1195 = arith.addi %parallel_loop3A_1193, %parallel_loop3A_1194 : i32
        %parallel_loop3A_1196 = arith.index_cast %parallel_loop3A_1195 : i32 to index
        %parallel_loop3A_1197 = arith.constant 128 : index
        %parallel_loop3A_1198 = tpu.vector_load %arg10[%parallel_loop3A_1196, %parallel_loop3A_1197] {strides = array<i32>} : memref<224x256xf32, #tpu.memory_space<vmem>>, vector<1x16xf32>,
        %parallel_loop3A_1199 = vector.shape_cast %parallel_loop3A_1198 : vector<1x16xf32> to vector<16xf32>
        %parallel_loop3A_1200 = arith.mulf %parallel_loop3A_1179, %parallel_loop3A_882 : vector<16xf32>
        %parallel_loop3A_1201 = arith.mulf %parallel_loop3A_1185, %parallel_loop3A_877 : vector<16xf32>
        %parallel_loop3A_1202 = arith.addf %parallel_loop3A_1200, %parallel_loop3A_1201 : vector<16xf32>
        %parallel_loop3A_1203 = arith.mulf %parallel_loop3A_1191, %parallel_loop3A_878 : vector<16xf32>
        %parallel_loop3A_1204 = arith.mulf %parallel_loop3A_1199, %parallel_loop3A_876 : vector<16xf32>
        %parallel_loop3A_1205 = arith.addf %parallel_loop3A_1203, %parallel_loop3A_1204 : vector<16xf32>
        %parallel_loop3A_1206 = arith.addf %parallel_loop3A_1202, %parallel_loop3A_1205 : vector<16xf32>
        %parallel_loop3A_1207 = arith.index_cast %parallel_loop3A_840 : i32 to index
        %parallel_loop3A_1208 = arith.constant 128 : index
        %parallel_loop3A_1209 = tpu.vector_load %arg12[%parallel_loop3A_1207, %parallel_loop3A_1208] {strides = array<i32>} : memref<49x256xf32, #tpu.memory_space<vmem>>, vector<1x16xf32>,
        %parallel_loop3A_1210 = vector.shape_cast %parallel_loop3A_1209 : vector<1x16xf32> to vector<16xf32>
        %parallel_loop3A_1211 = vector.shape_cast %parallel_loop3A_1206 : vector<16xf32> to vector<1x16xf32>
        tpu.vector_store %arg12[%parallel_loop3A_1207, %parallel_loop3A_1208], %parallel_loop3A_1211 {strides = array<i32>} : memref<49x256xf32, #tpu.memory_space<vmem>>, vector<1x16xf32>,
        %parallel_loop3A_1212 = arith.index_cast %parallel_loop3A_887 : i32 to index
        %parallel_loop3A_1213 = arith.constant 144 : index
        %parallel_loop3A_1214 = tpu.vector_load %arg10[%parallel_loop3A_1212, %parallel_loop3A_1213] {strides = array<i32>} : memref<224x256xf32, #tpu.memory_space<vmem>>, vector<1x16xf32>,
        %parallel_loop3A_1215 = vector.shape_cast %parallel_loop3A_1214 : vector<1x16xf32> to vector<16xf32>
        %parallel_loop3A_1216 = arith.constant 1 : i32
        %parallel_loop3A_1217 = arith.addi %parallel_loop3A_887, %parallel_loop3A_1216 : i32
        %parallel_loop3A_1218 = arith.index_cast %parallel_loop3A_1217 : i32 to index
        %parallel_loop3A_1219 = arith.constant 144 : index
        %parallel_loop3A_1220 = tpu.vector_load %arg10[%parallel_loop3A_1218, %parallel_loop3A_1219] {strides = array<i32>} : memref<224x256xf32, #tpu.memory_space<vmem>>, vector<1x16xf32>,
        %parallel_loop3A_1221 = vector.shape_cast %parallel_loop3A_1220 : vector<1x16xf32> to vector<16xf32>
        %parallel_loop3A_1222 = arith.constant 16 : i32
        %parallel_loop3A_1223 = arith.addi %parallel_loop3A_887, %parallel_loop3A_1222 : i32
        %parallel_loop3A_1224 = arith.index_cast %parallel_loop3A_1223 : i32 to index
        %parallel_loop3A_1225 = arith.constant 144 : index
        %parallel_loop3A_1226 = tpu.vector_load %arg10[%parallel_loop3A_1224, %parallel_loop3A_1225] {strides = array<i32>} : memref<224x256xf32, #tpu.memory_space<vmem>>, vector<1x16xf32>,
        %parallel_loop3A_1227 = vector.shape_cast %parallel_loop3A_1226 : vector<1x16xf32> to vector<16xf32>
        %parallel_loop3A_1228 = arith.constant 16 : i32
        %parallel_loop3A_1229 = arith.addi %parallel_loop3A_887, %parallel_loop3A_1228 : i32
        %parallel_loop3A_1230 = arith.constant 1 : i32
        %parallel_loop3A_1231 = arith.addi %parallel_loop3A_1229, %parallel_loop3A_1230 : i32
        %parallel_loop3A_1232 = arith.index_cast %parallel_loop3A_1231 : i32 to index
        %parallel_loop3A_1233 = arith.constant 144 : index
        %parallel_loop3A_1234 = tpu.vector_load %arg10[%parallel_loop3A_1232, %parallel_loop3A_1233] {strides = array<i32>} : memref<224x256xf32, #tpu.memory_space<vmem>>, vector<1x16xf32>,
        %parallel_loop3A_1235 = vector.shape_cast %parallel_loop3A_1234 : vector<1x16xf32> to vector<16xf32>
        %parallel_loop3A_1236 = arith.mulf %parallel_loop3A_1215, %parallel_loop3A_882 : vector<16xf32>
        %parallel_loop3A_1237 = arith.mulf %parallel_loop3A_1221, %parallel_loop3A_877 : vector<16xf32>
        %parallel_loop3A_1238 = arith.addf %parallel_loop3A_1236, %parallel_loop3A_1237 : vector<16xf32>
        %parallel_loop3A_1239 = arith.mulf %parallel_loop3A_1227, %parallel_loop3A_878 : vector<16xf32>
        %parallel_loop3A_1240 = arith.mulf %parallel_loop3A_1235, %parallel_loop3A_876 : vector<16xf32>
        %parallel_loop3A_1241 = arith.addf %parallel_loop3A_1239, %parallel_loop3A_1240 : vector<16xf32>
        %parallel_loop3A_1242 = arith.addf %parallel_loop3A_1238, %parallel_loop3A_1241 : vector<16xf32>
        %parallel_loop3A_1243 = arith.index_cast %parallel_loop3A_840 : i32 to index
        %parallel_loop3A_1244 = arith.constant 144 : index
        %parallel_loop3A_1245 = tpu.vector_load %arg12[%parallel_loop3A_1243, %parallel_loop3A_1244] {strides = array<i32>} : memref<49x256xf32, #tpu.memory_space<vmem>>, vector<1x16xf32>,
        %parallel_loop3A_1246 = vector.shape_cast %parallel_loop3A_1245 : vector<1x16xf32> to vector<16xf32>
        %parallel_loop3A_1247 = vector.shape_cast %parallel_loop3A_1242 : vector<16xf32> to vector<1x16xf32>
        tpu.vector_store %arg12[%parallel_loop3A_1243, %parallel_loop3A_1244], %parallel_loop3A_1247 {strides = array<i32>} : memref<49x256xf32, #tpu.memory_space<vmem>>, vector<1x16xf32>,
        %parallel_loop3A_1248 = arith.index_cast %parallel_loop3A_887 : i32 to index
        %parallel_loop3A_1249 = arith.constant 160 : index
        %parallel_loop3A_1250 = tpu.vector_load %arg10[%parallel_loop3A_1248, %parallel_loop3A_1249] {strides = array<i32>} : memref<224x256xf32, #tpu.memory_space<vmem>>, vector<1x16xf32>,
        %parallel_loop3A_1251 = vector.shape_cast %parallel_loop3A_1250 : vector<1x16xf32> to vector<16xf32>
        %parallel_loop3A_1252 = arith.constant 1 : i32
        %parallel_loop3A_1253 = arith.addi %parallel_loop3A_887, %parallel_loop3A_1252 : i32
        %parallel_loop3A_1254 = arith.index_cast %parallel_loop3A_1253 : i32 to index
        %parallel_loop3A_1255 = arith.constant 160 : index
        %parallel_loop3A_1256 = tpu.vector_load %arg10[%parallel_loop3A_1254, %parallel_loop3A_1255] {strides = array<i32>} : memref<224x256xf32, #tpu.memory_space<vmem>>, vector<1x16xf32>,
        %parallel_loop3A_1257 = vector.shape_cast %parallel_loop3A_1256 : vector<1x16xf32> to vector<16xf32>
        %parallel_loop3A_1258 = arith.constant 16 : i32
        %parallel_loop3A_1259 = arith.addi %parallel_loop3A_887, %parallel_loop3A_1258 : i32
        %parallel_loop3A_1260 = arith.index_cast %parallel_loop3A_1259 : i32 to index
        %parallel_loop3A_1261 = arith.constant 160 : index
        %parallel_loop3A_1262 = tpu.vector_load %arg10[%parallel_loop3A_1260, %parallel_loop3A_1261] {strides = array<i32>} : memref<224x256xf32, #tpu.memory_space<vmem>>, vector<1x16xf32>,
        %parallel_loop3A_1263 = vector.shape_cast %parallel_loop3A_1262 : vector<1x16xf32> to vector<16xf32>
        %parallel_loop3A_1264 = arith.constant 16 : i32
        %parallel_loop3A_1265 = arith.addi %parallel_loop3A_887, %parallel_loop3A_1264 : i32
        %parallel_loop3A_1266 = arith.constant 1 : i32
        %parallel_loop3A_1267 = arith.addi %parallel_loop3A_1265, %parallel_loop3A_1266 : i32
        %parallel_loop3A_1268 = arith.index_cast %parallel_loop3A_1267 : i32 to index
        %parallel_loop3A_1269 = arith.constant 160 : index
        %parallel_loop3A_1270 = tpu.vector_load %arg10[%parallel_loop3A_1268, %parallel_loop3A_1269] {strides = array<i32>} : memref<224x256xf32, #tpu.memory_space<vmem>>, vector<1x16xf32>,
        %parallel_loop3A_1271 = vector.shape_cast %parallel_loop3A_1270 : vector<1x16xf32> to vector<16xf32>
        %parallel_loop3A_1272 = arith.mulf %parallel_loop3A_1251, %parallel_loop3A_882 : vector<16xf32>
        %parallel_loop3A_1273 = arith.mulf %parallel_loop3A_1257, %parallel_loop3A_877 : vector<16xf32>
        %parallel_loop3A_1274 = arith.addf %parallel_loop3A_1272, %parallel_loop3A_1273 : vector<16xf32>
        %parallel_loop3A_1275 = arith.mulf %parallel_loop3A_1263, %parallel_loop3A_878 : vector<16xf32>
        %parallel_loop3A_1276 = arith.mulf %parallel_loop3A_1271, %parallel_loop3A_876 : vector<16xf32>
        %parallel_loop3A_1277 = arith.addf %parallel_loop3A_1275, %parallel_loop3A_1276 : vector<16xf32>
        %parallel_loop3A_1278 = arith.addf %parallel_loop3A_1274, %parallel_loop3A_1277 : vector<16xf32>
        %parallel_loop3A_1279 = arith.index_cast %parallel_loop3A_840 : i32 to index
        %parallel_loop3A_1280 = arith.constant 160 : index
        %parallel_loop3A_1281 = tpu.vector_load %arg12[%parallel_loop3A_1279, %parallel_loop3A_1280] {strides = array<i32>} : memref<49x256xf32, #tpu.memory_space<vmem>>, vector<1x16xf32>,
        %parallel_loop3A_1282 = vector.shape_cast %parallel_loop3A_1281 : vector<1x16xf32> to vector<16xf32>
        %parallel_loop3A_1283 = vector.shape_cast %parallel_loop3A_1278 : vector<16xf32> to vector<1x16xf32>
        tpu.vector_store %arg12[%parallel_loop3A_1279, %parallel_loop3A_1280], %parallel_loop3A_1283 {strides = array<i32>} : memref<49x256xf32, #tpu.memory_space<vmem>>, vector<1x16xf32>,
        %parallel_loop3A_1284 = arith.index_cast %parallel_loop3A_887 : i32 to index
        %parallel_loop3A_1285 = arith.constant 176 : index
        %parallel_loop3A_1286 = tpu.vector_load %arg10[%parallel_loop3A_1284, %parallel_loop3A_1285] {strides = array<i32>} : memref<224x256xf32, #tpu.memory_space<vmem>>, vector<1x16xf32>,
        %parallel_loop3A_1287 = vector.shape_cast %parallel_loop3A_1286 : vector<1x16xf32> to vector<16xf32>
        %parallel_loop3A_1288 = arith.constant 1 : i32
        %parallel_loop3A_1289 = arith.addi %parallel_loop3A_887, %parallel_loop3A_1288 : i32
        %parallel_loop3A_1290 = arith.index_cast %parallel_loop3A_1289 : i32 to index
        %parallel_loop3A_1291 = arith.constant 176 : index
        %parallel_loop3A_1292 = tpu.vector_load %arg10[%parallel_loop3A_1290, %parallel_loop3A_1291] {strides = array<i32>} : memref<224x256xf32, #tpu.memory_space<vmem>>, vector<1x16xf32>,
        %parallel_loop3A_1293 = vector.shape_cast %parallel_loop3A_1292 : vector<1x16xf32> to vector<16xf32>
        %parallel_loop3A_1294 = arith.constant 16 : i32
        %parallel_loop3A_1295 = arith.addi %parallel_loop3A_887, %parallel_loop3A_1294 : i32
        %parallel_loop3A_1296 = arith.index_cast %parallel_loop3A_1295 : i32 to index
        %parallel_loop3A_1297 = arith.constant 176 : index
        %parallel_loop3A_1298 = tpu.vector_load %arg10[%parallel_loop3A_1296, %parallel_loop3A_1297] {strides = array<i32>} : memref<224x256xf32, #tpu.memory_space<vmem>>, vector<1x16xf32>,
        %parallel_loop3A_1299 = vector.shape_cast %parallel_loop3A_1298 : vector<1x16xf32> to vector<16xf32>
        %parallel_loop3A_1300 = arith.constant 16 : i32
        %parallel_loop3A_1301 = arith.addi %parallel_loop3A_887, %parallel_loop3A_1300 : i32
        %parallel_loop3A_1302 = arith.constant 1 : i32
        %parallel_loop3A_1303 = arith.addi %parallel_loop3A_1301, %parallel_loop3A_1302 : i32
        %parallel_loop3A_1304 = arith.index_cast %parallel_loop3A_1303 : i32 to index
        %parallel_loop3A_1305 = arith.constant 176 : index
        %parallel_loop3A_1306 = tpu.vector_load %arg10[%parallel_loop3A_1304, %parallel_loop3A_1305] {strides = array<i32>} : memref<224x256xf32, #tpu.memory_space<vmem>>, vector<1x16xf32>,
        %parallel_loop3A_1307 = vector.shape_cast %parallel_loop3A_1306 : vector<1x16xf32> to vector<16xf32>
        %parallel_loop3A_1308 = arith.mulf %parallel_loop3A_1287, %parallel_loop3A_882 : vector<16xf32>
        %parallel_loop3A_1309 = arith.mulf %parallel_loop3A_1293, %parallel_loop3A_877 : vector<16xf32>
        %parallel_loop3A_1310 = arith.addf %parallel_loop3A_1308, %parallel_loop3A_1309 : vector<16xf32>
        %parallel_loop3A_1311 = arith.mulf %parallel_loop3A_1299, %parallel_loop3A_878 : vector<16xf32>
        %parallel_loop3A_1312 = arith.mulf %parallel_loop3A_1307, %parallel_loop3A_876 : vector<16xf32>
        %parallel_loop3A_1313 = arith.addf %parallel_loop3A_1311, %parallel_loop3A_1312 : vector<16xf32>
        %parallel_loop3A_1314 = arith.addf %parallel_loop3A_1310, %parallel_loop3A_1313 : vector<16xf32>
        %parallel_loop3A_1315 = arith.index_cast %parallel_loop3A_840 : i32 to index
        %parallel_loop3A_1316 = arith.constant 176 : index
        %parallel_loop3A_1317 = tpu.vector_load %arg12[%parallel_loop3A_1315, %parallel_loop3A_1316] {strides = array<i32>} : memref<49x256xf32, #tpu.memory_space<vmem>>, vector<1x16xf32>,
        %parallel_loop3A_1318 = vector.shape_cast %parallel_loop3A_1317 : vector<1x16xf32> to vector<16xf32>
        %parallel_loop3A_1319 = vector.shape_cast %parallel_loop3A_1314 : vector<16xf32> to vector<1x16xf32>
        tpu.vector_store %arg12[%parallel_loop3A_1315, %parallel_loop3A_1316], %parallel_loop3A_1319 {strides = array<i32>} : memref<49x256xf32, #tpu.memory_space<vmem>>, vector<1x16xf32>,
        %parallel_loop3A_1320 = arith.index_cast %parallel_loop3A_887 : i32 to index
        %parallel_loop3A_1321 = arith.constant 192 : index
        %parallel_loop3A_1322 = tpu.vector_load %arg10[%parallel_loop3A_1320, %parallel_loop3A_1321] {strides = array<i32>} : memref<224x256xf32, #tpu.memory_space<vmem>>, vector<1x16xf32>,
        %parallel_loop3A_1323 = vector.shape_cast %parallel_loop3A_1322 : vector<1x16xf32> to vector<16xf32>
        %parallel_loop3A_1324 = arith.constant 1 : i32
        %parallel_loop3A_1325 = arith.addi %parallel_loop3A_887, %parallel_loop3A_1324 : i32
        %parallel_loop3A_1326 = arith.index_cast %parallel_loop3A_1325 : i32 to index
        %parallel_loop3A_1327 = arith.constant 192 : index
        %parallel_loop3A_1328 = tpu.vector_load %arg10[%parallel_loop3A_1326, %parallel_loop3A_1327] {strides = array<i32>} : memref<224x256xf32, #tpu.memory_space<vmem>>, vector<1x16xf32>,
        %parallel_loop3A_1329 = vector.shape_cast %parallel_loop3A_1328 : vector<1x16xf32> to vector<16xf32>
        %parallel_loop3A_1330 = arith.constant 16 : i32
        %parallel_loop3A_1331 = arith.addi %parallel_loop3A_887, %parallel_loop3A_1330 : i32
        %parallel_loop3A_1332 = arith.index_cast %parallel_loop3A_1331 : i32 to index
        %parallel_loop3A_1333 = arith.constant 192 : index
        %parallel_loop3A_1334 = tpu.vector_load %arg10[%parallel_loop3A_1332, %parallel_loop3A_1333] {strides = array<i32>} : memref<224x256xf32, #tpu.memory_space<vmem>>, vector<1x16xf32>,
        %parallel_loop3A_1335 = vector.shape_cast %parallel_loop3A_1334 : vector<1x16xf32> to vector<16xf32>
        %parallel_loop3A_1336 = arith.constant 16 : i32
        %parallel_loop3A_1337 = arith.addi %parallel_loop3A_887, %parallel_loop3A_1336 : i32
        %parallel_loop3A_1338 = arith.constant 1 : i32
        %parallel_loop3A_1339 = arith.addi %parallel_loop3A_1337, %parallel_loop3A_1338 : i32
        %parallel_loop3A_1340 = arith.index_cast %parallel_loop3A_1339 : i32 to index
        %parallel_loop3A_1341 = arith.constant 192 : index
        %parallel_loop3A_1342 = tpu.vector_load %arg10[%parallel_loop3A_1340, %parallel_loop3A_1341] {strides = array<i32>} : memref<224x256xf32, #tpu.memory_space<vmem>>, vector<1x16xf32>,
        %parallel_loop3A_1343 = vector.shape_cast %parallel_loop3A_1342 : vector<1x16xf32> to vector<16xf32>
        %parallel_loop3A_1344 = arith.mulf %parallel_loop3A_1323, %parallel_loop3A_882 : vector<16xf32>
        %parallel_loop3A_1345 = arith.mulf %parallel_loop3A_1329, %parallel_loop3A_877 : vector<16xf32>
        %parallel_loop3A_1346 = arith.addf %parallel_loop3A_1344, %parallel_loop3A_1345 : vector<16xf32>
        %parallel_loop3A_1347 = arith.mulf %parallel_loop3A_1335, %parallel_loop3A_878 : vector<16xf32>
        %parallel_loop3A_1348 = arith.mulf %parallel_loop3A_1343, %parallel_loop3A_876 : vector<16xf32>
        %parallel_loop3A_1349 = arith.addf %parallel_loop3A_1347, %parallel_loop3A_1348 : vector<16xf32>
        %parallel_loop3A_1350 = arith.addf %parallel_loop3A_1346, %parallel_loop3A_1349 : vector<16xf32>
        %parallel_loop3A_1351 = arith.index_cast %parallel_loop3A_840 : i32 to index
        %parallel_loop3A_1352 = arith.constant 192 : index
        %parallel_loop3A_1353 = tpu.vector_load %arg12[%parallel_loop3A_1351, %parallel_loop3A_1352] {strides = array<i32>} : memref<49x256xf32, #tpu.memory_space<vmem>>, vector<1x16xf32>,
        %parallel_loop3A_1354 = vector.shape_cast %parallel_loop3A_1353 : vector<1x16xf32> to vector<16xf32>
        %parallel_loop3A_1355 = vector.shape_cast %parallel_loop3A_1350 : vector<16xf32> to vector<1x16xf32>
        tpu.vector_store %arg12[%parallel_loop3A_1351, %parallel_loop3A_1352], %parallel_loop3A_1355 {strides = array<i32>} : memref<49x256xf32, #tpu.memory_space<vmem>>, vector<1x16xf32>,
        %parallel_loop3A_1356 = arith.index_cast %parallel_loop3A_887 : i32 to index
        %parallel_loop3A_1357 = arith.constant 208 : index
        %parallel_loop3A_1358 = tpu.vector_load %arg10[%parallel_loop3A_1356, %parallel_loop3A_1357] {strides = array<i32>} : memref<224x256xf32, #tpu.memory_space<vmem>>, vector<1x16xf32>,
        %parallel_loop3A_1359 = vector.shape_cast %parallel_loop3A_1358 : vector<1x16xf32> to vector<16xf32>
        %parallel_loop3A_1360 = arith.constant 1 : i32
        %parallel_loop3A_1361 = arith.addi %parallel_loop3A_887, %parallel_loop3A_1360 : i32
        %parallel_loop3A_1362 = arith.index_cast %parallel_loop3A_1361 : i32 to index
        %parallel_loop3A_1363 = arith.constant 208 : index
        %parallel_loop3A_1364 = tpu.vector_load %arg10[%parallel_loop3A_1362, %parallel_loop3A_1363] {strides = array<i32>} : memref<224x256xf32, #tpu.memory_space<vmem>>, vector<1x16xf32>,
        %parallel_loop3A_1365 = vector.shape_cast %parallel_loop3A_1364 : vector<1x16xf32> to vector<16xf32>
        %parallel_loop3A_1366 = arith.constant 16 : i32
        %parallel_loop3A_1367 = arith.addi %parallel_loop3A_887, %parallel_loop3A_1366 : i32
        %parallel_loop3A_1368 = arith.index_cast %parallel_loop3A_1367 : i32 to index
        %parallel_loop3A_1369 = arith.constant 208 : index
        %parallel_loop3A_1370 = tpu.vector_load %arg10[%parallel_loop3A_1368, %parallel_loop3A_1369] {strides = array<i32>} : memref<224x256xf32, #tpu.memory_space<vmem>>, vector<1x16xf32>,
        %parallel_loop3A_1371 = vector.shape_cast %parallel_loop3A_1370 : vector<1x16xf32> to vector<16xf32>
        %parallel_loop3A_1372 = arith.constant 16 : i32
        %parallel_loop3A_1373 = arith.addi %parallel_loop3A_887, %parallel_loop3A_1372 : i32
        %parallel_loop3A_1374 = arith.constant 1 : i32
        %parallel_loop3A_1375 = arith.addi %parallel_loop3A_1373, %parallel_loop3A_1374 : i32
        %parallel_loop3A_1376 = arith.index_cast %parallel_loop3A_1375 : i32 to index
        %parallel_loop3A_1377 = arith.constant 208 : index
        %parallel_loop3A_1378 = tpu.vector_load %arg10[%parallel_loop3A_1376, %parallel_loop3A_1377] {strides = array<i32>} : memref<224x256xf32, #tpu.memory_space<vmem>>, vector<1x16xf32>,
        %parallel_loop3A_1379 = vector.shape_cast %parallel_loop3A_1378 : vector<1x16xf32> to vector<16xf32>
        %parallel_loop3A_1380 = arith.mulf %parallel_loop3A_1359, %parallel_loop3A_882 : vector<16xf32>
        %parallel_loop3A_1381 = arith.mulf %parallel_loop3A_1365, %parallel_loop3A_877 : vector<16xf32>
        %parallel_loop3A_1382 = arith.addf %parallel_loop3A_1380, %parallel_loop3A_1381 : vector<16xf32>
        %parallel_loop3A_1383 = arith.mulf %parallel_loop3A_1371, %parallel_loop3A_878 : vector<16xf32>
        %parallel_loop3A_1384 = arith.mulf %parallel_loop3A_1379, %parallel_loop3A_876 : vector<16xf32>
        %parallel_loop3A_1385 = arith.addf %parallel_loop3A_1383, %parallel_loop3A_1384 : vector<16xf32>
        %parallel_loop3A_1386 = arith.addf %parallel_loop3A_1382, %parallel_loop3A_1385 : vector<16xf32>
        %parallel_loop3A_1387 = arith.index_cast %parallel_loop3A_840 : i32 to index
        %parallel_loop3A_1388 = arith.constant 208 : index
        %parallel_loop3A_1389 = tpu.vector_load %arg12[%parallel_loop3A_1387, %parallel_loop3A_1388] {strides = array<i32>} : memref<49x256xf32, #tpu.memory_space<vmem>>, vector<1x16xf32>,
        %parallel_loop3A_1390 = vector.shape_cast %parallel_loop3A_1389 : vector<1x16xf32> to vector<16xf32>
        %parallel_loop3A_1391 = vector.shape_cast %parallel_loop3A_1386 : vector<16xf32> to vector<1x16xf32>
        tpu.vector_store %arg12[%parallel_loop3A_1387, %parallel_loop3A_1388], %parallel_loop3A_1391 {strides = array<i32>} : memref<49x256xf32, #tpu.memory_space<vmem>>, vector<1x16xf32>,
        %parallel_loop3A_1392 = arith.index_cast %parallel_loop3A_887 : i32 to index
        %parallel_loop3A_1393 = arith.constant 224 : index
        %parallel_loop3A_1394 = tpu.vector_load %arg10[%parallel_loop3A_1392, %parallel_loop3A_1393] {strides = array<i32>} : memref<224x256xf32, #tpu.memory_space<vmem>>, vector<1x16xf32>,
        %parallel_loop3A_1395 = vector.shape_cast %parallel_loop3A_1394 : vector<1x16xf32> to vector<16xf32>
        %parallel_loop3A_1396 = arith.constant 1 : i32
        %parallel_loop3A_1397 = arith.addi %parallel_loop3A_887, %parallel_loop3A_1396 : i32
        %parallel_loop3A_1398 = arith.index_cast %parallel_loop3A_1397 : i32 to index
        %parallel_loop3A_1399 = arith.constant 224 : index
        %parallel_loop3A_1400 = tpu.vector_load %arg10[%parallel_loop3A_1398, %parallel_loop3A_1399] {strides = array<i32>} : memref<224x256xf32, #tpu.memory_space<vmem>>, vector<1x16xf32>,
        %parallel_loop3A_1401 = vector.shape_cast %parallel_loop3A_1400 : vector<1x16xf32> to vector<16xf32>
        %parallel_loop3A_1402 = arith.constant 16 : i32
        %parallel_loop3A_1403 = arith.addi %parallel_loop3A_887, %parallel_loop3A_1402 : i32
        %parallel_loop3A_1404 = arith.index_cast %parallel_loop3A_1403 : i32 to index
        %parallel_loop3A_1405 = arith.constant 224 : index
        %parallel_loop3A_1406 = tpu.vector_load %arg10[%parallel_loop3A_1404, %parallel_loop3A_1405] {strides = array<i32>} : memref<224x256xf32, #tpu.memory_space<vmem>>, vector<1x16xf32>,
        %parallel_loop3A_1407 = vector.shape_cast %parallel_loop3A_1406 : vector<1x16xf32> to vector<16xf32>
        %parallel_loop3A_1408 = arith.constant 16 : i32
        %parallel_loop3A_1409 = arith.addi %parallel_loop3A_887, %parallel_loop3A_1408 : i32
        %parallel_loop3A_1410 = arith.constant 1 : i32
        %parallel_loop3A_1411 = arith.addi %parallel_loop3A_1409, %parallel_loop3A_1410 : i32
        %parallel_loop3A_1412 = arith.index_cast %parallel_loop3A_1411 : i32 to index
        %parallel_loop3A_1413 = arith.constant 224 : index
        %parallel_loop3A_1414 = tpu.vector_load %arg10[%parallel_loop3A_1412, %parallel_loop3A_1413] {strides = array<i32>} : memref<224x256xf32, #tpu.memory_space<vmem>>, vector<1x16xf32>,
        %parallel_loop3A_1415 = vector.shape_cast %parallel_loop3A_1414 : vector<1x16xf32> to vector<16xf32>
        %parallel_loop3A_1416 = arith.mulf %parallel_loop3A_1395, %parallel_loop3A_882 : vector<16xf32>
        %parallel_loop3A_1417 = arith.mulf %parallel_loop3A_1401, %parallel_loop3A_877 : vector<16xf32>
        %parallel_loop3A_1418 = arith.addf %parallel_loop3A_1416, %parallel_loop3A_1417 : vector<16xf32>
        %parallel_loop3A_1419 = arith.mulf %parallel_loop3A_1407, %parallel_loop3A_878 : vector<16xf32>
        %parallel_loop3A_1420 = arith.mulf %parallel_loop3A_1415, %parallel_loop3A_876 : vector<16xf32>
        %parallel_loop3A_1421 = arith.addf %parallel_loop3A_1419, %parallel_loop3A_1420 : vector<16xf32>
        %parallel_loop3A_1422 = arith.addf %parallel_loop3A_1418, %parallel_loop3A_1421 : vector<16xf32>
        %parallel_loop3A_1423 = arith.index_cast %parallel_loop3A_840 : i32 to index
        %parallel_loop3A_1424 = arith.constant 224 : index
        %parallel_loop3A_1425 = tpu.vector_load %arg12[%parallel_loop3A_1423, %parallel_loop3A_1424] {strides = array<i32>} : memref<49x256xf32, #tpu.memory_space<vmem>>, vector<1x16xf32>,
        %parallel_loop3A_1426 = vector.shape_cast %parallel_loop3A_1425 : vector<1x16xf32> to vector<16xf32>
        %parallel_loop3A_1427 = vector.shape_cast %parallel_loop3A_1422 : vector<16xf32> to vector<1x16xf32>
        tpu.vector_store %arg12[%parallel_loop3A_1423, %parallel_loop3A_1424], %parallel_loop3A_1427 {strides = array<i32>} : memref<49x256xf32, #tpu.memory_space<vmem>>, vector<1x16xf32>,
        %parallel_loop3A_1428 = arith.index_cast %parallel_loop3A_887 : i32 to index
        %parallel_loop3A_1429 = arith.constant 240 : index
        %parallel_loop3A_1430 = tpu.vector_load %arg10[%parallel_loop3A_1428, %parallel_loop3A_1429] {strides = array<i32>} : memref<224x256xf32, #tpu.memory_space<vmem>>, vector<1x16xf32>,
        %parallel_loop3A_1431 = vector.shape_cast %parallel_loop3A_1430 : vector<1x16xf32> to vector<16xf32>
        %parallel_loop3A_1432 = arith.constant 1 : i32
        %parallel_loop3A_1433 = arith.addi %parallel_loop3A_887, %parallel_loop3A_1432 : i32
        %parallel_loop3A_1434 = arith.index_cast %parallel_loop3A_1433 : i32 to index
        %parallel_loop3A_1435 = arith.constant 240 : index
        %parallel_loop3A_1436 = tpu.vector_load %arg10[%parallel_loop3A_1434, %parallel_loop3A_1435] {strides = array<i32>} : memref<224x256xf32, #tpu.memory_space<vmem>>, vector<1x16xf32>,
        %parallel_loop3A_1437 = vector.shape_cast %parallel_loop3A_1436 : vector<1x16xf32> to vector<16xf32>
        %parallel_loop3A_1438 = arith.constant 16 : i32
        %parallel_loop3A_1439 = arith.addi %parallel_loop3A_887, %parallel_loop3A_1438 : i32
        %parallel_loop3A_1440 = arith.index_cast %parallel_loop3A_1439 : i32 to index
        %parallel_loop3A_1441 = arith.constant 240 : index
        %parallel_loop3A_1442 = tpu.vector_load %arg10[%parallel_loop3A_1440, %parallel_loop3A_1441] {strides = array<i32>} : memref<224x256xf32, #tpu.memory_space<vmem>>, vector<1x16xf32>,
        %parallel_loop3A_1443 = vector.shape_cast %parallel_loop3A_1442 : vector<1x16xf32> to vector<16xf32>
        %parallel_loop3A_1444 = arith.constant 16 : i32
        %parallel_loop3A_1445 = arith.addi %parallel_loop3A_887, %parallel_loop3A_1444 : i32
        %parallel_loop3A_1446 = arith.constant 1 : i32
        %parallel_loop3A_1447 = arith.addi %parallel_loop3A_1445, %parallel_loop3A_1446 : i32
        %parallel_loop3A_1448 = arith.index_cast %parallel_loop3A_1447 : i32 to index
        %parallel_loop3A_1449 = arith.constant 240 : index
        %parallel_loop3A_1450 = tpu.vector_load %arg10[%parallel_loop3A_1448, %parallel_loop3A_1449] {strides = array<i32>} : memref<224x256xf32, #tpu.memory_space<vmem>>, vector<1x16xf32>,
        %parallel_loop3A_1451 = vector.shape_cast %parallel_loop3A_1450 : vector<1x16xf32> to vector<16xf32>
        %parallel_loop3A_1452 = arith.mulf %parallel_loop3A_1431, %parallel_loop3A_882 : vector<16xf32>
        %parallel_loop3A_1453 = arith.mulf %parallel_loop3A_1437, %parallel_loop3A_877 : vector<16xf32>
        %parallel_loop3A_1454 = arith.addf %parallel_loop3A_1452, %parallel_loop3A_1453 : vector<16xf32>
        %parallel_loop3A_1455 = arith.mulf %parallel_loop3A_1443, %parallel_loop3A_878 : vector<16xf32>
        %parallel_loop3A_1456 = arith.mulf %parallel_loop3A_1451, %parallel_loop3A_876 : vector<16xf32>
        %parallel_loop3A_1457 = arith.addf %parallel_loop3A_1455, %parallel_loop3A_1456 : vector<16xf32>
        %parallel_loop3A_1458 = arith.addf %parallel_loop3A_1454, %parallel_loop3A_1457 : vector<16xf32>
        %parallel_loop3A_1459 = arith.index_cast %parallel_loop3A_840 : i32 to index
        %parallel_loop3A_1460 = arith.constant 240 : index
        %parallel_loop3A_1461 = tpu.vector_load %arg12[%parallel_loop3A_1459, %parallel_loop3A_1460] {strides = array<i32>} : memref<49x256xf32, #tpu.memory_space<vmem>>, vector<1x16xf32>,
        %parallel_loop3A_1462 = vector.shape_cast %parallel_loop3A_1461 : vector<1x16xf32> to vector<16xf32>
        %parallel_loop3A_1463 = vector.shape_cast %parallel_loop3A_1458 : vector<16xf32> to vector<1x16xf32>
        tpu.vector_store %arg12[%parallel_loop3A_1459, %parallel_loop3A_1460], %parallel_loop3A_1463 {strides = array<i32>} : memref<49x256xf32, #tpu.memory_space<vmem>>, vector<1x16xf32>,
      } {sc.loop_unroll_factor = 1 : i64, sc.parallel_access}
      %add3A_582 = arith.addi %mul3A_2, %mul3A_312 : i32
      %dma_start3A_583 = arith.constant 0 : i32
      %dma_start3A_584 = arith.constant 0 : i32
      %dma_start3A_585 = tpu.memref_slice %arg4[%add3A_582, %dma_start3A_583, %dma_start3A_584] : memref<1000x49x256xf32, #tpu.memory_space<hbm>> -> memref<1x49x256xf32, #tpu.memory_space<hbm>>
      %dma_start3A_586 = tpu.memref_squeeze %dma_start3A_585 : memref<1x49x256xf32, #tpu.memory_space<hbm>> -> memref<49x256xf32, #tpu.memory_space<hbm>>
      %dma_start3A_587 = arith.constant 0 : i32
      %dma_start3A_588 = arith.constant 0 : i32
      %dma_start3A_589 = tpu.memref_slice %arg4[%add3A_582, %dma_start3A_587, %dma_start3A_588] : memref<1000x49x256xf32, #tpu.memory_space<hbm>> -> memref<1x49x256xf32, #tpu.memory_space<hbm>>
      %dma_start3A_590 = tpu.memref_squeeze %dma_start3A_589 : memref<1x49x256xf32, #tpu.memory_space<hbm>> -> memref<49x256xf32, #tpu.memory_space<hbm>>
      tpu.enqueue_dma source(%arg12 : memref<49x256xf32, #tpu.memory_space<vmem>>) target(%dma_start3A_590 : memref<49x256xf32, #tpu.memory_space<hbm>>) target_semaphore(%arg15 : memref<!tpu.dma_semaphore, #tpu.memory_space<semaphore_mem>>)
      %min3A_591 = arith.constant 31 : i32
      %min3A_592 = arith.minsi %add3A_316, %min3A_591 : i32
      %mul3A_593 = arith.constant 16 : i32
      %mul3A_594 = arith.muli %min3A_592, %mul3A_593 : i32
      %get3A_595 = arith.index_cast %mul3A_594 : i32 to index
      %get3A_596 = tpu.vector_load %arg5[%get3A_595] {strides = array<i32>} : memref<512xf32, #tpu.memory_space<vmem>>, vector<16xf32>,
      %get3A_597 = vector.shape_cast %get3A_596 : vector<16xf32> to vector<16xf32>
      %broadcast_in_dim3A_598 = arith.constant 0 : i32
      %broadcast_in_dim3A_599 = vector.broadcast %broadcast_in_dim3A_598 : i32 to vector<16xi32>
      %broadcast_in_dim3A_600 = vector.shape_cast %broadcast_in_dim3A_599 : vector<16xi32> to vector<16x1xi32>
      %gather3A_601 = vector.shape_cast %broadcast_in_dim3A_600 : vector<16x1xi32> to vector<16xi32>
      %gather3A_602 = tpu.dynamic_gather %get3A_597[%gather3A_601] in [0] : vector<16xf32>, vector<16xi32> -> vector<16xf32>
      %broadcast_in_dim3A_603 = arith.constant 1 : i32
      %broadcast_in_dim3A_604 = vector.broadcast %broadcast_in_dim3A_603 : i32 to vector<16xi32>
      %broadcast_in_dim3A_605 = vector.shape_cast %broadcast_in_dim3A_604 : vector<16xi32> to vector<16x1xi32>
      %gather3A_606 = vector.shape_cast %broadcast_in_dim3A_605 : vector<16x1xi32> to vector<16xi32>
      %gather3A_607 = tpu.dynamic_gather %get3A_597[%gather3A_606] in [0] : vector<16xf32>, vector<16xi32> -> vector<16xf32>
      %broadcast_in_dim3A_608 = arith.constant 2 : i32
      %broadcast_in_dim3A_609 = vector.broadcast %broadcast_in_dim3A_608 : i32 to vector<16xi32>
      %broadcast_in_dim3A_610 = vector.shape_cast %broadcast_in_dim3A_609 : vector<16xi32> to vector<16x1xi32>
      %gather3A_611 = vector.shape_cast %broadcast_in_dim3A_610 : vector<16x1xi32> to vector<16xi32>
      %gather3A_612 = tpu.dynamic_gather %get3A_597[%gather3A_611] in [0] : vector<16xf32>, vector<16xi32> -> vector<16xf32>
      %broadcast_in_dim3A_613 = arith.constant 3 : i32
      %broadcast_in_dim3A_614 = vector.broadcast %broadcast_in_dim3A_613 : i32 to vector<16xi32>
      %broadcast_in_dim3A_615 = vector.shape_cast %broadcast_in_dim3A_614 : vector<16xi32> to vector<16x1xi32>
      %gather3A_616 = vector.shape_cast %broadcast_in_dim3A_615 : vector<16x1xi32> to vector<16xi32>
      %gather3A_617 = tpu.dynamic_gather %get3A_597[%gather3A_616] in [0] : vector<16xf32>, vector<16xi32> -> vector<16xf32>
      %sub3A_618 = arith.subf %gather3A_612, %gather3A_602 : vector<16xf32>
      %mul3A_619 = arith.mulf %sub3A_618, %mul3A_9 : vector<16xf32>
      %add3A_620 = arith.addf %gather3A_602, %mul3A_619 : vector<16xf32>
      %mul3A_621 = arith.constant 2.550000e+02 : f32
      %mul3A_622 = vector.broadcast %mul3A_621 : f32 to vector<16xf32>
      %mul3A_623 = arith.mulf %add3A_620, %mul3A_622 : vector<16xf32>
      %sub3A_624 = arith.subf %gather3A_617, %gather3A_607 : vector<16xf32>
      %mul3A_625 = arith.mulf %sub3A_624, %mul3A_9 : vector<16xf32>
      %add3A_626 = arith.addf %gather3A_607, %mul3A_625 : vector<16xf32>
      %mul3A_627 = arith.constant 2.550000e+02 : f32
      %mul3A_628 = vector.broadcast %mul3A_627 : f32 to vector<16xf32>
      %mul3A_629 = arith.mulf %add3A_626, %mul3A_628 : vector<16xf32>
      %convert_element_type3A_630 = arith.fptosi %mul3A_623 : vector<16xf32> to vector<16xi32>
      %min3A_631 = arith.constant 254 : i32
      %min3A_632 = vector.broadcast %min3A_631 : i32 to vector<16xi32>
      %min3A_633 = arith.minsi %convert_element_type3A_630, %min3A_632 : vector<16xi32>
      %convert_element_type3A_634 = arith.fptosi %mul3A_629 : vector<16xf32> to vector<16xi32>
      %min3A_635 = arith.constant 254 : i32
      %min3A_636 = vector.broadcast %min3A_635 : i32 to vector<16xi32>
      %min3A_637 = arith.minsi %convert_element_type3A_634, %min3A_636 : vector<16xi32>
      %convert_element_type3A_638 = arith.sitofp %min3A_633 : vector<16xi32> to vector<16xf32>
      %sub3A_639 = arith.subf %mul3A_623, %convert_element_type3A_638 : vector<16xf32>
      %convert_element_type3A_640 = arith.sitofp %min3A_637 : vector<16xi32> to vector<16xf32>
      %sub3A_641 = arith.subf %mul3A_629, %convert_element_type3A_640 : vector<16xf32>
      %broadcast_in_dim3A_642 = vector.shape_cast %shift_right_arithmetic3A_11 : vector<16xi32> to vector<16x1xi32>
      %gather3A_643 = vector.shape_cast %broadcast_in_dim3A_642 : vector<16x1xi32> to vector<16xi32>
      %gather3A_644 = tpu.dynamic_gather %min3A_633[%gather3A_643] in [0] : vector<16xi32>, vector<16xi32> -> vector<16xi32>
      %add3A_645 = arith.addi %gather3A_644, %and3A_13 : vector<16xi32>
      %broadcast_in_dim3A_646 = vector.shape_cast %shift_right_arithmetic3A_11 : vector<16xi32> to vector<16x1xi32>
      %gather3A_647 = vector.shape_cast %broadcast_in_dim3A_646 : vector<16x1xi32> to vector<16xi32>
      %gather3A_648 = tpu.dynamic_gather %min3A_637[%gather3A_647] in [0] : vector<16xi32>, vector<16xi32> -> vector<16xi32>
      %add3A_649 = arith.addi %gather3A_648, %and3A_13 : vector<16xi32>
      %broadcast_in_dim3A_650 = arith.constant 0 : i32
      %broadcast_in_dim3A_651 = vector.broadcast %broadcast_in_dim3A_650 : i32 to vector<16xi32>
      %broadcast_in_dim3A_652 = vector.shape_cast %broadcast_in_dim3A_651 : vector<16xi32> to vector<16x1xi32>
      %gather3A_653 = vector.shape_cast %broadcast_in_dim3A_652 : vector<16x1xi32> to vector<16xi32>
      %gather3A_654 = tpu.dynamic_gather %add3A_645[%gather3A_653] in [0] : vector<16xi32>, vector<16xi32> -> vector<16xi32>
      %mul3A_655 = arith.constant 256 : i32
      %mul3A_656 = vector.broadcast %mul3A_655 : i32 to vector<16xi32>
      %mul3A_657 = arith.muli %gather3A_654, %mul3A_656 : vector<16xi32>
      %add3A_658 = arith.addi %mul3A_657, %add3A_649 : vector<16xi32>
      %swap3A_659 = arith.constant 0 : index
      %swap3A_660 = tpu.vector_load %arg6[%swap3A_659] {strides = array<i32>} : memref<112xi32, #tpu.memory_space<vmem>>, vector<16xi32>,
      %swap3A_661 = vector.shape_cast %swap3A_660 : vector<16xi32> to vector<16xi32>
      %swap3A_662 = vector.shape_cast %add3A_658 : vector<16xi32> to vector<16xi32>
      tpu.vector_store %arg6[%swap3A_659], %swap3A_662 {strides = array<i32>} : memref<112xi32, #tpu.memory_space<vmem>>, vector<16xi32>,
      %broadcast_in_dim3A_663 = arith.constant 1 : i32
      %broadcast_in_dim3A_664 = vector.broadcast %broadcast_in_dim3A_663 : i32 to vector<16xi32>
      %broadcast_in_dim3A_665 = vector.shape_cast %broadcast_in_dim3A_664 : vector<16xi32> to vector<16x1xi32>
      %gather3A_666 = vector.shape_cast %broadcast_in_dim3A_665 : vector<16x1xi32> to vector<16xi32>
      %gather3A_667 = tpu.dynamic_gather %add3A_645[%gather3A_666] in [0] : vector<16xi32>, vector<16xi32> -> vector<16xi32>
      %mul3A_668 = arith.constant 256 : i32
      %mul3A_669 = vector.broadcast %mul3A_668 : i32 to vector<16xi32>
      %mul3A_670 = arith.muli %gather3A_667, %mul3A_669 : vector<16xi32>
      %add3A_671 = arith.addi %mul3A_670, %add3A_649 : vector<16xi32>
      %swap3A_672 = arith.constant 16 : index
      %swap3A_673 = tpu.vector_load %arg6[%swap3A_672] {strides = array<i32>} : memref<112xi32, #tpu.memory_space<vmem>>, vector<16xi32>,
      %swap3A_674 = vector.shape_cast %swap3A_673 : vector<16xi32> to vector<16xi32>
      %swap3A_675 = vector.shape_cast %add3A_671 : vector<16xi32> to vector<16xi32>
      tpu.vector_store %arg6[%swap3A_672], %swap3A_675 {strides = array<i32>} : memref<112xi32, #tpu.memory_space<vmem>>, vector<16xi32>,
      %broadcast_in_dim3A_676 = arith.constant 2 : i32
      %broadcast_in_dim3A_677 = vector.broadcast %broadcast_in_dim3A_676 : i32 to vector<16xi32>
      %broadcast_in_dim3A_678 = vector.shape_cast %broadcast_in_dim3A_677 : vector<16xi32> to vector<16x1xi32>
      %gather3A_679 = vector.shape_cast %broadcast_in_dim3A_678 : vector<16x1xi32> to vector<16xi32>
      %gather3A_680 = tpu.dynamic_gather %add3A_645[%gather3A_679] in [0] : vector<16xi32>, vector<16xi32> -> vector<16xi32>
      %mul3A_681 = arith.constant 256 : i32
      %mul3A_682 = vector.broadcast %mul3A_681 : i32 to vector<16xi32>
      %mul3A_683 = arith.muli %gather3A_680, %mul3A_682 : vector<16xi32>
      %add3A_684 = arith.addi %mul3A_683, %add3A_649 : vector<16xi32>
      %swap3A_685 = arith.constant 32 : index
      %swap3A_686 = tpu.vector_load %arg6[%swap3A_685] {strides = array<i32>} : memref<112xi32, #tpu.memory_space<vmem>>, vector<16xi32>,
      %swap3A_687 = vector.shape_cast %swap3A_686 : vector<16xi32> to vector<16xi32>
      %swap3A_688 = vector.shape_cast %add3A_684 : vector<16xi32> to vector<16xi32>
      tpu.vector_store %arg6[%swap3A_685], %swap3A_688 {strides = array<i32>} : memref<112xi32, #tpu.memory_space<vmem>>, vector<16xi32>,
      %broadcast_in_dim3A_689 = arith.constant 3 : i32
      %broadcast_in_dim3A_690 = vector.broadcast %broadcast_in_dim3A_689 : i32 to vector<16xi32>
      %broadcast_in_dim3A_691 = vector.shape_cast %broadcast_in_dim3A_690 : vector<16xi32> to vector<16x1xi32>
      %gather3A_692 = vector.shape_cast %broadcast_in_dim3A_691 : vector<16x1xi32> to vector<16xi32>
      %gather3A_693 = tpu.dynamic_gather %add3A_645[%gather3A_692] in [0] : vector<16xi32>, vector<16xi32> -> vector<16xi32>
      %mul3A_694 = arith.constant 256 : i32
      %mul3A_695 = vector.broadcast %mul3A_694 : i32 to vector<16xi32>
      %mul3A_696 = arith.muli %gather3A_693, %mul3A_695 : vector<16xi32>
      %add3A_697 = arith.addi %mul3A_696, %add3A_649 : vector<16xi32>
      %swap3A_698 = arith.constant 48 : index
      %swap3A_699 = tpu.vector_load %arg6[%swap3A_698] {strides = array<i32>} : memref<112xi32, #tpu.memory_space<vmem>>, vector<16xi32>,
      %swap3A_700 = vector.shape_cast %swap3A_699 : vector<16xi32> to vector<16xi32>
      %swap3A_701 = vector.shape_cast %add3A_697 : vector<16xi32> to vector<16xi32>
      tpu.vector_store %arg6[%swap3A_698], %swap3A_701 {strides = array<i32>} : memref<112xi32, #tpu.memory_space<vmem>>, vector<16xi32>,
      %broadcast_in_dim3A_702 = arith.constant 4 : i32
      %broadcast_in_dim3A_703 = vector.broadcast %broadcast_in_dim3A_702 : i32 to vector<16xi32>
      %broadcast_in_dim3A_704 = vector.shape_cast %broadcast_in_dim3A_703 : vector<16xi32> to vector<16x1xi32>
      %gather3A_705 = vector.shape_cast %broadcast_in_dim3A_704 : vector<16x1xi32> to vector<16xi32>
      %gather3A_706 = tpu.dynamic_gather %add3A_645[%gather3A_705] in [0] : vector<16xi32>, vector<16xi32> -> vector<16xi32>
      %mul3A_707 = arith.constant 256 : i32
      %mul3A_708 = vector.broadcast %mul3A_707 : i32 to vector<16xi32>
      %mul3A_709 = arith.muli %gather3A_706, %mul3A_708 : vector<16xi32>
      %add3A_710 = arith.addi %mul3A_709, %add3A_649 : vector<16xi32>
      %swap3A_711 = arith.constant 64 : index
      %swap3A_712 = tpu.vector_load %arg6[%swap3A_711] {strides = array<i32>} : memref<112xi32, #tpu.memory_space<vmem>>, vector<16xi32>,
      %swap3A_713 = vector.shape_cast %swap3A_712 : vector<16xi32> to vector<16xi32>
      %swap3A_714 = vector.shape_cast %add3A_710 : vector<16xi32> to vector<16xi32>
      tpu.vector_store %arg6[%swap3A_711], %swap3A_714 {strides = array<i32>} : memref<112xi32, #tpu.memory_space<vmem>>, vector<16xi32>,
      %broadcast_in_dim3A_715 = arith.constant 5 : i32
      %broadcast_in_dim3A_716 = vector.broadcast %broadcast_in_dim3A_715 : i32 to vector<16xi32>
      %broadcast_in_dim3A_717 = vector.shape_cast %broadcast_in_dim3A_716 : vector<16xi32> to vector<16x1xi32>
      %gather3A_718 = vector.shape_cast %broadcast_in_dim3A_717 : vector<16x1xi32> to vector<16xi32>
      %gather3A_719 = tpu.dynamic_gather %add3A_645[%gather3A_718] in [0] : vector<16xi32>, vector<16xi32> -> vector<16xi32>
      %mul3A_720 = arith.constant 256 : i32
      %mul3A_721 = vector.broadcast %mul3A_720 : i32 to vector<16xi32>
      %mul3A_722 = arith.muli %gather3A_719, %mul3A_721 : vector<16xi32>
      %add3A_723 = arith.addi %mul3A_722, %add3A_649 : vector<16xi32>
      %swap3A_724 = arith.constant 80 : index
      %swap3A_725 = tpu.vector_load %arg6[%swap3A_724] {strides = array<i32>} : memref<112xi32, #tpu.memory_space<vmem>>, vector<16xi32>,
      %swap3A_726 = vector.shape_cast %swap3A_725 : vector<16xi32> to vector<16xi32>
      %swap3A_727 = vector.shape_cast %add3A_723 : vector<16xi32> to vector<16xi32>
      tpu.vector_store %arg6[%swap3A_724], %swap3A_727 {strides = array<i32>} : memref<112xi32, #tpu.memory_space<vmem>>, vector<16xi32>,
      %broadcast_in_dim3A_728 = arith.constant 6 : i32
      %broadcast_in_dim3A_729 = vector.broadcast %broadcast_in_dim3A_728 : i32 to vector<16xi32>
      %broadcast_in_dim3A_730 = vector.shape_cast %broadcast_in_dim3A_729 : vector<16xi32> to vector<16x1xi32>
      %gather3A_731 = vector.shape_cast %broadcast_in_dim3A_730 : vector<16x1xi32> to vector<16xi32>
      %gather3A_732 = tpu.dynamic_gather %add3A_645[%gather3A_731] in [0] : vector<16xi32>, vector<16xi32> -> vector<16xi32>
      %mul3A_733 = arith.constant 256 : i32
      %mul3A_734 = vector.broadcast %mul3A_733 : i32 to vector<16xi32>
      %mul3A_735 = arith.muli %gather3A_732, %mul3A_734 : vector<16xi32>
      %add3A_736 = arith.addi %mul3A_735, %add3A_649 : vector<16xi32>
      %swap3A_737 = arith.constant 96 : index
      %swap3A_738 = tpu.vector_load %arg6[%swap3A_737] {strides = array<i32>} : memref<112xi32, #tpu.memory_space<vmem>>, vector<16xi32>,
      %swap3A_739 = vector.shape_cast %swap3A_738 : vector<16xi32> to vector<16xi32>
      %swap3A_740 = vector.shape_cast %add3A_736 : vector<16xi32> to vector<16xi32>
      tpu.vector_store %arg6[%swap3A_737], %swap3A_740 {strides = array<i32>} : memref<112xi32, #tpu.memory_space<vmem>>, vector<16xi32>,
      %broadcast_in_dim3A_741 = arith.constant 7 : i32
      %broadcast_in_dim3A_742 = vector.broadcast %broadcast_in_dim3A_741 : i32 to vector<16xi32>
      %broadcast_in_dim3A_743 = vector.shape_cast %broadcast_in_dim3A_742 : vector<16xi32> to vector<16x1xi32>
      %gather3A_744 = vector.shape_cast %broadcast_in_dim3A_743 : vector<16x1xi32> to vector<16xi32>
      %gather3A_745 = tpu.dynamic_gather %add3A_645[%gather3A_744] in [0] : vector<16xi32>, vector<16xi32> -> vector<16xi32>
      %mul3A_746 = arith.constant 256 : i32
      %mul3A_747 = vector.broadcast %mul3A_746 : i32 to vector<16xi32>
      %mul3A_748 = arith.muli %gather3A_745, %mul3A_747 : vector<16xi32>
      %add3A_749 = arith.addi %mul3A_748, %add3A_649 : vector<16xi32>
      %swap3A_750 = arith.constant 0 : index
      %swap3A_751 = tpu.vector_load %arg7[%swap3A_750] {strides = array<i32>} : memref<112xi32, #tpu.memory_space<vmem>>, vector<16xi32>,
      %swap3A_752 = vector.shape_cast %swap3A_751 : vector<16xi32> to vector<16xi32>
      %swap3A_753 = vector.shape_cast %add3A_749 : vector<16xi32> to vector<16xi32>
      tpu.vector_store %arg7[%swap3A_750], %swap3A_753 {strides = array<i32>} : memref<112xi32, #tpu.memory_space<vmem>>, vector<16xi32>,
      %broadcast_in_dim3A_754 = arith.constant 8 : i32
      %broadcast_in_dim3A_755 = vector.broadcast %broadcast_in_dim3A_754 : i32 to vector<16xi32>
      %broadcast_in_dim3A_756 = vector.shape_cast %broadcast_in_dim3A_755 : vector<16xi32> to vector<16x1xi32>
      %gather3A_757 = vector.shape_cast %broadcast_in_dim3A_756 : vector<16x1xi32> to vector<16xi32>
      %gather3A_758 = tpu.dynamic_gather %add3A_645[%gather3A_757] in [0] : vector<16xi32>, vector<16xi32> -> vector<16xi32>
      %mul3A_759 = arith.constant 256 : i32
      %mul3A_760 = vector.broadcast %mul3A_759 : i32 to vector<16xi32>
      %mul3A_761 = arith.muli %gather3A_758, %mul3A_760 : vector<16xi32>
      %add3A_762 = arith.addi %mul3A_761, %add3A_649 : vector<16xi32>
      %swap3A_763 = arith.constant 16 : index
      %swap3A_764 = tpu.vector_load %arg7[%swap3A_763] {strides = array<i32>} : memref<112xi32, #tpu.memory_space<vmem>>, vector<16xi32>,
      %swap3A_765 = vector.shape_cast %swap3A_764 : vector<16xi32> to vector<16xi32>
      %swap3A_766 = vector.shape_cast %add3A_762 : vector<16xi32> to vector<16xi32>
      tpu.vector_store %arg7[%swap3A_763], %swap3A_766 {strides = array<i32>} : memref<112xi32, #tpu.memory_space<vmem>>, vector<16xi32>,
      %broadcast_in_dim3A_767 = arith.constant 9 : i32
      %broadcast_in_dim3A_768 = vector.broadcast %broadcast_in_dim3A_767 : i32 to vector<16xi32>
      %broadcast_in_dim3A_769 = vector.shape_cast %broadcast_in_dim3A_768 : vector<16xi32> to vector<16x1xi32>
      %gather3A_770 = vector.shape_cast %broadcast_in_dim3A_769 : vector<16x1xi32> to vector<16xi32>
      %gather3A_771 = tpu.dynamic_gather %add3A_645[%gather3A_770] in [0] : vector<16xi32>, vector<16xi32> -> vector<16xi32>
      %mul3A_772 = arith.constant 256 : i32
      %mul3A_773 = vector.broadcast %mul3A_772 : i32 to vector<16xi32>
      %mul3A_774 = arith.muli %gather3A_771, %mul3A_773 : vector<16xi32>
      %add3A_775 = arith.addi %mul3A_774, %add3A_649 : vector<16xi32>
      %swap3A_776 = arith.constant 32 : index
      %swap3A_777 = tpu.vector_load %arg7[%swap3A_776] {strides = array<i32>} : memref<112xi32, #tpu.memory_space<vmem>>, vector<16xi32>,
      %swap3A_778 = vector.shape_cast %swap3A_777 : vector<16xi32> to vector<16xi32>
      %swap3A_779 = vector.shape_cast %add3A_775 : vector<16xi32> to vector<16xi32>
      tpu.vector_store %arg7[%swap3A_776], %swap3A_779 {strides = array<i32>} : memref<112xi32, #tpu.memory_space<vmem>>, vector<16xi32>,
      %broadcast_in_dim3A_780 = arith.constant 10 : i32
      %broadcast_in_dim3A_781 = vector.broadcast %broadcast_in_dim3A_780 : i32 to vector<16xi32>
      %broadcast_in_dim3A_782 = vector.shape_cast %broadcast_in_dim3A_781 : vector<16xi32> to vector<16x1xi32>
      %gather3A_783 = vector.shape_cast %broadcast_in_dim3A_782 : vector<16x1xi32> to vector<16xi32>
      %gather3A_784 = tpu.dynamic_gather %add3A_645[%gather3A_783] in [0] : vector<16xi32>, vector<16xi32> -> vector<16xi32>
      %mul3A_785 = arith.constant 256 : i32
      %mul3A_786 = vector.broadcast %mul3A_785 : i32 to vector<16xi32>
      %mul3A_787 = arith.muli %gather3A_784, %mul3A_786 : vector<16xi32>
      %add3A_788 = arith.addi %mul3A_787, %add3A_649 : vector<16xi32>
      %swap3A_789 = arith.constant 48 : index
      %swap3A_790 = tpu.vector_load %arg7[%swap3A_789] {strides = array<i32>} : memref<112xi32, #tpu.memory_space<vmem>>, vector<16xi32>,
      %swap3A_791 = vector.shape_cast %swap3A_790 : vector<16xi32> to vector<16xi32>
      %swap3A_792 = vector.shape_cast %add3A_788 : vector<16xi32> to vector<16xi32>
      tpu.vector_store %arg7[%swap3A_789], %swap3A_792 {strides = array<i32>} : memref<112xi32, #tpu.memory_space<vmem>>, vector<16xi32>,
      %broadcast_in_dim3A_793 = arith.constant 11 : i32
      %broadcast_in_dim3A_794 = vector.broadcast %broadcast_in_dim3A_793 : i32 to vector<16xi32>
      %broadcast_in_dim3A_795 = vector.shape_cast %broadcast_in_dim3A_794 : vector<16xi32> to vector<16x1xi32>
      %gather3A_796 = vector.shape_cast %broadcast_in_dim3A_795 : vector<16x1xi32> to vector<16xi32>
      %gather3A_797 = tpu.dynamic_gather %add3A_645[%gather3A_796] in [0] : vector<16xi32>, vector<16xi32> -> vector<16xi32>
      %mul3A_798 = arith.constant 256 : i32
      %mul3A_799 = vector.broadcast %mul3A_798 : i32 to vector<16xi32>
      %mul3A_800 = arith.muli %gather3A_797, %mul3A_799 : vector<16xi32>
      %add3A_801 = arith.addi %mul3A_800, %add3A_649 : vector<16xi32>
      %swap3A_802 = arith.constant 64 : index
      %swap3A_803 = tpu.vector_load %arg7[%swap3A_802] {strides = array<i32>} : memref<112xi32, #tpu.memory_space<vmem>>, vector<16xi32>,
      %swap3A_804 = vector.shape_cast %swap3A_803 : vector<16xi32> to vector<16xi32>
      %swap3A_805 = vector.shape_cast %add3A_801 : vector<16xi32> to vector<16xi32>
      tpu.vector_store %arg7[%swap3A_802], %swap3A_805 {strides = array<i32>} : memref<112xi32, #tpu.memory_space<vmem>>, vector<16xi32>,
      %broadcast_in_dim3A_806 = arith.constant 12 : i32
      %broadcast_in_dim3A_807 = vector.broadcast %broadcast_in_dim3A_806 : i32 to vector<16xi32>
      %broadcast_in_dim3A_808 = vector.shape_cast %broadcast_in_dim3A_807 : vector<16xi32> to vector<16x1xi32>
      %gather3A_809 = vector.shape_cast %broadcast_in_dim3A_808 : vector<16x1xi32> to vector<16xi32>
      %gather3A_810 = tpu.dynamic_gather %add3A_645[%gather3A_809] in [0] : vector<16xi32>, vector<16xi32> -> vector<16xi32>
      %mul3A_811 = arith.constant 256 : i32
      %mul3A_812 = vector.broadcast %mul3A_811 : i32 to vector<16xi32>
      %mul3A_813 = arith.muli %gather3A_810, %mul3A_812 : vector<16xi32>
      %add3A_814 = arith.addi %mul3A_813, %add3A_649 : vector<16xi32>
      %swap3A_815 = arith.constant 80 : index
      %swap3A_816 = tpu.vector_load %arg7[%swap3A_815] {strides = array<i32>} : memref<112xi32, #tpu.memory_space<vmem>>, vector<16xi32>,
      %swap3A_817 = vector.shape_cast %swap3A_816 : vector<16xi32> to vector<16xi32>
      %swap3A_818 = vector.shape_cast %add3A_814 : vector<16xi32> to vector<16xi32>
      tpu.vector_store %arg7[%swap3A_815], %swap3A_818 {strides = array<i32>} : memref<112xi32, #tpu.memory_space<vmem>>, vector<16xi32>,
      %broadcast_in_dim3A_819 = arith.constant 13 : i32
      %broadcast_in_dim3A_820 = vector.broadcast %broadcast_in_dim3A_819 : i32 to vector<16xi32>
      %broadcast_in_dim3A_821 = vector.shape_cast %broadcast_in_dim3A_820 : vector<16xi32> to vector<16x1xi32>
      %gather3A_822 = vector.shape_cast %broadcast_in_dim3A_821 : vector<16x1xi32> to vector<16xi32>
      %gather3A_823 = tpu.dynamic_gather %add3A_645[%gather3A_822] in [0] : vector<16xi32>, vector<16xi32> -> vector<16xi32>
      %mul3A_824 = arith.constant 256 : i32
      %mul3A_825 = vector.broadcast %mul3A_824 : i32 to vector<16xi32>
      %mul3A_826 = arith.muli %gather3A_823, %mul3A_825 : vector<16xi32>
      %add3A_827 = arith.addi %mul3A_826, %add3A_649 : vector<16xi32>
      %swap3A_828 = arith.constant 96 : index
      %swap3A_829 = tpu.vector_load %arg7[%swap3A_828] {strides = array<i32>} : memref<112xi32, #tpu.memory_space<vmem>>, vector<16xi32>,
      %swap3A_830 = vector.shape_cast %swap3A_829 : vector<16xi32> to vector<16xi32>
      %swap3A_831 = vector.shape_cast %add3A_827 : vector<16xi32> to vector<16xi32>
      tpu.vector_store %arg7[%swap3A_828], %swap3A_831 {strides = array<i32>} : memref<112xi32, #tpu.memory_space<vmem>>, vector<16xi32>,
      %lt3A_832 = arith.cmpi slt, %add3A_316, %min3A_4 : i32
      %convert_element_type3A_833 = arith.extui %lt3A_832 : i1 to i32
      %cond3A_834 = arith.constant 0 : i32
      %cond3A_835 = arith.cmpi ne, %convert_element_type3A_833, %cond3A_834 : i32
      scf.if %cond3A_835 {
        %dma_start3A_840 = arith.constant 0 : i32
        %dma_start3A_841 = arith.constant 0 : i32
        %dma_start3A_842 = tpu.memref_slice %arg10[%dma_start3A_840, %dma_start3A_841] : memref<224x256xf32, #tpu.memory_space<vmem>> -> memref<112x256xf32, #tpu.memory_space<vmem>>
        %dma_start3A_843 = arith.constant 0 : i32
        %dma_start3A_844 = arith.constant 0 : i32
        %dma_start3A_845 = tpu.memref_slice %arg2[%dma_start3A_843, %dma_start3A_844] : memref<65536x256xf32, #tpu.memory_space<hbm>> -> memref<65536x256xf32, #tpu.memory_space<hbm>>
        tpu.enqueue_indirect_dma source(%dma_start3A_845 : memref<65536x256xf32, #tpu.memory_space<hbm>>) target(%dma_start3A_842 : memref<112x256xf32, #tpu.memory_space<vmem>>) offsets(%arg6 : memref<112xi32, #tpu.memory_space<vmem>>) semaphore(%arg13 : memref<!tpu.dma_semaphore, #tpu.memory_space<semaphore_mem>>)
        %dma_start3A_846 = arith.constant 112 : i32
        %dma_start3A_847 = arith.constant 0 : i32
        %dma_start3A_848 = tpu.memref_slice %arg10[%dma_start3A_846, %dma_start3A_847] : memref<224x256xf32, #tpu.memory_space<vmem>> -> memref<112x256xf32, #tpu.memory_space<vmem>>
        %dma_start3A_849 = arith.constant 0 : i32
        %dma_start3A_850 = arith.constant 0 : i32
        %dma_start3A_851 = tpu.memref_slice %arg2[%dma_start3A_849, %dma_start3A_850] : memref<65536x256xf32, #tpu.memory_space<hbm>> -> memref<65536x256xf32, #tpu.memory_space<hbm>>
        tpu.enqueue_indirect_dma source(%dma_start3A_851 : memref<65536x256xf32, #tpu.memory_space<hbm>>) target(%dma_start3A_848 : memref<112x256xf32, #tpu.memory_space<vmem>>) offsets(%arg7 : memref<112xi32, #tpu.memory_space<vmem>>) semaphore(%arg13 : memref<!tpu.dma_semaphore, #tpu.memory_space<semaphore_mem>>)
      } else {
      }
      %lt3A_836 = arith.cmpi slt, %add3A_314, %min3A_4 : i32
      %convert_element_type3A_837 = arith.extui %lt3A_836 : i1 to i32
      %cond3A_838 = arith.constant 0 : i32
      %cond3A_839 = arith.cmpi ne, %convert_element_type3A_837, %cond3A_838 : i32
      scf.if %cond3A_839 {
        %dma_wait3A_840 = arith.constant 0 : i32
        %dma_wait3A_841 = arith.constant 0 : i32
        %dma_wait3A_842 = tpu.memref_slice %arg11[%dma_wait3A_840, %dma_wait3A_841] : memref<224x256xf32, #tpu.memory_space<vmem>> -> memref<112x256xf32, #tpu.memory_space<vmem>>
        %dma_wait3A_843 = arith.constant 0 : i32
        %dma_wait3A_844 = arith.constant 0 : i32
        %dma_wait3A_845 = tpu.memref_slice %arg2[%dma_wait3A_843, %dma_wait3A_844] : memref<65536x256xf32, #tpu.memory_space<hbm>> -> memref<65536x256xf32, #tpu.memory_space<hbm>>
        tpu.wait_indirect_dma semaphore(%arg14 : memref<!tpu.dma_semaphore, #tpu.memory_space<semaphore_mem>>) src(%dma_wait3A_845 : memref<65536x256xf32, #tpu.memory_space<hbm>>) dst(%dma_wait3A_842 : memref<112x256xf32, #tpu.memory_space<vmem>>)
        %dma_wait3A_846 = arith.constant 112 : i32
        %dma_wait3A_847 = arith.constant 0 : i32
        %dma_wait3A_848 = tpu.memref_slice %arg11[%dma_wait3A_846, %dma_wait3A_847] : memref<224x256xf32, #tpu.memory_space<vmem>> -> memref<112x256xf32, #tpu.memory_space<vmem>>
        %dma_wait3A_849 = arith.constant 0 : i32
        %dma_wait3A_850 = arith.constant 0 : i32
        %dma_wait3A_851 = tpu.memref_slice %arg2[%dma_wait3A_849, %dma_wait3A_850] : memref<65536x256xf32, #tpu.memory_space<hbm>> -> memref<65536x256xf32, #tpu.memory_space<hbm>>
        tpu.wait_indirect_dma semaphore(%arg14 : memref<!tpu.dma_semaphore, #tpu.memory_space<semaphore_mem>>) src(%dma_wait3A_851 : memref<65536x256xf32, #tpu.memory_space<hbm>>) dst(%dma_wait3A_848 : memref<112x256xf32, #tpu.memory_space<vmem>>)
        %dma_wait3A_852 = arith.constant 0 : i32
        %dma_wait3A_853 = arith.constant 0 : i32
        %dma_wait3A_854 = tpu.memref_slice %arg4[%mul3A_2, %dma_wait3A_852, %dma_wait3A_853] : memref<1000x49x256xf32, #tpu.memory_space<hbm>> -> memref<1x49x256xf32, #tpu.memory_space<hbm>>
        %dma_wait3A_855 = tpu.memref_squeeze %dma_wait3A_854 : memref<1x49x256xf32, #tpu.memory_space<hbm>> -> memref<49x256xf32, #tpu.memory_space<hbm>>
        %dma_wait3A_856 = arith.constant 0 : i32
        %dma_wait3A_857 = arith.constant 0 : i32
        %dma_wait3A_858 = tpu.memref_slice %arg4[%mul3A_2, %dma_wait3A_856, %dma_wait3A_857] : memref<1000x49x256xf32, #tpu.memory_space<hbm>> -> memref<1x49x256xf32, #tpu.memory_space<hbm>>
        %dma_wait3A_859 = tpu.memref_squeeze %dma_wait3A_858 : memref<1x49x256xf32, #tpu.memory_space<hbm>> -> memref<49x256xf32, #tpu.memory_space<hbm>>
        tpu.wait_dma2 semaphore(%arg15 : memref<!tpu.dma_semaphore, #tpu.memory_space<semaphore_mem>>) src(%arg12 : memref<49x256xf32, #tpu.memory_space<vmem>>) dst(%dma_wait3A_859 : memref<49x256xf32, #tpu.memory_space<hbm>>)
        %parallel_loop3A_860 = arith.constant 0 : i32
        %parallel_loop3A_861 = arith.constant 49 : i32
        %parallel_loop3A_862 = arith.constant 1 : i32
        scf.for %parallel_loop3A_872 = %parallel_loop3A_860 to %parallel_loop3A_861 step %parallel_loop3A_862  : i32 {
          %parallel_loop3A_873 = arith.constant 7 : i32
          %parallel_loop3A_874 = arith.divsi %parallel_loop3A_872, %parallel_loop3A_873 : i32
          %parallel_loop3A_875 = arith.constant 0 : i32
          %parallel_loop3A_876 = arith.cmpi sgt, %parallel_loop3A_872, %parallel_loop3A_875 : i32
          %parallel_loop3A_877 = arith.extui %parallel_loop3A_876 : i1 to i32
          %parallel_loop3A_878 = arith.constant 0 : i32
          %parallel_loop3A_879 = arith.cmpi slt, %parallel_loop3A_872, %parallel_loop3A_878 : i32
          %parallel_loop3A_880 = arith.extui %parallel_loop3A_879 : i1 to i32
          %parallel_loop3A_881 = arith.subi %parallel_loop3A_877, %parallel_loop3A_880 : i32
          %parallel_loop3A_882 = arith.constant 0 : i32
          %parallel_loop3A_883 = arith.cmpi sgt, %parallel_loop3A_873, %parallel_loop3A_882 : i32
          %parallel_loop3A_884 = arith.extui %parallel_loop3A_883 : i1 to i32
          %parallel_loop3A_885 = arith.constant 0 : i32
          %parallel_loop3A_886 = arith.cmpi slt, %parallel_loop3A_873, %parallel_loop3A_885 : i32
          %parallel_loop3A_887 = arith.extui %parallel_loop3A_886 : i1 to i32
          %parallel_loop3A_888 = arith.subi %parallel_loop3A_884, %parallel_loop3A_887 : i32
          %parallel_loop3A_889 = arith.cmpi ne, %parallel_loop3A_881, %parallel_loop3A_888 : i32
          %parallel_loop3A_890 = arith.remsi %parallel_loop3A_872, %parallel_loop3A_873 : i32
          %parallel_loop3A_891 = arith.constant 0 : i32
          %parallel_loop3A_892 = arith.cmpi ne, %parallel_loop3A_890, %parallel_loop3A_891 : i32
          %parallel_loop3A_893 = arith.andi %parallel_loop3A_889, %parallel_loop3A_892 : i1
          %parallel_loop3A_894 = arith.constant 1 : i32
          %parallel_loop3A_895 = arith.subi %parallel_loop3A_874, %parallel_loop3A_894 : i32
          %parallel_loop3A_896 = arith.select %parallel_loop3A_893, %parallel_loop3A_895, %parallel_loop3A_874 : i32
          %parallel_loop3A_897 = arith.constant 7 : i32
          %parallel_loop3A_898 = arith.muli %parallel_loop3A_896, %parallel_loop3A_897 : i32
          %parallel_loop3A_899 = arith.subi %parallel_loop3A_872, %parallel_loop3A_898 : i32
          %parallel_loop3A_900 = vector.broadcast %parallel_loop3A_896 : i32 to vector<16xi32>
          %parallel_loop3A_901 = vector.shape_cast %parallel_loop3A_900 : vector<16xi32> to vector<16x1xi32>
          %parallel_loop3A_902 = vector.shape_cast %parallel_loop3A_901 : vector<16x1xi32> to vector<16xi32>
          %parallel_loop3A_903 = tpu.dynamic_gather %sub3A_365[%parallel_loop3A_902] in [0] : vector<16xf32>, vector<16xi32> -> vector<16xf32>
          %parallel_loop3A_904 = vector.broadcast %parallel_loop3A_899 : i32 to vector<16xi32>
          %parallel_loop3A_905 = vector.shape_cast %parallel_loop3A_904 : vector<16xi32> to vector<16x1xi32>
          %parallel_loop3A_906 = vector.shape_cast %parallel_loop3A_905 : vector<16x1xi32> to vector<16xi32>
          %parallel_loop3A_907 = tpu.dynamic_gather %sub3A_367[%parallel_loop3A_906] in [0] : vector<16xf32>, vector<16xi32> -> vector<16xf32>
          %parallel_loop3A_908 = arith.mulf %parallel_loop3A_903, %parallel_loop3A_907 : vector<16xf32>
          %parallel_loop3A_909 = arith.subf %parallel_loop3A_907, %parallel_loop3A_908 : vector<16xf32>
          %parallel_loop3A_910 = arith.subf %parallel_loop3A_903, %parallel_loop3A_908 : vector<16xf32>
          %parallel_loop3A_911 = arith.constant 1.000000e+00 : f32
          %parallel_loop3A_912 = vector.broadcast %parallel_loop3A_911 : f32 to vector<16xf32>
          %parallel_loop3A_913 = arith.subf %parallel_loop3A_912, %parallel_loop3A_907 : vector<16xf32>
          %parallel_loop3A_914 = arith.subf %parallel_loop3A_913, %parallel_loop3A_910 : vector<16xf32>
          %parallel_loop3A_915 = arith.constant 32 : i32
          %parallel_loop3A_916 = arith.muli %parallel_loop3A_896, %parallel_loop3A_915 : i32
          %parallel_loop3A_917 = arith.constant 2 : i32
          %parallel_loop3A_918 = arith.muli %parallel_loop3A_899, %parallel_loop3A_917 : i32
          %parallel_loop3A_919 = arith.addi %parallel_loop3A_916, %parallel_loop3A_918 : i32
          %parallel_loop3A_920 = arith.index_cast %parallel_loop3A_919 : i32 to index
          %parallel_loop3A_921 = arith.constant 0 : index
          %parallel_loop3A_922 = tpu.vector_load %arg11[%parallel_loop3A_920, %parallel_loop3A_921] {strides = array<i32>} : memref<224x256xf32, #tpu.memory_space<vmem>>, vector<1x16xf32>,
          %parallel_loop3A_923 = vector.shape_cast %parallel_loop3A_922 : vector<1x16xf32> to vector<16xf32>
          %parallel_loop3A_924 = arith.constant 1 : i32
          %parallel_loop3A_925 = arith.addi %parallel_loop3A_919, %parallel_loop3A_924 : i32
          %parallel_loop3A_926 = arith.index_cast %parallel_loop3A_925 : i32 to index
          %parallel_loop3A_927 = arith.constant 0 : index
          %parallel_loop3A_928 = tpu.vector_load %arg11[%parallel_loop3A_926, %parallel_loop3A_927] {strides = array<i32>} : memref<224x256xf32, #tpu.memory_space<vmem>>, vector<1x16xf32>,
          %parallel_loop3A_929 = vector.shape_cast %parallel_loop3A_928 : vector<1x16xf32> to vector<16xf32>
          %parallel_loop3A_930 = arith.constant 16 : i32
          %parallel_loop3A_931 = arith.addi %parallel_loop3A_919, %parallel_loop3A_930 : i32
          %parallel_loop3A_932 = arith.index_cast %parallel_loop3A_931 : i32 to index
          %parallel_loop3A_933 = arith.constant 0 : index
          %parallel_loop3A_934 = tpu.vector_load %arg11[%parallel_loop3A_932, %parallel_loop3A_933] {strides = array<i32>} : memref<224x256xf32, #tpu.memory_space<vmem>>, vector<1x16xf32>,
          %parallel_loop3A_935 = vector.shape_cast %parallel_loop3A_934 : vector<1x16xf32> to vector<16xf32>
          %parallel_loop3A_936 = arith.constant 16 : i32
          %parallel_loop3A_937 = arith.addi %parallel_loop3A_919, %parallel_loop3A_936 : i32
          %parallel_loop3A_938 = arith.constant 1 : i32
          %parallel_loop3A_939 = arith.addi %parallel_loop3A_937, %parallel_loop3A_938 : i32
          %parallel_loop3A_940 = arith.index_cast %parallel_loop3A_939 : i32 to index
          %parallel_loop3A_941 = arith.constant 0 : index
          %parallel_loop3A_942 = tpu.vector_load %arg11[%parallel_loop3A_940, %parallel_loop3A_941] {strides = array<i32>} : memref<224x256xf32, #tpu.memory_space<vmem>>, vector<1x16xf32>,
          %parallel_loop3A_943 = vector.shape_cast %parallel_loop3A_942 : vector<1x16xf32> to vector<16xf32>
          %parallel_loop3A_944 = arith.mulf %parallel_loop3A_923, %parallel_loop3A_914 : vector<16xf32>
          %parallel_loop3A_945 = arith.mulf %parallel_loop3A_929, %parallel_loop3A_909 : vector<16xf32>
          %parallel_loop3A_946 = arith.addf %parallel_loop3A_944, %parallel_loop3A_945 : vector<16xf32>
          %parallel_loop3A_947 = arith.mulf %parallel_loop3A_935, %parallel_loop3A_910 : vector<16xf32>
          %parallel_loop3A_948 = arith.mulf %parallel_loop3A_943, %parallel_loop3A_908 : vector<16xf32>
          %parallel_loop3A_949 = arith.addf %parallel_loop3A_947, %parallel_loop3A_948 : vector<16xf32>
          %parallel_loop3A_950 = arith.addf %parallel_loop3A_946, %parallel_loop3A_949 : vector<16xf32>
          %parallel_loop3A_951 = arith.index_cast %parallel_loop3A_872 : i32 to index
          %parallel_loop3A_952 = arith.constant 0 : index
          %parallel_loop3A_953 = tpu.vector_load %arg12[%parallel_loop3A_951, %parallel_loop3A_952] {strides = array<i32>} : memref<49x256xf32, #tpu.memory_space<vmem>>, vector<1x16xf32>,
          %parallel_loop3A_954 = vector.shape_cast %parallel_loop3A_953 : vector<1x16xf32> to vector<16xf32>
          %parallel_loop3A_955 = vector.shape_cast %parallel_loop3A_950 : vector<16xf32> to vector<1x16xf32>
          tpu.vector_store %arg12[%parallel_loop3A_951, %parallel_loop3A_952], %parallel_loop3A_955 {strides = array<i32>} : memref<49x256xf32, #tpu.memory_space<vmem>>, vector<1x16xf32>,
          %parallel_loop3A_956 = arith.index_cast %parallel_loop3A_919 : i32 to index
          %parallel_loop3A_957 = arith.constant 16 : index
          %parallel_loop3A_958 = tpu.vector_load %arg11[%parallel_loop3A_956, %parallel_loop3A_957] {strides = array<i32>} : memref<224x256xf32, #tpu.memory_space<vmem>>, vector<1x16xf32>,
          %parallel_loop3A_959 = vector.shape_cast %parallel_loop3A_958 : vector<1x16xf32> to vector<16xf32>
          %parallel_loop3A_960 = arith.constant 1 : i32
          %parallel_loop3A_961 = arith.addi %parallel_loop3A_919, %parallel_loop3A_960 : i32
          %parallel_loop3A_962 = arith.index_cast %parallel_loop3A_961 : i32 to index
          %parallel_loop3A_963 = arith.constant 16 : index
          %parallel_loop3A_964 = tpu.vector_load %arg11[%parallel_loop3A_962, %parallel_loop3A_963] {strides = array<i32>} : memref<224x256xf32, #tpu.memory_space<vmem>>, vector<1x16xf32>,
          %parallel_loop3A_965 = vector.shape_cast %parallel_loop3A_964 : vector<1x16xf32> to vector<16xf32>
          %parallel_loop3A_966 = arith.constant 16 : i32
          %parallel_loop3A_967 = arith.addi %parallel_loop3A_919, %parallel_loop3A_966 : i32
          %parallel_loop3A_968 = arith.index_cast %parallel_loop3A_967 : i32 to index
          %parallel_loop3A_969 = arith.constant 16 : index
          %parallel_loop3A_970 = tpu.vector_load %arg11[%parallel_loop3A_968, %parallel_loop3A_969] {strides = array<i32>} : memref<224x256xf32, #tpu.memory_space<vmem>>, vector<1x16xf32>,
          %parallel_loop3A_971 = vector.shape_cast %parallel_loop3A_970 : vector<1x16xf32> to vector<16xf32>
          %parallel_loop3A_972 = arith.constant 16 : i32
          %parallel_loop3A_973 = arith.addi %parallel_loop3A_919, %parallel_loop3A_972 : i32
          %parallel_loop3A_974 = arith.constant 1 : i32
          %parallel_loop3A_975 = arith.addi %parallel_loop3A_973, %parallel_loop3A_974 : i32
          %parallel_loop3A_976 = arith.index_cast %parallel_loop3A_975 : i32 to index
          %parallel_loop3A_977 = arith.constant 16 : index
          %parallel_loop3A_978 = tpu.vector_load %arg11[%parallel_loop3A_976, %parallel_loop3A_977] {strides = array<i32>} : memref<224x256xf32, #tpu.memory_space<vmem>>, vector<1x16xf32>,
          %parallel_loop3A_979 = vector.shape_cast %parallel_loop3A_978 : vector<1x16xf32> to vector<16xf32>
          %parallel_loop3A_980 = arith.mulf %parallel_loop3A_959, %parallel_loop3A_914 : vector<16xf32>
          %parallel_loop3A_981 = arith.mulf %parallel_loop3A_965, %parallel_loop3A_909 : vector<16xf32>
          %parallel_loop3A_982 = arith.addf %parallel_loop3A_980, %parallel_loop3A_981 : vector<16xf32>
          %parallel_loop3A_983 = arith.mulf %parallel_loop3A_971, %parallel_loop3A_910 : vector<16xf32>
          %parallel_loop3A_984 = arith.mulf %parallel_loop3A_979, %parallel_loop3A_908 : vector<16xf32>
          %parallel_loop3A_985 = arith.addf %parallel_loop3A_983, %parallel_loop3A_984 : vector<16xf32>
          %parallel_loop3A_986 = arith.addf %parallel_loop3A_982, %parallel_loop3A_985 : vector<16xf32>
          %parallel_loop3A_987 = arith.index_cast %parallel_loop3A_872 : i32 to index
          %parallel_loop3A_988 = arith.constant 16 : index
          %parallel_loop3A_989 = tpu.vector_load %arg12[%parallel_loop3A_987, %parallel_loop3A_988] {strides = array<i32>} : memref<49x256xf32, #tpu.memory_space<vmem>>, vector<1x16xf32>,
          %parallel_loop3A_990 = vector.shape_cast %parallel_loop3A_989 : vector<1x16xf32> to vector<16xf32>
          %parallel_loop3A_991 = vector.shape_cast %parallel_loop3A_986 : vector<16xf32> to vector<1x16xf32>
          tpu.vector_store %arg12[%parallel_loop3A_987, %parallel_loop3A_988], %parallel_loop3A_991 {strides = array<i32>} : memref<49x256xf32, #tpu.memory_space<vmem>>, vector<1x16xf32>,
          %parallel_loop3A_992 = arith.index_cast %parallel_loop3A_919 : i32 to index
          %parallel_loop3A_993 = arith.constant 32 : index
          %parallel_loop3A_994 = tpu.vector_load %arg11[%parallel_loop3A_992, %parallel_loop3A_993] {strides = array<i32>} : memref<224x256xf32, #tpu.memory_space<vmem>>, vector<1x16xf32>,
          %parallel_loop3A_995 = vector.shape_cast %parallel_loop3A_994 : vector<1x16xf32> to vector<16xf32>
          %parallel_loop3A_996 = arith.constant 1 : i32
          %parallel_loop3A_997 = arith.addi %parallel_loop3A_919, %parallel_loop3A_996 : i32
          %parallel_loop3A_998 = arith.index_cast %parallel_loop3A_997 : i32 to index
          %parallel_loop3A_999 = arith.constant 32 : index
          %parallel_loop3A_1000 = tpu.vector_load %arg11[%parallel_loop3A_998, %parallel_loop3A_999] {strides = array<i32>} : memref<224x256xf32, #tpu.memory_space<vmem>>, vector<1x16xf32>,
          %parallel_loop3A_1001 = vector.shape_cast %parallel_loop3A_1000 : vector<1x16xf32> to vector<16xf32>
          %parallel_loop3A_1002 = arith.constant 16 : i32
          %parallel_loop3A_1003 = arith.addi %parallel_loop3A_919, %parallel_loop3A_1002 : i32
          %parallel_loop3A_1004 = arith.index_cast %parallel_loop3A_1003 : i32 to index
          %parallel_loop3A_1005 = arith.constant 32 : index
          %parallel_loop3A_1006 = tpu.vector_load %arg11[%parallel_loop3A_1004, %parallel_loop3A_1005] {strides = array<i32>} : memref<224x256xf32, #tpu.memory_space<vmem>>, vector<1x16xf32>,
          %parallel_loop3A_1007 = vector.shape_cast %parallel_loop3A_1006 : vector<1x16xf32> to vector<16xf32>
          %parallel_loop3A_1008 = arith.constant 16 : i32
          %parallel_loop3A_1009 = arith.addi %parallel_loop3A_919, %parallel_loop3A_1008 : i32
          %parallel_loop3A_1010 = arith.constant 1 : i32
          %parallel_loop3A_1011 = arith.addi %parallel_loop3A_1009, %parallel_loop3A_1010 : i32
          %parallel_loop3A_1012 = arith.index_cast %parallel_loop3A_1011 : i32 to index
          %parallel_loop3A_1013 = arith.constant 32 : index
          %parallel_loop3A_1014 = tpu.vector_load %arg11[%parallel_loop3A_1012, %parallel_loop3A_1013] {strides = array<i32>} : memref<224x256xf32, #tpu.memory_space<vmem>>, vector<1x16xf32>,
          %parallel_loop3A_1015 = vector.shape_cast %parallel_loop3A_1014 : vector<1x16xf32> to vector<16xf32>
          %parallel_loop3A_1016 = arith.mulf %parallel_loop3A_995, %parallel_loop3A_914 : vector<16xf32>
          %parallel_loop3A_1017 = arith.mulf %parallel_loop3A_1001, %parallel_loop3A_909 : vector<16xf32>
          %parallel_loop3A_1018 = arith.addf %parallel_loop3A_1016, %parallel_loop3A_1017 : vector<16xf32>
          %parallel_loop3A_1019 = arith.mulf %parallel_loop3A_1007, %parallel_loop3A_910 : vector<16xf32>
          %parallel_loop3A_1020 = arith.mulf %parallel_loop3A_1015, %parallel_loop3A_908 : vector<16xf32>
          %parallel_loop3A_1021 = arith.addf %parallel_loop3A_1019, %parallel_loop3A_1020 : vector<16xf32>
          %parallel_loop3A_1022 = arith.addf %parallel_loop3A_1018, %parallel_loop3A_1021 : vector<16xf32>
          %parallel_loop3A_1023 = arith.index_cast %parallel_loop3A_872 : i32 to index
          %parallel_loop3A_1024 = arith.constant 32 : index
          %parallel_loop3A_1025 = tpu.vector_load %arg12[%parallel_loop3A_1023, %parallel_loop3A_1024] {strides = array<i32>} : memref<49x256xf32, #tpu.memory_space<vmem>>, vector<1x16xf32>,
          %parallel_loop3A_1026 = vector.shape_cast %parallel_loop3A_1025 : vector<1x16xf32> to vector<16xf32>
          %parallel_loop3A_1027 = vector.shape_cast %parallel_loop3A_1022 : vector<16xf32> to vector<1x16xf32>
          tpu.vector_store %arg12[%parallel_loop3A_1023, %parallel_loop3A_1024], %parallel_loop3A_1027 {strides = array<i32>} : memref<49x256xf32, #tpu.memory_space<vmem>>, vector<1x16xf32>,
          %parallel_loop3A_1028 = arith.index_cast %parallel_loop3A_919 : i32 to index
          %parallel_loop3A_1029 = arith.constant 48 : index
          %parallel_loop3A_1030 = tpu.vector_load %arg11[%parallel_loop3A_1028, %parallel_loop3A_1029] {strides = array<i32>} : memref<224x256xf32, #tpu.memory_space<vmem>>, vector<1x16xf32>,
          %parallel_loop3A_1031 = vector.shape_cast %parallel_loop3A_1030 : vector<1x16xf32> to vector<16xf32>
          %parallel_loop3A_1032 = arith.constant 1 : i32
          %parallel_loop3A_1033 = arith.addi %parallel_loop3A_919, %parallel_loop3A_1032 : i32
          %parallel_loop3A_1034 = arith.index_cast %parallel_loop3A_1033 : i32 to index
          %parallel_loop3A_1035 = arith.constant 48 : index
          %parallel_loop3A_1036 = tpu.vector_load %arg11[%parallel_loop3A_1034, %parallel_loop3A_1035] {strides = array<i32>} : memref<224x256xf32, #tpu.memory_space<vmem>>, vector<1x16xf32>,
          %parallel_loop3A_1037 = vector.shape_cast %parallel_loop3A_1036 : vector<1x16xf32> to vector<16xf32>
          %parallel_loop3A_1038 = arith.constant 16 : i32
          %parallel_loop3A_1039 = arith.addi %parallel_loop3A_919, %parallel_loop3A_1038 : i32
          %parallel_loop3A_1040 = arith.index_cast %parallel_loop3A_1039 : i32 to index
          %parallel_loop3A_1041 = arith.constant 48 : index
          %parallel_loop3A_1042 = tpu.vector_load %arg11[%parallel_loop3A_1040, %parallel_loop3A_1041] {strides = array<i32>} : memref<224x256xf32, #tpu.memory_space<vmem>>, vector<1x16xf32>,
          %parallel_loop3A_1043 = vector.shape_cast %parallel_loop3A_1042 : vector<1x16xf32> to vector<16xf32>
          %parallel_loop3A_1044 = arith.constant 16 : i32
          %parallel_loop3A_1045 = arith.addi %parallel_loop3A_919, %parallel_loop3A_1044 : i32
          %parallel_loop3A_1046 = arith.constant 1 : i32
          %parallel_loop3A_1047 = arith.addi %parallel_loop3A_1045, %parallel_loop3A_1046 : i32
          %parallel_loop3A_1048 = arith.index_cast %parallel_loop3A_1047 : i32 to index
          %parallel_loop3A_1049 = arith.constant 48 : index
          %parallel_loop3A_1050 = tpu.vector_load %arg11[%parallel_loop3A_1048, %parallel_loop3A_1049] {strides = array<i32>} : memref<224x256xf32, #tpu.memory_space<vmem>>, vector<1x16xf32>,
          %parallel_loop3A_1051 = vector.shape_cast %parallel_loop3A_1050 : vector<1x16xf32> to vector<16xf32>
          %parallel_loop3A_1052 = arith.mulf %parallel_loop3A_1031, %parallel_loop3A_914 : vector<16xf32>
          %parallel_loop3A_1053 = arith.mulf %parallel_loop3A_1037, %parallel_loop3A_909 : vector<16xf32>
          %parallel_loop3A_1054 = arith.addf %parallel_loop3A_1052, %parallel_loop3A_1053 : vector<16xf32>
          %parallel_loop3A_1055 = arith.mulf %parallel_loop3A_1043, %parallel_loop3A_910 : vector<16xf32>
          %parallel_loop3A_1056 = arith.mulf %parallel_loop3A_1051, %parallel_loop3A_908 : vector<16xf32>
          %parallel_loop3A_1057 = arith.addf %parallel_loop3A_1055, %parallel_loop3A_1056 : vector<16xf32>
          %parallel_loop3A_1058 = arith.addf %parallel_loop3A_1054, %parallel_loop3A_1057 : vector<16xf32>
          %parallel_loop3A_1059 = arith.index_cast %parallel_loop3A_872 : i32 to index
          %parallel_loop3A_1060 = arith.constant 48 : index
          %parallel_loop3A_1061 = tpu.vector_load %arg12[%parallel_loop3A_1059, %parallel_loop3A_1060] {strides = array<i32>} : memref<49x256xf32, #tpu.memory_space<vmem>>, vector<1x16xf32>,
          %parallel_loop3A_1062 = vector.shape_cast %parallel_loop3A_1061 : vector<1x16xf32> to vector<16xf32>
          %parallel_loop3A_1063 = vector.shape_cast %parallel_loop3A_1058 : vector<16xf32> to vector<1x16xf32>
          tpu.vector_store %arg12[%parallel_loop3A_1059, %parallel_loop3A_1060], %parallel_loop3A_1063 {strides = array<i32>} : memref<49x256xf32, #tpu.memory_space<vmem>>, vector<1x16xf32>,
          %parallel_loop3A_1064 = arith.index_cast %parallel_loop3A_919 : i32 to index
          %parallel_loop3A_1065 = arith.constant 64 : index
          %parallel_loop3A_1066 = tpu.vector_load %arg11[%parallel_loop3A_1064, %parallel_loop3A_1065] {strides = array<i32>} : memref<224x256xf32, #tpu.memory_space<vmem>>, vector<1x16xf32>,
          %parallel_loop3A_1067 = vector.shape_cast %parallel_loop3A_1066 : vector<1x16xf32> to vector<16xf32>
          %parallel_loop3A_1068 = arith.constant 1 : i32
          %parallel_loop3A_1069 = arith.addi %parallel_loop3A_919, %parallel_loop3A_1068 : i32
          %parallel_loop3A_1070 = arith.index_cast %parallel_loop3A_1069 : i32 to index
          %parallel_loop3A_1071 = arith.constant 64 : index
          %parallel_loop3A_1072 = tpu.vector_load %arg11[%parallel_loop3A_1070, %parallel_loop3A_1071] {strides = array<i32>} : memref<224x256xf32, #tpu.memory_space<vmem>>, vector<1x16xf32>,
          %parallel_loop3A_1073 = vector.shape_cast %parallel_loop3A_1072 : vector<1x16xf32> to vector<16xf32>
          %parallel_loop3A_1074 = arith.constant 16 : i32
          %parallel_loop3A_1075 = arith.addi %parallel_loop3A_919, %parallel_loop3A_1074 : i32
          %parallel_loop3A_1076 = arith.index_cast %parallel_loop3A_1075 : i32 to index
          %parallel_loop3A_1077 = arith.constant 64 : index
          %parallel_loop3A_1078 = tpu.vector_load %arg11[%parallel_loop3A_1076, %parallel_loop3A_1077] {strides = array<i32>} : memref<224x256xf32, #tpu.memory_space<vmem>>, vector<1x16xf32>,
          %parallel_loop3A_1079 = vector.shape_cast %parallel_loop3A_1078 : vector<1x16xf32> to vector<16xf32>
          %parallel_loop3A_1080 = arith.constant 16 : i32
          %parallel_loop3A_1081 = arith.addi %parallel_loop3A_919, %parallel_loop3A_1080 : i32
          %parallel_loop3A_1082 = arith.constant 1 : i32
          %parallel_loop3A_1083 = arith.addi %parallel_loop3A_1081, %parallel_loop3A_1082 : i32
          %parallel_loop3A_1084 = arith.index_cast %parallel_loop3A_1083 : i32 to index
          %parallel_loop3A_1085 = arith.constant 64 : index
          %parallel_loop3A_1086 = tpu.vector_load %arg11[%parallel_loop3A_1084, %parallel_loop3A_1085] {strides = array<i32>} : memref<224x256xf32, #tpu.memory_space<vmem>>, vector<1x16xf32>,
          %parallel_loop3A_1087 = vector.shape_cast %parallel_loop3A_1086 : vector<1x16xf32> to vector<16xf32>
          %parallel_loop3A_1088 = arith.mulf %parallel_loop3A_1067, %parallel_loop3A_914 : vector<16xf32>
          %parallel_loop3A_1089 = arith.mulf %parallel_loop3A_1073, %parallel_loop3A_909 : vector<16xf32>
          %parallel_loop3A_1090 = arith.addf %parallel_loop3A_1088, %parallel_loop3A_1089 : vector<16xf32>
          %parallel_loop3A_1091 = arith.mulf %parallel_loop3A_1079, %parallel_loop3A_910 : vector<16xf32>
          %parallel_loop3A_1092 = arith.mulf %parallel_loop3A_1087, %parallel_loop3A_908 : vector<16xf32>
          %parallel_loop3A_1093 = arith.addf %parallel_loop3A_1091, %parallel_loop3A_1092 : vector<16xf32>
          %parallel_loop3A_1094 = arith.addf %parallel_loop3A_1090, %parallel_loop3A_1093 : vector<16xf32>
          %parallel_loop3A_1095 = arith.index_cast %parallel_loop3A_872 : i32 to index
          %parallel_loop3A_1096 = arith.constant 64 : index
          %parallel_loop3A_1097 = tpu.vector_load %arg12[%parallel_loop3A_1095, %parallel_loop3A_1096] {strides = array<i32>} : memref<49x256xf32, #tpu.memory_space<vmem>>, vector<1x16xf32>,
          %parallel_loop3A_1098 = vector.shape_cast %parallel_loop3A_1097 : vector<1x16xf32> to vector<16xf32>
          %parallel_loop3A_1099 = vector.shape_cast %parallel_loop3A_1094 : vector<16xf32> to vector<1x16xf32>
          tpu.vector_store %arg12[%parallel_loop3A_1095, %parallel_loop3A_1096], %parallel_loop3A_1099 {strides = array<i32>} : memref<49x256xf32, #tpu.memory_space<vmem>>, vector<1x16xf32>,
          %parallel_loop3A_1100 = arith.index_cast %parallel_loop3A_919 : i32 to index
          %parallel_loop3A_1101 = arith.constant 80 : index
          %parallel_loop3A_1102 = tpu.vector_load %arg11[%parallel_loop3A_1100, %parallel_loop3A_1101] {strides = array<i32>} : memref<224x256xf32, #tpu.memory_space<vmem>>, vector<1x16xf32>,
          %parallel_loop3A_1103 = vector.shape_cast %parallel_loop3A_1102 : vector<1x16xf32> to vector<16xf32>
          %parallel_loop3A_1104 = arith.constant 1 : i32
          %parallel_loop3A_1105 = arith.addi %parallel_loop3A_919, %parallel_loop3A_1104 : i32
          %parallel_loop3A_1106 = arith.index_cast %parallel_loop3A_1105 : i32 to index
          %parallel_loop3A_1107 = arith.constant 80 : index
          %parallel_loop3A_1108 = tpu.vector_load %arg11[%parallel_loop3A_1106, %parallel_loop3A_1107] {strides = array<i32>} : memref<224x256xf32, #tpu.memory_space<vmem>>, vector<1x16xf32>,
          %parallel_loop3A_1109 = vector.shape_cast %parallel_loop3A_1108 : vector<1x16xf32> to vector<16xf32>
          %parallel_loop3A_1110 = arith.constant 16 : i32
          %parallel_loop3A_1111 = arith.addi %parallel_loop3A_919, %parallel_loop3A_1110 : i32
          %parallel_loop3A_1112 = arith.index_cast %parallel_loop3A_1111 : i32 to index
          %parallel_loop3A_1113 = arith.constant 80 : index
          %parallel_loop3A_1114 = tpu.vector_load %arg11[%parallel_loop3A_1112, %parallel_loop3A_1113] {strides = array<i32>} : memref<224x256xf32, #tpu.memory_space<vmem>>, vector<1x16xf32>,
          %parallel_loop3A_1115 = vector.shape_cast %parallel_loop3A_1114 : vector<1x16xf32> to vector<16xf32>
          %parallel_loop3A_1116 = arith.constant 16 : i32
          %parallel_loop3A_1117 = arith.addi %parallel_loop3A_919, %parallel_loop3A_1116 : i32
          %parallel_loop3A_1118 = arith.constant 1 : i32
          %parallel_loop3A_1119 = arith.addi %parallel_loop3A_1117, %parallel_loop3A_1118 : i32
          %parallel_loop3A_1120 = arith.index_cast %parallel_loop3A_1119 : i32 to index
          %parallel_loop3A_1121 = arith.constant 80 : index
          %parallel_loop3A_1122 = tpu.vector_load %arg11[%parallel_loop3A_1120, %parallel_loop3A_1121] {strides = array<i32>} : memref<224x256xf32, #tpu.memory_space<vmem>>, vector<1x16xf32>,
          %parallel_loop3A_1123 = vector.shape_cast %parallel_loop3A_1122 : vector<1x16xf32> to vector<16xf32>
          %parallel_loop3A_1124 = arith.mulf %parallel_loop3A_1103, %parallel_loop3A_914 : vector<16xf32>
          %parallel_loop3A_1125 = arith.mulf %parallel_loop3A_1109, %parallel_loop3A_909 : vector<16xf32>
          %parallel_loop3A_1126 = arith.addf %parallel_loop3A_1124, %parallel_loop3A_1125 : vector<16xf32>
          %parallel_loop3A_1127 = arith.mulf %parallel_loop3A_1115, %parallel_loop3A_910 : vector<16xf32>
          %parallel_loop3A_1128 = arith.mulf %parallel_loop3A_1123, %parallel_loop3A_908 : vector<16xf32>
          %parallel_loop3A_1129 = arith.addf %parallel_loop3A_1127, %parallel_loop3A_1128 : vector<16xf32>
          %parallel_loop3A_1130 = arith.addf %parallel_loop3A_1126, %parallel_loop3A_1129 : vector<16xf32>
          %parallel_loop3A_1131 = arith.index_cast %parallel_loop3A_872 : i32 to index
          %parallel_loop3A_1132 = arith.constant 80 : index
          %parallel_loop3A_1133 = tpu.vector_load %arg12[%parallel_loop3A_1131, %parallel_loop3A_1132] {strides = array<i32>} : memref<49x256xf32, #tpu.memory_space<vmem>>, vector<1x16xf32>,
          %parallel_loop3A_1134 = vector.shape_cast %parallel_loop3A_1133 : vector<1x16xf32> to vector<16xf32>
          %parallel_loop3A_1135 = vector.shape_cast %parallel_loop3A_1130 : vector<16xf32> to vector<1x16xf32>
          tpu.vector_store %arg12[%parallel_loop3A_1131, %parallel_loop3A_1132], %parallel_loop3A_1135 {strides = array<i32>} : memref<49x256xf32, #tpu.memory_space<vmem>>, vector<1x16xf32>,
          %parallel_loop3A_1136 = arith.index_cast %parallel_loop3A_919 : i32 to index
          %parallel_loop3A_1137 = arith.constant 96 : index
          %parallel_loop3A_1138 = tpu.vector_load %arg11[%parallel_loop3A_1136, %parallel_loop3A_1137] {strides = array<i32>} : memref<224x256xf32, #tpu.memory_space<vmem>>, vector<1x16xf32>,
          %parallel_loop3A_1139 = vector.shape_cast %parallel_loop3A_1138 : vector<1x16xf32> to vector<16xf32>
          %parallel_loop3A_1140 = arith.constant 1 : i32
          %parallel_loop3A_1141 = arith.addi %parallel_loop3A_919, %parallel_loop3A_1140 : i32
          %parallel_loop3A_1142 = arith.index_cast %parallel_loop3A_1141 : i32 to index
          %parallel_loop3A_1143 = arith.constant 96 : index
          %parallel_loop3A_1144 = tpu.vector_load %arg11[%parallel_loop3A_1142, %parallel_loop3A_1143] {strides = array<i32>} : memref<224x256xf32, #tpu.memory_space<vmem>>, vector<1x16xf32>,
          %parallel_loop3A_1145 = vector.shape_cast %parallel_loop3A_1144 : vector<1x16xf32> to vector<16xf32>
          %parallel_loop3A_1146 = arith.constant 16 : i32
          %parallel_loop3A_1147 = arith.addi %parallel_loop3A_919, %parallel_loop3A_1146 : i32
          %parallel_loop3A_1148 = arith.index_cast %parallel_loop3A_1147 : i32 to index
          %parallel_loop3A_1149 = arith.constant 96 : index
          %parallel_loop3A_1150 = tpu.vector_load %arg11[%parallel_loop3A_1148, %parallel_loop3A_1149] {strides = array<i32>} : memref<224x256xf32, #tpu.memory_space<vmem>>, vector<1x16xf32>,
          %parallel_loop3A_1151 = vector.shape_cast %parallel_loop3A_1150 : vector<1x16xf32> to vector<16xf32>
          %parallel_loop3A_1152 = arith.constant 16 : i32
          %parallel_loop3A_1153 = arith.addi %parallel_loop3A_919, %parallel_loop3A_1152 : i32
          %parallel_loop3A_1154 = arith.constant 1 : i32
          %parallel_loop3A_1155 = arith.addi %parallel_loop3A_1153, %parallel_loop3A_1154 : i32
          %parallel_loop3A_1156 = arith.index_cast %parallel_loop3A_1155 : i32 to index
          %parallel_loop3A_1157 = arith.constant 96 : index
          %parallel_loop3A_1158 = tpu.vector_load %arg11[%parallel_loop3A_1156, %parallel_loop3A_1157] {strides = array<i32>} : memref<224x256xf32, #tpu.memory_space<vmem>>, vector<1x16xf32>,
          %parallel_loop3A_1159 = vector.shape_cast %parallel_loop3A_1158 : vector<1x16xf32> to vector<16xf32>
          %parallel_loop3A_1160 = arith.mulf %parallel_loop3A_1139, %parallel_loop3A_914 : vector<16xf32>
          %parallel_loop3A_1161 = arith.mulf %parallel_loop3A_1145, %parallel_loop3A_909 : vector<16xf32>
          %parallel_loop3A_1162 = arith.addf %parallel_loop3A_1160, %parallel_loop3A_1161 : vector<16xf32>
          %parallel_loop3A_1163 = arith.mulf %parallel_loop3A_1151, %parallel_loop3A_910 : vector<16xf32>
          %parallel_loop3A_1164 = arith.mulf %parallel_loop3A_1159, %parallel_loop3A_908 : vector<16xf32>
          %parallel_loop3A_1165 = arith.addf %parallel_loop3A_1163, %parallel_loop3A_1164 : vector<16xf32>
          %parallel_loop3A_1166 = arith.addf %parallel_loop3A_1162, %parallel_loop3A_1165 : vector<16xf32>
          %parallel_loop3A_1167 = arith.index_cast %parallel_loop3A_872 : i32 to index
          %parallel_loop3A_1168 = arith.constant 96 : index
          %parallel_loop3A_1169 = tpu.vector_load %arg12[%parallel_loop3A_1167, %parallel_loop3A_1168] {strides = array<i32>} : memref<49x256xf32, #tpu.memory_space<vmem>>, vector<1x16xf32>,
          %parallel_loop3A_1170 = vector.shape_cast %parallel_loop3A_1169 : vector<1x16xf32> to vector<16xf32>
          %parallel_loop3A_1171 = vector.shape_cast %parallel_loop3A_1166 : vector<16xf32> to vector<1x16xf32>
          tpu.vector_store %arg12[%parallel_loop3A_1167, %parallel_loop3A_1168], %parallel_loop3A_1171 {strides = array<i32>} : memref<49x256xf32, #tpu.memory_space<vmem>>, vector<1x16xf32>,
          %parallel_loop3A_1172 = arith.index_cast %parallel_loop3A_919 : i32 to index
          %parallel_loop3A_1173 = arith.constant 112 : index
          %parallel_loop3A_1174 = tpu.vector_load %arg11[%parallel_loop3A_1172, %parallel_loop3A_1173] {strides = array<i32>} : memref<224x256xf32, #tpu.memory_space<vmem>>, vector<1x16xf32>,
          %parallel_loop3A_1175 = vector.shape_cast %parallel_loop3A_1174 : vector<1x16xf32> to vector<16xf32>
          %parallel_loop3A_1176 = arith.constant 1 : i32
          %parallel_loop3A_1177 = arith.addi %parallel_loop3A_919, %parallel_loop3A_1176 : i32
          %parallel_loop3A_1178 = arith.index_cast %parallel_loop3A_1177 : i32 to index
          %parallel_loop3A_1179 = arith.constant 112 : index
          %parallel_loop3A_1180 = tpu.vector_load %arg11[%parallel_loop3A_1178, %parallel_loop3A_1179] {strides = array<i32>} : memref<224x256xf32, #tpu.memory_space<vmem>>, vector<1x16xf32>,
          %parallel_loop3A_1181 = vector.shape_cast %parallel_loop3A_1180 : vector<1x16xf32> to vector<16xf32>
          %parallel_loop3A_1182 = arith.constant 16 : i32
          %parallel_loop3A_1183 = arith.addi %parallel_loop3A_919, %parallel_loop3A_1182 : i32
          %parallel_loop3A_1184 = arith.index_cast %parallel_loop3A_1183 : i32 to index
          %parallel_loop3A_1185 = arith.constant 112 : index
          %parallel_loop3A_1186 = tpu.vector_load %arg11[%parallel_loop3A_1184, %parallel_loop3A_1185] {strides = array<i32>} : memref<224x256xf32, #tpu.memory_space<vmem>>, vector<1x16xf32>,
          %parallel_loop3A_1187 = vector.shape_cast %parallel_loop3A_1186 : vector<1x16xf32> to vector<16xf32>
          %parallel_loop3A_1188 = arith.constant 16 : i32
          %parallel_loop3A_1189 = arith.addi %parallel_loop3A_919, %parallel_loop3A_1188 : i32
          %parallel_loop3A_1190 = arith.constant 1 : i32
          %parallel_loop3A_1191 = arith.addi %parallel_loop3A_1189, %parallel_loop3A_1190 : i32
          %parallel_loop3A_1192 = arith.index_cast %parallel_loop3A_1191 : i32 to index
          %parallel_loop3A_1193 = arith.constant 112 : index
          %parallel_loop3A_1194 = tpu.vector_load %arg11[%parallel_loop3A_1192, %parallel_loop3A_1193] {strides = array<i32>} : memref<224x256xf32, #tpu.memory_space<vmem>>, vector<1x16xf32>,
          %parallel_loop3A_1195 = vector.shape_cast %parallel_loop3A_1194 : vector<1x16xf32> to vector<16xf32>
          %parallel_loop3A_1196 = arith.mulf %parallel_loop3A_1175, %parallel_loop3A_914 : vector<16xf32>
          %parallel_loop3A_1197 = arith.mulf %parallel_loop3A_1181, %parallel_loop3A_909 : vector<16xf32>
          %parallel_loop3A_1198 = arith.addf %parallel_loop3A_1196, %parallel_loop3A_1197 : vector<16xf32>
          %parallel_loop3A_1199 = arith.mulf %parallel_loop3A_1187, %parallel_loop3A_910 : vector<16xf32>
          %parallel_loop3A_1200 = arith.mulf %parallel_loop3A_1195, %parallel_loop3A_908 : vector<16xf32>
          %parallel_loop3A_1201 = arith.addf %parallel_loop3A_1199, %parallel_loop3A_1200 : vector<16xf32>
          %parallel_loop3A_1202 = arith.addf %parallel_loop3A_1198, %parallel_loop3A_1201 : vector<16xf32>
          %parallel_loop3A_1203 = arith.index_cast %parallel_loop3A_872 : i32 to index
          %parallel_loop3A_1204 = arith.constant 112 : index
          %parallel_loop3A_1205 = tpu.vector_load %arg12[%parallel_loop3A_1203, %parallel_loop3A_1204] {strides = array<i32>} : memref<49x256xf32, #tpu.memory_space<vmem>>, vector<1x16xf32>,
          %parallel_loop3A_1206 = vector.shape_cast %parallel_loop3A_1205 : vector<1x16xf32> to vector<16xf32>
          %parallel_loop3A_1207 = vector.shape_cast %parallel_loop3A_1202 : vector<16xf32> to vector<1x16xf32>
          tpu.vector_store %arg12[%parallel_loop3A_1203, %parallel_loop3A_1204], %parallel_loop3A_1207 {strides = array<i32>} : memref<49x256xf32, #tpu.memory_space<vmem>>, vector<1x16xf32>,
          %parallel_loop3A_1208 = arith.index_cast %parallel_loop3A_919 : i32 to index
          %parallel_loop3A_1209 = arith.constant 128 : index
          %parallel_loop3A_1210 = tpu.vector_load %arg11[%parallel_loop3A_1208, %parallel_loop3A_1209] {strides = array<i32>} : memref<224x256xf32, #tpu.memory_space<vmem>>, vector<1x16xf32>,
          %parallel_loop3A_1211 = vector.shape_cast %parallel_loop3A_1210 : vector<1x16xf32> to vector<16xf32>
          %parallel_loop3A_1212 = arith.constant 1 : i32
          %parallel_loop3A_1213 = arith.addi %parallel_loop3A_919, %parallel_loop3A_1212 : i32
          %parallel_loop3A_1214 = arith.index_cast %parallel_loop3A_1213 : i32 to index
          %parallel_loop3A_1215 = arith.constant 128 : index
          %parallel_loop3A_1216 = tpu.vector_load %arg11[%parallel_loop3A_1214, %parallel_loop3A_1215] {strides = array<i32>} : memref<224x256xf32, #tpu.memory_space<vmem>>, vector<1x16xf32>,
          %parallel_loop3A_1217 = vector.shape_cast %parallel_loop3A_1216 : vector<1x16xf32> to vector<16xf32>
          %parallel_loop3A_1218 = arith.constant 16 : i32
          %parallel_loop3A_1219 = arith.addi %parallel_loop3A_919, %parallel_loop3A_1218 : i32
          %parallel_loop3A_1220 = arith.index_cast %parallel_loop3A_1219 : i32 to index
          %parallel_loop3A_1221 = arith.constant 128 : index
          %parallel_loop3A_1222 = tpu.vector_load %arg11[%parallel_loop3A_1220, %parallel_loop3A_1221] {strides = array<i32>} : memref<224x256xf32, #tpu.memory_space<vmem>>, vector<1x16xf32>,
          %parallel_loop3A_1223 = vector.shape_cast %parallel_loop3A_1222 : vector<1x16xf32> to vector<16xf32>
          %parallel_loop3A_1224 = arith.constant 16 : i32
          %parallel_loop3A_1225 = arith.addi %parallel_loop3A_919, %parallel_loop3A_1224 : i32
          %parallel_loop3A_1226 = arith.constant 1 : i32
          %parallel_loop3A_1227 = arith.addi %parallel_loop3A_1225, %parallel_loop3A_1226 : i32
          %parallel_loop3A_1228 = arith.index_cast %parallel_loop3A_1227 : i32 to index
          %parallel_loop3A_1229 = arith.constant 128 : index
          %parallel_loop3A_1230 = tpu.vector_load %arg11[%parallel_loop3A_1228, %parallel_loop3A_1229] {strides = array<i32>} : memref<224x256xf32, #tpu.memory_space<vmem>>, vector<1x16xf32>,
          %parallel_loop3A_1231 = vector.shape_cast %parallel_loop3A_1230 : vector<1x16xf32> to vector<16xf32>
          %parallel_loop3A_1232 = arith.mulf %parallel_loop3A_1211, %parallel_loop3A_914 : vector<16xf32>
          %parallel_loop3A_1233 = arith.mulf %parallel_loop3A_1217, %parallel_loop3A_909 : vector<16xf32>
          %parallel_loop3A_1234 = arith.addf %parallel_loop3A_1232, %parallel_loop3A_1233 : vector<16xf32>
          %parallel_loop3A_1235 = arith.mulf %parallel_loop3A_1223, %parallel_loop3A_910 : vector<16xf32>
          %parallel_loop3A_1236 = arith.mulf %parallel_loop3A_1231, %parallel_loop3A_908 : vector<16xf32>
          %parallel_loop3A_1237 = arith.addf %parallel_loop3A_1235, %parallel_loop3A_1236 : vector<16xf32>
          %parallel_loop3A_1238 = arith.addf %parallel_loop3A_1234, %parallel_loop3A_1237 : vector<16xf32>
          %parallel_loop3A_1239 = arith.index_cast %parallel_loop3A_872 : i32 to index
          %parallel_loop3A_1240 = arith.constant 128 : index
          %parallel_loop3A_1241 = tpu.vector_load %arg12[%parallel_loop3A_1239, %parallel_loop3A_1240] {strides = array<i32>} : memref<49x256xf32, #tpu.memory_space<vmem>>, vector<1x16xf32>,
          %parallel_loop3A_1242 = vector.shape_cast %parallel_loop3A_1241 : vector<1x16xf32> to vector<16xf32>
          %parallel_loop3A_1243 = vector.shape_cast %parallel_loop3A_1238 : vector<16xf32> to vector<1x16xf32>
          tpu.vector_store %arg12[%parallel_loop3A_1239, %parallel_loop3A_1240], %parallel_loop3A_1243 {strides = array<i32>} : memref<49x256xf32, #tpu.memory_space<vmem>>, vector<1x16xf32>,
          %parallel_loop3A_1244 = arith.index_cast %parallel_loop3A_919 : i32 to index
          %parallel_loop3A_1245 = arith.constant 144 : index
          %parallel_loop3A_1246 = tpu.vector_load %arg11[%parallel_loop3A_1244, %parallel_loop3A_1245] {strides = array<i32>} : memref<224x256xf32, #tpu.memory_space<vmem>>, vector<1x16xf32>,
          %parallel_loop3A_1247 = vector.shape_cast %parallel_loop3A_1246 : vector<1x16xf32> to vector<16xf32>
          %parallel_loop3A_1248 = arith.constant 1 : i32
          %parallel_loop3A_1249 = arith.addi %parallel_loop3A_919, %parallel_loop3A_1248 : i32
          %parallel_loop3A_1250 = arith.index_cast %parallel_loop3A_1249 : i32 to index
          %parallel_loop3A_1251 = arith.constant 144 : index
          %parallel_loop3A_1252 = tpu.vector_load %arg11[%parallel_loop3A_1250, %parallel_loop3A_1251] {strides = array<i32>} : memref<224x256xf32, #tpu.memory_space<vmem>>, vector<1x16xf32>,
          %parallel_loop3A_1253 = vector.shape_cast %parallel_loop3A_1252 : vector<1x16xf32> to vector<16xf32>
          %parallel_loop3A_1254 = arith.constant 16 : i32
          %parallel_loop3A_1255 = arith.addi %parallel_loop3A_919, %parallel_loop3A_1254 : i32
          %parallel_loop3A_1256 = arith.index_cast %parallel_loop3A_1255 : i32 to index
          %parallel_loop3A_1257 = arith.constant 144 : index
          %parallel_loop3A_1258 = tpu.vector_load %arg11[%parallel_loop3A_1256, %parallel_loop3A_1257] {strides = array<i32>} : memref<224x256xf32, #tpu.memory_space<vmem>>, vector<1x16xf32>,
          %parallel_loop3A_1259 = vector.shape_cast %parallel_loop3A_1258 : vector<1x16xf32> to vector<16xf32>
          %parallel_loop3A_1260 = arith.constant 16 : i32
          %parallel_loop3A_1261 = arith.addi %parallel_loop3A_919, %parallel_loop3A_1260 : i32
          %parallel_loop3A_1262 = arith.constant 1 : i32
          %parallel_loop3A_1263 = arith.addi %parallel_loop3A_1261, %parallel_loop3A_1262 : i32
          %parallel_loop3A_1264 = arith.index_cast %parallel_loop3A_1263 : i32 to index
          %parallel_loop3A_1265 = arith.constant 144 : index
          %parallel_loop3A_1266 = tpu.vector_load %arg11[%parallel_loop3A_1264, %parallel_loop3A_1265] {strides = array<i32>} : memref<224x256xf32, #tpu.memory_space<vmem>>, vector<1x16xf32>,
          %parallel_loop3A_1267 = vector.shape_cast %parallel_loop3A_1266 : vector<1x16xf32> to vector<16xf32>
          %parallel_loop3A_1268 = arith.mulf %parallel_loop3A_1247, %parallel_loop3A_914 : vector<16xf32>
          %parallel_loop3A_1269 = arith.mulf %parallel_loop3A_1253, %parallel_loop3A_909 : vector<16xf32>
          %parallel_loop3A_1270 = arith.addf %parallel_loop3A_1268, %parallel_loop3A_1269 : vector<16xf32>
          %parallel_loop3A_1271 = arith.mulf %parallel_loop3A_1259, %parallel_loop3A_910 : vector<16xf32>
          %parallel_loop3A_1272 = arith.mulf %parallel_loop3A_1267, %parallel_loop3A_908 : vector<16xf32>
          %parallel_loop3A_1273 = arith.addf %parallel_loop3A_1271, %parallel_loop3A_1272 : vector<16xf32>
          %parallel_loop3A_1274 = arith.addf %parallel_loop3A_1270, %parallel_loop3A_1273 : vector<16xf32>
          %parallel_loop3A_1275 = arith.index_cast %parallel_loop3A_872 : i32 to index
          %parallel_loop3A_1276 = arith.constant 144 : index
          %parallel_loop3A_1277 = tpu.vector_load %arg12[%parallel_loop3A_1275, %parallel_loop3A_1276] {strides = array<i32>} : memref<49x256xf32, #tpu.memory_space<vmem>>, vector<1x16xf32>,
          %parallel_loop3A_1278 = vector.shape_cast %parallel_loop3A_1277 : vector<1x16xf32> to vector<16xf32>
          %parallel_loop3A_1279 = vector.shape_cast %parallel_loop3A_1274 : vector<16xf32> to vector<1x16xf32>
          tpu.vector_store %arg12[%parallel_loop3A_1275, %parallel_loop3A_1276], %parallel_loop3A_1279 {strides = array<i32>} : memref<49x256xf32, #tpu.memory_space<vmem>>, vector<1x16xf32>,
          %parallel_loop3A_1280 = arith.index_cast %parallel_loop3A_919 : i32 to index
          %parallel_loop3A_1281 = arith.constant 160 : index
          %parallel_loop3A_1282 = tpu.vector_load %arg11[%parallel_loop3A_1280, %parallel_loop3A_1281] {strides = array<i32>} : memref<224x256xf32, #tpu.memory_space<vmem>>, vector<1x16xf32>,
          %parallel_loop3A_1283 = vector.shape_cast %parallel_loop3A_1282 : vector<1x16xf32> to vector<16xf32>
          %parallel_loop3A_1284 = arith.constant 1 : i32
          %parallel_loop3A_1285 = arith.addi %parallel_loop3A_919, %parallel_loop3A_1284 : i32
          %parallel_loop3A_1286 = arith.index_cast %parallel_loop3A_1285 : i32 to index
          %parallel_loop3A_1287 = arith.constant 160 : index
          %parallel_loop3A_1288 = tpu.vector_load %arg11[%parallel_loop3A_1286, %parallel_loop3A_1287] {strides = array<i32>} : memref<224x256xf32, #tpu.memory_space<vmem>>, vector<1x16xf32>,
          %parallel_loop3A_1289 = vector.shape_cast %parallel_loop3A_1288 : vector<1x16xf32> to vector<16xf32>
          %parallel_loop3A_1290 = arith.constant 16 : i32
          %parallel_loop3A_1291 = arith.addi %parallel_loop3A_919, %parallel_loop3A_1290 : i32
          %parallel_loop3A_1292 = arith.index_cast %parallel_loop3A_1291 : i32 to index
          %parallel_loop3A_1293 = arith.constant 160 : index
          %parallel_loop3A_1294 = tpu.vector_load %arg11[%parallel_loop3A_1292, %parallel_loop3A_1293] {strides = array<i32>} : memref<224x256xf32, #tpu.memory_space<vmem>>, vector<1x16xf32>,
          %parallel_loop3A_1295 = vector.shape_cast %parallel_loop3A_1294 : vector<1x16xf32> to vector<16xf32>
          %parallel_loop3A_1296 = arith.constant 16 : i32
          %parallel_loop3A_1297 = arith.addi %parallel_loop3A_919, %parallel_loop3A_1296 : i32
          %parallel_loop3A_1298 = arith.constant 1 : i32
          %parallel_loop3A_1299 = arith.addi %parallel_loop3A_1297, %parallel_loop3A_1298 : i32
          %parallel_loop3A_1300 = arith.index_cast %parallel_loop3A_1299 : i32 to index
          %parallel_loop3A_1301 = arith.constant 160 : index
          %parallel_loop3A_1302 = tpu.vector_load %arg11[%parallel_loop3A_1300, %parallel_loop3A_1301] {strides = array<i32>} : memref<224x256xf32, #tpu.memory_space<vmem>>, vector<1x16xf32>,
          %parallel_loop3A_1303 = vector.shape_cast %parallel_loop3A_1302 : vector<1x16xf32> to vector<16xf32>
          %parallel_loop3A_1304 = arith.mulf %parallel_loop3A_1283, %parallel_loop3A_914 : vector<16xf32>
          %parallel_loop3A_1305 = arith.mulf %parallel_loop3A_1289, %parallel_loop3A_909 : vector<16xf32>
          %parallel_loop3A_1306 = arith.addf %parallel_loop3A_1304, %parallel_loop3A_1305 : vector<16xf32>
          %parallel_loop3A_1307 = arith.mulf %parallel_loop3A_1295, %parallel_loop3A_910 : vector<16xf32>
          %parallel_loop3A_1308 = arith.mulf %parallel_loop3A_1303, %parallel_loop3A_908 : vector<16xf32>
          %parallel_loop3A_1309 = arith.addf %parallel_loop3A_1307, %parallel_loop3A_1308 : vector<16xf32>
          %parallel_loop3A_1310 = arith.addf %parallel_loop3A_1306, %parallel_loop3A_1309 : vector<16xf32>
          %parallel_loop3A_1311 = arith.index_cast %parallel_loop3A_872 : i32 to index
          %parallel_loop3A_1312 = arith.constant 160 : index
          %parallel_loop3A_1313 = tpu.vector_load %arg12[%parallel_loop3A_1311, %parallel_loop3A_1312] {strides = array<i32>} : memref<49x256xf32, #tpu.memory_space<vmem>>, vector<1x16xf32>,
          %parallel_loop3A_1314 = vector.shape_cast %parallel_loop3A_1313 : vector<1x16xf32> to vector<16xf32>
          %parallel_loop3A_1315 = vector.shape_cast %parallel_loop3A_1310 : vector<16xf32> to vector<1x16xf32>
          tpu.vector_store %arg12[%parallel_loop3A_1311, %parallel_loop3A_1312], %parallel_loop3A_1315 {strides = array<i32>} : memref<49x256xf32, #tpu.memory_space<vmem>>, vector<1x16xf32>,
          %parallel_loop3A_1316 = arith.index_cast %parallel_loop3A_919 : i32 to index
          %parallel_loop3A_1317 = arith.constant 176 : index
          %parallel_loop3A_1318 = tpu.vector_load %arg11[%parallel_loop3A_1316, %parallel_loop3A_1317] {strides = array<i32>} : memref<224x256xf32, #tpu.memory_space<vmem>>, vector<1x16xf32>,
          %parallel_loop3A_1319 = vector.shape_cast %parallel_loop3A_1318 : vector<1x16xf32> to vector<16xf32>
          %parallel_loop3A_1320 = arith.constant 1 : i32
          %parallel_loop3A_1321 = arith.addi %parallel_loop3A_919, %parallel_loop3A_1320 : i32
          %parallel_loop3A_1322 = arith.index_cast %parallel_loop3A_1321 : i32 to index
          %parallel_loop3A_1323 = arith.constant 176 : index
          %parallel_loop3A_1324 = tpu.vector_load %arg11[%parallel_loop3A_1322, %parallel_loop3A_1323] {strides = array<i32>} : memref<224x256xf32, #tpu.memory_space<vmem>>, vector<1x16xf32>,
          %parallel_loop3A_1325 = vector.shape_cast %parallel_loop3A_1324 : vector<1x16xf32> to vector<16xf32>
          %parallel_loop3A_1326 = arith.constant 16 : i32
          %parallel_loop3A_1327 = arith.addi %parallel_loop3A_919, %parallel_loop3A_1326 : i32
          %parallel_loop3A_1328 = arith.index_cast %parallel_loop3A_1327 : i32 to index
          %parallel_loop3A_1329 = arith.constant 176 : index
          %parallel_loop3A_1330 = tpu.vector_load %arg11[%parallel_loop3A_1328, %parallel_loop3A_1329] {strides = array<i32>} : memref<224x256xf32, #tpu.memory_space<vmem>>, vector<1x16xf32>,
          %parallel_loop3A_1331 = vector.shape_cast %parallel_loop3A_1330 : vector<1x16xf32> to vector<16xf32>
          %parallel_loop3A_1332 = arith.constant 16 : i32
          %parallel_loop3A_1333 = arith.addi %parallel_loop3A_919, %parallel_loop3A_1332 : i32
          %parallel_loop3A_1334 = arith.constant 1 : i32
          %parallel_loop3A_1335 = arith.addi %parallel_loop3A_1333, %parallel_loop3A_1334 : i32
          %parallel_loop3A_1336 = arith.index_cast %parallel_loop3A_1335 : i32 to index
          %parallel_loop3A_1337 = arith.constant 176 : index
          %parallel_loop3A_1338 = tpu.vector_load %arg11[%parallel_loop3A_1336, %parallel_loop3A_1337] {strides = array<i32>} : memref<224x256xf32, #tpu.memory_space<vmem>>, vector<1x16xf32>,
          %parallel_loop3A_1339 = vector.shape_cast %parallel_loop3A_1338 : vector<1x16xf32> to vector<16xf32>
          %parallel_loop3A_1340 = arith.mulf %parallel_loop3A_1319, %parallel_loop3A_914 : vector<16xf32>
          %parallel_loop3A_1341 = arith.mulf %parallel_loop3A_1325, %parallel_loop3A_909 : vector<16xf32>
          %parallel_loop3A_1342 = arith.addf %parallel_loop3A_1340, %parallel_loop3A_1341 : vector<16xf32>
          %parallel_loop3A_1343 = arith.mulf %parallel_loop3A_1331, %parallel_loop3A_910 : vector<16xf32>
          %parallel_loop3A_1344 = arith.mulf %parallel_loop3A_1339, %parallel_loop3A_908 : vector<16xf32>
          %parallel_loop3A_1345 = arith.addf %parallel_loop3A_1343, %parallel_loop3A_1344 : vector<16xf32>
          %parallel_loop3A_1346 = arith.addf %parallel_loop3A_1342, %parallel_loop3A_1345 : vector<16xf32>
          %parallel_loop3A_1347 = arith.index_cast %parallel_loop3A_872 : i32 to index
          %parallel_loop3A_1348 = arith.constant 176 : index
          %parallel_loop3A_1349 = tpu.vector_load %arg12[%parallel_loop3A_1347, %parallel_loop3A_1348] {strides = array<i32>} : memref<49x256xf32, #tpu.memory_space<vmem>>, vector<1x16xf32>,
          %parallel_loop3A_1350 = vector.shape_cast %parallel_loop3A_1349 : vector<1x16xf32> to vector<16xf32>
          %parallel_loop3A_1351 = vector.shape_cast %parallel_loop3A_1346 : vector<16xf32> to vector<1x16xf32>
          tpu.vector_store %arg12[%parallel_loop3A_1347, %parallel_loop3A_1348], %parallel_loop3A_1351 {strides = array<i32>} : memref<49x256xf32, #tpu.memory_space<vmem>>, vector<1x16xf32>,
          %parallel_loop3A_1352 = arith.index_cast %parallel_loop3A_919 : i32 to index
          %parallel_loop3A_1353 = arith.constant 192 : index
          %parallel_loop3A_1354 = tpu.vector_load %arg11[%parallel_loop3A_1352, %parallel_loop3A_1353] {strides = array<i32>} : memref<224x256xf32, #tpu.memory_space<vmem>>, vector<1x16xf32>,
          %parallel_loop3A_1355 = vector.shape_cast %parallel_loop3A_1354 : vector<1x16xf32> to vector<16xf32>
          %parallel_loop3A_1356 = arith.constant 1 : i32
          %parallel_loop3A_1357 = arith.addi %parallel_loop3A_919, %parallel_loop3A_1356 : i32
          %parallel_loop3A_1358 = arith.index_cast %parallel_loop3A_1357 : i32 to index
          %parallel_loop3A_1359 = arith.constant 192 : index
          %parallel_loop3A_1360 = tpu.vector_load %arg11[%parallel_loop3A_1358, %parallel_loop3A_1359] {strides = array<i32>} : memref<224x256xf32, #tpu.memory_space<vmem>>, vector<1x16xf32>,
          %parallel_loop3A_1361 = vector.shape_cast %parallel_loop3A_1360 : vector<1x16xf32> to vector<16xf32>
          %parallel_loop3A_1362 = arith.constant 16 : i32
          %parallel_loop3A_1363 = arith.addi %parallel_loop3A_919, %parallel_loop3A_1362 : i32
          %parallel_loop3A_1364 = arith.index_cast %parallel_loop3A_1363 : i32 to index
          %parallel_loop3A_1365 = arith.constant 192 : index
          %parallel_loop3A_1366 = tpu.vector_load %arg11[%parallel_loop3A_1364, %parallel_loop3A_1365] {strides = array<i32>} : memref<224x256xf32, #tpu.memory_space<vmem>>, vector<1x16xf32>,
          %parallel_loop3A_1367 = vector.shape_cast %parallel_loop3A_1366 : vector<1x16xf32> to vector<16xf32>
          %parallel_loop3A_1368 = arith.constant 16 : i32
          %parallel_loop3A_1369 = arith.addi %parallel_loop3A_919, %parallel_loop3A_1368 : i32
          %parallel_loop3A_1370 = arith.constant 1 : i32
          %parallel_loop3A_1371 = arith.addi %parallel_loop3A_1369, %parallel_loop3A_1370 : i32
          %parallel_loop3A_1372 = arith.index_cast %parallel_loop3A_1371 : i32 to index
          %parallel_loop3A_1373 = arith.constant 192 : index
          %parallel_loop3A_1374 = tpu.vector_load %arg11[%parallel_loop3A_1372, %parallel_loop3A_1373] {strides = array<i32>} : memref<224x256xf32, #tpu.memory_space<vmem>>, vector<1x16xf32>,
          %parallel_loop3A_1375 = vector.shape_cast %parallel_loop3A_1374 : vector<1x16xf32> to vector<16xf32>
          %parallel_loop3A_1376 = arith.mulf %parallel_loop3A_1355, %parallel_loop3A_914 : vector<16xf32>
          %parallel_loop3A_1377 = arith.mulf %parallel_loop3A_1361, %parallel_loop3A_909 : vector<16xf32>
          %parallel_loop3A_1378 = arith.addf %parallel_loop3A_1376, %parallel_loop3A_1377 : vector<16xf32>
          %parallel_loop3A_1379 = arith.mulf %parallel_loop3A_1367, %parallel_loop3A_910 : vector<16xf32>
          %parallel_loop3A_1380 = arith.mulf %parallel_loop3A_1375, %parallel_loop3A_908 : vector<16xf32>
          %parallel_loop3A_1381 = arith.addf %parallel_loop3A_1379, %parallel_loop3A_1380 : vector<16xf32>
          %parallel_loop3A_1382 = arith.addf %parallel_loop3A_1378, %parallel_loop3A_1381 : vector<16xf32>
          %parallel_loop3A_1383 = arith.index_cast %parallel_loop3A_872 : i32 to index
          %parallel_loop3A_1384 = arith.constant 192 : index
          %parallel_loop3A_1385 = tpu.vector_load %arg12[%parallel_loop3A_1383, %parallel_loop3A_1384] {strides = array<i32>} : memref<49x256xf32, #tpu.memory_space<vmem>>, vector<1x16xf32>,
          %parallel_loop3A_1386 = vector.shape_cast %parallel_loop3A_1385 : vector<1x16xf32> to vector<16xf32>
          %parallel_loop3A_1387 = vector.shape_cast %parallel_loop3A_1382 : vector<16xf32> to vector<1x16xf32>
          tpu.vector_store %arg12[%parallel_loop3A_1383, %parallel_loop3A_1384], %parallel_loop3A_1387 {strides = array<i32>} : memref<49x256xf32, #tpu.memory_space<vmem>>, vector<1x16xf32>,
          %parallel_loop3A_1388 = arith.index_cast %parallel_loop3A_919 : i32 to index
          %parallel_loop3A_1389 = arith.constant 208 : index
          %parallel_loop3A_1390 = tpu.vector_load %arg11[%parallel_loop3A_1388, %parallel_loop3A_1389] {strides = array<i32>} : memref<224x256xf32, #tpu.memory_space<vmem>>, vector<1x16xf32>,
          %parallel_loop3A_1391 = vector.shape_cast %parallel_loop3A_1390 : vector<1x16xf32> to vector<16xf32>
          %parallel_loop3A_1392 = arith.constant 1 : i32
          %parallel_loop3A_1393 = arith.addi %parallel_loop3A_919, %parallel_loop3A_1392 : i32
          %parallel_loop3A_1394 = arith.index_cast %parallel_loop3A_1393 : i32 to index
          %parallel_loop3A_1395 = arith.constant 208 : index
          %parallel_loop3A_1396 = tpu.vector_load %arg11[%parallel_loop3A_1394, %parallel_loop3A_1395] {strides = array<i32>} : memref<224x256xf32, #tpu.memory_space<vmem>>, vector<1x16xf32>,
          %parallel_loop3A_1397 = vector.shape_cast %parallel_loop3A_1396 : vector<1x16xf32> to vector<16xf32>
          %parallel_loop3A_1398 = arith.constant 16 : i32
          %parallel_loop3A_1399 = arith.addi %parallel_loop3A_919, %parallel_loop3A_1398 : i32
          %parallel_loop3A_1400 = arith.index_cast %parallel_loop3A_1399 : i32 to index
          %parallel_loop3A_1401 = arith.constant 208 : index
          %parallel_loop3A_1402 = tpu.vector_load %arg11[%parallel_loop3A_1400, %parallel_loop3A_1401] {strides = array<i32>} : memref<224x256xf32, #tpu.memory_space<vmem>>, vector<1x16xf32>,
          %parallel_loop3A_1403 = vector.shape_cast %parallel_loop3A_1402 : vector<1x16xf32> to vector<16xf32>
          %parallel_loop3A_1404 = arith.constant 16 : i32
          %parallel_loop3A_1405 = arith.addi %parallel_loop3A_919, %parallel_loop3A_1404 : i32
          %parallel_loop3A_1406 = arith.constant 1 : i32
          %parallel_loop3A_1407 = arith.addi %parallel_loop3A_1405, %parallel_loop3A_1406 : i32
          %parallel_loop3A_1408 = arith.index_cast %parallel_loop3A_1407 : i32 to index
          %parallel_loop3A_1409 = arith.constant 208 : index
          %parallel_loop3A_1410 = tpu.vector_load %arg11[%parallel_loop3A_1408, %parallel_loop3A_1409] {strides = array<i32>} : memref<224x256xf32, #tpu.memory_space<vmem>>, vector<1x16xf32>,
          %parallel_loop3A_1411 = vector.shape_cast %parallel_loop3A_1410 : vector<1x16xf32> to vector<16xf32>
          %parallel_loop3A_1412 = arith.mulf %parallel_loop3A_1391, %parallel_loop3A_914 : vector<16xf32>
          %parallel_loop3A_1413 = arith.mulf %parallel_loop3A_1397, %parallel_loop3A_909 : vector<16xf32>
          %parallel_loop3A_1414 = arith.addf %parallel_loop3A_1412, %parallel_loop3A_1413 : vector<16xf32>
          %parallel_loop3A_1415 = arith.mulf %parallel_loop3A_1403, %parallel_loop3A_910 : vector<16xf32>
          %parallel_loop3A_1416 = arith.mulf %parallel_loop3A_1411, %parallel_loop3A_908 : vector<16xf32>
          %parallel_loop3A_1417 = arith.addf %parallel_loop3A_1415, %parallel_loop3A_1416 : vector<16xf32>
          %parallel_loop3A_1418 = arith.addf %parallel_loop3A_1414, %parallel_loop3A_1417 : vector<16xf32>
          %parallel_loop3A_1419 = arith.index_cast %parallel_loop3A_872 : i32 to index
          %parallel_loop3A_1420 = arith.constant 208 : index
          %parallel_loop3A_1421 = tpu.vector_load %arg12[%parallel_loop3A_1419, %parallel_loop3A_1420] {strides = array<i32>} : memref<49x256xf32, #tpu.memory_space<vmem>>, vector<1x16xf32>,
          %parallel_loop3A_1422 = vector.shape_cast %parallel_loop3A_1421 : vector<1x16xf32> to vector<16xf32>
          %parallel_loop3A_1423 = vector.shape_cast %parallel_loop3A_1418 : vector<16xf32> to vector<1x16xf32>
          tpu.vector_store %arg12[%parallel_loop3A_1419, %parallel_loop3A_1420], %parallel_loop3A_1423 {strides = array<i32>} : memref<49x256xf32, #tpu.memory_space<vmem>>, vector<1x16xf32>,
          %parallel_loop3A_1424 = arith.index_cast %parallel_loop3A_919 : i32 to index
          %parallel_loop3A_1425 = arith.constant 224 : index
          %parallel_loop3A_1426 = tpu.vector_load %arg11[%parallel_loop3A_1424, %parallel_loop3A_1425] {strides = array<i32>} : memref<224x256xf32, #tpu.memory_space<vmem>>, vector<1x16xf32>,
          %parallel_loop3A_1427 = vector.shape_cast %parallel_loop3A_1426 : vector<1x16xf32> to vector<16xf32>
          %parallel_loop3A_1428 = arith.constant 1 : i32
          %parallel_loop3A_1429 = arith.addi %parallel_loop3A_919, %parallel_loop3A_1428 : i32
          %parallel_loop3A_1430 = arith.index_cast %parallel_loop3A_1429 : i32 to index
          %parallel_loop3A_1431 = arith.constant 224 : index
          %parallel_loop3A_1432 = tpu.vector_load %arg11[%parallel_loop3A_1430, %parallel_loop3A_1431] {strides = array<i32>} : memref<224x256xf32, #tpu.memory_space<vmem>>, vector<1x16xf32>,
          %parallel_loop3A_1433 = vector.shape_cast %parallel_loop3A_1432 : vector<1x16xf32> to vector<16xf32>
          %parallel_loop3A_1434 = arith.constant 16 : i32
          %parallel_loop3A_1435 = arith.addi %parallel_loop3A_919, %parallel_loop3A_1434 : i32
          %parallel_loop3A_1436 = arith.index_cast %parallel_loop3A_1435 : i32 to index
          %parallel_loop3A_1437 = arith.constant 224 : index
          %parallel_loop3A_1438 = tpu.vector_load %arg11[%parallel_loop3A_1436, %parallel_loop3A_1437] {strides = array<i32>} : memref<224x256xf32, #tpu.memory_space<vmem>>, vector<1x16xf32>,
          %parallel_loop3A_1439 = vector.shape_cast %parallel_loop3A_1438 : vector<1x16xf32> to vector<16xf32>
          %parallel_loop3A_1440 = arith.constant 16 : i32
          %parallel_loop3A_1441 = arith.addi %parallel_loop3A_919, %parallel_loop3A_1440 : i32
          %parallel_loop3A_1442 = arith.constant 1 : i32
          %parallel_loop3A_1443 = arith.addi %parallel_loop3A_1441, %parallel_loop3A_1442 : i32
          %parallel_loop3A_1444 = arith.index_cast %parallel_loop3A_1443 : i32 to index
          %parallel_loop3A_1445 = arith.constant 224 : index
          %parallel_loop3A_1446 = tpu.vector_load %arg11[%parallel_loop3A_1444, %parallel_loop3A_1445] {strides = array<i32>} : memref<224x256xf32, #tpu.memory_space<vmem>>, vector<1x16xf32>,
          %parallel_loop3A_1447 = vector.shape_cast %parallel_loop3A_1446 : vector<1x16xf32> to vector<16xf32>
          %parallel_loop3A_1448 = arith.mulf %parallel_loop3A_1427, %parallel_loop3A_914 : vector<16xf32>
          %parallel_loop3A_1449 = arith.mulf %parallel_loop3A_1433, %parallel_loop3A_909 : vector<16xf32>
          %parallel_loop3A_1450 = arith.addf %parallel_loop3A_1448, %parallel_loop3A_1449 : vector<16xf32>
          %parallel_loop3A_1451 = arith.mulf %parallel_loop3A_1439, %parallel_loop3A_910 : vector<16xf32>
          %parallel_loop3A_1452 = arith.mulf %parallel_loop3A_1447, %parallel_loop3A_908 : vector<16xf32>
          %parallel_loop3A_1453 = arith.addf %parallel_loop3A_1451, %parallel_loop3A_1452 : vector<16xf32>
          %parallel_loop3A_1454 = arith.addf %parallel_loop3A_1450, %parallel_loop3A_1453 : vector<16xf32>
          %parallel_loop3A_1455 = arith.index_cast %parallel_loop3A_872 : i32 to index
          %parallel_loop3A_1456 = arith.constant 224 : index
          %parallel_loop3A_1457 = tpu.vector_load %arg12[%parallel_loop3A_1455, %parallel_loop3A_1456] {strides = array<i32>} : memref<49x256xf32, #tpu.memory_space<vmem>>, vector<1x16xf32>,
          %parallel_loop3A_1458 = vector.shape_cast %parallel_loop3A_1457 : vector<1x16xf32> to vector<16xf32>
          %parallel_loop3A_1459 = vector.shape_cast %parallel_loop3A_1454 : vector<16xf32> to vector<1x16xf32>
          tpu.vector_store %arg12[%parallel_loop3A_1455, %parallel_loop3A_1456], %parallel_loop3A_1459 {strides = array<i32>} : memref<49x256xf32, #tpu.memory_space<vmem>>, vector<1x16xf32>,
          %parallel_loop3A_1460 = arith.index_cast %parallel_loop3A_919 : i32 to index
          %parallel_loop3A_1461 = arith.constant 240 : index
          %parallel_loop3A_1462 = tpu.vector_load %arg11[%parallel_loop3A_1460, %parallel_loop3A_1461] {strides = array<i32>} : memref<224x256xf32, #tpu.memory_space<vmem>>, vector<1x16xf32>,
          %parallel_loop3A_1463 = vector.shape_cast %parallel_loop3A_1462 : vector<1x16xf32> to vector<16xf32>
          %parallel_loop3A_1464 = arith.constant 1 : i32
          %parallel_loop3A_1465 = arith.addi %parallel_loop3A_919, %parallel_loop3A_1464 : i32
          %parallel_loop3A_1466 = arith.index_cast %parallel_loop3A_1465 : i32 to index
          %parallel_loop3A_1467 = arith.constant 240 : index
          %parallel_loop3A_1468 = tpu.vector_load %arg11[%parallel_loop3A_1466, %parallel_loop3A_1467] {strides = array<i32>} : memref<224x256xf32, #tpu.memory_space<vmem>>, vector<1x16xf32>,
          %parallel_loop3A_1469 = vector.shape_cast %parallel_loop3A_1468 : vector<1x16xf32> to vector<16xf32>
          %parallel_loop3A_1470 = arith.constant 16 : i32
          %parallel_loop3A_1471 = arith.addi %parallel_loop3A_919, %parallel_loop3A_1470 : i32
          %parallel_loop3A_1472 = arith.index_cast %parallel_loop3A_1471 : i32 to index
          %parallel_loop3A_1473 = arith.constant 240 : index
          %parallel_loop3A_1474 = tpu.vector_load %arg11[%parallel_loop3A_1472, %parallel_loop3A_1473] {strides = array<i32>} : memref<224x256xf32, #tpu.memory_space<vmem>>, vector<1x16xf32>,
          %parallel_loop3A_1475 = vector.shape_cast %parallel_loop3A_1474 : vector<1x16xf32> to vector<16xf32>
          %parallel_loop3A_1476 = arith.constant 16 : i32
          %parallel_loop3A_1477 = arith.addi %parallel_loop3A_919, %parallel_loop3A_1476 : i32
          %parallel_loop3A_1478 = arith.constant 1 : i32
          %parallel_loop3A_1479 = arith.addi %parallel_loop3A_1477, %parallel_loop3A_1478 : i32
          %parallel_loop3A_1480 = arith.index_cast %parallel_loop3A_1479 : i32 to index
          %parallel_loop3A_1481 = arith.constant 240 : index
          %parallel_loop3A_1482 = tpu.vector_load %arg11[%parallel_loop3A_1480, %parallel_loop3A_1481] {strides = array<i32>} : memref<224x256xf32, #tpu.memory_space<vmem>>, vector<1x16xf32>,
          %parallel_loop3A_1483 = vector.shape_cast %parallel_loop3A_1482 : vector<1x16xf32> to vector<16xf32>
          %parallel_loop3A_1484 = arith.mulf %parallel_loop3A_1463, %parallel_loop3A_914 : vector<16xf32>
          %parallel_loop3A_1485 = arith.mulf %parallel_loop3A_1469, %parallel_loop3A_909 : vector<16xf32>
          %parallel_loop3A_1486 = arith.addf %parallel_loop3A_1484, %parallel_loop3A_1485 : vector<16xf32>
          %parallel_loop3A_1487 = arith.mulf %parallel_loop3A_1475, %parallel_loop3A_910 : vector<16xf32>
          %parallel_loop3A_1488 = arith.mulf %parallel_loop3A_1483, %parallel_loop3A_908 : vector<16xf32>
          %parallel_loop3A_1489 = arith.addf %parallel_loop3A_1487, %parallel_loop3A_1488 : vector<16xf32>
          %parallel_loop3A_1490 = arith.addf %parallel_loop3A_1486, %parallel_loop3A_1489 : vector<16xf32>
          %parallel_loop3A_1491 = arith.index_cast %parallel_loop3A_872 : i32 to index
          %parallel_loop3A_1492 = arith.constant 240 : index
          %parallel_loop3A_1493 = tpu.vector_load %arg12[%parallel_loop3A_1491, %parallel_loop3A_1492] {strides = array<i32>} : memref<49x256xf32, #tpu.memory_space<vmem>>, vector<1x16xf32>,
          %parallel_loop3A_1494 = vector.shape_cast %parallel_loop3A_1493 : vector<1x16xf32> to vector<16xf32>
          %parallel_loop3A_1495 = vector.shape_cast %parallel_loop3A_1490 : vector<16xf32> to vector<1x16xf32>
          tpu.vector_store %arg12[%parallel_loop3A_1491, %parallel_loop3A_1492], %parallel_loop3A_1495 {strides = array<i32>} : memref<49x256xf32, #tpu.memory_space<vmem>>, vector<1x16xf32>,
        } {sc.loop_unroll_factor = 1 : i64, sc.parallel_access}
        %add3A_863 = arith.addi %mul3A_2, %add3A_314 : i32
        %dma_start3A_864 = arith.constant 0 : i32
        %dma_start3A_865 = arith.constant 0 : i32
        %dma_start3A_866 = tpu.memref_slice %arg4[%add3A_863, %dma_start3A_864, %dma_start3A_865] : memref<1000x49x256xf32, #tpu.memory_space<hbm>> -> memref<1x49x256xf32, #tpu.memory_space<hbm>>
        %dma_start3A_867 = tpu.memref_squeeze %dma_start3A_866 : memref<1x49x256xf32, #tpu.memory_space<hbm>> -> memref<49x256xf32, #tpu.memory_space<hbm>>
        %dma_start3A_868 = arith.constant 0 : i32
        %dma_start3A_869 = arith.constant 0 : i32
        %dma_start3A_870 = tpu.memref_slice %arg4[%add3A_863, %dma_start3A_868, %dma_start3A_869] : memref<1000x49x256xf32, #tpu.memory_space<hbm>> -> memref<1x49x256xf32, #tpu.memory_space<hbm>>
        %dma_start3A_871 = tpu.memref_squeeze %dma_start3A_870 : memref<1x49x256xf32, #tpu.memory_space<hbm>> -> memref<49x256xf32, #tpu.memory_space<hbm>>
        tpu.enqueue_dma source(%arg12 : memref<49x256xf32, #tpu.memory_space<vmem>>) target(%dma_start3A_871 : memref<49x256xf32, #tpu.memory_space<hbm>>) target_semaphore(%arg15 : memref<!tpu.dma_semaphore, #tpu.memory_space<semaphore_mem>>)
      } else {
      }
      scf.yield %sub3A_639, %sub3A_641 : vector<16xf32>, vector<16xf32>
    }
    %dma_wait3A = arith.constant 0 : i32
    %dma_wait3A_301 = arith.constant 0 : i32
    %dma_wait3A_302 = tpu.memref_slice %arg4[%mul3A_2, %dma_wait3A, %dma_wait3A_301] : memref<1000x49x256xf32, #tpu.memory_space<hbm>> -> memref<1x49x256xf32, #tpu.memory_space<hbm>>
    %dma_wait3A_303 = tpu.memref_squeeze %dma_wait3A_302 : memref<1x49x256xf32, #tpu.memory_space<hbm>> -> memref<49x256xf32, #tpu.memory_space<hbm>>
    %dma_wait3A_304 = arith.constant 0 : i32
    %dma_wait3A_305 = arith.constant 0 : i32
    %dma_wait3A_306 = tpu.memref_slice %arg4[%mul3A_2, %dma_wait3A_304, %dma_wait3A_305] : memref<1000x49x256xf32, #tpu.memory_space<hbm>> -> memref<1x49x256xf32, #tpu.memory_space<hbm>>
    %dma_wait3A_307 = tpu.memref_squeeze %dma_wait3A_306 : memref<1x49x256xf32, #tpu.memory_space<hbm>> -> memref<49x256xf32, #tpu.memory_space<hbm>>
    tpu.wait_dma2 semaphore(%arg15 : memref<!tpu.dma_semaphore, #tpu.memory_space<semaphore_mem>>) src(%arg12 : memref<49x256xf32, #tpu.memory_space<vmem>>) dst(%dma_wait3A_307 : memref<49x256xf32, #tpu.memory_space<hbm>>)
    return
  }
}

</mosaic_0001>

<sc_bundles>
// kernel: kernel.3.cloned.1.call-start
scs
__scs_entry_jumppad:
0x0: {  	(pc) =	sbr.rel $0x88, $3  }
0x1: {  	(tag) =	ssettag $0x0;
	lr =	simm.s32 $0x1  }
0x2: {  	[smem:$0x3F9F] =	sst lr;
	_ =	strace $0xD0000000  }
0x3: {  	_ = 	snop  }
0x4: {  	_ = 	snop  }
0x5: {  	_ = 	snop  }
0x6: {  	_ = 	snop  }
0x7: {  	_ = 	snop  }
__scs_overlays_trampoline_lowered:
0x8: {  	[smem:$0x3FAE] =	sst s0  }
0x9: {  	[smem:$0x3FAF] =	sst s1  }
0xa: {  	[smem:$0x3FB0] =	sst s2  }
0xb: {  	[smem:$0x3FB1] =	sst s3  }
0xc: {  	[smem:$0x3FB2] =	sst s4  }
0xd: {  	[smem:$0x3FB3] =	sst s5  }
0xe: {  	[smem:$0x3FB4] =	sst s6  }
0xf: {  	[smem:$0x3FB5] =	sst s7  }
0x10: {  	[smem:$0x3FB6] =	sst s8  }
0x11: {  	[smem:$0x3FB7] =	sst s9;
	s0 =	simm.s32 @!p0 $0x0  }
0x12: {  	s1 =	sld [smem:$0x3F9D];
	s0 =	simm.s32 @p0 $0x1  }
0x13: {  	[smem:$0x3FB8] =	sst s0;
	s0 =	simm.s32 @!p1 $0x0  }
0x14: {  	s2 =	sld [smem:$0x3F9C];
	s0 =	simm.s32 @p1 $0x1  }
0x15: {  	[smem:$0x3FB9] =	sst s0;
	s0 =	simm.s32 @!p2 $0x0  }
0x16: {  	s3 =	sld [smem:$0x3FDB];
	s0 =	simm.s32 @p2 $0x1  }
0x17: {  	s4 =	simm.s32 $0x1BF5;
	[smem:$0x3FBB] =	sst s0  }
0x18: {  	s0 =	sld [smem:$0x3F9E];
	_ =	swait.ge [sflag:s4], $0x0  }
0x19: {  	s7 =	sld [smem:$0x3F9F]  }
0x1a: {  	s8 =	sadd.s32 $0xFFFFE003, lr  }
0x1b: {  	s9 =	sadd.s32 $0xFFFFFEF7, lr;
	s5 =	simm.s32 $0xFFFFFFFF;
	p2 =	slt.u32 s8, $0xFFFFF086  }
0x1c: {  	p1 =	slt.u32 s9, $0xF7A;
	s5 =	simm.s32 @!p2 $0x0  }
0x1d: {  	s5 =	simm.s32 @p1 $0x1;
	p0 =	seq.s32 s7, s2  }
0x1e: {  	s7 =	smul.u32 @!p0 $0xF7A, s2;
	p2 =	seq.s32 @!p0 s5, $0x0  }
0x1f: {  	s9 =	smul.u32 $0xF7A, s1;
	s8 =	simm.s32 @!p0 $0x1BF5;
	p2 =	por !p2, p0  }
0x20: {  	[sflag:s8] =	ssyncset.s32 @!p0 $0xFFFFF086;
	s6 =	sadd.s32 @!p0 s3, s7;
	s7 =	simm.s32 @!p0 $0x108  }
0x21: {  	s3 =	sadd.s32 s3, s9;
	s6 =	sadd.s32 @!p0 $0x88, s6;
	s7 =	simm.s32 @p2 $0x1082  }
0x22: {  	[simem:s7], [sflag:s8] =	dma.local @!p0 [hbm:s6], $0xF7A  }
0x23: {  	s9 =	sor.u32 $0xD0000000, s2;
	s6 =	simm.s32 $0x108;
	_ =	swait.ge @!p0 [sflag:s8], $0x0  }
0x24: {  	s3 =	sadd.s32 $0x88, s3;
	s6 =	simm.s32 @!p1 $0x1082;
	[sflag:s4] =	ssyncset.s32 $0xFFFFF086  }
0x25: {  	[simem:s6], [sflag:s4] =	dma.local [hbm:s3], $0xF7A  }
0x26: {  	[smem:$0x3F9F] =	sst s1;
	(tag) =	ssettag s2;
	_ =	strace s9  }
0x27: {  	s1 =	sld [smem:$0x3FAF]  }
0x28: {  	s2 =	sld [smem:$0x3FB0]  }
0x29: {  	s4 =	sld [smem:$0x3FB2]  }
0x2a: {  	p0 =	seq.s32 s5, $0x0;
	s5 =	sld [smem:$0x3FB3]  }
0x2b: {  	s6 =	sld [smem:$0x3FB4]  }
0x2c: {  	s7 =	sld [smem:$0x3FB5]  }
0x2d: {  	s3 =	simm.s32 $0x108;
	s8 =	sld [smem:$0x3FB6]  }
0x2e: {  	s3 =	simm.s32 @!p0 $0x1082;
	s9 =	sld [smem:$0x3FB7]  }
0x2f: {  	lr =	sadd.s32 s0, s3;
	s0 =	sld [smem:$0x3FAE]  }
0x30: {  	s3 =	sld [smem:$0x3FB1]  }
0x31: {  	[smem:$0x3FBA] =	sst s10  }
0x32: {  	s10 =	sld [smem:$0x3FB8];
	_ =	sdelay $0x3  }
0x33: {  	p0 =	seq.s32 s10, $0x1;
	s10 =	sld [smem:$0x3FBA];
	_ =	sdelay $0x3  }
0x34: {  	[smem:$0x3FBA] =	sst s10  }
0x35: {  	s10 =	sld [smem:$0x3FB9];
	_ =	sdelay $0x3  }
0x36: {  	p1 =	seq.s32 s10, $0x1;
	s10 =	sld [smem:$0x3FBA];
	_ =	sdelay $0x3  }
0x37: {  	[smem:$0x3FBA] =	sst s10  }
0x38: {  	s10 =	sld [smem:$0x3FBB]  }
0x39: {  	_ = 	snop;
	(pc) =	sbr.ind lr, $3  }
0x3a: {  	_ = 	snop  }
0x3b: {  	_ = 	snop  }
0x3c: {  	p2 =	seq.s32 s10, $0x1;
	s10 =	sld [smem:$0x3FBA]  }
0x3d: {  	_ =	shalt  }
0x3e: {  	_ =	shalt  }
0x3f: {  	_ =	shalt  }
0x40: {  	_ =	shalt  }
0x41: {  	_ =	shalt  }
0x42: {  	_ =	shalt  }
0x43: {  	_ =	shalt  }
0x44: {  	_ =	shalt  }
0x45: {  	_ =	shalt  }
0x46: {  	_ =	shalt  }
0x47: {  	_ =	shalt  }
0x48: {  	_ =	shalt  }
0x49: {  	_ =	shalt  }
0x4a: {  	_ =	shalt  }
0x4b: {  	_ =	shalt  }
0x4c: {  	_ =	shalt  }
0x4d: {  	_ =	shalt  }
0x4e: {  	_ =	shalt  }
0x4f: {  	_ =	shalt  }
0x50: {  	_ =	shalt  }
0x51: {  	_ =	shalt  }
0x52: {  	_ =	shalt  }
0x53: {  	_ =	shalt  }
0x54: {  	_ =	shalt  }
0x55: {  	_ =	shalt  }
0x56: {  	_ =	shalt  }
0x57: {  	_ =	shalt  }
0x58: {  	_ =	shalt  }
0x59: {  	_ =	shalt  }
0x5a: {  	_ =	shalt  }
0x5b: {  	_ =	shalt  }
0x5c: {  	_ =	shalt  }
0x5d: {  	_ =	shalt  }
0x5e: {  	_ =	shalt  }
0x5f: {  	_ =	shalt  }
0x60: {  	_ =	shalt  }
0x61: {  	_ =	shalt  }
0x62: {  	_ =	shalt  }
0x63: {  	_ =	shalt  }
0x64: {  	_ =	shalt  }
0x65: {  	_ =	shalt  }
0x66: {  	_ =	shalt  }
0x67: {  	_ =	shalt  }
0x68: {  	_ =	shalt  }
0x69: {  	_ =	shalt  }
0x6a: {  	_ =	shalt  }
0x6b: {  	_ =	shalt  }
0x6c: {  	_ =	shalt  }
0x6d: {  	_ =	shalt  }
0x6e: {  	_ =	shalt  }
0x6f: {  	_ =	shalt  }
0x70: {  	_ =	shalt  }
0x71: {  	_ =	shalt  }
0x72: {  	_ =	shalt  }
0x73: {  	_ =	shalt  }
0x74: {  	_ =	shalt  }
0x75: {  	_ =	shalt  }
0x76: {  	_ =	shalt  }
0x77: {  	_ =	shalt  }
0x78: {  	_ =	shalt  }
0x79: {  	_ =	shalt  }
0x7a: {  	_ =	shalt  }
0x7b: {  	_ =	shalt  }
0x7c: {  	_ =	shalt  }
0x7d: {  	_ =	shalt  }
0x7e: {  	_ =	shalt  }
0x7f: {  	_ =	shalt  }
0x80: {  	_ =	shalt  }
0x81: {  	_ =	shalt  }
0x82: {  	_ =	shalt  }
0x83: {  	_ =	shalt  }
0x84: {  	_ =	shalt  }
0x85: {  	_ =	shalt  }
0x86: {  	_ =	shalt  }
0x87: {  	_ =	shalt  }
.Lfunc_end0:
.L_simem_size_0:
called_computation_lowered:
.L_overlay_start_0:
0x88: {  	s2 =	sld [smem:$0x3FD9]  }
0x89: {  	s3 =	sld [smem:$0x3FFE];
	_ =	sdelay $0x1  }
0x8a: {  	s1 =	srdreg.scid  }
0x8b: {  	s0 =	sand.u32 $0x1, s1  }
0x8c: {  	s17 =	sshll.u32 s0, $0xA;
	s2 =	sadd.s32 s3, s2  }
0x8d: {  	s2 =	sadd.s32 s2, s17  }
0x8e: {  	[smem:$0x3FC6] =	sst s2  }
0x8f: {  	_ = 	snop  }
0x90: {  	s2 =	sld [smem:$0x3FC8]  }
0x91: {  	s18 =	sld [smem:$0x3FD0];
	(tm) =	ssettm $0x1  }
0x92: {  	s4 =	sld [smem:$0x3FFB];
	_ =	sdelay $0x3  }
0x93: {  	_ =	strace s4  }
0x94: {  	s4 =	sld [smem:$0x3FFC];
	_ =	sdelay $0x3  }
0x95: {  	_ =	strace s4  }
0x96: {  	s4 =	sld [smem:$0x3FFD];
	_ =	sdelay $0x3  }
0x97: {  	_ =	strace s4  }
0x98: {  	_ =	strace $0x8FFFFFFF  }
0x99: {  	s19 =	sld [smem:$0x3FDB];
	_ =	sdelay $0x1  }
0x9a: {  	s5 =	simm.s32 $_scs_section_size  }
0x9b: {  	s6 =	simm.s32 $_size__tile_overlayer_lowered;
	s7 =	simm.s32 $_tile_overlayer_lowered  }
0x9c: {  	s22 =	simm.s32 $0x1BFF;
	s21 =	sshll.u32 s7, $0x1;
	s4 =	sadd.s32 s5, s19  }
0x9d: {  	s8 =	simm.s32 $0x0;
	s20 =	sshll.u32 s6, $0x1;
	s6 =	sadd.s32 s21, s4  }
0x9e: {  	[timem:s8], [sflag:s22] =	dma.local [hbm:s6], s20  }
0x9f: {  	_ =	swait.ge [sflag:s22], s20  }
0xa0: {  	s5 =	ssub.s32 $0x0, s20;
	[sflag:s22] =	ssyncset.done $0x0  }
0xa1: {  	[sflag:s22] =	ssyncadd.s32 s5;
	_ =	sdelay $0x1  }
0xa2: {  	s23 =	simm.s32 $0x1B8B  }
0xa3: {  	_ =	swait.ge [sflag:s23], $0x1  }
0xa4: {  	[sflag:s23] =	ssyncset.done $0x0  }
0xa5: {  	s25 =	simm.s32 $0x1B8E;
	s24 =	sld [smem:$0x3FFE];
	[sflag:s23] =	ssyncadd.s32 $0xFFFFFFFF  }
0xa6: {  	s26 =	simm.s32 $execute0_lowered;
	[smem:$0x3FD2] =	sst s25  }
0xa7: {  	s6 =	sshll.u32 s26, $0x1;
	_ =	strace $0x80000046;
	[dreg:$0x1] =	wrdreg $0xFFFFFFFF  }
0xa8: {  	s28 =	simm.s32 $_size_execute0_lowered;
	s4 =	sadd.s32 s4, s6;
	[dreg:$0x0] =	wrdreg $0x0  }
0xa9: {  	s6 =	sshll.u32 s28, $0x1;
	[dreg:$0x2] =	wrdreg s4  }
0xaa: {  	[dreg:$0x3] =	wrdreg s6  }
0xab: {  	[dreg:$0x4] =	wrdreg $0xC0  }
0xac: {  	_ =	task [dreg:s8], $0x5FFFF  }
0xad: {  	[dreg:$0x1] =	wrdreg $0xFFFFFFFF  }
0xae: {  	[dreg:$0x0] =	wrdreg $0x60  }
0xaf: {  	[dreg:$0x2] =	wrdreg s2  }
0xb0: {  	[dreg:$0x3] =	wrdreg s18  }
0xb1: {  	[dreg:$0x4] =	wrdreg s24  }
0xb2: {  	[dreg:$0x5] =	wrdreg $0x9  }
0xb3: {  	_ =	task.clear_ibuf [dreg:s8], $0x6FFFF;
	_ =	strace $0x90000046  }
0xb4: {  	s29 =	simm.s32 $0x9;
	_ =	strace $0x80000048  }
0xb5: {  	_ =	swait.ge [sflag:s29], $0x1  }
0xb6: {  	[sflag:s29] =	ssyncadd.s32 $0xFFFFFFFF  }
0xb7: {  	_ =	strace $0x90000048  }
0xb8: {  	_ =	sfence  }
0xb9: {  	s30 =	sld [smem:$0x0];
	_ =	sdelay $0x2  }
0xba: {  	s31 =	sshll.u32 s1, $0xD;
	s1 =	sshrl.u32 s1, $0x2  }
0xbb: {  	s3 =	sand.u32 $0x4000, s31;
	s1 =	sadd.s32 s1, s30  }
0xbc: {  	s0 =	sor.u32 s3, s0;
	s1 =	sshll.u32 s1, $0x11  }
0xbd: {  	s0 =	sor.u32 s1, s0  }
0xbe: {  	s0 =	sadd.s32 $0x8F2B, s0  }
0xbf: {  	[sflag:s0] =	ssyncadd.remote.s32 $0x1  }
0xc0: {  	_ =	sfence.sel $0xFFFF  }
0xc1: {  	[dreg:$0x0] =	wrdreg $0xFFFFFFFF;
	(pc) =	sbr.abs _section_cstart, $3  }
0xc2: {  	[dreg:$0x1] =	wrdreg $0xFFFFFFFF  }
0xc3: {  	_ =	task.clear_ibuf [dreg:s8], $0x2FFFF;
	_ =	strace $0x9FFFFFFF  }
0xc4: {  	(tm) =	ssettm $0x7FFFFFFF  }
0xc5: {  	_ =	shalt  }
tec
execute0_lowered:
.L_overlay_start_1:
0x0: {  	(tag) =	ssettag $0x1  }
0x1: {  	v0 =	vimm.f32 $2.500000000e+00;
	vm0 =	vcmask $0x300  }
0x2: {  	v2 =	vimm.s32 $0x2;
	v19 =	vlaneseq.u32;
	v7 =	vimm.s32 $0x4  }
0x3: {  	v8 =	vimm.s32 $0x5;
	v9 =	vimm.s32 $0x6;
	v10 =	vimm.s32 $0x7  }
0x4: {  	s1 =	rddreg [dreg:$0x0];
	v11 =	vimm.s32 $0x8;
	v0 =	vsel vm0, $0x0, v0;
	vm0 =	vcmask $0x704  }
0x5: {  	s0 =	rddreg [dreg:$0x1];
	v12 =	vimm.s32 $0x9;
	v0 =	vsel vm0, $0x3E2AAAAB, v0;
	vm0 =	vcmask $0xB08  }
0x6: {  	s3 =	rddreg [dreg:$0x2];
	s2 =	simm.s32 $0x0;
	v13 =	vimm.s32 $0xA;
	v0 =	vsel vm0, $0x3EAAAAAB, v0;
	vm0 =	vcmask $0xF0C  }
0x7: {  	s4 =	srdreg.scid;
	s21 =	stileid.u32;
	v14 =	vimm.s32 $0xB;
	s17 =	simm.s32 $0x1;
	v0 =	vsel vm0, $0x3F000000, v0;
	vm0 =	vcmask $0x1310  }
0x8: {  	v15 =	vimm.s32 $0xC;
	s18 =	simm.s32 $0x3;
	s19 =	simm.s32 $0x2;
	[smem:$0x7FF] =	sst s2;
	v0 =	vsel vm0, $0x3F2AAAAB, v0;
	vm0 =	vcmask $0x1714  }
0x9: {  	v16 =	vimm.s32 $0xD;
	s5 =	sand.u32 $0x1, s4;
	s11 =	sadd.s32 $0x400, s3;
	s7 =	sshll.u32 s21, $0x1;
	v0 =	vsel vm0, $0x3F555556, v0;
	vm0 =	vcmask $0x1B18  }
0xa: {  	s9 =	sshll.u32 s21, $0x6;
	v5 =	vshrl.u32 v19, $0x1;
	_ =	strace $0x80000047;
	s6 =	ssub.s32 $0x2, s5;
	v0 =	vsel vm0, $0x3F800000, v0;
	vm0 =	vcmask $0x1F1C  }
0xb: {  	v6 =	vand.u32 $0x1, v19;
	s7 =	sor.u32 s5, s7;
	s8 =	sshll.u32 s5, $0x5;
	s5 =	smov.u32 s11;
	v0 =	vsel vm0, $0x3F955556, v0;
	vm0 =	vcmask $0x2320  }
0xc: {  	v17 =	vand.u32 $0x7, v19;
	s22 =	sshrl.u32 s6, $0x1;
	s23 =	sshll.u32 s7, $0x5;
	s24 =	sor.u32 s9, s8;
	v0 =	vsel vm0, $0x3FAAAAAB, v0;
	vm0 =	vcmask $0x2724  }
0xd: {  	v18 =	vshrl.u32 v19, $0x3;
	s26 =	smul.u32 $0xE000, s7;
	s7 =	sshll.u32 s7, $0x6;
	s3 =	ssub.s32 s6, s22;
	v0 =	vsel vm0, $0x3FC00000, v0;
	vm0 =	vcmask $0x2B28  }
.Ltmp0:
0xe: {  	v19 =	vor.u32 $0x8, v19;
	[dreg:$0x4] =	wrdreg s23;
	s0 =	sadd.s32 s0, s7;
	v0 =	vsel vm0, $0x3FD55556, v0;
	vm0 =	vcmask $0x2F2C;
	(pc) =	sbr.rel .LBB2_1-.Ltmp0, $4  }
0xf: {  	v18 =	vmul.u32 $0x8, v18;
	s10 =	sxor.u32 $0x3E8, s24;
	[dreg:$0x5] =	wrdreg s0;
	s29 =	sadd.s32 s11, s26;
	v1 =	vsel vm0, $0x3FEAAAAB, v0;
	vm0 =	vcmask $0x3330  }
0x10: {  	s28 =	smin.u32 s10, $0x20;
	s31 =	smax.u32 s3, $0x1;
	[dreg:$0x6] =	wrdreg s29;
	v0 =	vimm.s32 $0x0;
	v3 =	vsel vm0, $0x40000000, v1;
	vm0 =	vcmask $0x3734  }
0x11: {  	s25 =	sxor.u32 $0x3E8, s23;
	s30 =	sshrl.u32 s28, $0x1;
	[dreg:$0x8] =	wrdreg s31;
	v1 =	vimm.s32 $0x1;
	v4 =	vsel vm0, $0x400AAAAB, v3;
	vm0 =	vcmask $0x3B38  }
0x12: {  	s6 =	smin.u32 s25, $0x20;
	s3 =	simm.s32 $0x0;
	[dreg:$0x7] =	wrdreg s30;
	v3 =	vimm.s32 $0x3;
	v4 =	vsel vm0, $0x40155556, v4;
	vm0 =	vmmov $0xffff  }
.LBB2_13:
0x13: {  	_ =	swait.ge [sflag:s18], $0x3800  }
0x14: {  	s3 =	rddreg [dreg:$0x9]  }
0x15: {  	s0 =	rddreg [dreg:$0x8];
	s3 =	sadd.s32 $0x1, s3  }
0x16: {  	p0 =	sne.s32 s3, s0  }
.Ltmp1:
0x17: {  	_ = 	snop;
	(pc) =	sbr.rel @!p0 .LBB2_14-.Ltmp1, $3  }
0x18: {  	_ =	sdelay $0x1  }
0x19: {  	[sflag:s18] =	ssyncset.done $0x0  }
0x1a: {  	[sflag:s18] =	ssyncadd.s32 $0xFFFFC800  }
.LBB2_1:
0x1b: {  	[dreg:$0x9] =	wrdreg s3  }
0x1c: {  	s0 =	rddreg [dreg:$0x5];
	s23 =	simm.s32 $0x4  }
0x1d: {  	[tilespmem:s2], [sflag:$0x4] =	stream.linear.gather [hbm4b:s0+s2], $0x200, $0x38;
	[tilespmem:$0x1FC00] =	vst v63  }
0x1e: {  	_ =	swait.ge [sflag:s23], $0x200  }
0x1f: {  	[sflag:s23] =	ssyncset.done $0x0  }
0x20: {  	s25 =	simm.s32 $0x1C400;
	s24 =	rddreg [dreg:$0x6];
	[sflag:s23] =	ssyncadd.s32 $0xFFFFFE00  }
0x21: {  	[hbm4b:s24+s2] =	stream.linear.scatter [tilespmem:s25], [sflag:$0x3], $0x3800, $0x38;
	[tilespmem:$0x1FC00] =	vst v63  }
0x22: {  	v20 =	vld [tilespmem:$0x0];
	_ =	sdelay $0x4  }
0x23: {  	v21 =	vperm.xlane v20, v0;
	v22 =	vperm.xlane v20, v2;
	_ =	sdelay $0x1  }
0x24: {  	v23 =	vperm.xlane v20, v1;
	v20 =	vperm.xlane v20, v3;
	v22 =	vsub.f32 v22, v21;
	_ =	sdelay $0x1  }
0x25: {  	v20 =	vsub.f32 v20, v23;
	v22 =	vmul.f32 v4, v22;
	_ =	sdelay $0x1  }
0x26: {  	v21 =	vadd.f32 v22, v21;
	v22 =	vmul.f32 v4, v20;
	_ =	sdelay $0x1  }
0x27: {  	v20 =	vmul.f32 $2.550000000e+02, v21;
	v21 =	vadd.f32 v22, v23;
	_ =	sdelay $0x1  }
0x28: {  	v22 =	vtrunc.f32 v20;
	v21 =	vmul.f32 $2.550000000e+02, v21  }
0x29: {  	v22 =	vcvt.f32.s32 v22  }
0x2a: {  	v23 =	vtrunc.f32 v21  }
0x2b: {  	vm1 =	vlt.s32 v22, $0xFE;
	v23 =	vcvt.f32.s32 v23  }
0x2c: {  	v22 =	vnsel vm1, $0xFE, v22  }
0x2d: {  	v24 =	vperm.xlane v22, v5;
	vm1 =	vlt.s32 v23, $0xFE  }
0x2e: {  	v23 =	vnsel vm1, $0xFE, v23  }
0x2f: {  	v24 =	vadd.s32 v6, v24;
	v25 =	vperm.xlane v23, v5  }
0x30: {  	v26 =	vperm.xlane v24, v0;
	v27 =	vperm.xlane v24, v1  }
0x31: {  	v28 =	vperm.xlane v24, v2;
	v29 =	vperm.xlane v24, v3  }
0x32: {  	v48 =	vperm.xlane v24, v7;
	v25 =	vadd.s32 v6, v25;
	v26 =	vshll.u32 v26, $0x8  }
0x33: {  	v30 =	vperm.xlane v24, v8;
	v32 =	vperm.xlane v24, v9;
	v26 =	vadd.s32 v25, v26  }
0x34: {  	v33 =	vperm.xlane v24, v10;
	v50 =	vperm.xlane v24, v11;
	[tilespmem:$0x200] =	vst v26  }
0x35: {  	v55 =	vperm.xlane v24, v12;
	v59 =	vperm.xlane v24, v14;
	v27 =	vshll.u32 v27, $0x8;
	v31 =	vld [tilespmem:$0x200]  }
0x36: {  	v61 =	vperm.xlane v24, v15;
	v51 =	vshll.u32 v32, $0x8;
	v27 =	vadd.s32 v25, v27  }
0x37: {  	v47 =	vshll.u32 v29, $0x8;
	v52 =	vshll.u32 v33, $0x8;
	v53 =	vadd.s32 v25, v51;
	[tilespmem:$0x210] =	vst v27  }
0x38: {  	v29 =	vshll.u32 v48, $0x8;
	v49 =	vshll.u32 v30, $0x8;
	v54 =	vadd.s32 v25, v52;
	[tilespmem:$0x260] =	vst v53  }
0x39: {  	v30 =	vshll.u32 v50, $0x8;
	v26 =	vshll.u32 v28, $0x8;
	v28 =	vadd.s32 v25, v47;
	[tilespmem:$0x280] =	vst v54  }
0x3a: {  	v57 =	vshll.u32 v55, $0x8;
	v26 =	vadd.s32 v25, v26;
	[tilespmem:$0x230] =	vst v28;
	v56 =	vshll.u32 v31, $0x1  }
0x3b: {  	[tilespmem:$0x220] =	vst v26;
	v26 =	vadd.s32 v25, v49;
	v31 =	vand.u32 $0x7, v31;
	v32 =	vand.u32 $0xFFFFFFF0, v56  }
0x3c: {  	v27 =	vadd.s32 v25, v29;
	[tilespmem:$0x250] =	vst v26;
	v26 =	vperm.xlane v24, v13;
	v58 =	vor.u32 v31, v32  }
0x3d: {  	[tilespmem:$0x240] =	vst v27;
	v27 =	vadd.s32 v25, v30;
	v28 =	vadd.s32 v25, v57;
	v60 =	vperm.xlane v58, v17  }
0x3e: {  	[tilespmem:$0x290] =	vst v27;
	v27 =	vshll.u32 v59, $0x8;
	v24 =	vperm.xlane v24, v16;
	v26 =	vshll.u32 v26, $0x8  }
0x3f: {  	[tilespmem:$0x2A0] =	vst v28;
	v26 =	vadd.s32 v25, v26;
	v63 =	vperm.xlane v58, v19;
	v62 =	vadd.s32 v18, v60  }
0x40: {  	v24 =	vshll.u32 v24, $0x8;
	[tilespmem:$0x2B0] =	vst v26;
	v26 =	vadd.s32 v25, v27;
	v27 =	vshll.u32 v61, $0x8  }
0x41: {  	v24 =	vadd.s32 v25, v24;
	[tilespmem:$0x2C0] =	vst v26;
	v26 =	vadd.s32 v25, v27;
	v27 =	vadd.s32 v18, v63  }
0x42: {  	[tilespmem:$0x2E0] =	vst v24  }
0x43: {  	s26 =	simm.s32 $0x400;
	[tilespmem:$0x2D0] =	vst v26  }
0x44: {  	[tilespmem:s26], [sflag:$0x1] =	stream.indirect_vreg.gather [hbm4b:s1+s2], $0x80, v62, vm0, $0xb8;
	[tilespmem:$0x1FC00] =	vst v63  }
0x45: {  	s28 =	simm.s32 $0xC00  }
0x46: {  	[tilespmem:s28], [sflag:$0x1] =	stream.indirect_vreg.gather [hbm4b:s1+s2], $0x80, v27, vm0, $0xb8;
	[tilespmem:$0x1FC00] =	vst v63  }
0x47: {  	v24 =	vld [tilespmem:$0x210];
	_ =	sdelay $0x4  }
0x48: {  	v25 =	vshll.u32 v24, $0x1  }
0x49: {  	v24 =	vand.u32 $0x7, v24;
	v25 =	vand.u32 $0xFFFFFFF0, v25  }
0x4a: {  	v24 =	vor.u32 v24, v25  }
0x4b: {  	v25 =	vperm.xlane v24, v17;
	_ =	sdelay $0x1  }
0x4c: {  	v24 =	vperm.xlane v24, v19;
	v25 =	vadd.s32 v18, v25;
	_ =	sdelay $0x1  }
0x4d: {  	v24 =	vadd.s32 v18, v24;
	_ =	sdelay $0x1  }
0x4e: {  	s29 =	simm.s32 $0x1400  }
0x4f: {  	[tilespmem:s29], [sflag:$0x1] =	stream.indirect_vreg.gather [hbm4b:s1+s2], $0x80, v25, vm0, $0xb8;
	[tilespmem:$0x1FC00] =	vst v63  }
0x50: {  	s30 =	simm.s32 $0x1C00  }
0x51: {  	[tilespmem:s30], [sflag:$0x1] =	stream.indirect_vreg.gather [hbm4b:s1+s2], $0x80, v24, vm0, $0xb8;
	[tilespmem:$0x1FC00] =	vst v63  }
0x52: {  	v24 =	vld [tilespmem:$0x220];
	_ =	sdelay $0x4  }
0x53: {  	v25 =	vshll.u32 v24, $0x1  }
0x54: {  	v24 =	vand.u32 $0x7, v24;
	v25 =	vand.u32 $0xFFFFFFF0, v25  }
0x55: {  	v24 =	vor.u32 v24, v25  }
0x56: {  	v25 =	vperm.xlane v24, v17;
	_ =	sdelay $0x1  }
0x57: {  	v24 =	vperm.xlane v24, v19;
	v25 =	vadd.s32 v18, v25;
	_ =	sdelay $0x1  }
0x58: {  	v24 =	vadd.s32 v18, v24;
	_ =	sdelay $0x1  }
0x59: {  	s31 =	simm.s32 $0x2400  }
0x5a: {  	[tilespmem:s31], [sflag:$0x1] =	stream.indirect_vreg.gather [hbm4b:s1+s2], $0x80, v25, vm0, $0xb8;
	[tilespmem:$0x1FC00] =	vst v63  }
0x5b: {  	s3 =	simm.s32 $0x2C00  }
0x5c: {  	[tilespmem:s3], [sflag:$0x1] =	stream.indirect_vreg.gather [hbm4b:s1+s2], $0x80, v24, vm0, $0xb8;
	[tilespmem:$0x1FC00] =	vst v63  }
0x5d: {  	v24 =	vld [tilespmem:$0x230];
	_ =	sdelay $0x4  }
0x5e: {  	v25 =	vshll.u32 v24, $0x1  }
0x5f: {  	v24 =	vand.u32 $0x7, v24;
	v25 =	vand.u32 $0xFFFFFFF0, v25  }
0x60: {  	v24 =	vor.u32 v24, v25  }
0x61: {  	v25 =	vperm.xlane v24, v17;
	_ =	sdelay $0x1  }
0x62: {  	v24 =	vperm.xlane v24, v19;
	v25 =	vadd.s32 v18, v25;
	_ =	sdelay $0x1  }
0x63: {  	v24 =	vadd.s32 v18, v24;
	_ =	sdelay $0x1  }
0x64: {  	s4 =	simm.s32 $0x3400  }
0x65: {  	[tilespmem:s4], [sflag:$0x1] =	stream.indirect_vreg.gather [hbm4b:s1+s2], $0x80, v25, vm0, $0xb8;
	[tilespmem:$0x1FC00] =	vst v63  }
0x66: {  	s7 =	simm.s32 $0x3C00  }
0x67: {  	[tilespmem:s7], [sflag:$0x1] =	stream.indirect_vreg.gather [hbm4b:s1+s2], $0x80, v24, vm0, $0xb8;
	[tilespmem:$0x1FC00] =	vst v63  }
0x68: {  	v24 =	vld [tilespmem:$0x240];
	_ =	sdelay $0x4  }
0x69: {  	v25 =	vshll.u32 v24, $0x1  }
0x6a: {  	v24 =	vand.u32 $0x7, v24;
	v25 =	vand.u32 $0xFFFFFFF0, v25  }
0x6b: {  	v24 =	vor.u32 v24, v25  }
0x6c: {  	v25 =	vperm.xlane v24, v17;
	_ =	sdelay $0x1  }
0x6d: {  	v24 =	vperm.xlane v24, v19;
	v25 =	vadd.s32 v18, v25;
	_ =	sdelay $0x1  }
0x6e: {  	v24 =	vadd.s32 v18, v24;
	_ =	sdelay $0x1  }
0x6f: {  	s8 =	simm.s32 $0x4400  }
0x70: {  	[tilespmem:s8], [sflag:$0x1] =	stream.indirect_vreg.gather [hbm4b:s1+s2], $0x80, v25, vm0, $0xb8;
	[tilespmem:$0x1FC00] =	vst v63  }
0x71: {  	s9 =	simm.s32 $0x4C00  }
0x72: {  	[tilespmem:s9], [sflag:$0x1] =	stream.indirect_vreg.gather [hbm4b:s1+s2], $0x80, v24, vm0, $0xb8;
	[tilespmem:$0x1FC00] =	vst v63  }
0x73: {  	v24 =	vld [tilespmem:$0x250];
	_ =	sdelay $0x4  }
0x74: {  	v25 =	vshll.u32 v24, $0x1  }
0x75: {  	v24 =	vand.u32 $0x7, v24;
	v25 =	vand.u32 $0xFFFFFFF0, v25  }
0x76: {  	v24 =	vor.u32 v24, v25  }
0x77: {  	v25 =	vperm.xlane v24, v17;
	_ =	sdelay $0x1  }
0x78: {  	v24 =	vperm.xlane v24, v19;
	v25 =	vadd.s32 v18, v25;
	_ =	sdelay $0x1  }
0x79: {  	v24 =	vadd.s32 v18, v24;
	_ =	sdelay $0x1  }
0x7a: {  	s10 =	simm.s32 $0x5400  }
0x7b: {  	[tilespmem:s10], [sflag:$0x1] =	stream.indirect_vreg.gather [hbm4b:s1+s2], $0x80, v25, vm0, $0xb8;
	[tilespmem:$0x1FC00] =	vst v63  }
0x7c: {  	s11 =	simm.s32 $0x5C00  }
0x7d: {  	[tilespmem:s11], [sflag:$0x1] =	stream.indirect_vreg.gather [hbm4b:s1+s2], $0x80, v24, vm0, $0xb8;
	[tilespmem:$0x1FC00] =	vst v63  }
0x7e: {  	v24 =	vld [tilespmem:$0x260];
	_ =	sdelay $0x4  }
0x7f: {  	v25 =	vshll.u32 v24, $0x1  }
0x80: {  	v24 =	vand.u32 $0x7, v24;
	v25 =	vand.u32 $0xFFFFFFF0, v25  }
0x81: {  	v24 =	vor.u32 v24, v25  }
0x82: {  	v25 =	vperm.xlane v24, v17;
	_ =	sdelay $0x1  }
0x83: {  	v24 =	vperm.xlane v24, v19;
	v25 =	vadd.s32 v18, v25;
	_ =	sdelay $0x1  }
0x84: {  	v24 =	vadd.s32 v18, v24;
	_ =	sdelay $0x1  }
0x85: {  	s12 =	simm.s32 $0x6400  }
0x86: {  	[tilespmem:s12], [sflag:$0x1] =	stream.indirect_vreg.gather [hbm4b:s1+s2], $0x80, v25, vm0, $0xb8;
	[tilespmem:$0x1FC00] =	vst v63  }
0x87: {  	s13 =	simm.s32 $0x6C00  }
0x88: {  	[tilespmem:s13], [sflag:$0x1] =	stream.indirect_vreg.gather [hbm4b:s1+s2], $0x80, v24, vm0, $0xb8;
	[tilespmem:$0x1FC00] =	vst v63  }
0x89: {  	v24 =	vld [tilespmem:$0x280];
	_ =	sdelay $0x4  }
0x8a: {  	v25 =	vshll.u32 v24, $0x1  }
0x8b: {  	v24 =	vand.u32 $0x7, v24;
	v25 =	vand.u32 $0xFFFFFFF0, v25  }
0x8c: {  	v24 =	vor.u32 v24, v25  }
0x8d: {  	v25 =	vperm.xlane v24, v17;
	_ =	sdelay $0x1  }
0x8e: {  	v24 =	vperm.xlane v24, v19;
	v25 =	vadd.s32 v18, v25;
	_ =	sdelay $0x1  }
0x8f: {  	v24 =	vadd.s32 v18, v24;
	_ =	sdelay $0x1  }
0x90: {  	s14 =	simm.s32 $0x7400  }
0x91: {  	[tilespmem:s14], [sflag:$0x1] =	stream.indirect_vreg.gather [hbm4b:s1+s2], $0x80, v25, vm0, $0xb8;
	[tilespmem:$0x1FC00] =	vst v63  }
0x92: {  	s15 =	simm.s32 $0x7C00  }
0x93: {  	[tilespmem:s15], [sflag:$0x1] =	stream.indirect_vreg.gather [hbm4b:s1+s2], $0x80, v24, vm0, $0xb8;
	[tilespmem:$0x1FC00] =	vst v63  }
0x94: {  	v24 =	vld [tilespmem:$0x290];
	_ =	sdelay $0x4  }
0x95: {  	v25 =	vshll.u32 v24, $0x1  }
0x96: {  	v24 =	vand.u32 $0x7, v24;
	v25 =	vand.u32 $0xFFFFFFF0, v25  }
0x97: {  	v24 =	vor.u32 v24, v25  }
0x98: {  	v25 =	vperm.xlane v24, v17;
	_ =	sdelay $0x1  }
0x99: {  	v24 =	vperm.xlane v24, v19;
	v25 =	vadd.s32 v18, v25;
	_ =	sdelay $0x1  }
0x9a: {  	v24 =	vadd.s32 v18, v24;
	_ =	sdelay $0x1  }
0x9b: {  	s16 =	simm.s32 $0x8400  }
0x9c: {  	[tilespmem:s16], [sflag:$0x1] =	stream.indirect_vreg.gather [hbm4b:s1+s2], $0x80, v25, vm0, $0xb8;
	[tilespmem:$0x1FC00] =	vst v63  }
0x9d: {  	s20 =	simm.s32 $0x8C00  }
0x9e: {  	[tilespmem:s20], [sflag:$0x1] =	stream.indirect_vreg.gather [hbm4b:s1+s2], $0x80, v24, vm0, $0xb8;
	[tilespmem:$0x1FC00] =	vst v63  }
0x9f: {  	v24 =	vld [tilespmem:$0x2A0];
	_ =	sdelay $0x4  }
0xa0: {  	v25 =	vshll.u32 v24, $0x1  }
0xa1: {  	v24 =	vand.u32 $0x7, v24;
	v25 =	vand.u32 $0xFFFFFFF0, v25  }
0xa2: {  	v24 =	vor.u32 v24, v25  }
0xa3: {  	v25 =	vperm.xlane v24, v17;
	_ =	sdelay $0x1  }
0xa4: {  	v24 =	vperm.xlane v24, v19;
	v25 =	vadd.s32 v18, v25;
	_ =	sdelay $0x1  }
0xa5: {  	v24 =	vadd.s32 v18, v24;
	_ =	sdelay $0x1  }
0xa6: {  	s21 =	simm.s32 $0x9400  }
0xa7: {  	[tilespmem:s21], [sflag:$0x1] =	stream.indirect_vreg.gather [hbm4b:s1+s2], $0x80, v25, vm0, $0xb8;
	[tilespmem:$0x1FC00] =	vst v63  }
0xa8: {  	s22 =	simm.s32 $0x9C00  }
0xa9: {  	[tilespmem:s22], [sflag:$0x1] =	stream.indirect_vreg.gather [hbm4b:s1+s2], $0x80, v24, vm0, $0xb8;
	[tilespmem:$0x1FC00] =	vst v63  }
0xaa: {  	v24 =	vld [tilespmem:$0x2B0];
	_ =	sdelay $0x4  }
0xab: {  	v25 =	vshll.u32 v24, $0x1  }
0xac: {  	v24 =	vand.u32 $0x7, v24;
	v25 =	vand.u32 $0xFFFFFFF0, v25  }
0xad: {  	v24 =	vor.u32 v24, v25  }
0xae: {  	v25 =	vperm.xlane v24, v17;
	_ =	sdelay $0x1  }
0xaf: {  	v24 =	vperm.xlane v24, v19;
	v25 =	vadd.s32 v18, v25;
	_ =	sdelay $0x1  }
0xb0: {  	v24 =	vadd.s32 v18, v24;
	_ =	sdelay $0x1  }
0xb1: {  	s23 =	simm.s32 $0xA400  }
0xb2: {  	[tilespmem:s23], [sflag:$0x1] =	stream.indirect_vreg.gather [hbm4b:s1+s2], $0x80, v25, vm0, $0xb8;
	[tilespmem:$0x1FC00] =	vst v63  }
0xb3: {  	s24 =	simm.s32 $0xAC00  }
0xb4: {  	[tilespmem:s24], [sflag:$0x1] =	stream.indirect_vreg.gather [hbm4b:s1+s2], $0x80, v24, vm0, $0xb8;
	[tilespmem:$0x1FC00] =	vst v63  }
0xb5: {  	v24 =	vld [tilespmem:$0x2C0];
	_ =	sdelay $0x4  }
0xb6: {  	v25 =	vshll.u32 v24, $0x1  }
0xb7: {  	v24 =	vand.u32 $0x7, v24;
	v25 =	vand.u32 $0xFFFFFFF0, v25  }
0xb8: {  	v24 =	vor.u32 v24, v25  }
0xb9: {  	v25 =	vperm.xlane v24, v17;
	_ =	sdelay $0x1  }
0xba: {  	v24 =	vperm.xlane v24, v19;
	v25 =	vadd.s32 v18, v25;
	_ =	sdelay $0x1  }
0xbb: {  	v24 =	vadd.s32 v18, v24;
	_ =	sdelay $0x1  }
0xbc: {  	s25 =	simm.s32 $0xB400  }
0xbd: {  	[tilespmem:s25], [sflag:$0x1] =	stream.indirect_vreg.gather [hbm4b:s1+s2], $0x80, v25, vm0, $0xb8;
	[tilespmem:$0x1FC00] =	vst v63  }
0xbe: {  	s26 =	simm.s32 $0xBC00  }
0xbf: {  	[tilespmem:s26], [sflag:$0x1] =	stream.indirect_vreg.gather [hbm4b:s1+s2], $0x80, v24, vm0, $0xb8;
	[tilespmem:$0x1FC00] =	vst v63  }
0xc0: {  	v24 =	vld [tilespmem:$0x2D0];
	_ =	sdelay $0x4  }
0xc1: {  	v25 =	vshll.u32 v24, $0x1  }
0xc2: {  	v24 =	vand.u32 $0x7, v24;
	v25 =	vand.u32 $0xFFFFFFF0, v25  }
0xc3: {  	v24 =	vor.u32 v24, v25  }
0xc4: {  	v25 =	vperm.xlane v24, v17;
	_ =	sdelay $0x1  }
0xc5: {  	v24 =	vperm.xlane v24, v19;
	v25 =	vadd.s32 v18, v25;
	_ =	sdelay $0x1  }
0xc6: {  	v24 =	vadd.s32 v18, v24;
	_ =	sdelay $0x1  }
0xc7: {  	s28 =	simm.s32 $0xC400  }
0xc8: {  	[tilespmem:s28], [sflag:$0x1] =	stream.indirect_vreg.gather [hbm4b:s1+s2], $0x80, v25, vm0, $0xb8;
	[tilespmem:$0x1FC00] =	vst v63  }
0xc9: {  	s29 =	simm.s32 $0xCC00  }
0xca: {  	[tilespmem:s29], [sflag:$0x1] =	stream.indirect_vreg.gather [hbm4b:s1+s2], $0x80, v24, vm0, $0xb8;
	[tilespmem:$0x1FC00] =	vst v63  }
0xcb: {  	v24 =	vld [tilespmem:$0x2E0];
	_ =	sdelay $0x4  }
0xcc: {  	v25 =	vshll.u32 v24, $0x1  }
0xcd: {  	v24 =	vand.u32 $0x7, v24;
	v25 =	vand.u32 $0xFFFFFFF0, v25  }
0xce: {  	v24 =	vor.u32 v24, v25  }
0xcf: {  	v25 =	vperm.xlane v24, v17;
	_ =	sdelay $0x1  }
0xd0: {  	v24 =	vperm.xlane v24, v19;
	v25 =	vadd.s32 v18, v25;
	_ =	sdelay $0x1  }
0xd1: {  	v24 =	vadd.s32 v18, v24  }
.Ltmp2:
0xd2: {  	_ = 	snop;
	(pc) =	sbr.rel .LBB2_2-.Ltmp2, $4  }
0xd3: {  	s30 =	simm.s32 $0xD400  }
0xd4: {  	v22 =	vcvt.s32.f32 v22;
	v23 =	vcvt.s32.f32 v23;
	[tilespmem:s30], [sflag:$0x1] =	stream.indirect_vreg.gather [hbm4b:s1+s2], $0x80, v25, vm0, $0xb8;
	[tilespmem:$0x1FC00] =	vst v63  }
0xd5: {  	s31 =	simm.s32 $0xDC00;
	s20 =	simm.s32 $0x0  }
0xd6: {  	v22 =	vsub.f32 v20, v22;
	[tilespmem:s31], [sflag:$0x1] =	stream.indirect_vreg.gather [hbm4b:s1+s2], $0x80, v24, vm0, $0xb8;
	v24 =	vsub.f32 v21, v23;
	[tilespmem:$0x1FC00] =	vst v63  }
.LBB2_12:
0xd7: {  	s20 =	sadd.s32 $0x1, s20;
	s0 =	rddreg [dreg:$0x7]  }
0xd8: {  	p0 =	sne.s32 s20, s0  }
.Ltmp3:
0xd9: {  	_ = 	snop;
	(pc) =	sbr.rel @!p0 .LBB2_13-.Ltmp3, $3  }
0xda: {  	_ = 	snop  }
0xdb: {  	v20 =	vcvt.s32.f32 v24;
	v21 =	vcvt.s32.f32 v25;
	_ =	sdelay $0x1  }
0xdc: {  	v22 =	vsub.f32 v22, v20;
	v24 =	vsub.f32 v23, v21  }
.LBB2_2:
0xdd: {  	s21 =	sshllo.u32 s20, $0x1  }
0xde: {  	s0 =	sshll.u32 s21, $0x6  }
0xdf: {  	s0 =	sshra.s32 s0, $0x2  }
0xe0: {  	v20 =	vld [tilespmem:s0+$0x0];
	_ =	sdelay $0x4  }
0xe1: {  	v21 =	vperm.xlane v20, v0;
	v23 =	vperm.xlane v20, v2;
	_ =	sdelay $0x1  }
0xe2: {  	v23 =	vsub.f32 v23, v21  }
0xe3: {  	v25 =	vperm.xlane v20, v1;
	v20 =	vperm.xlane v20, v3  }
0xe4: {  	v23 =	vmul.f32 v4, v23  }
0xe5: {  	v20 =	vsub.f32 v20, v25  }
0xe6: {  	v21 =	vadd.f32 v23, v21  }
0xe7: {  	v23 =	vmul.f32 v4, v20  }
0xe8: {  	v20 =	vmul.f32 $2.550000000e+02, v21  }
0xe9: {  	v21 =	vadd.f32 v23, v25  }
0xea: {  	v23 =	vtrunc.f32 v20  }
0xeb: {  	v21 =	vmul.f32 $2.550000000e+02, v21;
	v23 =	vcvt.f32.s32 v23;
	_ =	sdelay $0x1  }
0xec: {  	v25 =	vtrunc.f32 v21;
	vm1 =	vlt.s32 v23, $0xFE  }
0xed: {  	v36 =	vnsel vm1, $0xFE, v23;
	v23 =	vcvt.f32.s32 v25;
	_ =	sdelay $0x1  }
0xee: {  	v25 =	vperm.xlane v36, v5;
	vm1 =	vlt.s32 v23, $0xFE  }
0xef: {  	v37 =	vnsel vm1, $0xFE, v23  }
0xf0: {  	v23 =	vadd.s32 v6, v25;
	v25 =	vperm.xlane v37, v5  }
0xf1: {  	v26 =	vperm.xlane v23, v0;
	v27 =	vperm.xlane v23, v1  }
0xf2: {  	v28 =	vperm.xlane v23, v2;
	v29 =	vperm.xlane v23, v3  }
0xf3: {  	v55 =	vperm.xlane v23, v7;
	v56 =	vperm.xlane v23, v8  }
0xf4: {  	v57 =	vperm.xlane v23, v9;
	v58 =	vperm.xlane v23, v10  }
0xf5: {  	v59 =	vperm.xlane v23, v11;
	v60 =	vperm.xlane v23, v12  }
0xf6: {  	v61 =	vperm.xlane v23, v13;
	v62 =	vperm.xlane v23, v14  }
0xf7: {  	v63 =	vperm.xlane v23, v15;
	v23 =	vperm.xlane v23, v16  }
0xf8: {  	v25 =	vadd.s32 v6, v25;
	v26 =	vshll.u32 v26, $0x8  }
0xf9: {  	v23 =	vshll.u32 v23, $0x8;
	v26 =	vadd.s32 v25, v26  }
0xfa: {  	v27 =	vshll.u32 v27, $0x8;
	v23 =	vadd.s32 v25, v23;
	[tilespmem:$0x300] =	vst v26  }
0xfb: {  	v26 =	vadd.s32 v25, v27;
	v27 =	vshll.u32 v28, $0x8;
	[tilespmem:$0x3E0] =	vst v23  }
0xfc: {  	[tilespmem:$0x310] =	vst v26;
	v26 =	vadd.s32 v25, v27;
	v27 =	vshll.u32 v29, $0x8  }
0xfd: {  	[tilespmem:$0x320] =	vst v26;
	v26 =	vadd.s32 v25, v27;
	v27 =	vshll.u32 v55, $0x8  }
0xfe: {  	[tilespmem:$0x330] =	vst v26;
	v26 =	vadd.s32 v25, v27;
	v27 =	vshll.u32 v56, $0x8  }
0xff: {  	[tilespmem:$0x340] =	vst v26;
	v26 =	vadd.s32 v25, v27;
	v27 =	vshll.u32 v57, $0x8  }
0x100: {  	[tilespmem:$0x350] =	vst v26;
	v26 =	vadd.s32 v25, v27;
	v27 =	vshll.u32 v58, $0x8  }
0x101: {  	[tilespmem:$0x360] =	vst v26;
	v26 =	vadd.s32 v25, v27;
	v27 =	vshll.u32 v59, $0x8  }
0x102: {  	p0 =	sge.u32 s21, s6;
	[tilespmem:$0x380] =	vst v26;
	v26 =	vadd.s32 v25, v27;
	v27 =	vshll.u32 v60, $0x8  }
.Ltmp4:
0x103: {  	[tilespmem:$0x390] =	vst v26;
	v26 =	vadd.s32 v25, v27;
	v27 =	vshll.u32 v61, $0x8;
	(pc) =	sbr.rel @p0 .LBB2_4-.Ltmp4, $4  }
0x104: {  	[tilespmem:$0x3A0] =	vst v26;
	v26 =	vadd.s32 v25, v27;
	v27 =	vshll.u32 v62, $0x8  }
0x105: {  	[tilespmem:$0x3B0] =	vst v26;
	v26 =	vadd.s32 v25, v27;
	v27 =	vshll.u32 v63, $0x8  }
0x106: {  	[tilespmem:$0x3C0] =	vst v26;
	v26 =	vadd.s32 v25, v27  }
0x107: {  	[tilespmem:$0x3D0] =	vst v26  }
0x108: {  	v23 =	vld [tilespmem:$0x300];
	_ =	sdelay $0x4  }
0x109: {  	v25 =	vshll.u32 v23, $0x1  }
0x10a: {  	v23 =	vand.u32 $0x7, v23;
	v25 =	vand.u32 $0xFFFFFFF0, v25  }
0x10b: {  	v23 =	vor.u32 v23, v25  }
0x10c: {  	v25 =	vperm.xlane v23, v17;
	_ =	sdelay $0x1  }
0x10d: {  	v23 =	vperm.xlane v23, v19;
	v25 =	vadd.s32 v18, v25;
	_ =	sdelay $0x1  }
0x10e: {  	v23 =	vadd.s32 v18, v23;
	_ =	sdelay $0x1  }
0x10f: {  	s0 =	simm.s32 $0xE400  }
0x110: {  	[tilespmem:s0], [sflag:$0x2] =	stream.indirect_vreg.gather [hbm4b:s1+s2], $0x80, v25, vm0, $0xb8;
	[tilespmem:$0x1FC00] =	vst v63  }
0x111: {  	s25 =	simm.s32 $0xEC00  }
0x112: {  	[tilespmem:s25], [sflag:$0x2] =	stream.indirect_vreg.gather [hbm4b:s1+s2], $0x80, v23, vm0, $0xb8;
	[tilespmem:$0x1FC00] =	vst v63  }
0x113: {  	v23 =	vld [tilespmem:$0x310];
	_ =	sdelay $0x4  }
0x114: {  	v25 =	vshll.u32 v23, $0x1  }
0x115: {  	v23 =	vand.u32 $0x7, v23;
	v25 =	vand.u32 $0xFFFFFFF0, v25  }
0x116: {  	v23 =	vor.u32 v23, v25  }
0x117: {  	v25 =	vperm.xlane v23, v17;
	_ =	sdelay $0x1  }
0x118: {  	v23 =	vperm.xlane v23, v19;
	v25 =	vadd.s32 v18, v25;
	_ =	sdelay $0x1  }
0x119: {  	v23 =	vadd.s32 v18, v23;
	_ =	sdelay $0x1  }
0x11a: {  	s26 =	simm.s32 $0xF400  }
0x11b: {  	[tilespmem:s26], [sflag:$0x2] =	stream.indirect_vreg.gather [hbm4b:s1+s2], $0x80, v25, vm0, $0xb8;
	[tilespmem:$0x1FC00] =	vst v63  }
0x11c: {  	s28 =	simm.s32 $0xFC00  }
0x11d: {  	[tilespmem:s28], [sflag:$0x2] =	stream.indirect_vreg.gather [hbm4b:s1+s2], $0x80, v23, vm0, $0xb8;
	[tilespmem:$0x1FC00] =	vst v63  }
0x11e: {  	v23 =	vld [tilespmem:$0x320];
	_ =	sdelay $0x4  }
0x11f: {  	v25 =	vshll.u32 v23, $0x1  }
0x120: {  	v23 =	vand.u32 $0x7, v23;
	v25 =	vand.u32 $0xFFFFFFF0, v25  }
0x121: {  	v23 =	vor.u32 v23, v25  }
0x122: {  	v25 =	vperm.xlane v23, v17;
	_ =	sdelay $0x1  }
0x123: {  	v23 =	vperm.xlane v23, v19;
	v25 =	vadd.s32 v18, v25;
	_ =	sdelay $0x1  }
0x124: {  	v23 =	vadd.s32 v18, v23;
	_ =	sdelay $0x1  }
0x125: {  	s29 =	simm.s32 $0x10400  }
0x126: {  	[tilespmem:s29], [sflag:$0x2] =	stream.indirect_vreg.gather [hbm4b:s1+s2], $0x80, v25, vm0, $0xb8;
	[tilespmem:$0x1FC00] =	vst v63  }
0x127: {  	s30 =	simm.s32 $0x10C00  }
0x128: {  	[tilespmem:s30], [sflag:$0x2] =	stream.indirect_vreg.gather [hbm4b:s1+s2], $0x80, v23, vm0, $0xb8;
	[tilespmem:$0x1FC00] =	vst v63  }
0x129: {  	v23 =	vld [tilespmem:$0x330];
	_ =	sdelay $0x4  }
0x12a: {  	v25 =	vshll.u32 v23, $0x1  }
0x12b: {  	v23 =	vand.u32 $0x7, v23;
	v25 =	vand.u32 $0xFFFFFFF0, v25  }
0x12c: {  	v23 =	vor.u32 v23, v25  }
0x12d: {  	v25 =	vperm.xlane v23, v17;
	_ =	sdelay $0x1  }
0x12e: {  	v23 =	vperm.xlane v23, v19;
	v25 =	vadd.s32 v18, v25;
	_ =	sdelay $0x1  }
0x12f: {  	v23 =	vadd.s32 v18, v23;
	_ =	sdelay $0x1  }
0x130: {  	s31 =	simm.s32 $0x11400  }
0x131: {  	[tilespmem:s31], [sflag:$0x2] =	stream.indirect_vreg.gather [hbm4b:s1+s2], $0x80, v25, vm0, $0xb8;
	[tilespmem:$0x1FC00] =	vst v63  }
0x132: {  	s3 =	simm.s32 $0x11C00  }
0x133: {  	[tilespmem:s3], [sflag:$0x2] =	stream.indirect_vreg.gather [hbm4b:s1+s2], $0x80, v23, vm0, $0xb8;
	[tilespmem:$0x1FC00] =	vst v63  }
0x134: {  	v23 =	vld [tilespmem:$0x340];
	_ =	sdelay $0x4  }
0x135: {  	v25 =	vshll.u32 v23, $0x1  }
0x136: {  	v23 =	vand.u32 $0x7, v23;
	v25 =	vand.u32 $0xFFFFFFF0, v25  }
0x137: {  	v23 =	vor.u32 v23, v25  }
0x138: {  	v25 =	vperm.xlane v23, v17;
	_ =	sdelay $0x1  }
0x139: {  	v23 =	vperm.xlane v23, v19;
	v25 =	vadd.s32 v18, v25;
	_ =	sdelay $0x1  }
0x13a: {  	v23 =	vadd.s32 v18, v23;
	_ =	sdelay $0x1  }
0x13b: {  	s4 =	simm.s32 $0x12400  }
0x13c: {  	[tilespmem:s4], [sflag:$0x2] =	stream.indirect_vreg.gather [hbm4b:s1+s2], $0x80, v25, vm0, $0xb8;
	[tilespmem:$0x1FC00] =	vst v63  }
0x13d: {  	s7 =	simm.s32 $0x12C00  }
0x13e: {  	[tilespmem:s7], [sflag:$0x2] =	stream.indirect_vreg.gather [hbm4b:s1+s2], $0x80, v23, vm0, $0xb8;
	[tilespmem:$0x1FC00] =	vst v63  }
0x13f: {  	v23 =	vld [tilespmem:$0x350];
	_ =	sdelay $0x4  }
0x140: {  	v25 =	vshll.u32 v23, $0x1  }
0x141: {  	v23 =	vand.u32 $0x7, v23;
	v25 =	vand.u32 $0xFFFFFFF0, v25  }
0x142: {  	v23 =	vor.u32 v23, v25  }
0x143: {  	v25 =	vperm.xlane v23, v17;
	_ =	sdelay $0x1  }
0x144: {  	v23 =	vperm.xlane v23, v19;
	v25 =	vadd.s32 v18, v25;
	_ =	sdelay $0x1  }
0x145: {  	v23 =	vadd.s32 v18, v23;
	_ =	sdelay $0x1  }
0x146: {  	s8 =	simm.s32 $0x13400  }
0x147: {  	[tilespmem:s8], [sflag:$0x2] =	stream.indirect_vreg.gather [hbm4b:s1+s2], $0x80, v25, vm0, $0xb8;
	[tilespmem:$0x1FC00] =	vst v63  }
0x148: {  	s9 =	simm.s32 $0x13C00  }
0x149: {  	[tilespmem:s9], [sflag:$0x2] =	stream.indirect_vreg.gather [hbm4b:s1+s2], $0x80, v23, vm0, $0xb8;
	[tilespmem:$0x1FC00] =	vst v63  }
0x14a: {  	v23 =	vld [tilespmem:$0x360];
	_ =	sdelay $0x4  }
0x14b: {  	v25 =	vshll.u32 v23, $0x1  }
0x14c: {  	v23 =	vand.u32 $0x7, v23;
	v25 =	vand.u32 $0xFFFFFFF0, v25  }
0x14d: {  	v23 =	vor.u32 v23, v25  }
0x14e: {  	v25 =	vperm.xlane v23, v17;
	_ =	sdelay $0x1  }
0x14f: {  	v23 =	vperm.xlane v23, v19;
	v25 =	vadd.s32 v18, v25;
	_ =	sdelay $0x1  }
0x150: {  	v23 =	vadd.s32 v18, v23;
	_ =	sdelay $0x1  }
0x151: {  	s10 =	simm.s32 $0x14400  }
0x152: {  	[tilespmem:s10], [sflag:$0x2] =	stream.indirect_vreg.gather [hbm4b:s1+s2], $0x80, v25, vm0, $0xb8;
	[tilespmem:$0x1FC00] =	vst v63  }
0x153: {  	s11 =	simm.s32 $0x14C00  }
0x154: {  	[tilespmem:s11], [sflag:$0x2] =	stream.indirect_vreg.gather [hbm4b:s1+s2], $0x80, v23, vm0, $0xb8;
	[tilespmem:$0x1FC00] =	vst v63  }
0x155: {  	v23 =	vld [tilespmem:$0x380];
	_ =	sdelay $0x4  }
0x156: {  	v25 =	vshll.u32 v23, $0x1  }
0x157: {  	v23 =	vand.u32 $0x7, v23;
	v25 =	vand.u32 $0xFFFFFFF0, v25  }
0x158: {  	v23 =	vor.u32 v23, v25  }
0x159: {  	v25 =	vperm.xlane v23, v17;
	_ =	sdelay $0x1  }
0x15a: {  	v23 =	vperm.xlane v23, v19;
	v25 =	vadd.s32 v18, v25;
	_ =	sdelay $0x1  }
0x15b: {  	v23 =	vadd.s32 v18, v23;
	_ =	sdelay $0x1  }
0x15c: {  	s12 =	simm.s32 $0x15400  }
0x15d: {  	[tilespmem:s12], [sflag:$0x2] =	stream.indirect_vreg.gather [hbm4b:s1+s2], $0x80, v25, vm0, $0xb8;
	[tilespmem:$0x1FC00] =	vst v63  }
0x15e: {  	s13 =	simm.s32 $0x15C00  }
0x15f: {  	[tilespmem:s13], [sflag:$0x2] =	stream.indirect_vreg.gather [hbm4b:s1+s2], $0x80, v23, vm0, $0xb8;
	[tilespmem:$0x1FC00] =	vst v63  }
0x160: {  	v23 =	vld [tilespmem:$0x390];
	_ =	sdelay $0x4  }
0x161: {  	v25 =	vshll.u32 v23, $0x1  }
0x162: {  	v23 =	vand.u32 $0x7, v23;
	v25 =	vand.u32 $0xFFFFFFF0, v25  }
0x163: {  	v23 =	vor.u32 v23, v25  }
0x164: {  	v25 =	vperm.xlane v23, v17;
	_ =	sdelay $0x1  }
0x165: {  	v23 =	vperm.xlane v23, v19;
	v25 =	vadd.s32 v18, v25;
	_ =	sdelay $0x1  }
0x166: {  	v23 =	vadd.s32 v18, v23;
	_ =	sdelay $0x1  }
0x167: {  	s14 =	simm.s32 $0x16400  }
0x168: {  	[tilespmem:s14], [sflag:$0x2] =	stream.indirect_vreg.gather [hbm4b:s1+s2], $0x80, v25, vm0, $0xb8;
	[tilespmem:$0x1FC00] =	vst v63  }
0x169: {  	s15 =	simm.s32 $0x16C00  }
0x16a: {  	[tilespmem:s15], [sflag:$0x2] =	stream.indirect_vreg.gather [hbm4b:s1+s2], $0x80, v23, vm0, $0xb8;
	[tilespmem:$0x1FC00] =	vst v63  }
0x16b: {  	v23 =	vld [tilespmem:$0x3A0];
	_ =	sdelay $0x4  }
0x16c: {  	v25 =	vshll.u32 v23, $0x1  }
0x16d: {  	v23 =	vand.u32 $0x7, v23;
	v25 =	vand.u32 $0xFFFFFFF0, v25  }
0x16e: {  	v23 =	vor.u32 v23, v25  }
0x16f: {  	v25 =	vperm.xlane v23, v17;
	_ =	sdelay $0x1  }
0x170: {  	v23 =	vperm.xlane v23, v19;
	v25 =	vadd.s32 v18, v25;
	_ =	sdelay $0x1  }
0x171: {  	v23 =	vadd.s32 v18, v23;
	_ =	sdelay $0x1  }
0x172: {  	s16 =	simm.s32 $0x17400  }
0x173: {  	[tilespmem:s16], [sflag:$0x2] =	stream.indirect_vreg.gather [hbm4b:s1+s2], $0x80, v25, vm0, $0xb8;
	[tilespmem:$0x1FC00] =	vst v63  }
0x174: {  	s22 =	simm.s32 $0x17C00  }
0x175: {  	[tilespmem:s22], [sflag:$0x2] =	stream.indirect_vreg.gather [hbm4b:s1+s2], $0x80, v23, vm0, $0xb8;
	[tilespmem:$0x1FC00] =	vst v63  }
0x176: {  	v23 =	vld [tilespmem:$0x3B0];
	_ =	sdelay $0x4  }
0x177: {  	v25 =	vshll.u32 v23, $0x1  }
0x178: {  	v23 =	vand.u32 $0x7, v23;
	v25 =	vand.u32 $0xFFFFFFF0, v25  }
0x179: {  	v23 =	vor.u32 v23, v25  }
0x17a: {  	v25 =	vperm.xlane v23, v17;
	_ =	sdelay $0x1  }
0x17b: {  	v23 =	vperm.xlane v23, v19;
	v25 =	vadd.s32 v18, v25;
	_ =	sdelay $0x1  }
0x17c: {  	v23 =	vadd.s32 v18, v23;
	_ =	sdelay $0x1  }
0x17d: {  	s23 =	simm.s32 $0x18400  }
0x17e: {  	[tilespmem:s23], [sflag:$0x2] =	stream.indirect_vreg.gather [hbm4b:s1+s2], $0x80, v25, vm0, $0xb8;
	[tilespmem:$0x1FC00] =	vst v63  }
0x17f: {  	s24 =	simm.s32 $0x18C00  }
0x180: {  	[tilespmem:s24], [sflag:$0x2] =	stream.indirect_vreg.gather [hbm4b:s1+s2], $0x80, v23, vm0, $0xb8;
	[tilespmem:$0x1FC00] =	vst v63  }
0x181: {  	v23 =	vld [tilespmem:$0x3C0];
	_ =	sdelay $0x4  }
0x182: {  	v25 =	vshll.u32 v23, $0x1  }
0x183: {  	v23 =	vand.u32 $0x7, v23;
	v25 =	vand.u32 $0xFFFFFFF0, v25  }
0x184: {  	v23 =	vor.u32 v23, v25  }
0x185: {  	v25 =	vperm.xlane v23, v17;
	_ =	sdelay $0x1  }
0x186: {  	v23 =	vperm.xlane v23, v19;
	v25 =	vadd.s32 v18, v25;
	_ =	sdelay $0x1  }
0x187: {  	v23 =	vadd.s32 v18, v23;
	_ =	sdelay $0x1  }
0x188: {  	s25 =	simm.s32 $0x19400  }
0x189: {  	[tilespmem:s25], [sflag:$0x2] =	stream.indirect_vreg.gather [hbm4b:s1+s2], $0x80, v25, vm0, $0xb8;
	[tilespmem:$0x1FC00] =	vst v63  }
0x18a: {  	s26 =	simm.s32 $0x19C00  }
0x18b: {  	[tilespmem:s26], [sflag:$0x2] =	stream.indirect_vreg.gather [hbm4b:s1+s2], $0x80, v23, vm0, $0xb8;
	[tilespmem:$0x1FC00] =	vst v63  }
0x18c: {  	v23 =	vld [tilespmem:$0x3D0];
	_ =	sdelay $0x4  }
0x18d: {  	v25 =	vshll.u32 v23, $0x1  }
0x18e: {  	v23 =	vand.u32 $0x7, v23;
	v25 =	vand.u32 $0xFFFFFFF0, v25  }
0x18f: {  	v23 =	vor.u32 v23, v25  }
0x190: {  	v25 =	vperm.xlane v23, v17;
	_ =	sdelay $0x1  }
0x191: {  	v23 =	vperm.xlane v23, v19;
	v25 =	vadd.s32 v18, v25;
	_ =	sdelay $0x1  }
0x192: {  	v23 =	vadd.s32 v18, v23;
	_ =	sdelay $0x1  }
0x193: {  	s28 =	simm.s32 $0x1A400  }
0x194: {  	[tilespmem:s28], [sflag:$0x2] =	stream.indirect_vreg.gather [hbm4b:s1+s2], $0x80, v25, vm0, $0xb8;
	[tilespmem:$0x1FC00] =	vst v63  }
0x195: {  	s29 =	simm.s32 $0x1AC00  }
0x196: {  	[tilespmem:s29], [sflag:$0x2] =	stream.indirect_vreg.gather [hbm4b:s1+s2], $0x80, v23, vm0, $0xb8;
	[tilespmem:$0x1FC00] =	vst v63  }
0x197: {  	v23 =	vld [tilespmem:$0x3E0];
	_ =	sdelay $0x4  }
0x198: {  	v25 =	vshll.u32 v23, $0x1  }
0x199: {  	v23 =	vand.u32 $0x7, v23;
	v25 =	vand.u32 $0xFFFFFFF0, v25  }
0x19a: {  	v23 =	vor.u32 v23, v25  }
0x19b: {  	v25 =	vperm.xlane v23, v17;
	_ =	sdelay $0x1  }
0x19c: {  	v23 =	vperm.xlane v23, v19;
	v25 =	vadd.s32 v18, v25;
	_ =	sdelay $0x1  }
0x19d: {  	v23 =	vadd.s32 v18, v23;
	_ =	sdelay $0x1  }
0x19e: {  	s30 =	simm.s32 $0x1B400  }
0x19f: {  	[tilespmem:s30], [sflag:$0x2] =	stream.indirect_vreg.gather [hbm4b:s1+s2], $0x80, v25, vm0, $0xb8;
	[tilespmem:$0x1FC00] =	vst v63  }
0x1a0: {  	s31 =	simm.s32 $0x1BC00  }
0x1a1: {  	[tilespmem:s31], [sflag:$0x2] =	stream.indirect_vreg.gather [hbm4b:s1+s2], $0x80, v23, vm0, $0xb8;
	[tilespmem:$0x1FC00] =	vst v63  }
.LBB2_4:
0x1a2: {  	s0 =	simm.s32 $0x0  }
0x1a3: {  	_ =	swait.ge [sflag:s17], $0x7000;
	s3 =	smulhi.u32 $0x24924925, s0  }
0x1a4: {  	[sflag:s17] =	ssyncset.done $0x0;
	s8 =	smul.u32 $0x25, s0  }
0x1a5: {  	[sflag:s17] =	ssyncadd.s32 $0xFFFF9000;
	s7 =	ssub.s32 $0x0, s3  }
0x1a6: {  	_ =	swait.ge [sflag:s17], $0x7000;
	s26 =	sshrl.u32 s8, $0x8;
	s7 =	sshrl.u32 s7, $0x1  }
0x1a7: {  	[sflag:s17] =	ssyncset.done $0x0;
	s8 =	ssub.s32 $0x0, s26;
	s3 =	sadd.s32 s3, s7  }
0x1a8: {  	[sflag:s17] =	ssyncadd.s32 $0xFFFF9000;
	s8 =	sand.u32 $0xFE, s8;
	s3 =	sshrl.u32 s3, $0x2  }
0x1a9: {  	_ =	swait.ge [sflag:s18], $0x3800;
	s8 =	sshrl.u32 s8, $0x1;
	s10 =	smul.u32 $0x1200, s3  }
0x1aa: {  	s11 =	sshll.u32 s3, $0x8;
	[sflag:s18] =	ssyncset.done $0x0;
	s4 =	smul.u32 $0x7, s3  }
0x1ab: {  	s7 =	sadd.s32 s26, s8;
	s3 =	smul.u32 $0x900, s3;
	s11 =	sadd.s32 $0x0, s11  }
0x1ac: {  	s7 =	sand.u32 $0xFC, s7;
	s10 =	sadd.s32 $0x0, s10;
	s11 =	sand.u32 $0x300, s11  }
0x1ad: {  	s7 =	sshrl.u32 s7, $0x2;
	s8 =	ssub.s32 $0x0, s4;
	s13 =	sand.u32 $0xFFFFF800, s10  }
0x1ae: {  	[sflag:s18] =	ssyncadd.s32 $0xFFFFC800;
	s3 =	sadd.s32 $0x0, s3;
	v23 =	vmov s7;
	v25 =	vmov s8;
	s23 =	sor.u32 s11, s13  }
0x1af: {  	s8 =	sadd.s32 $0x1100, s10;
	s3 =	sadd.s32 $0x880, s3;
	v26 =	vperm.xlane v22, v23;
	v27 =	vperm.xlane v24, v25;
	v28 =	vld [tilespmem:s23+$0x400]  }
0x1b0: {  	s7 =	sand.u32 $0xFFFFF800, s8;
	s3 =	sand.u32 $0x380, s3;
	v29 =	vld [tilespmem:s23+$0x480]  }
0x1b1: {  	v30 =	vld [tilespmem:s23+$0x1400];
	s24 =	sor.u32 s3, s7;
	v23 =	vmul.f32 v27, v26  }
0x1b2: {  	v31 =	vld [tilespmem:s24+$0x400]  }
0x1b3: {  	v32 =	vsub.f32 $1.000000000e+00, v27;
	v25 =	vsub.f32 v26, v23  }
0x1b4: {  	v26 =	vsub.f32 v27, v23  }
0x1b5: {  	v27 =	vsub.f32 v32, v25  }
0x1b6: {  	v29 =	vmul.f32 v26, v29;
	v30 =	vmul.f32 v30, v25  }
0x1b7: {  	v31 =	vmul.f32 v31, v23;
	v28 =	vmul.f32 v27, v28;
	_ =	sdelay $0x1  }
0x1b8: {  	v28 =	vadd.f32 v28, v29;
	v29 =	vadd.f32 v31, v30  }
0x1b9: {  	s9 =	simm.s32 $0x0  }
0x1ba: {  	s0 =	sand.u32 $0x380, s0;
	s3 =	sand.u32 $0x3800, s9;
	v28 =	vadd.f32 v29, v28  }
0x1bb: {  	s22 =	sor.u32 s0, s3  }
0x1bc: {  	[tilespmem:s22+$0x1C400] =	vst v28  }
0x1bd: {  	v28 =	vld [tilespmem:s23+$0x410]  }
0x1be: {  	v29 =	vld [tilespmem:s23+$0x490]  }
0x1bf: {  	v30 =	vld [tilespmem:s23+$0x1410]  }
0x1c0: {  	v31 =	vld [tilespmem:s24+$0x410];
	_ =	sdelay $0x3  }
0x1c1: {  	v28 =	vmul.f32 v28, v27;
	v29 =	vmul.f32 v29, v26  }
0x1c2: {  	v30 =	vmul.f32 v30, v25;
	v31 =	vmul.f32 v31, v23;
	_ =	sdelay $0x1  }
0x1c3: {  	v28 =	vadd.f32 v29, v28;
	v29 =	vadd.f32 v31, v30;
	_ =	sdelay $0x1  }
0x1c4: {  	v28 =	vadd.f32 v29, v28;
	_ =	sdelay $0x1  }
0x1c5: {  	[tilespmem:s22+$0x1C410] =	vst v28  }
0x1c6: {  	v28 =	vld [tilespmem:s23+$0x420]  }
0x1c7: {  	v29 =	vld [tilespmem:s23+$0x4A0]  }
0x1c8: {  	v30 =	vld [tilespmem:s23+$0x1420]  }
0x1c9: {  	v31 =	vld [tilespmem:s24+$0x420];
	_ =	sdelay $0x3  }
0x1ca: {  	v28 =	vmul.f32 v28, v27;
	v29 =	vmul.f32 v29, v26  }
0x1cb: {  	v30 =	vmul.f32 v30, v25;
	v31 =	vmul.f32 v31, v23;
	_ =	sdelay $0x1  }
0x1cc: {  	v28 =	vadd.f32 v29, v28;
	v29 =	vadd.f32 v31, v30;
	_ =	sdelay $0x1  }
0x1cd: {  	v28 =	vadd.f32 v29, v28;
	_ =	sdelay $0x1  }
0x1ce: {  	[tilespmem:s22+$0x1C420] =	vst v28  }
0x1cf: {  	v28 =	vld [tilespmem:s23+$0x430]  }
0x1d0: {  	v29 =	vld [tilespmem:s23+$0x4B0]  }
0x1d1: {  	v30 =	vld [tilespmem:s23+$0x1430]  }
0x1d2: {  	v31 =	vld [tilespmem:s24+$0x430];
	_ =	sdelay $0x3  }
0x1d3: {  	v28 =	vmul.f32 v28, v27;
	v29 =	vmul.f32 v29, v26  }
0x1d4: {  	v30 =	vmul.f32 v30, v25;
	v31 =	vmul.f32 v31, v23;
	_ =	sdelay $0x1  }
0x1d5: {  	v28 =	vadd.f32 v29, v28;
	v29 =	vadd.f32 v31, v30;
	_ =	sdelay $0x1  }
0x1d6: {  	s10 =	simm.s32 $0x1;
	v28 =	vadd.f32 v29, v28  }
0x1d7: {  	s11 =	smulhi.u32 $0x24924925, s10  }
0x1d8: {  	[tilespmem:s22+$0x1C430] =	vst v28  }
0x1d9: {  	s12 =	ssub.s32 $0x1, s11;
	v28 =	vld [tilespmem:s23+$0x440]  }
0x1da: {  	s0 =	smul.u32 $0x25, s10;
	s7 =	sshrl.u32 s12, $0x1;
	v29 =	vld [tilespmem:s23+$0x4C0]  }
0x1db: {  	s3 =	sadd.s32 s11, s7;
	v30 =	vld [tilespmem:s23+$0x1440]  }
0x1dc: {  	s0 =	sshrl.u32 s0, $0x8;
	s3 =	sshrl.u32 s3, $0x2;
	v31 =	vld [tilespmem:s24+$0x440]  }
0x1dd: {  	s13 =	ssub.s32 $0x1, s0;
	s15 =	smul.u32 $0x1200, s3  }
0x1de: {  	s14 =	sand.u32 $0xFE, s13;
	s26 =	smul.u32 $0x7, s3  }
0x1df: {  	s16 =	sshll.u32 s3, $0x8;
	s3 =	smul.u32 $0x900, s3;
	s7 =	sshrl.u32 s14, $0x1  }
0x1e0: {  	s25 =	sadd.s32 $0x100, s16;
	s0 =	sadd.s32 s0, s7;
	s8 =	sadd.s32 $0x200, s15;
	v28 =	vmul.f32 v28, v27;
	v29 =	vmul.f32 v29, v26  }
0x1e1: {  	s7 =	sand.u32 $0x300, s25;
	s10 =	ssub.s32 $0x1, s26;
	s0 =	sand.u32 $0xFC, s0;
	v30 =	vmul.f32 v30, v25;
	v31 =	vmul.f32 v31, v23  }
0x1e2: {  	s9 =	sadd.s32 $0x100, s3;
	s4 =	sand.u32 $0xFFFFF800, s8;
	v33 =	vmov s10;
	s0 =	sshrl.u32 s0, $0x2  }
0x1e3: {  	s10 =	sadd.s32 $0x1100, s8;
	s25 =	sor.u32 s7, s4;
	v47 =	vmov s0;
	s0 =	sadd.s32 $0x880, s9;
	v28 =	vadd.f32 v29, v28;
	v29 =	vadd.f32 v31, v30  }
0x1e4: {  	s3 =	sand.u32 $0xFFFFF800, s10;
	v34 =	vld [tilespmem:s25+$0x400];
	s0 =	sand.u32 $0x380, s0;
	v30 =	vperm.xlane v22, v47;
	v31 =	vperm.xlane v24, v33  }
0x1e5: {  	v48 =	vld [tilespmem:s25+$0x480];
	s28 =	sor.u32 s0, s3;
	v29 =	vadd.f32 v29, v28  }
0x1e6: {  	v35 =	vld [tilespmem:s28+$0x400];
	v28 =	vmul.f32 v31, v30  }
0x1e7: {  	v49 =	vld [tilespmem:s25+$0x1400];
	[tilespmem:s22+$0x1C440] =	vst v29  }
0x1e8: {  	v38 =	vsub.f32 $1.000000000e+00, v31;
	v29 =	vsub.f32 v30, v28;
	v39 =	vld [tilespmem:s23+$0x450]  }
0x1e9: {  	v30 =	vsub.f32 v31, v28;
	v40 =	vld [tilespmem:s23+$0x4D0]  }
0x1ea: {  	v50 =	vld [tilespmem:s23+$0x1450];
	v31 =	vsub.f32 v38, v29  }
0x1eb: {  	v35 =	vmul.f32 v35, v28;
	v41 =	vld [tilespmem:s24+$0x450];
	v32 =	vmul.f32 v30, v48  }
0x1ec: {  	v33 =	vmul.f32 v49, v29;
	v34 =	vmul.f32 v31, v34;
	_ =	sdelay $0x1  }
0x1ed: {  	v33 =	vadd.f32 v35, v33;
	v32 =	vadd.f32 v34, v32  }
0x1ee: {  	s12 =	simm.s32 $0x80;
	s11 =	simm.s32 $0x100;
	v51 =	vmul.f32 v39, v27;
	v52 =	vmul.f32 v40, v26  }
0x1ef: {  	s0 =	sand.u32 $0x3800, s11;
	s3 =	sand.u32 $0x380, s12;
	v53 =	vmul.f32 v50, v25;
	v54 =	vmul.f32 v41, v23;
	v32 =	vadd.f32 v33, v32  }
0x1f0: {  	s26 =	sor.u32 s3, s0  }
0x1f1: {  	v55 =	vadd.f32 v52, v51;
	v33 =	vadd.f32 v54, v53;
	[tilespmem:s26+$0x1C400] =	vst v32  }
0x1f2: {  	v56 =	vld [tilespmem:s25+$0x410]  }
0x1f3: {  	v32 =	vadd.f32 v33, v55;
	v57 =	vld [tilespmem:s25+$0x490]  }
0x1f4: {  	v58 =	vld [tilespmem:s25+$0x1410]  }
0x1f5: {  	v59 =	vld [tilespmem:s28+$0x410];
	[tilespmem:s22+$0x1C450] =	vst v32  }
0x1f6: {  	v32 =	vld [tilespmem:s23+$0x460]  }
0x1f7: {  	v60 =	vld [tilespmem:s23+$0x4E0]  }
0x1f8: {  	v61 =	vld [tilespmem:s23+$0x1460]  }
0x1f9: {  	v62 =	vld [tilespmem:s24+$0x460];
	v34 =	vmul.f32 v56, v31;
	v35 =	vmul.f32 v57, v30  }
0x1fa: {  	v33 =	vmul.f32 v58, v29;
	v38 =	vmul.f32 v59, v28;
	_ =	sdelay $0x1  }
0x1fb: {  	v34 =	vadd.f32 v35, v34;
	v33 =	vadd.f32 v38, v33  }
0x1fc: {  	v32 =	vmul.f32 v32, v27;
	v63 =	vmul.f32 v60, v26  }
0x1fd: {  	v42 =	vmul.f32 v61, v25;
	v43 =	vmul.f32 v62, v23;
	v33 =	vadd.f32 v33, v34;
	_ =	sdelay $0x1  }
0x1fe: {  	v32 =	vadd.f32 v63, v32;
	v44 =	vadd.f32 v43, v42;
	[tilespmem:s26+$0x1C410] =	vst v33  }
0x1ff: {  	v45 =	vld [tilespmem:s25+$0x420]  }
0x200: {  	v32 =	vadd.f32 v44, v32;
	v46 =	vld [tilespmem:s25+$0x4A0]  }
0x201: {  	v47 =	vld [tilespmem:s25+$0x1420]  }
0x202: {  	v48 =	vld [tilespmem:s28+$0x420];
	[tilespmem:s22+$0x1C460] =	vst v32  }
0x203: {  	v32 =	vld [tilespmem:s23+$0x470]  }
0x204: {  	v49 =	vld [tilespmem:s23+$0x4F0]  }
0x205: {  	v50 =	vld [tilespmem:s23+$0x1470]  }
0x206: {  	v51 =	vld [tilespmem:s24+$0x470];
	v34 =	vmul.f32 v45, v31;
	v35 =	vmul.f32 v46, v30  }
0x207: {  	v33 =	vmul.f32 v47, v29;
	v38 =	vmul.f32 v48, v28;
	_ =	sdelay $0x1  }
0x208: {  	v34 =	vadd.f32 v35, v34;
	v33 =	vadd.f32 v38, v33  }
0x209: {  	v32 =	vmul.f32 v32, v27;
	v52 =	vmul.f32 v49, v26  }
0x20a: {  	v53 =	vmul.f32 v50, v25;
	v54 =	vmul.f32 v51, v23;
	v33 =	vadd.f32 v33, v34;
	_ =	sdelay $0x1  }
0x20b: {  	v32 =	vadd.f32 v52, v32;
	v55 =	vadd.f32 v54, v53;
	[tilespmem:s26+$0x1C420] =	vst v33  }
0x20c: {  	v56 =	vld [tilespmem:s25+$0x430]  }
0x20d: {  	v32 =	vadd.f32 v55, v32;
	v57 =	vld [tilespmem:s25+$0x4B0]  }
0x20e: {  	v58 =	vld [tilespmem:s25+$0x1430]  }
0x20f: {  	v59 =	vld [tilespmem:s28+$0x430];
	[tilespmem:s22+$0x1C470] =	vst v32  }
0x210: {  	v32 =	vld [tilespmem:s23+$0x800]  }
0x211: {  	v60 =	vld [tilespmem:s23+$0x880]  }
0x212: {  	v61 =	vld [tilespmem:s23+$0x1800]  }
0x213: {  	v62 =	vld [tilespmem:s24+$0x800];
	v34 =	vmul.f32 v56, v31;
	v35 =	vmul.f32 v57, v30  }
0x214: {  	v33 =	vmul.f32 v58, v29;
	v38 =	vmul.f32 v59, v28;
	_ =	sdelay $0x1  }
0x215: {  	v34 =	vadd.f32 v35, v34;
	v33 =	vadd.f32 v38, v33  }
0x216: {  	v32 =	vmul.f32 v32, v27;
	v63 =	vmul.f32 v60, v26  }
0x217: {  	s7 =	simm.s32 $0x2;
	v40 =	vmul.f32 v61, v25;
	v42 =	vmul.f32 v62, v23;
	v33 =	vadd.f32 v33, v34  }
0x218: {  	s13 =	smulhi.u32 $0x24924925, s7  }
0x219: {  	s14 =	smul.u32 $0x25, s7;
	v32 =	vadd.f32 v63, v32;
	v43 =	vadd.f32 v42, v40;
	[tilespmem:s26+$0x1C430] =	vst v33  }
0x21a: {  	v44 =	vld [tilespmem:s25+$0x440]  }
0x21b: {  	s15 =	ssub.s32 $0x2, s13;
	s3 =	sshrl.u32 s14, $0x8;
	v32 =	vadd.f32 v43, v32;
	v45 =	vld [tilespmem:s25+$0x4C0]  }
0x21c: {  	s8 =	sshrl.u32 s15, $0x1;
	s16 =	ssub.s32 $0x2, s3;
	v46 =	vld [tilespmem:s25+$0x1440]  }
0x21d: {  	s0 =	sadd.s32 s13, s8;
	s4 =	sand.u32 $0xFE, s16;
	v47 =	vld [tilespmem:s28+$0x440];
	[tilespmem:s22+$0x1C800] =	vst v32  }
0x21e: {  	s0 =	sshrl.u32 s0, $0x2;
	s8 =	sshrl.u32 s4, $0x1;
	v32 =	vld [tilespmem:s23+$0x810]  }
0x21f: {  	s9 =	smul.u32 $0x1200, s0;
	s3 =	sadd.s32 s3, s8;
	v48 =	vld [tilespmem:s23+$0x890]  }
0x220: {  	s12 =	smul.u32 $0x7, s0;
	s3 =	sand.u32 $0xFC, s3;
	v49 =	vld [tilespmem:s23+$0x1810]  }
0x221: {  	s11 =	sshll.u32 s0, $0x8;
	s0 =	smul.u32 $0x900, s0;
	s3 =	sshrl.u32 s3, $0x2;
	v50 =	vld [tilespmem:s24+$0x810];
	v34 =	vmul.f32 v44, v31;
	v35 =	vmul.f32 v45, v30  }
0x222: {  	s8 =	sadd.s32 $0x200, s11;
	s10 =	sadd.s32 $0x400, s9;
	s11 =	ssub.s32 $0x2, s12;
	v42 =	vmov s3;
	v33 =	vmul.f32 v46, v29;
	v38 =	vmul.f32 v47, v28  }
0x223: {  	s8 =	sand.u32 $0x300, s8;
	s0 =	sadd.s32 $0x200, s0;
	s13 =	sand.u32 $0xFFFFF800, s10;
	v42 =	vperm.xlane v22, v42;
	v43 =	vmov s11  }
0x224: {  	s14 =	sadd.s32 $0x1100, s10;
	s0 =	sadd.s32 $0x880, s0;
	s30 =	sor.u32 s8, s13;
	v43 =	vperm.xlane v24, v43;
	v34 =	vadd.f32 v35, v34;
	v33 =	vadd.f32 v38, v33  }
0x225: {  	s0 =	sand.u32 $0x380, s0;
	v51 =	vld [tilespmem:s30+$0x400];
	s3 =	sand.u32 $0xFFFFF800, s14;
	v52 =	vmul.f32 v32, v27;
	v39 =	vmul.f32 v48, v26  }
0x226: {  	s31 =	sor.u32 s0, s3;
	v44 =	vld [tilespmem:s30+$0x480];
	v53 =	vmul.f32 v49, v25;
	v54 =	vmul.f32 v50, v23;
	v33 =	vadd.f32 v33, v34  }
0x227: {  	v45 =	vld [tilespmem:s31+$0x400];
	v32 =	vmul.f32 v43, v42  }
0x228: {  	v55 =	vld [tilespmem:s30+$0x1400];
	v35 =	vadd.f32 v39, v52;
	v34 =	vadd.f32 v54, v53;
	[tilespmem:s26+$0x1C440] =	vst v33  }
0x229: {  	v56 =	vsub.f32 $1.000000000e+00, v43;
	v33 =	vsub.f32 v42, v32;
	v57 =	vld [tilespmem:s25+$0x450]  }
0x22a: {  	v46 =	vadd.f32 v34, v35;
	v34 =	vsub.f32 v43, v32;
	v58 =	vld [tilespmem:s25+$0x4D0]  }
0x22b: {  	v59 =	vld [tilespmem:s25+$0x1450];
	v35 =	vsub.f32 v56, v33  }
0x22c: {  	v45 =	vmul.f32 v45, v32;
	v60 =	vld [tilespmem:s28+$0x450];
	[tilespmem:s22+$0x1C810] =	vst v46;
	v44 =	vmul.f32 v34, v44  }
0x22d: {  	v41 =	vmul.f32 v55, v33;
	v46 =	vld [tilespmem:s23+$0x820];
	v38 =	vmul.f32 v35, v51  }
0x22e: {  	v47 =	vld [tilespmem:s23+$0x8A0]  }
0x22f: {  	v61 =	vld [tilespmem:s23+$0x1820];
	v41 =	vadd.f32 v45, v41;
	v38 =	vadd.f32 v38, v44  }
0x230: {  	s15 =	simm.s32 $0x200;
	s8 =	simm.s32 $0x100;
	v62 =	vld [tilespmem:s24+$0x820];
	v40 =	vmul.f32 v57, v31;
	v42 =	vmul.f32 v58, v30  }
0x231: {  	s16 =	sand.u32 $0x380, s8;
	s0 =	sand.u32 $0x3800, s15;
	v39 =	vmul.f32 v59, v29;
	v63 =	vmul.f32 v60, v28;
	v38 =	vadd.f32 v41, v38  }
0x232: {  	s0 =	sor.u32 s16, s0  }
0x233: {  	v48 =	vadd.f32 v42, v40;
	v39 =	vadd.f32 v63, v39;
	[tilespmem:s0+$0x1C400] =	vst v38  }
0x234: {  	v50 =	vmul.f32 v46, v27;
	v51 =	vmul.f32 v47, v26;
	v49 =	vld [tilespmem:s30+$0x410]  }
0x235: {  	v53 =	vmul.f32 v61, v25;
	v54 =	vmul.f32 v62, v23;
	v38 =	vadd.f32 v39, v48;
	v52 =	vld [tilespmem:s30+$0x490]  }
0x236: {  	v55 =	vld [tilespmem:s30+$0x1410]  }
0x237: {  	v41 =	vadd.f32 v51, v50;
	v57 =	vadd.f32 v54, v53;
	v56 =	vld [tilespmem:s31+$0x410];
	[tilespmem:s26+$0x1C450] =	vst v38  }
0x238: {  	v58 =	vld [tilespmem:s25+$0x460]  }
0x239: {  	v38 =	vadd.f32 v57, v41;
	v59 =	vld [tilespmem:s25+$0x4E0]  }
0x23a: {  	v60 =	vld [tilespmem:s25+$0x1460]  }
0x23b: {  	v61 =	vld [tilespmem:s28+$0x460];
	[tilespmem:s22+$0x1C820] =	vst v38;
	v40 =	vmul.f32 v49, v35;
	v43 =	vmul.f32 v52, v34  }
0x23c: {  	v63 =	vld [tilespmem:s23+$0x830];
	v62 =	vmul.f32 v55, v33;
	v42 =	vmul.f32 v56, v32  }
0x23d: {  	v48 =	vld [tilespmem:s23+$0x8B0]  }
0x23e: {  	v51 =	vld [tilespmem:s24+$0x830];
	v40 =	vadd.f32 v43, v40;
	v38 =	vadd.f32 v42, v62  }
0x23f: {  	v49 =	vld [tilespmem:s23+$0x1830];
	v39 =	vmul.f32 v58, v31;
	v50 =	vmul.f32 v59, v30  }
0x240: {  	v52 =	vmul.f32 v60, v29;
	v53 =	vmul.f32 v61, v28;
	v38 =	vadd.f32 v38, v40;
	_ =	sdelay $0x1  }
0x241: {  	v54 =	vadd.f32 v50, v39;
	v55 =	vadd.f32 v53, v52;
	[tilespmem:s0+$0x1C410] =	vst v38  }
0x242: {  	v45 =	vmul.f32 v63, v27;
	v57 =	vmul.f32 v48, v26;
	v56 =	vld [tilespmem:s30+$0x420]  }
0x243: {  	v60 =	vmul.f32 v51, v23;
	v59 =	vmul.f32 v49, v25;
	v38 =	vadd.f32 v55, v54;
	v58 =	vld [tilespmem:s30+$0x4A0]  }
0x244: {  	v40 =	vld [tilespmem:s30+$0x1420]  }
0x245: {  	v61 =	vadd.f32 v57, v45;
	v41 =	vld [tilespmem:s31+$0x420];
	v39 =	vadd.f32 v60, v59;
	[tilespmem:s26+$0x1C460] =	vst v38  }
0x246: {  	v62 =	vcvt.s32.f32 v36;
	v36 =	vld [tilespmem:s25+$0x470]  }
0x247: {  	v63 =	vcvt.s32.f32 v37;
	v37 =	vld [tilespmem:s25+$0x4F0];
	v45 =	vadd.f32 v39, v61  }
0x248: {  	s10 =	simm.s32 $0x200;
	s3 =	sshll.u32 s20, $0x1;
	v20 =	vsub.f32 v20, v62;
	v38 =	vld [tilespmem:s25+$0x1470]  }
0x249: {  	s13 =	simm.s32 $0xB80;
	s29 =	sadd.s32 $0x2, s3;
	s11 =	simm.s32 $0x400;
	v21 =	vsub.f32 v21, v63;
	v39 =	vld [tilespmem:s28+$0x470];
	[tilespmem:s22+$0x1C830] =	vst v45;
	v42 =	vmul.f32 v56, v35;
	v43 =	vmul.f32 v58, v34  }
.LBB2_5:
0x24a: {  	p1 =	sne.s32 s13, $0x3880;
	v40 =	vmul.f32 v40, v33;
	v41 =	vmul.f32 v41, v32;
	v44 =	vld [tilespmem:s23+$0x840]  }
0x24b: {  	v45 =	vld [tilespmem:s23+$0x8C0]  }
0x24c: {  	v42 =	vadd.f32 v43, v42;
	v40 =	vadd.f32 v41, v40;
	v41 =	vld [tilespmem:s23+$0x1840]  }
0x24d: {  	v36 =	vmul.f32 v36, v31;
	v37 =	vmul.f32 v37, v30;
	v43 =	vld [tilespmem:s24+$0x840]  }
0x24e: {  	v38 =	vmul.f32 v38, v29;
	v40 =	vadd.f32 v40, v42;
	v39 =	vmul.f32 v39, v28;
	_ =	sdelay $0x1  }
0x24f: {  	v36 =	vadd.f32 v37, v36;
	[tilespmem:s0+$0x1C420] =	vst v40;
	v37 =	vadd.f32 v39, v38  }
0x250: {  	v39 =	vmul.f32 v44, v27;
	v40 =	vmul.f32 v45, v26;
	v38 =	vld [tilespmem:s30+$0x430]  }
0x251: {  	v42 =	vld [tilespmem:s30+$0x4B0];
	v36 =	vadd.f32 v37, v36;
	v37 =	vmul.f32 v41, v25;
	v41 =	vmul.f32 v43, v23  }
0x252: {  	s7 =	sadd.s32 $0x1, s7;
	v43 =	vld [tilespmem:s30+$0x1430]  }
0x253: {  	s14 =	smulhi.u32 $0x24924925, s7;
	v44 =	vld [tilespmem:s31+$0x430];
	[tilespmem:s26+$0x1C470] =	vst v36;
	v36 =	vadd.f32 v40, v39;
	v37 =	vadd.f32 v41, v37  }
0x254: {  	v39 =	vld [tilespmem:s25+$0x800]  }
0x255: {  	s15 =	ssub.s32 s7, s14;
	v40 =	vld [tilespmem:s25+$0x880];
	v36 =	vadd.f32 v37, v36  }
0x256: {  	s15 =	sshrl.u32 s15, $0x1;
	v37 =	vld [tilespmem:s25+$0x1800]  }
0x257: {  	s14 =	sadd.s32 s14, s15;
	v38 =	vmul.f32 v38, v35;
	v41 =	vmul.f32 v42, v34;
	v42 =	vld [tilespmem:s28+$0x800];
	[tilespmem:s22+$0x1C840] =	vst v36  }
0x258: {  	s15 =	sshrl.u32 s14, $0x2;
	v36 =	vmul.f32 v43, v33;
	v43 =	vmul.f32 v44, v32;
	v44 =	vld [tilespmem:s23+$0x850]  }
0x259: {  	s14 =	smul.u32 $0x1200, s15;
	v45 =	vld [tilespmem:s23+$0x8D0]  }
0x25a: {  	s10 =	sadd.s32 $0x100, s10;
	s11 =	sadd.s32 $0x200, s11;
	s16 =	sshll.u32 s15, $0x8;
	v38 =	vadd.f32 v41, v38;
	v36 =	vadd.f32 v43, v36;
	v41 =	vld [tilespmem:s23+$0x1850]  }
0x25b: {  	s12 =	sadd.s32 s16, s10;
	s16 =	sadd.s32 s14, s11;
	v39 =	vmul.f32 v39, v31;
	v40 =	vmul.f32 v40, v30;
	v43 =	vld [tilespmem:s24+$0x850]  }
0x25c: {  	s12 =	sand.u32 $0x300, s12;
	s14 =	sand.u32 $0xFFFFF800, s16;
	v37 =	vmul.f32 v37, v29;
	v36 =	vadd.f32 v36, v38;
	v38 =	vmul.f32 v42, v28  }
0x25d: {  	s14 =	sor.u32 s12, s14  }
0x25e: {  	s12 =	smul.u32 $0x25, s7;
	v42 =	vld [tilespmem:s14+$0x400];
	[tilespmem:s0+$0x1C430] =	vst v36;
	v36 =	vadd.f32 v40, v39;
	v37 =	vadd.f32 v38, v37  }
0x25f: {  	v39 =	vmul.f32 v44, v27;
	v40 =	vmul.f32 v45, v26;
	v38 =	vld [tilespmem:s30+$0x440]  }
0x260: {  	s12 =	sshrl.u32 s12, $0x8;
	v44 =	vld [tilespmem:s30+$0x4C0];
	v36 =	vadd.f32 v37, v36;
	v37 =	vmul.f32 v41, v25;
	v41 =	vmul.f32 v43, v23  }
0x261: {  	s9 =	ssub.s32 s7, s12;
	v43 =	vld [tilespmem:s30+$0x1440]  }
0x262: {  	s9 =	sand.u32 $0xFE, s9;
	v45 =	vld [tilespmem:s31+$0x440];
	[tilespmem:s26+$0x1C800] =	vst v36;
	v36 =	vadd.f32 v40, v39;
	v37 =	vadd.f32 v41, v37  }
0x263: {  	s9 =	sshrl.u32 s9, $0x1;
	v39 =	vld [tilespmem:s25+$0x810]  }
0x264: {  	s9 =	sadd.s32 s12, s9;
	v40 =	vld [tilespmem:s25+$0x890];
	v36 =	vadd.f32 v37, v36  }
0x265: {  	s12 =	smul.u32 $0x7, s15;
	s9 =	sand.u32 $0xFC, s9;
	v37 =	vld [tilespmem:s25+$0x1810]  }
0x266: {  	s9 =	sshrl.u32 s9, $0x2;
	v38 =	vmul.f32 v38, v35;
	v41 =	vmul.f32 v44, v34;
	v44 =	vld [tilespmem:s28+$0x810];
	[tilespmem:s22+$0x1C850] =	vst v36  }
0x267: {  	s4 =	smul.u32 $0x900, s15;
	s12 =	ssub.s32 s7, s12;
	v36 =	vmov s9;
	v43 =	vmul.f32 v43, v33;
	v45 =	vmul.f32 v45, v32;
	v46 =	vld [tilespmem:s23+$0x860]  }
0x268: {  	s15 =	sadd.s32 $0xFFFFF780, s13;
	v47 =	vmov s12;
	v36 =	vperm.xlane v22, v36;
	v48 =	vld [tilespmem:s23+$0x8E0]  }
0x269: {  	s4 =	sadd.s32 s15, s4;
	v47 =	vperm.xlane v24, v47;
	v38 =	vadd.f32 v41, v38;
	v41 =	vadd.f32 v45, v43;
	v43 =	vld [tilespmem:s23+$0x1860]  }
0x26a: {  	s4 =	sadd.s32 $0x880, s4;
	s9 =	sadd.s32 $0x1100, s16;
	v39 =	vmul.f32 v39, v31;
	v40 =	vmul.f32 v40, v30;
	v45 =	vld [tilespmem:s24+$0x860]  }
0x26b: {  	s4 =	sand.u32 $0x380, s4;
	s9 =	sand.u32 $0xFFFFF800, s9;
	v37 =	vmul.f32 v37, v29;
	v49 =	vld [tilespmem:s14+$0x480];
	v38 =	vadd.f32 v41, v38;
	v41 =	vmul.f32 v44, v28  }
0x26c: {  	v50 =	vsub.f32 $1.000000000e+00, v47;
	s16 =	sor.u32 s4, s9;
	v44 =	vmul.f32 v47, v36;
	v51 =	vld [tilespmem:s14+$0x1400]  }
0x26d: {  	v52 =	vld [tilespmem:s16+$0x400];
	[tilespmem:s0+$0x1C440] =	vst v38;
	v38 =	vadd.f32 v40, v39;
	v37 =	vadd.f32 v41, v37  }
0x26e: {  	v36 =	vsub.f32 v36, v44;
	v40 =	vmul.f32 v46, v27;
	v41 =	vmul.f32 v48, v26;
	v39 =	vld [tilespmem:s30+$0x450]  }
0x26f: {  	v46 =	vld [tilespmem:s30+$0x4D0];
	v37 =	vadd.f32 v37, v38;
	v38 =	vmul.f32 v43, v25;
	v43 =	vmul.f32 v45, v23  }
0x270: {  	v45 =	vsub.f32 v47, v44;
	v47 =	vsub.f32 v50, v36;
	v48 =	vld [tilespmem:s30+$0x1450]  }
0x271: {  	v50 =	vld [tilespmem:s31+$0x450];
	[tilespmem:s26+$0x1C810] =	vst v37;
	v37 =	vadd.f32 v41, v40;
	v38 =	vadd.f32 v43, v38  }
0x272: {  	v40 =	vmul.f32 v45, v49;
	v41 =	vmul.f32 v51, v36;
	v43 =	vld [tilespmem:s25+$0x820]  }
0x273: {  	v42 =	vmul.f32 v47, v42;
	v49 =	vmul.f32 v52, v44;
	v51 =	vld [tilespmem:s25+$0x8A0];
	v37 =	vadd.f32 v38, v37  }
0x274: {  	v38 =	vld [tilespmem:s25+$0x1820]  }
0x275: {  	v40 =	vadd.f32 v42, v40;
	v41 =	vadd.f32 v49, v41;
	v42 =	vld [tilespmem:s28+$0x820];
	[tilespmem:s22+$0x1C860] =	vst v37  }
0x276: {  	s8 =	sadd.s32 $0x80, s8;
	v37 =	vmul.f32 v39, v35;
	v39 =	vmul.f32 v46, v34;
	v46 =	vld [tilespmem:s23+$0x870]  }
0x277: {  	s4 =	sand.u32 $0x3800, s15;
	s9 =	sand.u32 $0x380, s8;
	v40 =	vadd.f32 v41, v40;
	v41 =	vmul.f32 v48, v33;
	v48 =	vmul.f32 v50, v32;
	v49 =	vld [tilespmem:s23+$0x8F0]  }
0x278: {  	s15 =	sor.u32 s9, s4;
	v50 =	vld [tilespmem:s23+$0x1870];
	s23 =	smov.u32 s25;
	s25 =	smov.u32 s30  }
0x279: {  	v37 =	vadd.f32 v39, v37;
	v39 =	vadd.f32 v48, v41;
	s30 =	smov.u32 s14;
	[tilespmem:s15+$0x1C400] =	vst v40;
	v40 =	vld [tilespmem:s24+$0x870];
	s24 =	smov.u32 s28;
	s28 =	smov.u32 s31  }
0x27a: {  	v43 =	vmul.f32 v43, v31;
	v48 =	vmul.f32 v51, v30;
	s31 =	smov.u32 s16;
	v41 =	vld [tilespmem:s30+$0x410]  }
0x27b: {  	v38 =	vmul.f32 v38, v29;
	v37 =	vadd.f32 v39, v37;
	v39 =	vmul.f32 v42, v28;
	v51 =	vld [tilespmem:s30+$0x490]  }
0x27c: {  	v43 =	vadd.f32 v48, v43;
	v42 =	vld [tilespmem:s30+$0x1410]  }
0x27d: {  	v52 =	vmul.f32 v46, v27;
	v48 =	vld [tilespmem:s31+$0x410];
	[tilespmem:s0+$0x1C450] =	vst v37;
	v37 =	vadd.f32 v39, v38;
	v38 =	vmul.f32 v49, v26  }
0x27e: {  	v46 =	vmul.f32 v50, v25;
	v39 =	vld [tilespmem:s25+$0x460];
	v40 =	vmul.f32 v40, v23;
	v23 =	vmovc v28;
	v28 =	vmovc v32;
	v32 =	vmov v44  }
0x27f: {  	v25 =	vmovc v29;
	v29 =	vmovc v33;
	v33 =	vmov v36;
	v26 =	vmov v30;
	v44 =	vld [tilespmem:s25+$0x4E0];
	v37 =	vadd.f32 v37, v43  }
0x280: {  	v27 =	vmovc v31;
	v30 =	vmovc v34;
	v34 =	vmov v45;
	v38 =	vadd.f32 v38, v52;
	v36 =	vld [tilespmem:s25+$0x1460];
	v40 =	vadd.f32 v40, v46  }
0x281: {  	v31 =	vmovc v35;
	v35 =	vmov v47;
	v41 =	vmul.f32 v41, v47;
	v43 =	vmul.f32 v51, v34;
	v45 =	vld [tilespmem:s28+$0x460];
	[tilespmem:s26+$0x1C820] =	vst v37  }
0x282: {  	v37 =	vmul.f32 v42, v33;
	v42 =	vmul.f32 v48, v32;
	v46 =	vld [tilespmem:s23+$0x830];
	v38 =	vadd.f32 v40, v38  }
0x283: {  	v40 =	vld [tilespmem:s23+$0x8B0]  }
0x284: {  	v41 =	vadd.f32 v43, v41;
	v37 =	vadd.f32 v42, v37;
	v42 =	vld [tilespmem:s23+$0x1830];
	[tilespmem:s22+$0x1C870] =	vst v38;
	s22 =	smov.u32 s26;
	s26 =	smov.u32 s0;
	s0 =	smov.u32 s15  }
0x285: {  	v38 =	vmul.f32 v39, v31;
	v39 =	vmul.f32 v44, v30;
	v43 =	vld [tilespmem:s24+$0x830]  }
0x286: {  	v36 =	vmul.f32 v36, v29;
	v37 =	vadd.f32 v37, v41;
	v41 =	vmul.f32 v45, v28;
	_ =	sdelay $0x1  }
0x287: {  	[tilespmem:s0+$0x1C410] =	vst v37;
	v37 =	vadd.f32 v39, v38;
	v36 =	vadd.f32 v41, v36  }
0x288: {  	v38 =	vmul.f32 v46, v27;
	v44 =	vmul.f32 v40, v26;
	v39 =	vld [tilespmem:s30+$0x420]  }
0x289: {  	v45 =	vld [tilespmem:s30+$0x4A0];
	v36 =	vadd.f32 v36, v37;
	v37 =	vmul.f32 v42, v25;
	v42 =	vmul.f32 v43, v23  }
0x28a: {  	v40 =	vld [tilespmem:s30+$0x1420]  }
.Ltmp5:
0x28b: {  	v38 =	vadd.f32 v44, v38;
	v41 =	vld [tilespmem:s31+$0x420];
	[tilespmem:s26+$0x1C460] =	vst v36;
	v42 =	vadd.f32 v42, v37;
	(pc) =	sbr.rel @p1 .LBB2_5-.Ltmp5, $4  }
0x28c: {  	v36 =	vld [tilespmem:s25+$0x470]  }
0x28d: {  	v37 =	vld [tilespmem:s25+$0x4F0];
	v44 =	vadd.f32 v42, v38  }
0x28e: {  	v38 =	vld [tilespmem:s25+$0x1470]  }
0x28f: {  	s13 =	sadd.s32 $0x100, s13;
	v42 =	vmul.f32 v39, v35;
	v43 =	vmul.f32 v45, v34;
	v39 =	vld [tilespmem:s28+$0x470];
	[tilespmem:s22+$0x1C830] =	vst v44  }
0x290: {  	v22 =	vmul.f32 v40, v33;
	v24 =	vmul.f32 v41, v32;
	_ =	sdelay $0x1  }
0x291: {  	v45 =	vadd.f32 v43, v42;
	v22 =	vadd.f32 v24, v22;
	_ =	sdelay $0x1  }
0x292: {  	v22 =	vadd.f32 v22, v45;
	_ =	sdelay $0x1  }
0x293: {  	[tilespmem:s0+$0x1C420] =	vst v22  }
0x294: {  	v22 =	vld [tilespmem:s30+$0x430]  }
0x295: {  	v24 =	vld [tilespmem:s30+$0x4B0]  }
0x296: {  	v46 =	vld [tilespmem:s30+$0x1430]  }
0x297: {  	v47 =	vld [tilespmem:s31+$0x430];
	_ =	sdelay $0x3  }
0x298: {  	v22 =	vmul.f32 v22, v35;
	v24 =	vmul.f32 v24, v34  }
0x299: {  	v40 =	vmul.f32 v46, v33;
	v41 =	vmul.f32 v47, v32;
	_ =	sdelay $0x1  }
0x29a: {  	v22 =	vadd.f32 v24, v22;
	v24 =	vadd.f32 v41, v40;
	_ =	sdelay $0x1  }
0x29b: {  	v22 =	vadd.f32 v24, v22;
	_ =	sdelay $0x1  }
0x29c: {  	[tilespmem:s0+$0x1C430] =	vst v22  }
0x29d: {  	v22 =	vld [tilespmem:s30+$0x440]  }
0x29e: {  	v24 =	vld [tilespmem:s30+$0x4C0]  }
0x29f: {  	v48 =	vld [tilespmem:s30+$0x1440]  }
0x2a0: {  	v49 =	vld [tilespmem:s31+$0x440];
	_ =	sdelay $0x3  }
0x2a1: {  	v22 =	vmul.f32 v22, v35;
	v24 =	vmul.f32 v24, v34  }
0x2a2: {  	v40 =	vmul.f32 v48, v33;
	v41 =	vmul.f32 v49, v32;
	_ =	sdelay $0x1  }
0x2a3: {  	v22 =	vadd.f32 v24, v22;
	v24 =	vadd.f32 v41, v40;
	_ =	sdelay $0x1  }
0x2a4: {  	v22 =	vadd.f32 v24, v22;
	_ =	sdelay $0x1  }
0x2a5: {  	[tilespmem:s0+$0x1C440] =	vst v22  }
0x2a6: {  	v22 =	vld [tilespmem:s30+$0x450]  }
0x2a7: {  	v24 =	vld [tilespmem:s30+$0x4D0]  }
0x2a8: {  	v50 =	vld [tilespmem:s30+$0x1450]  }
0x2a9: {  	v51 =	vld [tilespmem:s31+$0x450];
	_ =	sdelay $0x3  }
0x2aa: {  	v22 =	vmul.f32 v22, v35;
	v24 =	vmul.f32 v24, v34  }
0x2ab: {  	v40 =	vmul.f32 v50, v33;
	v41 =	vmul.f32 v51, v32;
	_ =	sdelay $0x1  }
0x2ac: {  	v22 =	vadd.f32 v24, v22;
	v24 =	vadd.f32 v41, v40;
	_ =	sdelay $0x1  }
0x2ad: {  	v22 =	vadd.f32 v24, v22;
	_ =	sdelay $0x1  }
0x2ae: {  	[tilespmem:s0+$0x1C450] =	vst v22  }
0x2af: {  	v22 =	vld [tilespmem:s30+$0x460]  }
0x2b0: {  	v24 =	vld [tilespmem:s30+$0x4E0]  }
0x2b1: {  	v52 =	vld [tilespmem:s30+$0x1460]  }
0x2b2: {  	v53 =	vld [tilespmem:s31+$0x460];
	_ =	sdelay $0x3  }
0x2b3: {  	v22 =	vmul.f32 v22, v35;
	v24 =	vmul.f32 v24, v34  }
0x2b4: {  	v40 =	vmul.f32 v52, v33;
	v41 =	vmul.f32 v53, v32;
	_ =	sdelay $0x1  }
0x2b5: {  	v22 =	vadd.f32 v24, v22;
	v24 =	vadd.f32 v41, v40;
	_ =	sdelay $0x1  }
0x2b6: {  	v22 =	vadd.f32 v24, v22;
	_ =	sdelay $0x1  }
0x2b7: {  	[tilespmem:s0+$0x1C460] =	vst v22  }
0x2b8: {  	v22 =	vld [tilespmem:s30+$0x470]  }
0x2b9: {  	v24 =	vld [tilespmem:s30+$0x4F0]  }
0x2ba: {  	v54 =	vld [tilespmem:s30+$0x1470]  }
0x2bb: {  	v36 =	vmul.f32 v36, v31;
	v37 =	vmul.f32 v37, v30;
	v55 =	vld [tilespmem:s31+$0x470]  }
0x2bc: {  	v38 =	vmul.f32 v38, v29;
	v39 =	vmul.f32 v39, v28;
	_ =	sdelay $0x1  }
0x2bd: {  	v36 =	vadd.f32 v37, v36;
	v56 =	vadd.f32 v39, v38  }
0x2be: {  	v22 =	vmul.f32 v22, v35;
	v24 =	vmul.f32 v24, v34  }
0x2bf: {  	v36 =	vadd.f32 v56, v36;
	v57 =	vmul.f32 v54, v33;
	v58 =	vmul.f32 v55, v32;
	_ =	sdelay $0x1  }
0x2c0: {  	[tilespmem:s26+$0x1C470] =	vst v36;
	v22 =	vadd.f32 v24, v22;
	v24 =	vadd.f32 v58, v57  }
0x2c1: {  	v36 =	vld [tilespmem:s25+$0x800]  }
0x2c2: {  	v59 =	vld [tilespmem:s25+$0x880];
	v22 =	vadd.f32 v24, v22  }
0x2c3: {  	v60 =	vld [tilespmem:s28+$0x800]  }
0x2c4: {  	v24 =	vld [tilespmem:s25+$0x1800];
	[tilespmem:s0+$0x1C470] =	vst v22  }
0x2c5: {  	v22 =	vld [tilespmem:s30+$0x800]  }
0x2c6: {  	v61 =	vld [tilespmem:s30+$0x880]  }
0x2c7: {  	v62 =	vld [tilespmem:s30+$0x1800]  }
0x2c8: {  	v36 =	vmul.f32 v36, v31;
	v37 =	vmul.f32 v59, v30;
	v63 =	vld [tilespmem:s31+$0x800]  }
0x2c9: {  	v38 =	vmul.f32 v60, v28;
	v24 =	vmul.f32 v24, v29;
	_ =	sdelay $0x1  }
0x2ca: {  	v36 =	vadd.f32 v37, v36;
	v24 =	vadd.f32 v38, v24  }
0x2cb: {  	v22 =	vmul.f32 v22, v35;
	v42 =	vmul.f32 v61, v34  }
0x2cc: {  	v43 =	vmul.f32 v62, v33;
	v44 =	vmul.f32 v63, v32;
	v24 =	vadd.f32 v24, v36;
	_ =	sdelay $0x1  }
0x2cd: {  	v22 =	vadd.f32 v42, v22;
	[tilespmem:s26+$0x1C800] =	vst v24;
	v24 =	vadd.f32 v44, v43  }
0x2ce: {  	v45 =	vld [tilespmem:s25+$0x810]  }
0x2cf: {  	v46 =	vld [tilespmem:s25+$0x890];
	v22 =	vadd.f32 v24, v22  }
0x2d0: {  	v47 =	vld [tilespmem:s28+$0x810]  }
0x2d1: {  	v24 =	vld [tilespmem:s25+$0x1810];
	[tilespmem:s0+$0x1C800] =	vst v22  }
0x2d2: {  	v22 =	vld [tilespmem:s30+$0x810]  }
0x2d3: {  	v48 =	vld [tilespmem:s30+$0x890]  }
0x2d4: {  	v49 =	vld [tilespmem:s30+$0x1810]  }
0x2d5: {  	v50 =	vld [tilespmem:s31+$0x810];
	v36 =	vmul.f32 v45, v31;
	v37 =	vmul.f32 v46, v30  }
0x2d6: {  	v38 =	vmul.f32 v47, v28;
	v24 =	vmul.f32 v24, v29;
	_ =	sdelay $0x1  }
0x2d7: {  	v36 =	vadd.f32 v37, v36;
	v24 =	vadd.f32 v38, v24  }
0x2d8: {  	v22 =	vmul.f32 v22, v35;
	v51 =	vmul.f32 v48, v34  }
0x2d9: {  	v52 =	vmul.f32 v49, v33;
	v53 =	vmul.f32 v50, v32;
	v24 =	vadd.f32 v24, v36;
	_ =	sdelay $0x1  }
0x2da: {  	v22 =	vadd.f32 v51, v22;
	[tilespmem:s26+$0x1C810] =	vst v24;
	v24 =	vadd.f32 v53, v52  }
0x2db: {  	v54 =	vld [tilespmem:s25+$0x820]  }
0x2dc: {  	v55 =	vld [tilespmem:s25+$0x8A0];
	v22 =	vadd.f32 v24, v22  }
0x2dd: {  	v56 =	vld [tilespmem:s28+$0x820]  }
0x2de: {  	v24 =	vld [tilespmem:s25+$0x1820];
	[tilespmem:s0+$0x1C810] =	vst v22  }
0x2df: {  	v22 =	vld [tilespmem:s30+$0x820]  }
0x2e0: {  	v57 =	vld [tilespmem:s30+$0x8A0]  }
0x2e1: {  	v58 =	vld [tilespmem:s30+$0x1820]  }
0x2e2: {  	v59 =	vld [tilespmem:s31+$0x820];
	v36 =	vmul.f32 v54, v31;
	v37 =	vmul.f32 v55, v30  }
0x2e3: {  	v38 =	vmul.f32 v56, v28;
	v24 =	vmul.f32 v24, v29;
	_ =	sdelay $0x1  }
0x2e4: {  	v36 =	vadd.f32 v37, v36;
	v24 =	vadd.f32 v38, v24  }
0x2e5: {  	v22 =	vmul.f32 v22, v35;
	v60 =	vmul.f32 v57, v34  }
0x2e6: {  	v61 =	vmul.f32 v58, v33;
	v62 =	vmul.f32 v59, v32;
	v24 =	vadd.f32 v24, v36;
	_ =	sdelay $0x1  }
0x2e7: {  	v22 =	vadd.f32 v60, v22;
	[tilespmem:s26+$0x1C820] =	vst v24;
	v24 =	vadd.f32 v62, v61  }
0x2e8: {  	v63 =	vld [tilespmem:s25+$0x830]  }
0x2e9: {  	v44 =	vld [tilespmem:s25+$0x8B0];
	v22 =	vadd.f32 v24, v22  }
0x2ea: {  	v45 =	vld [tilespmem:s28+$0x830]  }
0x2eb: {  	v24 =	vld [tilespmem:s25+$0x1830];
	[tilespmem:s0+$0x1C820] =	vst v22  }
0x2ec: {  	v22 =	vld [tilespmem:s30+$0x830]  }
0x2ed: {  	v46 =	vld [tilespmem:s30+$0x8B0]  }
0x2ee: {  	v47 =	vld [tilespmem:s30+$0x1830]  }
0x2ef: {  	v48 =	vld [tilespmem:s31+$0x830];
	v36 =	vmul.f32 v63, v31;
	v37 =	vmul.f32 v44, v30  }
0x2f0: {  	v38 =	vmul.f32 v45, v28;
	v24 =	vmul.f32 v24, v29;
	_ =	sdelay $0x1  }
0x2f1: {  	v36 =	vadd.f32 v37, v36;
	v24 =	vadd.f32 v38, v24  }
0x2f2: {  	v49 =	vld [tilespmem:s23+$0x840];
	v22 =	vmul.f32 v22, v35;
	v50 =	vmul.f32 v46, v34  }
0x2f3: {  	v51 =	vld [tilespmem:s23+$0x8C0];
	v52 =	vmul.f32 v47, v33;
	v53 =	vmul.f32 v48, v32;
	v24 =	vadd.f32 v24, v36  }
0x2f4: {  	v55 =	vld [tilespmem:s24+$0x840]  }
0x2f5: {  	v54 =	vld [tilespmem:s23+$0x1840];
	v22 =	vadd.f32 v50, v22;
	[tilespmem:s26+$0x1C830] =	vst v24;
	v24 =	vadd.f32 v53, v52  }
0x2f6: {  	v56 =	vld [tilespmem:s25+$0x840]  }
0x2f7: {  	v57 =	vld [tilespmem:s25+$0x8C0];
	v22 =	vadd.f32 v24, v22  }
0x2f8: {  	v58 =	vld [tilespmem:s28+$0x840]  }
0x2f9: {  	v39 =	vmul.f32 v51, v26;
	v59 =	vmul.f32 v55, v23;
	v24 =	vld [tilespmem:s25+$0x1840];
	[tilespmem:s0+$0x1C830] =	vst v22  }
0x2fa: {  	v37 =	vmul.f32 v49, v27;
	v22 =	vmul.f32 v54, v25;
	v60 =	vld [tilespmem:s30+$0x840]  }
0x2fb: {  	v61 =	vld [tilespmem:s30+$0x8C0]  }
0x2fc: {  	v37 =	vadd.f32 v39, v37;
	v62 =	vld [tilespmem:s30+$0x1840];
	v22 =	vadd.f32 v59, v22  }
0x2fd: {  	v63 =	vld [tilespmem:s31+$0x840];
	v36 =	vmul.f32 v56, v31;
	v38 =	vmul.f32 v57, v30  }
0x2fe: {  	v44 =	vmul.f32 v58, v28;
	v24 =	vmul.f32 v24, v29;
	v22 =	vadd.f32 v22, v37;
	_ =	sdelay $0x1  }
0x2ff: {  	v24 =	vadd.f32 v44, v24;
	[tilespmem:s22+$0x1C840] =	vst v22;
	v22 =	vadd.f32 v38, v36  }
0x300: {  	v46 =	vmul.f32 v60, v35;
	v47 =	vmul.f32 v61, v34;
	v45 =	vld [tilespmem:s23+$0x850]  }
0x301: {  	v49 =	vmul.f32 v63, v32;
	v48 =	vld [tilespmem:s23+$0x8D0];
	v22 =	vadd.f32 v24, v22;
	v24 =	vmul.f32 v62, v33  }
0x302: {  	v50 =	vld [tilespmem:s23+$0x1850]  }
0x303: {  	v51 =	vld [tilespmem:s24+$0x850];
	[tilespmem:s26+$0x1C840] =	vst v22;
	v22 =	vadd.f32 v47, v46;
	v24 =	vadd.f32 v49, v24  }
0x304: {  	v52 =	vld [tilespmem:s25+$0x850]  }
0x305: {  	v53 =	vld [tilespmem:s25+$0x8D0];
	v22 =	vadd.f32 v24, v22  }
0x306: {  	v55 =	vld [tilespmem:s28+$0x850]  }
0x307: {  	v24 =	vld [tilespmem:s25+$0x1850];
	v36 =	vmul.f32 v45, v27;
	v54 =	vmul.f32 v48, v26;
	[tilespmem:s0+$0x1C840] =	vst v22  }
0x308: {  	v56 =	vmul.f32 v51, v23;
	v22 =	vmul.f32 v50, v25;
	v57 =	vld [tilespmem:s30+$0x850]  }
0x309: {  	v58 =	vld [tilespmem:s30+$0x8D0]  }
0x30a: {  	v36 =	vadd.f32 v54, v36;
	v59 =	vld [tilespmem:s30+$0x1850];
	v22 =	vadd.f32 v56, v22  }
0x30b: {  	v60 =	vld [tilespmem:s31+$0x850];
	v37 =	vmul.f32 v52, v31;
	v38 =	vmul.f32 v53, v30  }
0x30c: {  	v61 =	vmul.f32 v55, v28;
	v24 =	vmul.f32 v24, v29;
	v22 =	vadd.f32 v22, v36;
	_ =	sdelay $0x1  }
0x30d: {  	v24 =	vadd.f32 v61, v24;
	[tilespmem:s22+$0x1C850] =	vst v22;
	v22 =	vadd.f32 v38, v37  }
0x30e: {  	v63 =	vmul.f32 v57, v35;
	v45 =	vmul.f32 v58, v34;
	v62 =	vld [tilespmem:s23+$0x860]  }
0x30f: {  	v47 =	vmul.f32 v60, v32;
	v46 =	vld [tilespmem:s23+$0x8E0];
	v22 =	vadd.f32 v24, v22;
	v24 =	vmul.f32 v59, v33  }
0x310: {  	v48 =	vld [tilespmem:s23+$0x1860]  }
0x311: {  	v49 =	vld [tilespmem:s24+$0x860];
	[tilespmem:s26+$0x1C850] =	vst v22;
	v22 =	vadd.f32 v45, v63;
	v24 =	vadd.f32 v47, v24  }
0x312: {  	v50 =	vld [tilespmem:s25+$0x860]  }
0x313: {  	v51 =	vld [tilespmem:s25+$0x8E0];
	v22 =	vadd.f32 v24, v22  }
0x314: {  	v53 =	vld [tilespmem:s28+$0x860]  }
0x315: {  	v24 =	vld [tilespmem:s25+$0x1860];
	v36 =	vmul.f32 v62, v27;
	v52 =	vmul.f32 v46, v26;
	[tilespmem:s0+$0x1C850] =	vst v22  }
0x316: {  	v54 =	vmul.f32 v49, v23;
	v22 =	vmul.f32 v48, v25;
	v55 =	vld [tilespmem:s30+$0x860]  }
0x317: {  	v56 =	vld [tilespmem:s30+$0x8E0]  }
0x318: {  	v36 =	vadd.f32 v52, v36;
	v57 =	vld [tilespmem:s30+$0x1860];
	v22 =	vadd.f32 v54, v22  }
0x319: {  	v58 =	vld [tilespmem:s31+$0x860];
	v37 =	vmul.f32 v50, v31;
	v38 =	vmul.f32 v51, v30  }
0x31a: {  	v59 =	vmul.f32 v53, v28;
	v24 =	vmul.f32 v24, v29;
	v22 =	vadd.f32 v22, v36;
	_ =	sdelay $0x1  }
0x31b: {  	v24 =	vadd.f32 v59, v24;
	[tilespmem:s22+$0x1C860] =	vst v22;
	v22 =	vadd.f32 v38, v37  }
0x31c: {  	v61 =	vmul.f32 v55, v35;
	v62 =	vmul.f32 v56, v34;
	v60 =	vld [tilespmem:s23+$0x870]  }
0x31d: {  	v48 =	vmul.f32 v58, v32;
	v63 =	vld [tilespmem:s23+$0x8F0];
	v22 =	vadd.f32 v24, v22;
	v24 =	vmul.f32 v57, v33  }
0x31e: {  	v49 =	vld [tilespmem:s23+$0x1870]  }
0x31f: {  	v50 =	vld [tilespmem:s24+$0x870];
	[tilespmem:s26+$0x1C860] =	vst v22;
	v22 =	vadd.f32 v62, v61;
	v24 =	vadd.f32 v48, v24  }
0x320: {  	v51 =	vld [tilespmem:s25+$0x870]  }
0x321: {  	v52 =	vld [tilespmem:s25+$0x8F0];
	v22 =	vadd.f32 v24, v22  }
0x322: {  	v53 =	vld [tilespmem:s28+$0x870]  }
0x323: {  	v24 =	vld [tilespmem:s25+$0x1870];
	[tilespmem:s0+$0x1C860] =	vst v22  }
0x324: {  	v22 =	vld [tilespmem:s30+$0x870]  }
0x325: {  	v54 =	vld [tilespmem:s30+$0x8F0]  }
0x326: {  	v44 =	vld [tilespmem:s30+$0x1870]  }
0x327: {  	v27 =	vmul.f32 v60, v27;
	v26 =	vmul.f32 v63, v26;
	v55 =	vld [tilespmem:s31+$0x870]  }
0x328: {  	v25 =	vmul.f32 v49, v25;
	v23 =	vmul.f32 v50, v23  }
0x329: {  	v26 =	vadd.f32 v26, v27;
	v27 =	vmul.f32 v51, v31;
	v56 =	vmul.f32 v52, v30  }
0x32a: {  	v23 =	vadd.f32 v23, v25;
	v25 =	vmul.f32 v53, v28;
	v24 =	vmul.f32 v24, v29  }
0x32b: {  	v22 =	vmul.f32 v22, v35;
	v57 =	vmul.f32 v54, v34  }
0x32c: {  	v23 =	vadd.f32 v23, v26;
	v26 =	vmul.f32 v44, v33;
	v58 =	vmul.f32 v55, v32  }
0x32d: {  	s4 =	rddreg [dreg:$0x4];
	v27 =	vadd.f32 v56, v27;
	v24 =	vadd.f32 v25, v24  }
0x32e: {  	s3 =	sadd.s32 s4, s3;
	v22 =	vadd.f32 v57, v22;
	v25 =	vadd.f32 v58, v26  }
0x32f: {  	s3 =	smul.u32 $0x3800, s3;
	v24 =	vadd.f32 v24, v27  }
0x330: {  	[tilespmem:s22+$0x1C870] =	vst v23;
	v22 =	vadd.f32 v25, v22  }
0x331: {  	p1 =	slt.s32 s29, $0x1F;
	s3 =	sshrl.u32 s3, $0x3;
	[tilespmem:s26+$0x1C870] =	vst v24  }
0x332: {  	s31 =	simm.s32 $0x1C400;
	s30 =	sadd.s32 s5, s3;
	[tilespmem:s0+$0x1C870] =	vst v22;
	s0 =	smov.u32 s29  }
0x333: {  	[hbm4b:s30+s2] =	stream.linear.scatter [tilespmem:s31], [sflag:$0x3], $0x3800, $0x38;
	[tilespmem:$0x1FC00] =	vst v63  }
0x334: {  	s0 =	simm.s32 @!p1 $0x1F  }
0x335: {  	s0 =	sshll.u32 s0, $0x6  }
0x336: {  	s0 =	sshra.s32 s0, $0x2  }
0x337: {  	v22 =	vld [tilespmem:s0+$0x0];
	_ =	sdelay $0x4  }
0x338: {  	v23 =	vperm.xlane v22, v0;
	v24 =	vperm.xlane v22, v2;
	_ =	sdelay $0x1  }
0x339: {  	v24 =	vsub.f32 v24, v23  }
0x33a: {  	v25 =	vperm.xlane v22, v1;
	v22 =	vperm.xlane v22, v3  }
0x33b: {  	v24 =	vmul.f32 v4, v24  }
0x33c: {  	v22 =	vsub.f32 v22, v25  }
0x33d: {  	v23 =	vadd.f32 v24, v23  }
0x33e: {  	v24 =	vmul.f32 v4, v22  }
0x33f: {  	v22 =	vmul.f32 $2.550000000e+02, v23  }
0x340: {  	v23 =	vadd.f32 v24, v25  }
0x341: {  	v24 =	vtrunc.f32 v22  }
0x342: {  	v23 =	vmul.f32 $2.550000000e+02, v23;
	v24 =	vcvt.f32.s32 v24;
	_ =	sdelay $0x1  }
0x343: {  	v25 =	vtrunc.f32 v23;
	vm1 =	vlt.s32 v24, $0xFE  }
0x344: {  	v25 =	vcvt.f32.s32 v25;
	v24 =	vnsel vm1, $0xFE, v24  }
0x345: {  	v26 =	vperm.xlane v24, v5  }
0x346: {  	vm1 =	vlt.s32 v25, $0xFE  }
0x347: {  	v25 =	vnsel vm1, $0xFE, v25;
	v26 =	vadd.s32 v6, v26  }
0x348: {  	v27 =	vperm.xlane v25, v5;
	v59 =	vperm.xlane v26, v0  }
0x349: {  	v60 =	vperm.xlane v26, v1;
	v61 =	vperm.xlane v26, v2  }
0x34a: {  	v62 =	vperm.xlane v26, v3;
	v27 =	vadd.s32 v6, v27;
	v28 =	vshll.u32 v59, $0x8  }
0x34b: {  	v34 =	vperm.xlane v26, v7;
	v29 =	vshll.u32 v60, $0x8;
	v28 =	vadd.s32 v27, v28  }
0x34c: {  	v37 =	vperm.xlane v26, v8;
	v33 =	vshll.u32 v61, $0x8;
	v63 =	vadd.s32 v27, v29;
	[tilespmem:$0x200] =	vst v28  }
0x34d: {  	v40 =	vperm.xlane v26, v9;
	v36 =	vshll.u32 v62, $0x8;
	v35 =	vadd.s32 v27, v33;
	[tilespmem:$0x210] =	vst v63  }
0x34e: {  	v43 =	vperm.xlane v26, v10;
	v39 =	vshll.u32 v34, $0x8;
	v38 =	vadd.s32 v27, v36;
	[tilespmem:$0x220] =	vst v35  }
0x34f: {  	v46 =	vperm.xlane v26, v11;
	v42 =	vshll.u32 v37, $0x8;
	v41 =	vadd.s32 v27, v39;
	[tilespmem:$0x230] =	vst v38  }
0x350: {  	v49 =	vperm.xlane v26, v12;
	v45 =	vshll.u32 v40, $0x8;
	v44 =	vadd.s32 v27, v42;
	[tilespmem:$0x240] =	vst v41  }
0x351: {  	v52 =	vperm.xlane v26, v13;
	v48 =	vshll.u32 v43, $0x8;
	v47 =	vadd.s32 v27, v45;
	[tilespmem:$0x250] =	vst v44  }
0x352: {  	v55 =	vperm.xlane v26, v14;
	v51 =	vshll.u32 v46, $0x8;
	v50 =	vadd.s32 v27, v48;
	[tilespmem:$0x260] =	vst v47  }
0x353: {  	v58 =	vperm.xlane v26, v15;
	v54 =	vshll.u32 v49, $0x8;
	v53 =	vadd.s32 v27, v51;
	[tilespmem:$0x280] =	vst v50  }
0x354: {  	p1 =	sge.u32 s29, s6;
	v26 =	vperm.xlane v26, v16;
	v57 =	vshll.u32 v52, $0x8;
	v56 =	vadd.s32 v27, v54;
	[tilespmem:$0x290] =	vst v53  }
.Ltmp6:
0x355: {  	v60 =	vshll.u32 v55, $0x8;
	v59 =	vadd.s32 v27, v57;
	[tilespmem:$0x2A0] =	vst v56;
	(pc) =	sbr.rel @p1 .LBB2_8-.Ltmp6, $4  }
0x356: {  	v26 =	vshll.u32 v26, $0x8;
	v61 =	vadd.s32 v27, v60;
	[tilespmem:$0x2B0] =	vst v59  }
0x357: {  	v62 =	vshll.u32 v58, $0x8;
	v26 =	vadd.s32 v27, v26;
	[tilespmem:$0x2C0] =	vst v61  }
0x358: {  	v63 =	vadd.s32 v27, v62;
	[tilespmem:$0x2E0] =	vst v26  }
0x359: {  	[tilespmem:$0x2D0] =	vst v63  }
0x35a: {  	v26 =	vld [tilespmem:$0x200];
	_ =	sdelay $0x4  }
0x35b: {  	v27 =	vshll.u32 v26, $0x1  }
0x35c: {  	v26 =	vand.u32 $0x7, v26;
	v27 =	vand.u32 $0xFFFFFFF0, v27  }
0x35d: {  	v26 =	vor.u32 v26, v27  }
0x35e: {  	v27 =	vperm.xlane v26, v17;
	_ =	sdelay $0x1  }
0x35f: {  	v26 =	vperm.xlane v26, v19;
	v27 =	vadd.s32 v18, v27;
	_ =	sdelay $0x1  }
0x360: {  	v26 =	vadd.s32 v18, v26;
	_ =	sdelay $0x1  }
0x361: {  	s0 =	simm.s32 $0x400  }
0x362: {  	[tilespmem:s0], [sflag:$0x1] =	stream.indirect_vreg.gather [hbm4b:s1+s2], $0x80, v27, vm0, $0xb8;
	[tilespmem:$0x1FC00] =	vst v63  }
0x363: {  	s25 =	simm.s32 $0xC00  }
0x364: {  	[tilespmem:s25], [sflag:$0x1] =	stream.indirect_vreg.gather [hbm4b:s1+s2], $0x80, v26, vm0, $0xb8;
	[tilespmem:$0x1FC00] =	vst v63  }
0x365: {  	v26 =	vld [tilespmem:$0x210];
	_ =	sdelay $0x4  }
0x366: {  	v27 =	vshll.u32 v26, $0x1  }
0x367: {  	v26 =	vand.u32 $0x7, v26;
	v27 =	vand.u32 $0xFFFFFFF0, v27  }
0x368: {  	v26 =	vor.u32 v26, v27  }
0x369: {  	v27 =	vperm.xlane v26, v17;
	_ =	sdelay $0x1  }
0x36a: {  	v26 =	vperm.xlane v26, v19;
	v27 =	vadd.s32 v18, v27;
	_ =	sdelay $0x1  }
0x36b: {  	v26 =	vadd.s32 v18, v26;
	_ =	sdelay $0x1  }
0x36c: {  	s26 =	simm.s32 $0x1400  }
0x36d: {  	[tilespmem:s26], [sflag:$0x1] =	stream.indirect_vreg.gather [hbm4b:s1+s2], $0x80, v27, vm0, $0xb8;
	[tilespmem:$0x1FC00] =	vst v63  }
0x36e: {  	s28 =	simm.s32 $0x1C00  }
0x36f: {  	[tilespmem:s28], [sflag:$0x1] =	stream.indirect_vreg.gather [hbm4b:s1+s2], $0x80, v26, vm0, $0xb8;
	[tilespmem:$0x1FC00] =	vst v63  }
0x370: {  	v26 =	vld [tilespmem:$0x220];
	_ =	sdelay $0x4  }
0x371: {  	v27 =	vshll.u32 v26, $0x1  }
0x372: {  	v26 =	vand.u32 $0x7, v26;
	v27 =	vand.u32 $0xFFFFFFF0, v27  }
0x373: {  	v26 =	vor.u32 v26, v27  }
0x374: {  	v27 =	vperm.xlane v26, v17;
	_ =	sdelay $0x1  }
0x375: {  	v26 =	vperm.xlane v26, v19;
	v27 =	vadd.s32 v18, v27;
	_ =	sdelay $0x1  }
0x376: {  	v26 =	vadd.s32 v18, v26;
	_ =	sdelay $0x1  }
0x377: {  	s29 =	simm.s32 $0x2400  }
0x378: {  	[tilespmem:s29], [sflag:$0x1] =	stream.indirect_vreg.gather [hbm4b:s1+s2], $0x80, v27, vm0, $0xb8;
	[tilespmem:$0x1FC00] =	vst v63  }
0x379: {  	s30 =	simm.s32 $0x2C00  }
0x37a: {  	[tilespmem:s30], [sflag:$0x1] =	stream.indirect_vreg.gather [hbm4b:s1+s2], $0x80, v26, vm0, $0xb8;
	[tilespmem:$0x1FC00] =	vst v63  }
0x37b: {  	v26 =	vld [tilespmem:$0x230];
	_ =	sdelay $0x4  }
0x37c: {  	v27 =	vshll.u32 v26, $0x1  }
0x37d: {  	v26 =	vand.u32 $0x7, v26;
	v27 =	vand.u32 $0xFFFFFFF0, v27  }
0x37e: {  	v26 =	vor.u32 v26, v27  }
0x37f: {  	v27 =	vperm.xlane v26, v17;
	_ =	sdelay $0x1  }
0x380: {  	v26 =	vperm.xlane v26, v19;
	v27 =	vadd.s32 v18, v27;
	_ =	sdelay $0x1  }
0x381: {  	v26 =	vadd.s32 v18, v26;
	_ =	sdelay $0x1  }
0x382: {  	s31 =	simm.s32 $0x3400  }
0x383: {  	[tilespmem:s31], [sflag:$0x1] =	stream.indirect_vreg.gather [hbm4b:s1+s2], $0x80, v27, vm0, $0xb8;
	[tilespmem:$0x1FC00] =	vst v63  }
0x384: {  	s3 =	simm.s32 $0x3C00  }
0x385: {  	[tilespmem:s3], [sflag:$0x1] =	stream.indirect_vreg.gather [hbm4b:s1+s2], $0x80, v26, vm0, $0xb8;
	[tilespmem:$0x1FC00] =	vst v63  }
0x386: {  	v26 =	vld [tilespmem:$0x240];
	_ =	sdelay $0x4  }
0x387: {  	v27 =	vshll.u32 v26, $0x1  }
0x388: {  	v26 =	vand.u32 $0x7, v26;
	v27 =	vand.u32 $0xFFFFFFF0, v27  }
0x389: {  	v26 =	vor.u32 v26, v27  }
0x38a: {  	v27 =	vperm.xlane v26, v17;
	_ =	sdelay $0x1  }
0x38b: {  	v26 =	vperm.xlane v26, v19;
	v27 =	vadd.s32 v18, v27;
	_ =	sdelay $0x1  }
0x38c: {  	v26 =	vadd.s32 v18, v26;
	_ =	sdelay $0x1  }
0x38d: {  	s4 =	simm.s32 $0x4400  }
0x38e: {  	[tilespmem:s4], [sflag:$0x1] =	stream.indirect_vreg.gather [hbm4b:s1+s2], $0x80, v27, vm0, $0xb8;
	[tilespmem:$0x1FC00] =	vst v63  }
0x38f: {  	s7 =	simm.s32 $0x4C00  }
0x390: {  	[tilespmem:s7], [sflag:$0x1] =	stream.indirect_vreg.gather [hbm4b:s1+s2], $0x80, v26, vm0, $0xb8;
	[tilespmem:$0x1FC00] =	vst v63  }
0x391: {  	v26 =	vld [tilespmem:$0x250];
	_ =	sdelay $0x4  }
0x392: {  	v27 =	vshll.u32 v26, $0x1  }
0x393: {  	v26 =	vand.u32 $0x7, v26;
	v27 =	vand.u32 $0xFFFFFFF0, v27  }
0x394: {  	v26 =	vor.u32 v26, v27  }
0x395: {  	v27 =	vperm.xlane v26, v17;
	_ =	sdelay $0x1  }
0x396: {  	v26 =	vperm.xlane v26, v19;
	v27 =	vadd.s32 v18, v27;
	_ =	sdelay $0x1  }
0x397: {  	v26 =	vadd.s32 v18, v26;
	_ =	sdelay $0x1  }
0x398: {  	s8 =	simm.s32 $0x5400  }
0x399: {  	[tilespmem:s8], [sflag:$0x1] =	stream.indirect_vreg.gather [hbm4b:s1+s2], $0x80, v27, vm0, $0xb8;
	[tilespmem:$0x1FC00] =	vst v63  }
0x39a: {  	s9 =	simm.s32 $0x5C00  }
0x39b: {  	[tilespmem:s9], [sflag:$0x1] =	stream.indirect_vreg.gather [hbm4b:s1+s2], $0x80, v26, vm0, $0xb8;
	[tilespmem:$0x1FC00] =	vst v63  }
0x39c: {  	v26 =	vld [tilespmem:$0x260];
	_ =	sdelay $0x4  }
0x39d: {  	v27 =	vshll.u32 v26, $0x1  }
0x39e: {  	v26 =	vand.u32 $0x7, v26;
	v27 =	vand.u32 $0xFFFFFFF0, v27  }
0x39f: {  	v26 =	vor.u32 v26, v27  }
0x3a0: {  	v27 =	vperm.xlane v26, v17;
	_ =	sdelay $0x1  }
0x3a1: {  	v26 =	vperm.xlane v26, v19;
	v27 =	vadd.s32 v18, v27;
	_ =	sdelay $0x1  }
0x3a2: {  	v26 =	vadd.s32 v18, v26;
	_ =	sdelay $0x1  }
0x3a3: {  	s10 =	simm.s32 $0x6400  }
0x3a4: {  	[tilespmem:s10], [sflag:$0x1] =	stream.indirect_vreg.gather [hbm4b:s1+s2], $0x80, v27, vm0, $0xb8;
	[tilespmem:$0x1FC00] =	vst v63  }
0x3a5: {  	s11 =	simm.s32 $0x6C00  }
0x3a6: {  	[tilespmem:s11], [sflag:$0x1] =	stream.indirect_vreg.gather [hbm4b:s1+s2], $0x80, v26, vm0, $0xb8;
	[tilespmem:$0x1FC00] =	vst v63  }
0x3a7: {  	v26 =	vld [tilespmem:$0x280];
	_ =	sdelay $0x4  }
0x3a8: {  	v27 =	vshll.u32 v26, $0x1  }
0x3a9: {  	v26 =	vand.u32 $0x7, v26;
	v27 =	vand.u32 $0xFFFFFFF0, v27  }
0x3aa: {  	v26 =	vor.u32 v26, v27  }
0x3ab: {  	v27 =	vperm.xlane v26, v17;
	_ =	sdelay $0x1  }
0x3ac: {  	v26 =	vperm.xlane v26, v19;
	v27 =	vadd.s32 v18, v27;
	_ =	sdelay $0x1  }
0x3ad: {  	v26 =	vadd.s32 v18, v26;
	_ =	sdelay $0x1  }
0x3ae: {  	s12 =	simm.s32 $0x7400  }
0x3af: {  	[tilespmem:s12], [sflag:$0x1] =	stream.indirect_vreg.gather [hbm4b:s1+s2], $0x80, v27, vm0, $0xb8;
	[tilespmem:$0x1FC00] =	vst v63  }
0x3b0: {  	s13 =	simm.s32 $0x7C00  }
0x3b1: {  	[tilespmem:s13], [sflag:$0x1] =	stream.indirect_vreg.gather [hbm4b:s1+s2], $0x80, v26, vm0, $0xb8;
	[tilespmem:$0x1FC00] =	vst v63  }
0x3b2: {  	v26 =	vld [tilespmem:$0x290];
	_ =	sdelay $0x4  }
0x3b3: {  	v27 =	vshll.u32 v26, $0x1  }
0x3b4: {  	v26 =	vand.u32 $0x7, v26;
	v27 =	vand.u32 $0xFFFFFFF0, v27  }
0x3b5: {  	v26 =	vor.u32 v26, v27  }
0x3b6: {  	v27 =	vperm.xlane v26, v17;
	_ =	sdelay $0x1  }
0x3b7: {  	v26 =	vperm.xlane v26, v19;
	v27 =	vadd.s32 v18, v27;
	_ =	sdelay $0x1  }
0x3b8: {  	v26 =	vadd.s32 v18, v26;
	_ =	sdelay $0x1  }
0x3b9: {  	s14 =	simm.s32 $0x8400  }
0x3ba: {  	[tilespmem:s14], [sflag:$0x1] =	stream.indirect_vreg.gather [hbm4b:s1+s2], $0x80, v27, vm0, $0xb8;
	[tilespmem:$0x1FC00] =	vst v63  }
0x3bb: {  	s15 =	simm.s32 $0x8C00  }
0x3bc: {  	[tilespmem:s15], [sflag:$0x1] =	stream.indirect_vreg.gather [hbm4b:s1+s2], $0x80, v26, vm0, $0xb8;
	[tilespmem:$0x1FC00] =	vst v63  }
0x3bd: {  	v26 =	vld [tilespmem:$0x2A0];
	_ =	sdelay $0x4  }
0x3be: {  	v27 =	vshll.u32 v26, $0x1  }
0x3bf: {  	v26 =	vand.u32 $0x7, v26;
	v27 =	vand.u32 $0xFFFFFFF0, v27  }
0x3c0: {  	v26 =	vor.u32 v26, v27  }
0x3c1: {  	v27 =	vperm.xlane v26, v17;
	_ =	sdelay $0x1  }
0x3c2: {  	v26 =	vperm.xlane v26, v19;
	v27 =	vadd.s32 v18, v27;
	_ =	sdelay $0x1  }
0x3c3: {  	v26 =	vadd.s32 v18, v26;
	_ =	sdelay $0x1  }
0x3c4: {  	s16 =	simm.s32 $0x9400  }
0x3c5: {  	[tilespmem:s16], [sflag:$0x1] =	stream.indirect_vreg.gather [hbm4b:s1+s2], $0x80, v27, vm0, $0xb8;
	[tilespmem:$0x1FC00] =	vst v63  }
0x3c6: {  	s22 =	simm.s32 $0x9C00  }
0x3c7: {  	[tilespmem:s22], [sflag:$0x1] =	stream.indirect_vreg.gather [hbm4b:s1+s2], $0x80, v26, vm0, $0xb8;
	[tilespmem:$0x1FC00] =	vst v63  }
0x3c8: {  	v26 =	vld [tilespmem:$0x2B0];
	_ =	sdelay $0x4  }
0x3c9: {  	v27 =	vshll.u32 v26, $0x1  }
0x3ca: {  	v26 =	vand.u32 $0x7, v26;
	v27 =	vand.u32 $0xFFFFFFF0, v27  }
0x3cb: {  	v26 =	vor.u32 v26, v27  }
0x3cc: {  	v27 =	vperm.xlane v26, v17;
	_ =	sdelay $0x1  }
0x3cd: {  	v26 =	vperm.xlane v26, v19;
	v27 =	vadd.s32 v18, v27;
	_ =	sdelay $0x1  }
0x3ce: {  	v26 =	vadd.s32 v18, v26;
	_ =	sdelay $0x1  }
0x3cf: {  	s23 =	simm.s32 $0xA400  }
0x3d0: {  	[tilespmem:s23], [sflag:$0x1] =	stream.indirect_vreg.gather [hbm4b:s1+s2], $0x80, v27, vm0, $0xb8;
	[tilespmem:$0x1FC00] =	vst v63  }
0x3d1: {  	s24 =	simm.s32 $0xAC00  }
0x3d2: {  	[tilespmem:s24], [sflag:$0x1] =	stream.indirect_vreg.gather [hbm4b:s1+s2], $0x80, v26, vm0, $0xb8;
	[tilespmem:$0x1FC00] =	vst v63  }
0x3d3: {  	v26 =	vld [tilespmem:$0x2C0];
	_ =	sdelay $0x4  }
0x3d4: {  	v27 =	vshll.u32 v26, $0x1  }
0x3d5: {  	v26 =	vand.u32 $0x7, v26;
	v27 =	vand.u32 $0xFFFFFFF0, v27  }
0x3d6: {  	v26 =	vor.u32 v26, v27  }
0x3d7: {  	v27 =	vperm.xlane v26, v17;
	_ =	sdelay $0x1  }
0x3d8: {  	v26 =	vperm.xlane v26, v19;
	v27 =	vadd.s32 v18, v27;
	_ =	sdelay $0x1  }
0x3d9: {  	v26 =	vadd.s32 v18, v26;
	_ =	sdelay $0x1  }
0x3da: {  	s25 =	simm.s32 $0xB400  }
0x3db: {  	[tilespmem:s25], [sflag:$0x1] =	stream.indirect_vreg.gather [hbm4b:s1+s2], $0x80, v27, vm0, $0xb8;
	[tilespmem:$0x1FC00] =	vst v63  }
0x3dc: {  	s26 =	simm.s32 $0xBC00  }
0x3dd: {  	[tilespmem:s26], [sflag:$0x1] =	stream.indirect_vreg.gather [hbm4b:s1+s2], $0x80, v26, vm0, $0xb8;
	[tilespmem:$0x1FC00] =	vst v63  }
0x3de: {  	v26 =	vld [tilespmem:$0x2D0];
	_ =	sdelay $0x4  }
0x3df: {  	v27 =	vshll.u32 v26, $0x1  }
0x3e0: {  	v26 =	vand.u32 $0x7, v26;
	v27 =	vand.u32 $0xFFFFFFF0, v27  }
0x3e1: {  	v26 =	vor.u32 v26, v27  }
0x3e2: {  	v27 =	vperm.xlane v26, v17;
	_ =	sdelay $0x1  }
0x3e3: {  	v26 =	vperm.xlane v26, v19;
	v27 =	vadd.s32 v18, v27;
	_ =	sdelay $0x1  }
0x3e4: {  	v26 =	vadd.s32 v18, v26;
	_ =	sdelay $0x1  }
0x3e5: {  	s28 =	simm.s32 $0xC400  }
0x3e6: {  	[tilespmem:s28], [sflag:$0x1] =	stream.indirect_vreg.gather [hbm4b:s1+s2], $0x80, v27, vm0, $0xb8;
	[tilespmem:$0x1FC00] =	vst v63  }
0x3e7: {  	s29 =	simm.s32 $0xCC00  }
0x3e8: {  	[tilespmem:s29], [sflag:$0x1] =	stream.indirect_vreg.gather [hbm4b:s1+s2], $0x80, v26, vm0, $0xb8;
	[tilespmem:$0x1FC00] =	vst v63  }
0x3e9: {  	v26 =	vld [tilespmem:$0x2E0];
	_ =	sdelay $0x4  }
0x3ea: {  	v27 =	vshll.u32 v26, $0x1  }
0x3eb: {  	v26 =	vand.u32 $0x7, v26;
	v27 =	vand.u32 $0xFFFFFFF0, v27  }
0x3ec: {  	v26 =	vor.u32 v26, v27  }
0x3ed: {  	v27 =	vperm.xlane v26, v17;
	_ =	sdelay $0x1  }
0x3ee: {  	v26 =	vperm.xlane v26, v19;
	v27 =	vadd.s32 v18, v27;
	_ =	sdelay $0x1  }
0x3ef: {  	v26 =	vadd.s32 v18, v26;
	_ =	sdelay $0x1  }
0x3f0: {  	s30 =	simm.s32 $0xD400  }
0x3f1: {  	[tilespmem:s30], [sflag:$0x1] =	stream.indirect_vreg.gather [hbm4b:s1+s2], $0x80, v27, vm0, $0xb8;
	[tilespmem:$0x1FC00] =	vst v63  }
0x3f2: {  	s31 =	simm.s32 $0xDC00  }
0x3f3: {  	[tilespmem:s31], [sflag:$0x1] =	stream.indirect_vreg.gather [hbm4b:s1+s2], $0x80, v26, vm0, $0xb8;
	[tilespmem:$0x1FC00] =	vst v63  }
.LBB2_8:
.Ltmp7:
0x3f4: {  	(pc) =	sbr.rel @p0 .LBB2_12-.Ltmp7, $1  }
0x3f5: {  	_ =	sdelay $0x3  }
0x3f6: {  	s0 =	simm.s32 $0x0  }
0x3f7: {  	_ =	swait.ge [sflag:s19], $0x7000;
	s3 =	smulhi.u32 $0x24924925, s0  }
0x3f8: {  	[sflag:s19] =	ssyncset.done $0x0;
	s7 =	smul.u32 $0x25, s0  }
0x3f9: {  	[sflag:s19] =	ssyncadd.s32 $0xFFFF9000;
	s4 =	ssub.s32 $0x0, s3  }
0x3fa: {  	_ =	swait.ge [sflag:s19], $0x7000;
	s12 =	sshrl.u32 s7, $0x8;
	s4 =	sshrl.u32 s4, $0x1  }
0x3fb: {  	[sflag:s19] =	ssyncset.done $0x0;
	s7 =	ssub.s32 $0x0, s12;
	s3 =	sadd.s32 s3, s4  }
0x3fc: {  	[sflag:s19] =	ssyncadd.s32 $0xFFFF9000;
	s7 =	sand.u32 $0xFE, s7;
	s3 =	sshrl.u32 s3, $0x2  }
0x3fd: {  	_ =	swait.ge [sflag:s18], $0x3800;
	s7 =	sshrl.u32 s7, $0x1;
	s8 =	smul.u32 $0x1200, s3  }
0x3fe: {  	s9 =	sshll.u32 s3, $0x8;
	[sflag:s18] =	ssyncset.done $0x0;
	s13 =	smul.u32 $0x7, s3  }
0x3ff: {  	s4 =	sadd.s32 s12, s7;
	s3 =	smul.u32 $0x900, s3;
	s9 =	sadd.s32 $0x0, s9  }
0x400: {  	s4 =	sand.u32 $0xFC, s4;
	s8 =	sadd.s32 $0x0, s8;
	s9 =	sand.u32 $0x300, s9  }
0x401: {  	s4 =	sshrl.u32 s4, $0x2;
	s7 =	ssub.s32 $0x0, s13;
	s10 =	sand.u32 $0xFFFFF800, s8  }
0x402: {  	[sflag:s18] =	ssyncadd.s32 $0xFFFFC800;
	s3 =	sadd.s32 $0x0, s3;
	v26 =	vmov s4;
	v27 =	vmov s7;
	s23 =	sor.u32 s9, s10  }
0x403: {  	s14 =	sadd.s32 $0x1100, s8;
	s3 =	sadd.s32 $0x880, s3;
	v28 =	vperm.xlane v20, v26;
	v29 =	vperm.xlane v21, v27;
	v30 =	vld [tilespmem:s23+$0xE400]  }
0x404: {  	s4 =	sand.u32 $0xFFFFF800, s14;
	s3 =	sand.u32 $0x380, s3;
	v31 =	vld [tilespmem:s23+$0xE480]  }
0x405: {  	v32 =	vld [tilespmem:s23+$0xF400];
	s24 =	sor.u32 s3, s4;
	v26 =	vmul.f32 v29, v28  }
0x406: {  	v33 =	vld [tilespmem:s24+$0xE400]  }
0x407: {  	v34 =	vsub.f32 $1.000000000e+00, v29;
	v27 =	vsub.f32 v28, v26  }
0x408: {  	v28 =	vsub.f32 v29, v26  }
0x409: {  	v29 =	vsub.f32 v34, v27  }
0x40a: {  	v31 =	vmul.f32 v28, v31;
	v32 =	vmul.f32 v32, v27  }
0x40b: {  	v33 =	vmul.f32 v33, v26;
	v30 =	vmul.f32 v29, v30;
	_ =	sdelay $0x1  }
0x40c: {  	v30 =	vadd.f32 v30, v31;
	v31 =	vadd.f32 v33, v32  }
0x40d: {  	s15 =	simm.s32 $0x0  }
0x40e: {  	s0 =	sand.u32 $0x380, s0;
	s3 =	sand.u32 $0x3800, s15;
	v30 =	vadd.f32 v31, v30  }
0x40f: {  	s22 =	sor.u32 s0, s3  }
0x410: {  	[tilespmem:s22+$0x1C400] =	vst v30  }
0x411: {  	v30 =	vld [tilespmem:s23+$0xE410]  }
0x412: {  	v31 =	vld [tilespmem:s23+$0xE490]  }
0x413: {  	v38 =	vld [tilespmem:s23+$0xF410]  }
0x414: {  	v39 =	vld [tilespmem:s24+$0xE410];
	_ =	sdelay $0x3  }
0x415: {  	v30 =	vmul.f32 v30, v29;
	v31 =	vmul.f32 v31, v28  }
0x416: {  	v32 =	vmul.f32 v38, v27;
	v33 =	vmul.f32 v39, v26;
	_ =	sdelay $0x1  }
0x417: {  	v30 =	vadd.f32 v31, v30;
	v31 =	vadd.f32 v33, v32;
	_ =	sdelay $0x1  }
0x418: {  	v30 =	vadd.f32 v31, v30;
	_ =	sdelay $0x1  }
0x419: {  	[tilespmem:s22+$0x1C410] =	vst v30  }
0x41a: {  	v30 =	vld [tilespmem:s23+$0xE420]  }
0x41b: {  	v31 =	vld [tilespmem:s23+$0xE4A0]  }
0x41c: {  	v40 =	vld [tilespmem:s23+$0xF420]  }
0x41d: {  	v41 =	vld [tilespmem:s24+$0xE420];
	_ =	sdelay $0x3  }
0x41e: {  	v30 =	vmul.f32 v30, v29;
	v31 =	vmul.f32 v31, v28  }
0x41f: {  	v32 =	vmul.f32 v40, v27;
	v33 =	vmul.f32 v41, v26;
	_ =	sdelay $0x1  }
0x420: {  	v30 =	vadd.f32 v31, v30;
	v31 =	vadd.f32 v33, v32;
	_ =	sdelay $0x1  }
0x421: {  	v30 =	vadd.f32 v31, v30;
	_ =	sdelay $0x1  }
0x422: {  	[tilespmem:s22+$0x1C420] =	vst v30  }
0x423: {  	v30 =	vld [tilespmem:s23+$0xE430]  }
0x424: {  	v31 =	vld [tilespmem:s23+$0xE4B0]  }
0x425: {  	v42 =	vld [tilespmem:s23+$0xF430]  }
0x426: {  	v43 =	vld [tilespmem:s24+$0xE430];
	_ =	sdelay $0x3  }
0x427: {  	v30 =	vmul.f32 v30, v29;
	v31 =	vmul.f32 v31, v28  }
0x428: {  	v32 =	vmul.f32 v42, v27;
	v33 =	vmul.f32 v43, v26;
	_ =	sdelay $0x1  }
0x429: {  	v30 =	vadd.f32 v31, v30;
	v31 =	vadd.f32 v33, v32;
	_ =	sdelay $0x1  }
0x42a: {  	s16 =	simm.s32 $0x1;
	v30 =	vadd.f32 v31, v30  }
0x42b: {  	s25 =	smulhi.u32 $0x24924925, s16  }
0x42c: {  	[tilespmem:s22+$0x1C430] =	vst v30  }
0x42d: {  	s26 =	ssub.s32 $0x1, s25;
	v30 =	vld [tilespmem:s23+$0xE440]  }
0x42e: {  	s4 =	sshrl.u32 s26, $0x1;
	s0 =	smul.u32 $0x25, s16;
	v31 =	vld [tilespmem:s23+$0xE4C0]  }
0x42f: {  	s3 =	sadd.s32 s25, s4;
	v44 =	vld [tilespmem:s23+$0xF440]  }
0x430: {  	s3 =	sshrl.u32 s3, $0x2;
	s0 =	sshrl.u32 s0, $0x8;
	v45 =	vld [tilespmem:s24+$0xE440]  }
0x431: {  	s9 =	smul.u32 $0x1200, s3;
	s31 =	ssub.s32 $0x1, s0  }
0x432: {  	s12 =	smul.u32 $0x7, s3;
	s8 =	sand.u32 $0xFE, s31  }
0x433: {  	s10 =	sshll.u32 s3, $0x8;
	s3 =	smul.u32 $0x900, s3;
	s4 =	sshrl.u32 s8, $0x1  }
0x434: {  	s11 =	sadd.s32 $0x100, s10;
	s7 =	sadd.s32 $0x200, s9;
	s0 =	sadd.s32 s0, s4;
	v30 =	vmul.f32 v30, v29;
	v31 =	vmul.f32 v31, v28  }
0x435: {  	s14 =	sadd.s32 $0x100, s3;
	s8 =	ssub.s32 $0x1, s12;
	s0 =	sand.u32 $0xFC, s0;
	v32 =	vmul.f32 v44, v27;
	v33 =	vmul.f32 v45, v26  }
0x436: {  	s13 =	sand.u32 $0xFFFFF800, s7;
	s4 =	sand.u32 $0x300, s11;
	v35 =	vmov s8;
	s0 =	sshrl.u32 s0, $0x2  }
0x437: {  	s15 =	sadd.s32 $0x1100, s7;
	s25 =	sor.u32 s4, s13;
	v46 =	vmov s0;
	s0 =	sadd.s32 $0x880, s14;
	v30 =	vadd.f32 v31, v30;
	v31 =	vadd.f32 v33, v32  }
0x438: {  	s3 =	sand.u32 $0xFFFFF800, s15;
	v48 =	vperm.xlane v21, v35;
	v36 =	vld [tilespmem:s25+$0xE400];
	v47 =	vperm.xlane v20, v46;
	s0 =	sand.u32 $0x380, s0  }
0x439: {  	v49 =	vld [tilespmem:s25+$0xE480];
	s28 =	sor.u32 s0, s3;
	v31 =	vadd.f32 v31, v30  }
0x43a: {  	v37 =	vld [tilespmem:s28+$0xE400];
	v30 =	vmul.f32 v48, v47  }
0x43b: {  	v50 =	vld [tilespmem:s25+$0xF400];
	[tilespmem:s22+$0x1C440] =	vst v31  }
0x43c: {  	v38 =	vsub.f32 $1.000000000e+00, v48;
	v31 =	vsub.f32 v47, v30;
	v39 =	vld [tilespmem:s23+$0xE450]  }
0x43d: {  	v32 =	vsub.f32 v48, v30;
	v40 =	vld [tilespmem:s23+$0xE4D0]  }
0x43e: {  	v51 =	vld [tilespmem:s23+$0xF450];
	v33 =	vsub.f32 v38, v31  }
0x43f: {  	v37 =	vmul.f32 v37, v30;
	v41 =	vld [tilespmem:s24+$0xE450];
	v34 =	vmul.f32 v32, v49  }
0x440: {  	v35 =	vmul.f32 v50, v31;
	v36 =	vmul.f32 v33, v36;
	_ =	sdelay $0x1  }
0x441: {  	v35 =	vadd.f32 v37, v35;
	v34 =	vadd.f32 v36, v34  }
0x442: {  	s26 =	simm.s32 $0x80;
	s16 =	simm.s32 $0x100;
	v52 =	vmul.f32 v39, v29;
	v53 =	vmul.f32 v40, v28  }
0x443: {  	s0 =	sand.u32 $0x3800, s16;
	s3 =	sand.u32 $0x380, s26;
	v54 =	vmul.f32 v51, v27;
	v55 =	vmul.f32 v41, v26;
	v34 =	vadd.f32 v35, v34  }
0x444: {  	s26 =	sor.u32 s3, s0  }
0x445: {  	v56 =	vadd.f32 v53, v52;
	v35 =	vadd.f32 v55, v54;
	[tilespmem:s26+$0x1C400] =	vst v34  }
0x446: {  	v57 =	vld [tilespmem:s25+$0xE410]  }
0x447: {  	v34 =	vadd.f32 v35, v56;
	v58 =	vld [tilespmem:s25+$0xE490]  }
0x448: {  	v59 =	vld [tilespmem:s25+$0xF410]  }
0x449: {  	v60 =	vld [tilespmem:s28+$0xE410];
	[tilespmem:s22+$0x1C450] =	vst v34  }
0x44a: {  	v34 =	vld [tilespmem:s23+$0xE460]  }
0x44b: {  	v61 =	vld [tilespmem:s23+$0xE4E0]  }
0x44c: {  	v62 =	vld [tilespmem:s23+$0xF460]  }
0x44d: {  	v63 =	vld [tilespmem:s24+$0xE460];
	v36 =	vmul.f32 v57, v33;
	v37 =	vmul.f32 v58, v32  }
0x44e: {  	v35 =	vmul.f32 v59, v31;
	v38 =	vmul.f32 v60, v30;
	_ =	sdelay $0x1  }
0x44f: {  	v36 =	vadd.f32 v37, v36;
	v35 =	vadd.f32 v38, v35  }
0x450: {  	v34 =	vmul.f32 v34, v29;
	v42 =	vmul.f32 v61, v28  }
0x451: {  	v43 =	vmul.f32 v62, v27;
	v44 =	vmul.f32 v63, v26;
	v35 =	vadd.f32 v35, v36;
	_ =	sdelay $0x1  }
0x452: {  	v34 =	vadd.f32 v42, v34;
	v45 =	vadd.f32 v44, v43;
	[tilespmem:s26+$0x1C410] =	vst v35  }
0x453: {  	v46 =	vld [tilespmem:s25+$0xE420]  }
0x454: {  	v34 =	vadd.f32 v45, v34;
	v47 =	vld [tilespmem:s25+$0xE4A0]  }
0x455: {  	v48 =	vld [tilespmem:s25+$0xF420]  }
0x456: {  	v49 =	vld [tilespmem:s28+$0xE420];
	[tilespmem:s22+$0x1C460] =	vst v34  }
0x457: {  	v34 =	vld [tilespmem:s23+$0xE470]  }
0x458: {  	v50 =	vld [tilespmem:s23+$0xE4F0]  }
0x459: {  	v51 =	vld [tilespmem:s23+$0xF470]  }
0x45a: {  	v52 =	vld [tilespmem:s24+$0xE470];
	v36 =	vmul.f32 v46, v33;
	v37 =	vmul.f32 v47, v32  }
0x45b: {  	v35 =	vmul.f32 v48, v31;
	v38 =	vmul.f32 v49, v30;
	_ =	sdelay $0x1  }
0x45c: {  	v36 =	vadd.f32 v37, v36;
	v35 =	vadd.f32 v38, v35  }
0x45d: {  	v34 =	vmul.f32 v34, v29;
	v53 =	vmul.f32 v50, v28  }
0x45e: {  	v54 =	vmul.f32 v51, v27;
	v55 =	vmul.f32 v52, v26;
	v35 =	vadd.f32 v35, v36;
	_ =	sdelay $0x1  }
0x45f: {  	v34 =	vadd.f32 v53, v34;
	v56 =	vadd.f32 v55, v54;
	[tilespmem:s26+$0x1C420] =	vst v35  }
0x460: {  	v57 =	vld [tilespmem:s25+$0xE430]  }
0x461: {  	v34 =	vadd.f32 v56, v34;
	v58 =	vld [tilespmem:s25+$0xE4B0]  }
0x462: {  	v59 =	vld [tilespmem:s25+$0xF430]  }
0x463: {  	v60 =	vld [tilespmem:s28+$0xE430];
	[tilespmem:s22+$0x1C470] =	vst v34  }
0x464: {  	v34 =	vld [tilespmem:s23+$0xE800]  }
0x465: {  	v61 =	vld [tilespmem:s23+$0xE880]  }
0x466: {  	v62 =	vld [tilespmem:s23+$0xF800]  }
0x467: {  	v63 =	vld [tilespmem:s24+$0xE800];
	v36 =	vmul.f32 v57, v33;
	v37 =	vmul.f32 v58, v32  }
0x468: {  	v35 =	vmul.f32 v59, v31;
	v38 =	vmul.f32 v60, v30;
	_ =	sdelay $0x1  }
0x469: {  	v36 =	vadd.f32 v37, v36;
	v35 =	vadd.f32 v38, v35  }
0x46a: {  	v34 =	vmul.f32 v34, v29;
	v43 =	vmul.f32 v61, v28  }
0x46b: {  	s3 =	simm.s32 $0x2;
	v44 =	vmul.f32 v62, v27;
	v45 =	vmul.f32 v63, v26;
	v35 =	vadd.f32 v35, v36  }
0x46c: {  	s31 =	smulhi.u32 $0x24924925, s3  }
0x46d: {  	s7 =	smul.u32 $0x25, s3;
	v34 =	vadd.f32 v43, v34;
	v46 =	vadd.f32 v45, v44;
	[tilespmem:s26+$0x1C430] =	vst v35  }
0x46e: {  	v47 =	vld [tilespmem:s25+$0xE440]  }
0x46f: {  	s8 =	ssub.s32 $0x2, s31;
	s4 =	sshrl.u32 s7, $0x8;
	v34 =	vadd.f32 v46, v34;
	v48 =	vld [tilespmem:s25+$0xE4C0]  }
0x470: {  	s7 =	sshrl.u32 s8, $0x1;
	s9 =	ssub.s32 $0x2, s4;
	v49 =	vld [tilespmem:s25+$0xF440]  }
0x471: {  	s0 =	sadd.s32 s31, s7;
	s10 =	sand.u32 $0xFE, s9;
	v50 =	vld [tilespmem:s28+$0xE440];
	[tilespmem:s22+$0x1C800] =	vst v34  }
0x472: {  	s0 =	sshrl.u32 s0, $0x2;
	s7 =	sshrl.u32 s10, $0x1;
	v34 =	vld [tilespmem:s23+$0xE810]  }
0x473: {  	s11 =	smul.u32 $0x1200, s0;
	s4 =	sadd.s32 s4, s7;
	v51 =	vld [tilespmem:s23+$0xE890]  }
0x474: {  	s13 =	smul.u32 $0x7, s0;
	s4 =	sand.u32 $0xFC, s4;
	v52 =	vld [tilespmem:s23+$0xF810]  }
0x475: {  	s12 =	sshll.u32 s0, $0x8;
	s0 =	smul.u32 $0x900, s0;
	s4 =	sshrl.u32 s4, $0x2;
	v53 =	vld [tilespmem:s24+$0xE810];
	v36 =	vmul.f32 v47, v33;
	v37 =	vmul.f32 v48, v32  }
0x476: {  	s7 =	sadd.s32 $0x200, s12;
	s8 =	sadd.s32 $0x400, s11;
	s9 =	ssub.s32 $0x2, s13;
	v42 =	vmov s4;
	v35 =	vmul.f32 v49, v31;
	v38 =	vmul.f32 v50, v30  }
0x477: {  	s7 =	sand.u32 $0x300, s7;
	s0 =	sadd.s32 $0x200, s0;
	s14 =	sand.u32 $0xFFFFF800, s8;
	v42 =	vperm.xlane v20, v42;
	v43 =	vmov s9  }
0x478: {  	s15 =	sadd.s32 $0x1100, s8;
	s0 =	sadd.s32 $0x880, s0;
	s29 =	sor.u32 s7, s14;
	v43 =	vperm.xlane v21, v43;
	v36 =	vadd.f32 v37, v36;
	v35 =	vadd.f32 v38, v35  }
0x479: {  	s0 =	sand.u32 $0x380, s0;
	s4 =	sand.u32 $0xFFFFF800, s15;
	v54 =	vld [tilespmem:s29+$0xE400];
	v55 =	vmul.f32 v34, v29;
	v39 =	vmul.f32 v51, v28  }
0x47a: {  	s0 =	sor.u32 s0, s4;
	v44 =	vld [tilespmem:s29+$0xE480];
	v56 =	vmul.f32 v52, v27;
	v57 =	vmul.f32 v53, v26;
	v35 =	vadd.f32 v35, v36  }
0x47b: {  	v45 =	vld [tilespmem:s0+$0xE400];
	v34 =	vmul.f32 v43, v42  }
0x47c: {  	v58 =	vld [tilespmem:s29+$0xF400];
	v37 =	vadd.f32 v39, v55;
	v36 =	vadd.f32 v57, v56;
	[tilespmem:s26+$0x1C440] =	vst v35  }
0x47d: {  	v59 =	vsub.f32 $1.000000000e+00, v43;
	v35 =	vsub.f32 v42, v34;
	v60 =	vld [tilespmem:s25+$0xE450]  }
0x47e: {  	v46 =	vadd.f32 v36, v37;
	v36 =	vsub.f32 v43, v34;
	v61 =	vld [tilespmem:s25+$0xE4D0]  }
0x47f: {  	v62 =	vld [tilespmem:s25+$0xF450];
	v37 =	vsub.f32 v59, v35  }
0x480: {  	v45 =	vmul.f32 v45, v34;
	v63 =	vld [tilespmem:s28+$0xE450];
	[tilespmem:s22+$0x1C810] =	vst v46;
	v44 =	vmul.f32 v36, v44  }
0x481: {  	v41 =	vmul.f32 v58, v35;
	v46 =	vld [tilespmem:s23+$0xE820];
	v38 =	vmul.f32 v37, v54  }
0x482: {  	v47 =	vld [tilespmem:s23+$0xE8A0]  }
0x483: {  	v48 =	vld [tilespmem:s23+$0xF820];
	v41 =	vadd.f32 v45, v41;
	v38 =	vadd.f32 v38, v44  }
0x484: {  	s16 =	simm.s32 $0x200;
	s7 =	simm.s32 $0x100;
	v49 =	vld [tilespmem:s24+$0xE820];
	v40 =	vmul.f32 v60, v33;
	v42 =	vmul.f32 v61, v32  }
0x485: {  	s31 =	sand.u32 $0x380, s7;
	s4 =	sand.u32 $0x3800, s16;
	v39 =	vmul.f32 v62, v31;
	v50 =	vmul.f32 v63, v30;
	v38 =	vadd.f32 v41, v38  }
0x486: {  	s30 =	sor.u32 s31, s4  }
0x487: {  	v51 =	vadd.f32 v42, v40;
	v39 =	vadd.f32 v50, v39;
	[tilespmem:s30+$0x1C400] =	vst v38  }
0x488: {  	v53 =	vmul.f32 v46, v29;
	v54 =	vmul.f32 v47, v28;
	v52 =	vld [tilespmem:s29+$0xE410]  }
0x489: {  	v56 =	vmul.f32 v48, v27;
	v44 =	vmul.f32 v49, v26;
	v38 =	vadd.f32 v39, v51;
	v55 =	vld [tilespmem:s29+$0xE490]  }
0x48a: {  	v57 =	vld [tilespmem:s29+$0xF410]  }
0x48b: {  	v41 =	vadd.f32 v54, v53;
	v59 =	vadd.f32 v44, v56;
	v58 =	vld [tilespmem:s0+$0xE410];
	[tilespmem:s26+$0x1C450] =	vst v38  }
0x48c: {  	v60 =	vld [tilespmem:s25+$0xE460]  }
0x48d: {  	v38 =	vadd.f32 v59, v41;
	v61 =	vld [tilespmem:s25+$0xE4E0]  }
0x48e: {  	v62 =	vld [tilespmem:s25+$0xF460]  }
0x48f: {  	v63 =	vld [tilespmem:s28+$0xE460];
	[tilespmem:s22+$0x1C820] =	vst v38;
	v40 =	vmul.f32 v52, v37;
	v43 =	vmul.f32 v55, v36  }
0x490: {  	v49 =	vld [tilespmem:s23+$0xE830];
	v48 =	vmul.f32 v57, v35;
	v42 =	vmul.f32 v58, v34  }
0x491: {  	v50 =	vld [tilespmem:s23+$0xE8B0]  }
0x492: {  	v51 =	vld [tilespmem:s23+$0xF830];
	v40 =	vadd.f32 v43, v40;
	v38 =	vadd.f32 v42, v48  }
0x493: {  	v53 =	vld [tilespmem:s24+$0xE830];
	v39 =	vmul.f32 v60, v33;
	v52 =	vmul.f32 v61, v32  }
0x494: {  	v54 =	vmul.f32 v62, v31;
	v55 =	vmul.f32 v63, v30;
	v38 =	vadd.f32 v38, v40;
	_ =	sdelay $0x1  }
0x495: {  	v56 =	vadd.f32 v52, v39;
	v57 =	vadd.f32 v55, v54;
	[tilespmem:s30+$0x1C410] =	vst v38  }
0x496: {  	v59 =	vmul.f32 v49, v29;
	v60 =	vmul.f32 v50, v28;
	v58 =	vld [tilespmem:s29+$0xE420]  }
0x497: {  	v62 =	vmul.f32 v51, v27;
	v44 =	vmul.f32 v53, v26;
	v38 =	vadd.f32 v57, v56;
	v61 =	vld [tilespmem:s29+$0xE4A0]  }
0x498: {  	v42 =	vld [tilespmem:s29+$0xF420]  }
0x499: {  	v45 =	vadd.f32 v60, v59;
	v39 =	vadd.f32 v44, v62;
	v43 =	vld [tilespmem:s0+$0xE420];
	[tilespmem:s26+$0x1C460] =	vst v38  }
0x49a: {  	v38 =	vld [tilespmem:s25+$0xE470]  }
0x49b: {  	v63 =	vadd.f32 v39, v45;
	v40 =	vld [tilespmem:s25+$0xE4F0]  }
0x49c: {  	v39 =	vld [tilespmem:s25+$0xF470]  }
0x49d: {  	s10 =	simm.s32 $0x400;
	s11 =	simm.s32 $0xB80;
	s8 =	simm.s32 $0x200;
	v41 =	vld [tilespmem:s28+$0xE470];
	[tilespmem:s22+$0x1C830] =	vst v63;
	v44 =	vmul.f32 v58, v37;
	v45 =	vmul.f32 v61, v36  }
.LBB2_10:
0x49e: {  	p0 =	sne.s32 s11, $0x3880;
	v42 =	vmul.f32 v42, v35;
	v43 =	vmul.f32 v43, v34;
	v46 =	vld [tilespmem:s23+$0xE840]  }
0x49f: {  	v47 =	vld [tilespmem:s23+$0xE8C0]  }
0x4a0: {  	v44 =	vadd.f32 v45, v44;
	v42 =	vadd.f32 v43, v42;
	v43 =	vld [tilespmem:s23+$0xF840]  }
0x4a1: {  	v38 =	vmul.f32 v38, v33;
	v40 =	vmul.f32 v40, v32;
	v45 =	vld [tilespmem:s24+$0xE840]  }
0x4a2: {  	v39 =	vmul.f32 v39, v31;
	v42 =	vadd.f32 v42, v44;
	v41 =	vmul.f32 v41, v30;
	_ =	sdelay $0x1  }
0x4a3: {  	v38 =	vadd.f32 v40, v38;
	[tilespmem:s30+$0x1C420] =	vst v42;
	v39 =	vadd.f32 v41, v39  }
0x4a4: {  	v41 =	vmul.f32 v46, v29;
	v42 =	vmul.f32 v47, v28;
	v40 =	vld [tilespmem:s29+$0xE430]  }
0x4a5: {  	v44 =	vld [tilespmem:s29+$0xE4B0];
	v38 =	vadd.f32 v39, v38;
	v39 =	vmul.f32 v43, v27;
	v43 =	vmul.f32 v45, v26  }
0x4a6: {  	s3 =	sadd.s32 $0x1, s3;
	v45 =	vld [tilespmem:s29+$0xF430]  }
0x4a7: {  	s4 =	smulhi.u32 $0x24924925, s3;
	v46 =	vld [tilespmem:s0+$0xE430];
	[tilespmem:s26+$0x1C470] =	vst v38;
	v38 =	vadd.f32 v42, v41;
	v39 =	vadd.f32 v43, v39  }
0x4a8: {  	v41 =	vld [tilespmem:s25+$0xE800]  }
0x4a9: {  	s9 =	ssub.s32 s3, s4;
	v42 =	vld [tilespmem:s25+$0xE880];
	v38 =	vadd.f32 v39, v38  }
0x4aa: {  	s9 =	sshrl.u32 s9, $0x1;
	v39 =	vld [tilespmem:s25+$0xF800]  }
0x4ab: {  	s4 =	sadd.s32 s4, s9;
	v40 =	vmul.f32 v40, v37;
	v43 =	vmul.f32 v44, v36;
	v44 =	vld [tilespmem:s28+$0xE800];
	[tilespmem:s22+$0x1C840] =	vst v38  }
0x4ac: {  	s14 =	sshrl.u32 s4, $0x2;
	v38 =	vmul.f32 v45, v35;
	v45 =	vmul.f32 v46, v34;
	v46 =	vld [tilespmem:s23+$0xE850]  }
0x4ad: {  	s4 =	smul.u32 $0x1200, s14;
	v47 =	vld [tilespmem:s23+$0xE8D0]  }
0x4ae: {  	s8 =	sadd.s32 $0x100, s8;
	s10 =	sadd.s32 $0x200, s10;
	s9 =	sshll.u32 s14, $0x8;
	v40 =	vadd.f32 v43, v40;
	v38 =	vadd.f32 v45, v38;
	v43 =	vld [tilespmem:s23+$0xF850]  }
0x4af: {  	s9 =	sadd.s32 s9, s8;
	s15 =	sadd.s32 s4, s10;
	v41 =	vmul.f32 v41, v33;
	v42 =	vmul.f32 v42, v32;
	v45 =	vld [tilespmem:s24+$0xE850]  }
0x4b0: {  	s9 =	sand.u32 $0x300, s9;
	s4 =	sand.u32 $0xFFFFF800, s15;
	v39 =	vmul.f32 v39, v31;
	v38 =	vadd.f32 v38, v40;
	v40 =	vmul.f32 v44, v30  }
0x4b1: {  	s13 =	sor.u32 s9, s4  }
0x4b2: {  	s4 =	smul.u32 $0x25, s3;
	v44 =	vld [tilespmem:s13+$0xE400];
	[tilespmem:s30+$0x1C430] =	vst v38;
	v38 =	vadd.f32 v42, v41;
	v39 =	vadd.f32 v40, v39  }
0x4b3: {  	v41 =	vmul.f32 v46, v29;
	v42 =	vmul.f32 v47, v28;
	v40 =	vld [tilespmem:s29+$0xE440]  }
0x4b4: {  	s4 =	sshrl.u32 s4, $0x8;
	v46 =	vld [tilespmem:s29+$0xE4C0];
	v38 =	vadd.f32 v39, v38;
	v39 =	vmul.f32 v43, v27;
	v43 =	vmul.f32 v45, v26  }
0x4b5: {  	s9 =	ssub.s32 s3, s4;
	v45 =	vld [tilespmem:s29+$0xF440]  }
0x4b6: {  	s9 =	sand.u32 $0xFE, s9;
	v47 =	vld [tilespmem:s0+$0xE440];
	[tilespmem:s26+$0x1C800] =	vst v38;
	v38 =	vadd.f32 v42, v41;
	v39 =	vadd.f32 v43, v39  }
0x4b7: {  	s9 =	sshrl.u32 s9, $0x1;
	v41 =	vld [tilespmem:s25+$0xE810]  }
0x4b8: {  	s4 =	sadd.s32 s4, s9;
	v42 =	vld [tilespmem:s25+$0xE890];
	v38 =	vadd.f32 v39, v38  }
0x4b9: {  	s9 =	smul.u32 $0x7, s14;
	s4 =	sand.u32 $0xFC, s4;
	v39 =	vld [tilespmem:s25+$0xF810]  }
0x4ba: {  	s4 =	sshrl.u32 s4, $0x2;
	v40 =	vmul.f32 v40, v37;
	v43 =	vmul.f32 v46, v36;
	v46 =	vld [tilespmem:s28+$0xE810];
	[tilespmem:s22+$0x1C850] =	vst v38  }
0x4bb: {  	s12 =	smul.u32 $0x900, s14;
	s9 =	ssub.s32 s3, s9;
	v38 =	vmov s4;
	v45 =	vmul.f32 v45, v35;
	v47 =	vmul.f32 v47, v34;
	v48 =	vld [tilespmem:s23+$0xE860]  }
0x4bc: {  	s14 =	sadd.s32 $0xFFFFF780, s11;
	v49 =	vmov s9;
	v38 =	vperm.xlane v20, v38;
	v50 =	vld [tilespmem:s23+$0xE8E0]  }
0x4bd: {  	v49 =	vperm.xlane v21, v49;
	s4 =	sadd.s32 s14, s12;
	v40 =	vadd.f32 v43, v40;
	v43 =	vadd.f32 v47, v45;
	v45 =	vld [tilespmem:s23+$0xF860]  }
0x4be: {  	s9 =	sadd.s32 $0x1100, s15;
	s4 =	sadd.s32 $0x880, s4;
	v41 =	vmul.f32 v41, v33;
	v42 =	vmul.f32 v42, v32;
	v47 =	vld [tilespmem:s24+$0xE860]  }
0x4bf: {  	s9 =	sand.u32 $0xFFFFF800, s9;
	s4 =	sand.u32 $0x380, s4;
	v39 =	vmul.f32 v39, v31;
	v51 =	vld [tilespmem:s13+$0xE480];
	v40 =	vadd.f32 v43, v40;
	v43 =	vmul.f32 v46, v30  }
0x4c0: {  	v52 =	vsub.f32 $1.000000000e+00, v49;
	s15 =	sor.u32 s4, s9;
	v46 =	vmul.f32 v49, v38;
	v53 =	vld [tilespmem:s13+$0xF400]  }
0x4c1: {  	v54 =	vld [tilespmem:s15+$0xE400];
	[tilespmem:s30+$0x1C440] =	vst v40;
	v40 =	vadd.f32 v42, v41;
	v39 =	vadd.f32 v43, v39  }
0x4c2: {  	v38 =	vsub.f32 v38, v46;
	v42 =	vmul.f32 v48, v29;
	v43 =	vmul.f32 v50, v28;
	v41 =	vld [tilespmem:s29+$0xE450]  }
0x4c3: {  	v48 =	vld [tilespmem:s29+$0xE4D0];
	v39 =	vadd.f32 v39, v40;
	v40 =	vmul.f32 v45, v27;
	v45 =	vmul.f32 v47, v26  }
0x4c4: {  	v47 =	vsub.f32 v49, v46;
	v49 =	vsub.f32 v52, v38;
	v50 =	vld [tilespmem:s29+$0xF450]  }
0x4c5: {  	v52 =	vld [tilespmem:s0+$0xE450];
	[tilespmem:s26+$0x1C810] =	vst v39;
	v39 =	vadd.f32 v43, v42;
	v40 =	vadd.f32 v45, v40  }
0x4c6: {  	v42 =	vmul.f32 v47, v51;
	v43 =	vmul.f32 v53, v38;
	v45 =	vld [tilespmem:s25+$0xE820]  }
0x4c7: {  	v44 =	vmul.f32 v49, v44;
	v51 =	vmul.f32 v54, v46;
	v53 =	vld [tilespmem:s25+$0xE8A0];
	v39 =	vadd.f32 v40, v39  }
0x4c8: {  	v40 =	vld [tilespmem:s25+$0xF820]  }
0x4c9: {  	v42 =	vadd.f32 v44, v42;
	v43 =	vadd.f32 v51, v43;
	v44 =	vld [tilespmem:s28+$0xE820];
	[tilespmem:s22+$0x1C860] =	vst v39  }
0x4ca: {  	s7 =	sadd.s32 $0x80, s7;
	v39 =	vmul.f32 v41, v37;
	v41 =	vmul.f32 v48, v36;
	v48 =	vld [tilespmem:s23+$0xE870]  }
0x4cb: {  	s4 =	sand.u32 $0x3800, s14;
	s9 =	sand.u32 $0x380, s7;
	v42 =	vadd.f32 v43, v42;
	v43 =	vmul.f32 v50, v35;
	v50 =	vmul.f32 v52, v34;
	v51 =	vld [tilespmem:s23+$0xE8F0]  }
0x4cc: {  	s14 =	sor.u32 s9, s4;
	v52 =	vld [tilespmem:s23+$0xF870];
	s23 =	smov.u32 s25;
	s25 =	smov.u32 s29  }
0x4cd: {  	v39 =	vadd.f32 v41, v39;
	v41 =	vadd.f32 v50, v43;
	s29 =	smov.u32 s13;
	[tilespmem:s14+$0x1C400] =	vst v42;
	v42 =	vld [tilespmem:s24+$0xE870];
	s24 =	smov.u32 s28;
	s28 =	smov.u32 s0  }
0x4ce: {  	v45 =	vmul.f32 v45, v33;
	v50 =	vmul.f32 v53, v32;
	s0 =	smov.u32 s15;
	v43 =	vld [tilespmem:s29+$0xE410]  }
0x4cf: {  	v40 =	vmul.f32 v40, v31;
	v39 =	vadd.f32 v41, v39;
	v41 =	vmul.f32 v44, v30;
	v53 =	vld [tilespmem:s29+$0xE490]  }
0x4d0: {  	v45 =	vadd.f32 v50, v45;
	v44 =	vld [tilespmem:s29+$0xF410]  }
0x4d1: {  	v54 =	vmul.f32 v48, v29;
	v50 =	vld [tilespmem:s0+$0xE410];
	[tilespmem:s30+$0x1C450] =	vst v39;
	v39 =	vadd.f32 v41, v40;
	v40 =	vmul.f32 v51, v28  }
0x4d2: {  	v48 =	vmul.f32 v52, v27;
	v41 =	vld [tilespmem:s25+$0xE460];
	v42 =	vmul.f32 v42, v26;
	v26 =	vmovc v30;
	v30 =	vmovc v34;
	v34 =	vmov v46  }
0x4d3: {  	v27 =	vmovc v31;
	v31 =	vmovc v35;
	v35 =	vmov v38;
	v28 =	vmov v32;
	v46 =	vld [tilespmem:s25+$0xE4E0];
	v39 =	vadd.f32 v39, v45  }
0x4d4: {  	v29 =	vmovc v33;
	v32 =	vmovc v36;
	v36 =	vmov v47;
	v40 =	vadd.f32 v40, v54;
	v38 =	vld [tilespmem:s25+$0xF460];
	v42 =	vadd.f32 v42, v48  }
0x4d5: {  	v33 =	vmovc v37;
	v37 =	vmov v49;
	v43 =	vmul.f32 v43, v49;
	v45 =	vmul.f32 v53, v36;
	v47 =	vld [tilespmem:s28+$0xE460];
	[tilespmem:s26+$0x1C820] =	vst v39  }
0x4d6: {  	v39 =	vmul.f32 v44, v35;
	v44 =	vmul.f32 v50, v34;
	v48 =	vld [tilespmem:s23+$0xE830];
	v40 =	vadd.f32 v42, v40  }
0x4d7: {  	v42 =	vld [tilespmem:s23+$0xE8B0]  }
0x4d8: {  	v43 =	vadd.f32 v45, v43;
	v39 =	vadd.f32 v44, v39;
	v44 =	vld [tilespmem:s23+$0xF830];
	[tilespmem:s22+$0x1C870] =	vst v40;
	s22 =	smov.u32 s26;
	s26 =	smov.u32 s30;
	s30 =	smov.u32 s14  }
0x4d9: {  	v40 =	vmul.f32 v41, v33;
	v41 =	vmul.f32 v46, v32;
	v45 =	vld [tilespmem:s24+$0xE830]  }
0x4da: {  	v38 =	vmul.f32 v38, v31;
	v39 =	vadd.f32 v39, v43;
	v43 =	vmul.f32 v47, v30;
	_ =	sdelay $0x1  }
0x4db: {  	[tilespmem:s30+$0x1C410] =	vst v39;
	v39 =	vadd.f32 v41, v40;
	v38 =	vadd.f32 v43, v38  }
0x4dc: {  	v40 =	vmul.f32 v48, v29;
	v46 =	vmul.f32 v42, v28;
	v41 =	vld [tilespmem:s29+$0xE420]  }
0x4dd: {  	v47 =	vld [tilespmem:s29+$0xE4A0];
	v38 =	vadd.f32 v38, v39;
	v39 =	vmul.f32 v44, v27;
	v44 =	vmul.f32 v45, v26  }
0x4de: {  	v42 =	vld [tilespmem:s29+$0xF420]  }
.Ltmp8:
0x4df: {  	v45 =	vadd.f32 v46, v40;
	v43 =	vld [tilespmem:s0+$0xE420];
	[tilespmem:s26+$0x1C460] =	vst v38;
	v39 =	vadd.f32 v44, v39;
	(pc) =	sbr.rel @p0 .LBB2_10-.Ltmp8, $4  }
0x4e0: {  	v38 =	vld [tilespmem:s25+$0xE470]  }
0x4e1: {  	v40 =	vld [tilespmem:s25+$0xE4F0];
	v46 =	vadd.f32 v39, v45  }
0x4e2: {  	v39 =	vld [tilespmem:s25+$0xF470]  }
0x4e3: {  	s11 =	sadd.s32 $0x100, s11;
	v44 =	vmul.f32 v41, v37;
	v45 =	vmul.f32 v47, v36;
	v41 =	vld [tilespmem:s28+$0xE470];
	[tilespmem:s22+$0x1C830] =	vst v46  }
0x4e4: {  	v20 =	vmul.f32 v42, v35;
	v21 =	vmul.f32 v43, v34;
	_ =	sdelay $0x1  }
0x4e5: {  	v53 =	vadd.f32 v45, v44;
	v20 =	vadd.f32 v21, v20;
	_ =	sdelay $0x1  }
0x4e6: {  	v20 =	vadd.f32 v20, v53;
	_ =	sdelay $0x1  }
0x4e7: {  	[tilespmem:s30+$0x1C420] =	vst v20  }
0x4e8: {  	v20 =	vld [tilespmem:s29+$0xE430]  }
0x4e9: {  	v21 =	vld [tilespmem:s29+$0xE4B0]  }
0x4ea: {  	v54 =	vld [tilespmem:s29+$0xF430]  }
0x4eb: {  	v55 =	vld [tilespmem:s0+$0xE430];
	_ =	sdelay $0x3  }
0x4ec: {  	v20 =	vmul.f32 v20, v37;
	v21 =	vmul.f32 v21, v36  }
0x4ed: {  	v42 =	vmul.f32 v54, v35;
	v43 =	vmul.f32 v55, v34;
	_ =	sdelay $0x1  }
0x4ee: {  	v20 =	vadd.f32 v21, v20;
	v21 =	vadd.f32 v43, v42;
	_ =	sdelay $0x1  }
0x4ef: {  	v20 =	vadd.f32 v21, v20;
	_ =	sdelay $0x1  }
0x4f0: {  	[tilespmem:s30+$0x1C430] =	vst v20  }
0x4f1: {  	v20 =	vld [tilespmem:s29+$0xE440]  }
0x4f2: {  	v21 =	vld [tilespmem:s29+$0xE4C0]  }
0x4f3: {  	v56 =	vld [tilespmem:s29+$0xF440]  }
0x4f4: {  	v57 =	vld [tilespmem:s0+$0xE440];
	_ =	sdelay $0x3  }
0x4f5: {  	v20 =	vmul.f32 v20, v37;
	v21 =	vmul.f32 v21, v36  }
0x4f6: {  	v42 =	vmul.f32 v56, v35;
	v43 =	vmul.f32 v57, v34;
	_ =	sdelay $0x1  }
0x4f7: {  	v20 =	vadd.f32 v21, v20;
	v21 =	vadd.f32 v43, v42;
	_ =	sdelay $0x1  }
0x4f8: {  	v20 =	vadd.f32 v21, v20;
	_ =	sdelay $0x1  }
0x4f9: {  	[tilespmem:s30+$0x1C440] =	vst v20  }
0x4fa: {  	v20 =	vld [tilespmem:s29+$0xE450]  }
0x4fb: {  	v21 =	vld [tilespmem:s29+$0xE4D0]  }
0x4fc: {  	v58 =	vld [tilespmem:s29+$0xF450]  }
0x4fd: {  	v59 =	vld [tilespmem:s0+$0xE450];
	_ =	sdelay $0x3  }
0x4fe: {  	v20 =	vmul.f32 v20, v37;
	v21 =	vmul.f32 v21, v36  }
0x4ff: {  	v42 =	vmul.f32 v58, v35;
	v43 =	vmul.f32 v59, v34;
	_ =	sdelay $0x1  }
0x500: {  	v20 =	vadd.f32 v21, v20;
	v21 =	vadd.f32 v43, v42;
	_ =	sdelay $0x1  }
0x501: {  	v20 =	vadd.f32 v21, v20;
	_ =	sdelay $0x1  }
0x502: {  	[tilespmem:s30+$0x1C450] =	vst v20  }
0x503: {  	v20 =	vld [tilespmem:s29+$0xE460]  }
0x504: {  	v21 =	vld [tilespmem:s29+$0xE4E0]  }
0x505: {  	v60 =	vld [tilespmem:s29+$0xF460]  }
0x506: {  	v61 =	vld [tilespmem:s0+$0xE460];
	_ =	sdelay $0x3  }
0x507: {  	v20 =	vmul.f32 v20, v37;
	v21 =	vmul.f32 v21, v36  }
0x508: {  	v42 =	vmul.f32 v60, v35;
	v43 =	vmul.f32 v61, v34;
	_ =	sdelay $0x1  }
0x509: {  	v20 =	vadd.f32 v21, v20;
	v21 =	vadd.f32 v43, v42;
	_ =	sdelay $0x1  }
0x50a: {  	v20 =	vadd.f32 v21, v20;
	_ =	sdelay $0x1  }
0x50b: {  	[tilespmem:s30+$0x1C460] =	vst v20  }
0x50c: {  	v20 =	vld [tilespmem:s29+$0xE470]  }
0x50d: {  	v21 =	vld [tilespmem:s29+$0xE4F0]  }
0x50e: {  	v62 =	vld [tilespmem:s29+$0xF470]  }
0x50f: {  	v38 =	vmul.f32 v38, v33;
	v40 =	vmul.f32 v40, v32;
	v63 =	vld [tilespmem:s0+$0xE470]  }
0x510: {  	v39 =	vmul.f32 v39, v31;
	v41 =	vmul.f32 v41, v30;
	_ =	sdelay $0x1  }
0x511: {  	v38 =	vadd.f32 v40, v38;
	v39 =	vadd.f32 v41, v39  }
0x512: {  	v20 =	vmul.f32 v20, v37;
	v21 =	vmul.f32 v21, v36  }
0x513: {  	v38 =	vadd.f32 v39, v38;
	v44 =	vmul.f32 v62, v35;
	v45 =	vmul.f32 v63, v34;
	_ =	sdelay $0x1  }
0x514: {  	[tilespmem:s26+$0x1C470] =	vst v38;
	v20 =	vadd.f32 v21, v20;
	v21 =	vadd.f32 v45, v44  }
0x515: {  	v38 =	vld [tilespmem:s25+$0xE800]  }
0x516: {  	v46 =	vld [tilespmem:s25+$0xE880];
	v20 =	vadd.f32 v21, v20  }
0x517: {  	v47 =	vld [tilespmem:s28+$0xE800]  }
0x518: {  	v21 =	vld [tilespmem:s25+$0xF800];
	[tilespmem:s30+$0x1C470] =	vst v20  }
0x519: {  	v20 =	vld [tilespmem:s29+$0xE800]  }
0x51a: {  	v48 =	vld [tilespmem:s29+$0xE880]  }
0x51b: {  	v49 =	vld [tilespmem:s29+$0xF800]  }
0x51c: {  	v38 =	vmul.f32 v38, v33;
	v39 =	vmul.f32 v46, v32;
	v50 =	vld [tilespmem:s0+$0xE800]  }
0x51d: {  	v40 =	vmul.f32 v47, v30;
	v21 =	vmul.f32 v21, v31;
	_ =	sdelay $0x1  }
0x51e: {  	v38 =	vadd.f32 v39, v38;
	v21 =	vadd.f32 v40, v21  }
0x51f: {  	v20 =	vmul.f32 v20, v37;
	v51 =	vmul.f32 v48, v36  }
0x520: {  	v52 =	vmul.f32 v49, v35;
	v53 =	vmul.f32 v50, v34;
	v21 =	vadd.f32 v21, v38;
	_ =	sdelay $0x1  }
0x521: {  	v20 =	vadd.f32 v51, v20;
	[tilespmem:s26+$0x1C800] =	vst v21;
	v21 =	vadd.f32 v53, v52  }
0x522: {  	v54 =	vld [tilespmem:s25+$0xE810]  }
0x523: {  	v55 =	vld [tilespmem:s25+$0xE890];
	v20 =	vadd.f32 v21, v20  }
0x524: {  	v56 =	vld [tilespmem:s28+$0xE810]  }
0x525: {  	v21 =	vld [tilespmem:s25+$0xF810];
	[tilespmem:s30+$0x1C800] =	vst v20  }
0x526: {  	v20 =	vld [tilespmem:s29+$0xE810]  }
0x527: {  	v57 =	vld [tilespmem:s29+$0xE890]  }
0x528: {  	v58 =	vld [tilespmem:s29+$0xF810]  }
0x529: {  	v59 =	vld [tilespmem:s0+$0xE810];
	v38 =	vmul.f32 v54, v33;
	v39 =	vmul.f32 v55, v32  }
0x52a: {  	v40 =	vmul.f32 v56, v30;
	v21 =	vmul.f32 v21, v31;
	_ =	sdelay $0x1  }
0x52b: {  	v38 =	vadd.f32 v39, v38;
	v21 =	vadd.f32 v40, v21  }
0x52c: {  	v20 =	vmul.f32 v20, v37;
	v60 =	vmul.f32 v57, v36  }
0x52d: {  	v61 =	vmul.f32 v58, v35;
	v62 =	vmul.f32 v59, v34;
	v21 =	vadd.f32 v21, v38;
	_ =	sdelay $0x1  }
0x52e: {  	v20 =	vadd.f32 v60, v20;
	[tilespmem:s26+$0x1C810] =	vst v21;
	v21 =	vadd.f32 v62, v61  }
0x52f: {  	v63 =	vld [tilespmem:s25+$0xE820]  }
0x530: {  	v45 =	vld [tilespmem:s25+$0xE8A0];
	v20 =	vadd.f32 v21, v20  }
0x531: {  	v46 =	vld [tilespmem:s28+$0xE820]  }
0x532: {  	v21 =	vld [tilespmem:s25+$0xF820];
	[tilespmem:s30+$0x1C810] =	vst v20  }
0x533: {  	v20 =	vld [tilespmem:s29+$0xE820]  }
0x534: {  	v47 =	vld [tilespmem:s29+$0xE8A0]  }
0x535: {  	v48 =	vld [tilespmem:s29+$0xF820]  }
0x536: {  	v49 =	vld [tilespmem:s0+$0xE820];
	v38 =	vmul.f32 v63, v33;
	v39 =	vmul.f32 v45, v32  }
0x537: {  	v40 =	vmul.f32 v46, v30;
	v21 =	vmul.f32 v21, v31;
	_ =	sdelay $0x1  }
0x538: {  	v38 =	vadd.f32 v39, v38;
	v21 =	vadd.f32 v40, v21  }
0x539: {  	v20 =	vmul.f32 v20, v37;
	v50 =	vmul.f32 v47, v36  }
0x53a: {  	v51 =	vmul.f32 v48, v35;
	v52 =	vmul.f32 v49, v34;
	v21 =	vadd.f32 v21, v38;
	_ =	sdelay $0x1  }
0x53b: {  	v20 =	vadd.f32 v50, v20;
	[tilespmem:s26+$0x1C820] =	vst v21;
	v21 =	vadd.f32 v52, v51  }
0x53c: {  	v53 =	vld [tilespmem:s25+$0xE830]  }
0x53d: {  	v54 =	vld [tilespmem:s25+$0xE8B0];
	v20 =	vadd.f32 v21, v20  }
0x53e: {  	v55 =	vld [tilespmem:s28+$0xE830]  }
0x53f: {  	v21 =	vld [tilespmem:s25+$0xF830];
	[tilespmem:s30+$0x1C820] =	vst v20  }
0x540: {  	v20 =	vld [tilespmem:s29+$0xE830]  }
0x541: {  	v56 =	vld [tilespmem:s29+$0xE8B0]  }
0x542: {  	v57 =	vld [tilespmem:s29+$0xF830]  }
0x543: {  	v58 =	vld [tilespmem:s0+$0xE830];
	v38 =	vmul.f32 v53, v33;
	v39 =	vmul.f32 v54, v32  }
0x544: {  	v40 =	vmul.f32 v55, v30;
	v21 =	vmul.f32 v21, v31;
	_ =	sdelay $0x1  }
0x545: {  	v38 =	vadd.f32 v39, v38;
	v21 =	vadd.f32 v40, v21  }
0x546: {  	v59 =	vld [tilespmem:s23+$0xE840];
	v20 =	vmul.f32 v20, v37;
	v60 =	vmul.f32 v56, v36  }
0x547: {  	v61 =	vld [tilespmem:s23+$0xE8C0];
	v62 =	vmul.f32 v57, v35;
	v63 =	vmul.f32 v58, v34;
	v21 =	vadd.f32 v21, v38  }
0x548: {  	v49 =	vld [tilespmem:s24+$0xE840]  }
0x549: {  	v48 =	vld [tilespmem:s23+$0xF840];
	v20 =	vadd.f32 v60, v20;
	[tilespmem:s26+$0x1C830] =	vst v21;
	v21 =	vadd.f32 v63, v62  }
0x54a: {  	v50 =	vld [tilespmem:s25+$0xE840]  }
0x54b: {  	v51 =	vld [tilespmem:s25+$0xE8C0];
	v20 =	vadd.f32 v21, v20  }
0x54c: {  	v52 =	vld [tilespmem:s28+$0xE840]  }
0x54d: {  	v41 =	vmul.f32 v61, v28;
	v53 =	vmul.f32 v49, v26;
	v21 =	vld [tilespmem:s25+$0xF840];
	[tilespmem:s30+$0x1C830] =	vst v20  }
0x54e: {  	v39 =	vmul.f32 v59, v29;
	v20 =	vmul.f32 v48, v27;
	v54 =	vld [tilespmem:s29+$0xE840]  }
0x54f: {  	v55 =	vld [tilespmem:s29+$0xE8C0]  }
0x550: {  	v39 =	vadd.f32 v41, v39;
	v56 =	vld [tilespmem:s29+$0xF840];
	v20 =	vadd.f32 v53, v20  }
0x551: {  	v57 =	vld [tilespmem:s0+$0xE840];
	v38 =	vmul.f32 v50, v33;
	v40 =	vmul.f32 v51, v32  }
0x552: {  	v58 =	vmul.f32 v52, v30;
	v21 =	vmul.f32 v21, v31;
	v20 =	vadd.f32 v20, v39;
	_ =	sdelay $0x1  }
0x553: {  	v21 =	vadd.f32 v58, v21;
	[tilespmem:s22+$0x1C840] =	vst v20;
	v20 =	vadd.f32 v40, v38  }
0x554: {  	v60 =	vmul.f32 v54, v37;
	v61 =	vmul.f32 v55, v36;
	v59 =	vld [tilespmem:s23+$0xE850]  }
0x555: {  	v63 =	vmul.f32 v57, v34;
	v62 =	vld [tilespmem:s23+$0xE8D0];
	v20 =	vadd.f32 v21, v20;
	v21 =	vmul.f32 v56, v35  }
0x556: {  	v48 =	vld [tilespmem:s23+$0xF850]  }
0x557: {  	v49 =	vld [tilespmem:s24+$0xE850];
	[tilespmem:s26+$0x1C840] =	vst v20;
	v20 =	vadd.f32 v61, v60;
	v21 =	vadd.f32 v63, v21  }
0x558: {  	v50 =	vld [tilespmem:s25+$0xE850]  }
0x559: {  	v51 =	vld [tilespmem:s25+$0xE8D0];
	v20 =	vadd.f32 v21, v20  }
0x55a: {  	v53 =	vld [tilespmem:s28+$0xE850]  }
0x55b: {  	v21 =	vld [tilespmem:s25+$0xF850];
	v38 =	vmul.f32 v59, v29;
	v52 =	vmul.f32 v62, v28;
	[tilespmem:s30+$0x1C840] =	vst v20  }
0x55c: {  	v54 =	vmul.f32 v49, v26;
	v20 =	vmul.f32 v48, v27;
	v55 =	vld [tilespmem:s29+$0xE850]  }
0x55d: {  	v56 =	vld [tilespmem:s29+$0xE8D0]  }
0x55e: {  	v38 =	vadd.f32 v52, v38;
	v57 =	vld [tilespmem:s29+$0xF850];
	v20 =	vadd.f32 v54, v20  }
0x55f: {  	v58 =	vld [tilespmem:s0+$0xE850];
	v39 =	vmul.f32 v50, v33;
	v40 =	vmul.f32 v51, v32  }
0x560: {  	v59 =	vmul.f32 v53, v30;
	v21 =	vmul.f32 v21, v31;
	v20 =	vadd.f32 v20, v38;
	_ =	sdelay $0x1  }
0x561: {  	v21 =	vadd.f32 v59, v21;
	[tilespmem:s22+$0x1C850] =	vst v20;
	v20 =	vadd.f32 v40, v39  }
0x562: {  	v61 =	vmul.f32 v55, v37;
	v62 =	vmul.f32 v56, v36;
	v60 =	vld [tilespmem:s23+$0xE860]  }
0x563: {  	v48 =	vmul.f32 v58, v34;
	v63 =	vld [tilespmem:s23+$0xE8E0];
	v20 =	vadd.f32 v21, v20;
	v21 =	vmul.f32 v57, v35  }
0x564: {  	v49 =	vld [tilespmem:s23+$0xF860]  }
0x565: {  	v50 =	vld [tilespmem:s24+$0xE860];
	[tilespmem:s26+$0x1C850] =	vst v20;
	v20 =	vadd.f32 v62, v61;
	v21 =	vadd.f32 v48, v21  }
0x566: {  	v51 =	vld [tilespmem:s25+$0xE860]  }
0x567: {  	v52 =	vld [tilespmem:s25+$0xE8E0];
	v20 =	vadd.f32 v21, v20  }
0x568: {  	v54 =	vld [tilespmem:s28+$0xE860]  }
0x569: {  	v21 =	vld [tilespmem:s25+$0xF860];
	v38 =	vmul.f32 v60, v29;
	v53 =	vmul.f32 v63, v28;
	[tilespmem:s30+$0x1C850] =	vst v20  }
0x56a: {  	v55 =	vmul.f32 v50, v26;
	v20 =	vmul.f32 v49, v27;
	v56 =	vld [tilespmem:s29+$0xE860]  }
0x56b: {  	v57 =	vld [tilespmem:s29+$0xE8E0]  }
0x56c: {  	v38 =	vadd.f32 v53, v38;
	v58 =	vld [tilespmem:s29+$0xF860];
	v20 =	vadd.f32 v55, v20  }
0x56d: {  	v59 =	vld [tilespmem:s0+$0xE860];
	v39 =	vmul.f32 v51, v33;
	v40 =	vmul.f32 v52, v32  }
0x56e: {  	v60 =	vmul.f32 v54, v30;
	v21 =	vmul.f32 v21, v31;
	v20 =	vadd.f32 v20, v38;
	_ =	sdelay $0x1  }
0x56f: {  	v21 =	vadd.f32 v60, v21;
	[tilespmem:s22+$0x1C860] =	vst v20;
	v20 =	vadd.f32 v40, v39  }
0x570: {  	v62 =	vmul.f32 v56, v37;
	v63 =	vmul.f32 v57, v36;
	v61 =	vld [tilespmem:s23+$0xE870]  }
0x571: {  	v49 =	vmul.f32 v59, v34;
	v48 =	vld [tilespmem:s23+$0xE8F0];
	v20 =	vadd.f32 v21, v20;
	v21 =	vmul.f32 v58, v35  }
0x572: {  	v50 =	vld [tilespmem:s23+$0xF870]  }
0x573: {  	v51 =	vld [tilespmem:s24+$0xE870];
	[tilespmem:s26+$0x1C860] =	vst v20;
	v20 =	vadd.f32 v63, v62;
	v21 =	vadd.f32 v49, v21  }
0x574: {  	v52 =	vld [tilespmem:s25+$0xE870]  }
0x575: {  	v53 =	vld [tilespmem:s25+$0xE8F0];
	v20 =	vadd.f32 v21, v20  }
0x576: {  	v54 =	vld [tilespmem:s28+$0xE870]  }
0x577: {  	v21 =	vld [tilespmem:s25+$0xF870];
	[tilespmem:s30+$0x1C860] =	vst v20  }
0x578: {  	v20 =	vld [tilespmem:s29+$0xE870]  }
0x579: {  	v55 =	vld [tilespmem:s29+$0xE8F0]  }
0x57a: {  	v46 =	vld [tilespmem:s29+$0xF870]  }
0x57b: {  	v56 =	vmul.f32 v61, v29;
	v57 =	vmul.f32 v48, v28;
	v58 =	vld [tilespmem:s0+$0xE870]  }
0x57c: {  	v27 =	vmul.f32 v50, v27;
	v26 =	vmul.f32 v51, v26  }
0x57d: {  	v28 =	vadd.f32 v57, v56;
	v59 =	vmul.f32 v52, v33;
	v60 =	vmul.f32 v53, v32  }
0x57e: {  	v26 =	vadd.f32 v26, v27;
	v27 =	vmul.f32 v54, v30;
	v21 =	vmul.f32 v21, v31  }
0x57f: {  	v20 =	vmul.f32 v20, v37;
	v61 =	vmul.f32 v55, v36  }
0x580: {  	v26 =	vadd.f32 v26, v28;
	v62 =	vmul.f32 v46, v35;
	v63 =	vmul.f32 v58, v34  }
0x581: {  	v29 =	vadd.f32 v60, v59;
	v21 =	vadd.f32 v27, v21  }
0x582: {  	s31 =	rddreg [dreg:$0x4];
	v20 =	vadd.f32 v61, v20;
	v27 =	vadd.f32 v63, v62  }
.Ltmp9:
0x583: {  	s0 =	sadd.s32 s31, s21;
	v21 =	vadd.f32 v21, v29;
	(pc) =	sbr.rel .LBB2_12-.Ltmp9, $4  }
0x584: {  	s0 =	smul.u32 $0x700, s0;
	[tilespmem:s22+$0x1C870] =	vst v26;
	v20 =	vadd.f32 v27, v20  }
0x585: {  	[tilespmem:s26+$0x1C870] =	vst v21  }
0x586: {  	s3 =	simm.s32 $0x1C400;
	s0 =	sadd.s32 s5, s0;
	[tilespmem:s30+$0x1C870] =	vst v20  }
0x587: {  	[hbm4b:s0+s2] =	stream.linear.scatter [tilespmem:s3], [sflag:$0x3], $0x3800, $0x38;
	[tilespmem:$0x1FC00] =	vst v63  }
.LBB2_14:
0x588: {  	_ =	sfence.sel $0x180000  }
0x589: {  	[bflag:$0x0] =	sbarrier.arrive $0xFFFF  }
0x58a: {  	_ =	strace $0x90000047  }
0x58b: {  	s0 =	stileid.u32;
	[bflag:$0x2] =	sbarrier.arrive $0xFFFF  }
0x58c: {  	p0 =	sne.s32 s0, $0x0;
	s0 =	rddreg [dreg:$0x3]  }
0x58d: {  	s0 =	sadd.s32 @!p0 $0x100000, s0  }
0x58e: {  	[sflag:s0] =	ssyncadd.tile.s32 @!p0 $0x1;
	_ =	shalt  }
.Lfunc_end2:
_tile_overlayer_lowered:
.L_overlay_start_2:
0x58f: {  	(tag) =	ssettag $0x2  }
0x590: {  	s0 =	rddreg [dreg:$0x0];
	s2 =	stileid.u32  }
0x591: {  	s1 =	rddreg [dreg:$0x1];
	p0 =	sne.s32 s2, $0x0  }
0x592: {  	s3 =	rddreg [dreg:$0x2];
	[bflag:$0x3] =	sbarrier.arrive $0xFFFF;
	s2 =	simm.s32 @!p0 $0x1C04  }
0x593: {  	[timem:s3], [sflag:s2] =	dma.local @!p0 [hbm:s0], s1  }
0x594: {  	s0 =	simm.s32 @!p0 $0x4  }
0x595: {  	_ =	swait.ge @!p0 [sflag:s0], s1  }
0x596: {  	s1 =	ssub.s32 @!p0 $0x0, s1;
	[sflag:s0] =	ssyncset.done @!p0 $0x0  }
0x597: {  	[sflag:s0] =	ssyncadd.s32 @!p0 s1  }
0x598: {  	[bflag:$0x3] =	sbarrier.arrive $0xFFFF  }
0x599: {  	_ =	shalt  }

</sc_bundles>
